<compile_context>
chip_gen: v7x
topology: tpu7x:2x2x1
jax: 0.10.2.dev20260603
libtpu: 0.0.44.dev20260713+nightly
codegen_flags: <defaults>
</compile_context>

<pallas_src>
import functools

import jax
import jax.numpy as jnp
from jax import lax
from jax.experimental import pallas as pl
from jax.experimental.pallas import tpu as pltpu
from jax.experimental.pallas import tpu_sc as plsc

N = 10000
E = 320000
D_FEAT = 128
H1 = 16
H2 = 32
G = 64
GF = 16
NCLS = 10

NC = 2
NS = 16
NW = NC * NS
CH = 125
KCH = 80
NPAD = 10240
RPT = NPAD // NS
NB = 8

def _mesh():
    return plsc.VectorSubcoreMesh(
        core_axis_name="c", subcore_axis_name="s",
        num_cores=NC, num_subcores=NS)



@functools.cache
def _make_deg_kernel():
    @functools.partial(
        pl.kernel,
        out_type=jax.ShapeDtypeStruct((NC * NPAD,), jnp.float32),
        mesh=_mesh(),
        compiler_params=pltpu.CompilerParams(use_tc_tiling_on_sc=False),
        scratch_types=[
            pltpu.VMEM((KCH, CH), jnp.int32),
            pltpu.VMEM((128,), jnp.float32),
            pltpu.VMEM((RPT,), jnp.float32),
            pltpu.VMEM_SHARED((NPAD,), jnp.float32),
        ])
    def _deg_kernel(em_hbm, out_hbm, dst_v, ones_v, zbuf, acc_sh):
        cid = lax.axis_index("c")
        sid = lax.axis_index("s")
        wid = sid * NC + cid

        one16 = jnp.ones((16,), jnp.float32)
        zero16 = jnp.zeros((16,), jnp.float32)

        def fill(i, _):
            ones_v[pl.ds(i * 16, 16)] = one16
            return 0
        lax.fori_loop(0, 128 // 16, fill, 0)

        def zfill(i, _):
            zbuf[pl.ds(i * 16, 16)] = zero16
            return 0
        lax.fori_loop(0, RPT // 16, zfill, 0)
        pltpu.sync_copy(zbuf, acc_sh.at[pl.ds(sid * RPT, RPT)])
        plsc.subcore_barrier()

        pltpu.sync_copy(em_hbm.at[1].at[pl.ds(wid * KCH, KCH)], dst_v)

        def body(j, _):
            pltpu.sync_copy(ones_v.at[pl.ds(0, CH)],
                            acc_sh.at[dst_v.at[j]], add=True)
            return 0
        lax.fori_loop(0, KCH, body, 0)
        plsc.subcore_barrier()

        pltpu.sync_copy(acc_sh.at[pl.ds(sid * RPT, RPT)],
                        out_hbm.at[pl.ds(cid * NPAD + sid * RPT, RPT)])
    return _deg_kernel


@functools.cache
def _make_scatter_kernel(nhalves):
    F = H1
    @functools.partial(
        pl.kernel,
        out_type=[jax.ShapeDtypeStruct((NC * NPAD, F), jnp.float32)
                  for _ in range(nhalves)],
        mesh=_mesh(),
        compiler_params=pltpu.CompilerParams(use_tc_tiling_on_sc=False),
        scratch_types=(
            [pltpu.VMEM((KCH, CH), jnp.int32)] * 2 +
            [pltpu.VMEM((2 * NB, CH, F), jnp.float32)] * nhalves +
            [pltpu.VMEM((RPT, F), jnp.float32)] +
            [pltpu.VMEM_SHARED((NPAD, F), jnp.float32)] * nhalves +
            [pltpu.VMEM_SHARED((N, F), jnp.float32)] * nhalves +
            [pltpu.SemaphoreType.DMA] * 2
        ))
    def k(*args):
        tables_hbm = args[0:nhalves]
        em_hbm = args[nhalves]
        outs_hbm = args[nhalves + 1:2 * nhalves + 1]
        a = 2 * nhalves + 1
        src_v, dst_v = args[a], args[a + 1]
        rings = args[a + 2:a + 2 + nhalves]
        zbuf = args[a + 2 + nhalves]
        accs_sh = args[a + 3 + nhalves:a + 3 + 2 * nhalves]
        tables_sh = args[a + 3 + 2 * nhalves:a + 3 + 3 * nhalves]
        sem_g, sem_s = args[a + 3 + 3 * nhalves], args[a + 4 + 3 * nhalves]

        cid = lax.axis_index("c")
        sid = lax.axis_index("s")
        wid = sid * NC + cid

        zero16 = jnp.zeros((16,), jnp.float32)

        def zfill(i, _):
            zbuf[i, pl.ds(0, 16)] = zero16
            return 0
        lax.fori_loop(0, RPT, zfill, 0)
        for h in range(nhalves):
            pltpu.sync_copy(zbuf, accs_sh[h].at[pl.ds(sid * RPT, RPT)])
        TPT = N // NS
        for h in range(nhalves):
            pltpu.sync_copy(tables_hbm[h].at[pl.ds(sid * TPT, TPT)],
                            tables_sh[h].at[pl.ds(sid * TPT, TPT)])
        plsc.subcore_barrier()

        pltpu.sync_copy(em_hbm.at[0].at[pl.ds(wid * KCH, KCH)], src_v)
        pltpu.sync_copy(em_hbm.at[1].at[pl.ds(wid * KCH, KCH)], dst_v)

        NG = KCH // NB

        for i in range(NB):
            for h in range(nhalves):
                pltpu.async_copy(tables_sh[h].at[src_v.at[i]],
                                 rings[h].at[i], sem_g)

        def body(g, _):
            p = (g % 2) * NB
            q = ((g + 1) % 2) * NB
            for i in range(NB):
                for h in range(nhalves):
                    pltpu.make_async_copy(
                        tables_sh[h].at[src_v.at[i]],
                        rings[h].at[p + i], sem_g).wait()
            @pl.when(g > 0)
            def _():
                for i in range(NB):
                    for h in range(nhalves):
                        pltpu.make_async_copy(
                            rings[h].at[q + i],
                            accs_sh[h].at[dst_v.at[i]], sem_s).wait()
            @pl.when(g + 1 < NG)
            def _():
                for i in range(NB):
                    for h in range(nhalves):
                        pltpu.async_copy(
                            tables_sh[h].at[src_v.at[(g + 1) * NB + i]],
                            rings[h].at[q + i], sem_g)
            for i in range(NB):
                for h in range(nhalves):
                    pltpu.async_copy(rings[h].at[p + i],
                                     accs_sh[h].at[dst_v.at[g * NB + i]],
                                     sem_s, add=True)
            return 0
        lax.fori_loop(0, NG, body, 0)
        for i in range(NB):
            for h in range(nhalves):
                pltpu.make_async_copy(
                    rings[h].at[i], accs_sh[h].at[dst_v.at[i]], sem_s).wait()
        plsc.subcore_barrier()

        for h in range(nhalves):
            pltpu.sync_copy(
                accs_sh[h].at[pl.ds(sid * RPT, RPT)],
                outs_hbm[h].at[pl.ds(cid * NPAD + sid * RPT, RPT)])
    return k



def _k1a_body(x_ref, w1_ref, batch_ref, h1_ref, onehot_ref, counts_ref):
    h1_ref[...] = jnp.dot(x_ref[...], w1_ref[...],
                          preferred_element_type=jnp.float32)
    gid = lax.broadcasted_iota(jnp.int32, (G, N), 0)
    onehot = (gid == batch_ref[...]).astype(jnp.float32)
    onehot_ref[...] = onehot
    counts_ref[...] = jnp.sum(onehot, axis=1, keepdims=True)


def _k1b_body(degp_ref, h1_ref, dinv_ref, hs1_ref):
    deg = degp_ref[0:NPAD] + degp_ref[NPAD:2 * NPAD] + 1.0
    dinv = lax.rsqrt(deg)
    dinv_ref[...] = dinv
    hs1_ref[...] = h1_ref[...] * dinv[:N]


def _k3_body(accp_ref, hs1_ref, dinv_ref, b1_ref, w2a_ref, w2b_ref,
             hs2a_ref, hs2b_ref):
    acc = accp_ref[0:N, :] + accp_ref[NPAD:NPAD + N, :]
    dinv = dinv_ref[...][:N]
    t = jax.nn.relu(dinv * (acc + hs1_ref[...]) + b1_ref[...])
    hs2a_ref[...] = jnp.dot(t, w2a_ref[...],
                            preferred_element_type=jnp.float32) * dinv
    hs2b_ref[...] = jnp.dot(t, w2b_ref[...],
                            preferred_element_type=jnp.float32) * dinv


def _k5_body(accpa_ref, accpb_ref, hs2a_ref, hs2b_ref, dinv_ref, b2_ref,
             onehot_ref, counts_ref, gf_ref, fcWh_ref, fcWg_ref, fcb_ref,
             out_ref):
    acca = accpa_ref[0:N, :] + accpa_ref[NPAD:NPAD + N, :]
    accb = accpb_ref[0:N, :] + accpb_ref[NPAD:NPAD + N, :]
    acc = jnp.concatenate([acca, accb], axis=1)
    hs2 = jnp.concatenate([hs2a_ref[...], hs2b_ref[...]], axis=1)
    dinv = dinv_ref[...][:N]
    h2 = jax.nn.relu(dinv * (acc + hs2) + b2_ref[...])
    sums = jnp.dot(onehot_ref[...], h2, preferred_element_type=jnp.float32)
    pooled = sums / jnp.maximum(counts_ref[...], 1.0)
    z = (jnp.dot(pooled, fcWh_ref[...], preferred_element_type=jnp.float32)
         + jnp.dot(gf_ref[...], fcWg_ref[...],
                   preferred_element_type=jnp.float32)
         + fcb_ref[...])
    m = jnp.max(z, axis=1, keepdims=True)
    lse = m + jnp.log(jnp.sum(jnp.exp(z - m), axis=1, keepdims=True))
    out_ref[...] = z - lse



def kernel(x, edge_index, batch, graph_features, W1, b1, W2, b2, fcW, fcb):
    em = edge_index.astype(jnp.int32).reshape(2, NW * KCH, CH)

    h1, onehot, counts = pl.pallas_call(
        _k1a_body,
        out_shape=[jax.ShapeDtypeStruct((N, H1), jnp.float32),
                   jax.ShapeDtypeStruct((G, N), jnp.float32),
                   jax.ShapeDtypeStruct((G, 1), jnp.float32)],
    )(x, W1, batch.astype(jnp.int32).reshape(1, N))

    degp = _make_deg_kernel()(em)

    dinv, hs1 = pl.pallas_call(
        _k1b_body,
        out_shape=[jax.ShapeDtypeStruct((NPAD, 1), jnp.float32),
                   jax.ShapeDtypeStruct((N, H1), jnp.float32)],
    )(degp.reshape(2 * NPAD, 1), h1)

    (acc1,) = _make_scatter_kernel(1)(hs1, em)

    hs2a, hs2b = pl.pallas_call(
        _k3_body,
        out_shape=[jax.ShapeDtypeStruct((N, H1), jnp.float32),
                   jax.ShapeDtypeStruct((N, H1), jnp.float32)],
    )(acc1, hs1, dinv, b1.reshape(1, H1), W2[:, :H1], W2[:, H1:])

    (acc2a,) = _make_scatter_kernel(1)(hs2a, em)
    (acc2b,) = _make_scatter_kernel(1)(hs2b, em)

    out = pl.pallas_call(
        _k5_body,
        out_shape=jax.ShapeDtypeStruct((G, NCLS), jnp.float32),
    )(acc2a, acc2b, hs2a, hs2b, dinv, b2.reshape(1, H2), onehot, counts,
      graph_features, fcW[:H2], fcW[H2:], fcb.reshape(1, NCLS))

    return out

# --- scband reference (transcript-rebuilt; emitter-appended) ---
"""Pipeline reference for scband-gcn-model-9698036155055 (READ-ONLY COPY).

The authoritative reference and input builder live on the scoring server;
editing this copy changes nothing except your own understanding.
"""

import jax, jax.numpy as jnp
import numpy as np

N_NODES = 10000
N_EDGES = 320000
D_FEAT = 128
H1 = 16
H2 = 32
NUM_GRAPHS = 64
NUM_GRAPH_FEATS = 16
NUM_CLASSES = 10


def setup_inputs(seed: int = 0) -> dict:
    key = jax.random.key(seed)
    ks = jax.random.split(key, 10)
    x = jax.random.normal(ks[0], (N_NODES, D_FEAT), dtype=jnp.float32)
    edge_index = jax.random.randint(ks[1], (2, N_EDGES), 0, N_NODES, dtype=jnp.int64)
    batch = jnp.sort(jax.random.randint(ks[2], (N_NODES,), 0, NUM_GRAPHS, dtype=jnp.int64))
    graph_features = jax.random.normal(ks[3], (NUM_GRAPHS, NUM_GRAPH_FEATS), dtype=jnp.float32)
    W1 = jax.random.normal(ks[4], (D_FEAT, H1), dtype=jnp.float32) / np.sqrt(D_FEAT)
    b1 = jnp.zeros((H1,), dtype=jnp.float32)
    W2 = jax.random.normal(ks[5], (H1, H2), dtype=jnp.float32) / np.sqrt(H1)
    b2 = jnp.zeros((H2,), dtype=jnp.float32)
    fcW = jax.random.normal(ks[6], (H2 + NUM_GRAPH_FEATS, NUM_CLASSES), dtype=jnp.float32) / np.sqrt(H2 + NUM_GRAPH_FEATS)
    fcb = jnp.zeros((NUM_CLASSES,), dtype=jnp.float32)
    return {"x": x, "edge_index": edge_index, "batch": batch, "graph_features": graph_features,
            "W1": W1, "b1": b1, "W2": W2, "b2": b2, "fcW": fcW, "fcb": fcb}


def _gcn_conv(x, edge_index, W, b):
    # PyG GCNConv: linear transform, add self-loops, symmetric normalization, scatter-add
    n = x.shape[0]
    h = x @ W
    loop = jnp.arange(n, dtype=edge_index.dtype)
    src = jnp.concatenate([edge_index[0], loop])
    dst = jnp.concatenate([edge_index[1], loop])
    deg = jnp.zeros((n,), dtype=h.dtype).at[dst].add(1.0)
    dinv = jnp.where(deg > 0, 1.0 / jnp.sqrt(deg), 0.0)
    norm = dinv[src] * dinv[dst]
    msgs = h[src] * norm[:, None]
    out = jnp.zeros((n, h.shape[1]), dtype=h.dtype).at[dst].add(msgs)
    return out + b


def reference(x, edge_index, batch, graph_features, W1, b1, W2, b2, fcW, fcb):
    n = x.shape[0]
    h = jax.nn.relu(_gcn_conv(x, edge_index, W1, b1))
    # dropout is identity in eval mode
    h = jax.nn.relu(_gcn_conv(h, edge_index, W2, b2))
    num_graphs = graph_features.shape[0]
    sums = jax.ops.segment_sum(h, batch, num_segments=num_graphs)
    counts = jax.ops.segment_sum(jnp.ones((n,), dtype=h.dtype), batch, num_segments=num_graphs)
    pooled = sums / jnp.clip(counts, 1.0)[:, None]
    z = jnp.concatenate([pooled, graph_features], axis=1) @ fcW + fcb
    return jax.nn.log_softmax(z, axis=1)

if __name__ == "__main__":
    import jax
    _d = setup_inputs()
    print(jax.jit(kernel)(*tuple(_d.values())))

</pallas_src>

<mosaic_0001>
#map = affine_map<(d0, d1) -> (0, 0, 0)>
#map1 = affine_map<(d0, d1) -> (0)>
module attributes {stable_mosaic.version = 14 : i64} {
  func.func @_deg_kernel(%arg0: i32, %arg1: i32, %arg2: memref<2x2560x125xi32, #tpu.memory_space<hbm>>, %arg3: memref<20480xf32, #tpu.memory_space<hbm>>, %arg4: memref<80x125xi32, #tpu.memory_space<vmem>>, %arg5: memref<128xf32, #tpu.memory_space<vmem>>, %arg6: memref<640xf32, #tpu.memory_space<vmem>>, %arg7: memref<10240xf32, #tpu.memory_space<vmem_shared>>) attributes {dimension_semantics = [#tpu.dimension_semantics<core_parallel>, #tpu.dimension_semantics<subcore_parallel>], iteration_bounds = array<i64: 2, 16>, scalar_prefetch = 0 : i64, scratch_operands = 4 : i64, tpu.core_type = #tpu.core_type<sc_vector_subcore>, window_params = [{transform_indices = #map}, {transform_indices = #map1}]} {
    %mul3A = arith.constant 2 : i32
    %mul3A_0 = arith.muli %arg1, %mul3A : i32
    %add3A = arith.addi %mul3A_0, %arg0 : i32
    %broadcast_in_dim3A = arith.constant 1.000000e+00 : f32
    %broadcast_in_dim3A_1 = vector.broadcast %broadcast_in_dim3A : f32 to vector<16xf32>
    %broadcast_in_dim3A_2 = arith.constant 0.000000e+00 : f32
    %broadcast_in_dim3A_3 = vector.broadcast %broadcast_in_dim3A_2 : f32 to vector<16xf32>
    %scan3A = arith.constant 0 : i32
    %scan3A_4 = arith.constant 0 : i32
    %scan3A_5 = arith.constant 8 : i32
    %scan3A_6 = arith.addi %scan3A_4, %scan3A_5 : i32
    %scan3A_7 = arith.constant 1 : i32
    %scan3A_8 = scf.for %scan3A_36 = %scan3A_4 to %scan3A_6 step %scan3A_7 iter_args(%scan3A_37 = %scan3A) -> (i32)  : i32 {
      %mul3A_38 = arith.constant 16 : i32
      %mul3A_39 = arith.muli %scan3A_36, %mul3A_38 : i32
      %swap3A = arith.index_cast %mul3A_39 : i32 to index
      %swap3A_40 = tpu.vector_load %arg5[%swap3A] {strides = array<i32>} : memref<128xf32, #tpu.memory_space<vmem>>, vector<16xf32>,
      %swap3A_41 = vector.shape_cast %swap3A_40 : vector<16xf32> to vector<16xf32>
      %swap3A_42 = vector.shape_cast %broadcast_in_dim3A_1 : vector<16xf32> to vector<16xf32>
      tpu.vector_store %arg5[%swap3A], %swap3A_42 {strides = array<i32>} : memref<128xf32, #tpu.memory_space<vmem>>, vector<16xf32>,
      %scan3A_43 = arith.constant 0 : i32
      scf.yield %scan3A_43 : i32
    }
    %scan3A_9 = arith.constant 8 : i32
    %scan3A_10 = arith.constant 0 : i32
    %scan3A_11 = arith.constant 0 : i32
    %scan3A_12 = arith.constant 40 : i32
    %scan3A_13 = arith.addi %scan3A_11, %scan3A_12 : i32
    %scan3A_14 = arith.constant 1 : i32
    %scan3A_15 = scf.for %scan3A_36 = %scan3A_11 to %scan3A_13 step %scan3A_14 iter_args(%scan3A_37 = %scan3A_10) -> (i32)  : i32 {
      %mul3A_38 = arith.constant 16 : i32
      %mul3A_39 = arith.muli %scan3A_36, %mul3A_38 : i32
      %swap3A = arith.index_cast %mul3A_39 : i32 to index
      %swap3A_40 = tpu.vector_load %arg6[%swap3A] {strides = array<i32>} : memref<640xf32, #tpu.memory_space<vmem>>, vector<16xf32>,
      %swap3A_41 = vector.shape_cast %swap3A_40 : vector<16xf32> to vector<16xf32>
      %swap3A_42 = vector.shape_cast %broadcast_in_dim3A_3 : vector<16xf32> to vector<16xf32>
      tpu.vector_store %arg6[%swap3A], %swap3A_42 {strides = array<i32>} : memref<640xf32, #tpu.memory_space<vmem>>, vector<16xf32>,
      %scan3A_43 = arith.constant 0 : i32
      scf.yield %scan3A_43 : i32
    }
    %scan3A_16 = arith.constant 40 : i32
    %mul3A_17 = arith.constant 640 : i32
    %mul3A_18 = arith.muli %arg1, %mul3A_17 : i32
    "tpu.region"() ({
      %run_scoped3A_36 = tpu.sem_alloc : memref<!tpu.dma_semaphore, #tpu.memory_space<semaphore_mem>>
      %dma_start3A = tpu.memref_slice %arg7[%mul3A_18] : memref<10240xf32, #tpu.memory_space<vmem_shared>> -> memref<640xf32, #tpu.memory_space<vmem_shared>>
      %dma_start3A_37 = tpu.memref_slice %arg7[%mul3A_18] : memref<10240xf32, #tpu.memory_space<vmem_shared>> -> memref<640xf32, #tpu.memory_space<vmem_shared>>
      tpu.enqueue_dma source(%arg6 : memref<640xf32, #tpu.memory_space<vmem>>) target(%dma_start3A_37 : memref<640xf32, #tpu.memory_space<vmem_shared>>) target_semaphore(%run_scoped3A_36 : memref<!tpu.dma_semaphore, #tpu.memory_space<semaphore_mem>>)
      %dma_wait3A = tpu.memref_slice %arg7[%mul3A_18] : memref<10240xf32, #tpu.memory_space<vmem_shared>> -> memref<640xf32, #tpu.memory_space<vmem_shared>>
      %dma_wait3A_38 = tpu.memref_slice %arg7[%mul3A_18] : memref<10240xf32, #tpu.memory_space<vmem_shared>> -> memref<640xf32, #tpu.memory_space<vmem_shared>>
      tpu.wait_dma2 semaphore(%run_scoped3A_36 : memref<!tpu.dma_semaphore, #tpu.memory_space<semaphore_mem>>) src(%arg6 : memref<640xf32, #tpu.memory_space<vmem>>) dst(%dma_wait3A_38 : memref<640xf32, #tpu.memory_space<vmem_shared>>)
      tpu.yield
    }) : () -> ()
    %barrier3A = arith.constant 0 : index
    tpu.barrier barrier_id(%barrier3A)
    %mul3A_19 = arith.constant 80 : i32
    %mul3A_20 = arith.muli %add3A, %mul3A_19 : i32
    %run_scoped3A = arith.constant 1 : i32
    "tpu.region"() ({
      %run_scoped3A_36 = tpu.sem_alloc : memref<!tpu.dma_semaphore, #tpu.memory_space<semaphore_mem>>
      %dma_start3A = arith.constant 0 : i32
      %dma_start3A_37 = arith.constant 0 : i32
      %dma_start3A_38 = tpu.memref_slice %arg2[%run_scoped3A, %dma_start3A, %dma_start3A_37] : memref<2x2560x125xi32, #tpu.memory_space<hbm>> -> memref<1x2560x125xi32, #tpu.memory_space<hbm>>
      %dma_start3A_39 = tpu.memref_squeeze %dma_start3A_38 : memref<1x2560x125xi32, #tpu.memory_space<hbm>> -> memref<2560x125xi32, #tpu.memory_space<hbm>>
      %dma_start3A_40 = arith.constant 0 : i32
      %dma_start3A_41 = tpu.memref_slice %dma_start3A_39[%mul3A_20, %dma_start3A_40] : memref<2560x125xi32, #tpu.memory_space<hbm>> -> memref<80x125xi32, #tpu.memory_space<hbm>>
      %dma_start3A_42 = arith.constant 0 : i32
      %dma_start3A_43 = arith.constant 0 : i32
      %dma_start3A_44 = tpu.memref_slice %arg2[%run_scoped3A, %dma_start3A_42, %dma_start3A_43] : memref<2x2560x125xi32, #tpu.memory_space<hbm>> -> memref<1x2560x125xi32, #tpu.memory_space<hbm>>
      %dma_start3A_45 = tpu.memref_squeeze %dma_start3A_44 : memref<1x2560x125xi32, #tpu.memory_space<hbm>> -> memref<2560x125xi32, #tpu.memory_space<hbm>>
      %dma_start3A_46 = arith.constant 0 : i32
      %dma_start3A_47 = tpu.memref_slice %dma_start3A_45[%mul3A_20, %dma_start3A_46] : memref<2560x125xi32, #tpu.memory_space<hbm>> -> memref<80x125xi32, #tpu.memory_space<hbm>>
      tpu.enqueue_dma source(%dma_start3A_47 : memref<80x125xi32, #tpu.memory_space<hbm>>) target(%arg4 : memref<80x125xi32, #tpu.memory_space<vmem>>) target_semaphore(%run_scoped3A_36 : memref<!tpu.dma_semaphore, #tpu.memory_space<semaphore_mem>>)
      %dma_wait3A = arith.constant 0 : i32
      %dma_wait3A_48 = arith.constant 0 : i32
      %dma_wait3A_49 = tpu.memref_slice %arg2[%run_scoped3A, %dma_wait3A, %dma_wait3A_48] : memref<2x2560x125xi32, #tpu.memory_space<hbm>> -> memref<1x2560x125xi32, #tpu.memory_space<hbm>>
      %dma_wait3A_50 = tpu.memref_squeeze %dma_wait3A_49 : memref<1x2560x125xi32, #tpu.memory_space<hbm>> -> memref<2560x125xi32, #tpu.memory_space<hbm>>
      %dma_wait3A_51 = arith.constant 0 : i32
      %dma_wait3A_52 = tpu.memref_slice %dma_wait3A_50[%mul3A_20, %dma_wait3A_51] : memref<2560x125xi32, #tpu.memory_space<hbm>> -> memref<80x125xi32, #tpu.memory_space<hbm>>
      %dma_wait3A_53 = arith.constant 0 : i32
      %dma_wait3A_54 = arith.constant 0 : i32
      %dma_wait3A_55 = tpu.memref_slice %arg2[%run_scoped3A, %dma_wait3A_53, %dma_wait3A_54] : memref<2x2560x125xi32, #tpu.memory_space<hbm>> -> memref<1x2560x125xi32, #tpu.memory_space<hbm>>
      %dma_wait3A_56 = tpu.memref_squeeze %dma_wait3A_55 : memref<1x2560x125xi32, #tpu.memory_space<hbm>> -> memref<2560x125xi32, #tpu.memory_space<hbm>>
      %dma_wait3A_57 = arith.constant 0 : i32
      %dma_wait3A_58 = tpu.memref_slice %dma_wait3A_56[%mul3A_20, %dma_wait3A_57] : memref<2560x125xi32, #tpu.memory_space<hbm>> -> memref<80x125xi32, #tpu.memory_space<hbm>>
      tpu.wait_dma2 semaphore(%run_scoped3A_36 : memref<!tpu.dma_semaphore, #tpu.memory_space<semaphore_mem>>) src(%dma_wait3A_58 : memref<80x125xi32, #tpu.memory_space<hbm>>) dst(%arg4 : memref<80x125xi32, #tpu.memory_space<vmem>>)
      tpu.yield
    }) : () -> ()
    %scan3A_21 = arith.constant 0 : i32
    %scan3A_22 = arith.constant 0 : i32
    %scan3A_23 = arith.constant 80 : i32
    %scan3A_24 = arith.addi %scan3A_22, %scan3A_23 : i32
    %scan3A_25 = arith.constant 1 : i32
    %scan3A_26 = scf.for %scan3A_36 = %scan3A_22 to %scan3A_24 step %scan3A_25 iter_args(%scan3A_37 = %scan3A_21) -> (i32)  : i32 {
      "tpu.region"() ({
        %run_scoped3A_39 = tpu.sem_alloc : memref<!tpu.dma_semaphore, #tpu.memory_space<semaphore_mem>>
        %dma_start3A = arith.constant 0 : i32
        %dma_start3A_40 = tpu.memref_slice %arg5[%dma_start3A] : memref<128xf32, #tpu.memory_space<vmem>> -> memref<125xf32, #tpu.memory_space<vmem>>
        %dma_start3A_41 = arith.constant 0 : i32
        %dma_start3A_42 = tpu.memref_slice %arg4[%scan3A_36, %dma_start3A_41] : memref<80x125xi32, #tpu.memory_space<vmem>> -> memref<1x125xi32, #tpu.memory_space<vmem>>
        %dma_start3A_43 = tpu.memref_squeeze %dma_start3A_42 : memref<1x125xi32, #tpu.memory_space<vmem>> -> memref<125xi32, #tpu.memory_space<vmem>>
        %dma_start3A_44 = arith.constant 0 : i32
        %dma_start3A_45 = tpu.memref_slice %arg7[%dma_start3A_44] : memref<10240xf32, #tpu.memory_space<vmem_shared>> -> memref<10240xf32, #tpu.memory_space<vmem_shared>>
        tpu.enqueue_indirect_dma source(%dma_start3A_40 : memref<125xf32, #tpu.memory_space<vmem>>) target(%dma_start3A_45 : memref<10240xf32, #tpu.memory_space<vmem_shared>>) offsets(%dma_start3A_43 : memref<125xi32, #tpu.memory_space<vmem>>) semaphore(%run_scoped3A_39 : memref<!tpu.dma_semaphore, #tpu.memory_space<semaphore_mem>>) {add = true}
        %dma_wait3A = arith.constant 0 : i32
        %dma_wait3A_46 = tpu.memref_slice %arg5[%dma_wait3A] : memref<128xf32, #tpu.memory_space<vmem>> -> memref<125xf32, #tpu.memory_space<vmem>>
        %dma_wait3A_47 = arith.constant 0 : i32
        %dma_wait3A_48 = tpu.memref_slice %arg4[%scan3A_36, %dma_wait3A_47] : memref<80x125xi32, #tpu.memory_space<vmem>> -> memref<1x125xi32, #tpu.memory_space<vmem>>
        %dma_wait3A_49 = tpu.memref_squeeze %dma_wait3A_48 : memref<1x125xi32, #tpu.memory_space<vmem>> -> memref<125xi32, #tpu.memory_space<vmem>>
        %dma_wait3A_50 = arith.constant 0 : i32
        %dma_wait3A_51 = tpu.memref_slice %arg7[%dma_wait3A_50] : memref<10240xf32, #tpu.memory_space<vmem_shared>> -> memref<10240xf32, #tpu.memory_space<vmem_shared>>
        tpu.wait_indirect_dma semaphore(%run_scoped3A_39 : memref<!tpu.dma_semaphore, #tpu.memory_space<semaphore_mem>>) src(%dma_wait3A_46 : memref<125xf32, #tpu.memory_space<vmem>>) dst(%dma_wait3A_51 : memref<10240xf32, #tpu.memory_space<vmem_shared>>)
        tpu.yield
      }) : () -> ()
      %scan3A_38 = arith.constant 0 : i32
      scf.yield %scan3A_38 : i32
    }
    %scan3A_27 = arith.constant 80 : i32
    %barrier3A_28 = arith.constant 0 : index
    tpu.barrier barrier_id(%barrier3A_28)
    %mul3A_29 = arith.constant 640 : i32
    %mul3A_30 = arith.muli %arg1, %mul3A_29 : i32
    %mul3A_31 = arith.constant 10240 : i32
    %mul3A_32 = arith.muli %arg0, %mul3A_31 : i32
    %mul3A_33 = arith.constant 640 : i32
    %mul3A_34 = arith.muli %arg1, %mul3A_33 : i32
    %add3A_35 = arith.addi %mul3A_32, %mul3A_34 : i32
    "tpu.region"() ({
      %run_scoped3A_36 = tpu.sem_alloc : memref<!tpu.dma_semaphore, #tpu.memory_space<semaphore_mem>>
      %dma_start3A = tpu.memref_slice %arg3[%add3A_35] : memref<20480xf32, #tpu.memory_space<hbm>> -> memref<640xf32, #tpu.memory_space<hbm>>
      %dma_start3A_37 = tpu.memref_slice %arg7[%mul3A_30] : memref<10240xf32, #tpu.memory_space<vmem_shared>> -> memref<640xf32, #tpu.memory_space<vmem_shared>>
      tpu.enqueue_dma source(%dma_start3A_37 : memref<640xf32, #tpu.memory_space<vmem_shared>>) target(%dma_start3A : memref<640xf32, #tpu.memory_space<hbm>>) target_semaphore(%run_scoped3A_36 : memref<!tpu.dma_semaphore, #tpu.memory_space<semaphore_mem>>)
      %dma_wait3A = tpu.memref_slice %arg3[%add3A_35] : memref<20480xf32, #tpu.memory_space<hbm>> -> memref<640xf32, #tpu.memory_space<hbm>>
      %dma_wait3A_38 = tpu.memref_slice %arg7[%mul3A_30] : memref<10240xf32, #tpu.memory_space<vmem_shared>> -> memref<640xf32, #tpu.memory_space<vmem_shared>>
      tpu.wait_dma2 semaphore(%run_scoped3A_36 : memref<!tpu.dma_semaphore, #tpu.memory_space<semaphore_mem>>) src(%dma_wait3A_38 : memref<640xf32, #tpu.memory_space<vmem_shared>>) dst(%dma_wait3A : memref<640xf32, #tpu.memory_space<hbm>>)
      tpu.yield
    }) : () -> ()
    return
  }
}

#map = affine_map<(d0, d1) -> (0, 0)>
#map1 = affine_map<(d0, d1) -> (0, 0, 0)>
module attributes {stable_mosaic.version = 14 : i64} {
  func.func @k(%arg0: i32, %arg1: i32, %arg2: memref<10000x16xf32, #tpu.memory_space<hbm>>, %arg3: memref<2x2560x125xi32, #tpu.memory_space<hbm>>, %arg4: memref<20480x16xf32, #tpu.memory_space<hbm>>, %arg5: memref<80x125xi32, #tpu.memory_space<vmem>>, %arg6: memref<80x125xi32, #tpu.memory_space<vmem>>, %arg7: memref<16x125x16xf32, #tpu.memory_space<vmem>>, %arg8: memref<640x16xf32, #tpu.memory_space<vmem>>, %arg9: memref<10240x16xf32, #tpu.memory_space<vmem_shared>>, %arg10: memref<10000x16xf32, #tpu.memory_space<vmem_shared>>, %arg11: memref<!tpu.dma_semaphore, #tpu.memory_space<semaphore_mem>>, %arg12: memref<!tpu.dma_semaphore, #tpu.memory_space<semaphore_mem>>) attributes {dimension_semantics = [#tpu.dimension_semantics<core_parallel>, #tpu.dimension_semantics<subcore_parallel>], iteration_bounds = array<i64: 2, 16>, scalar_prefetch = 0 : i64, scratch_operands = 8 : i64, tpu.core_type = #tpu.core_type<sc_vector_subcore>, window_params = [{transform_indices = #map}, {transform_indices = #map1}, {transform_indices = #map}]} {
    %mul3A = arith.constant 2 : i32
    %mul3A_0 = arith.muli %arg1, %mul3A : i32
    %add3A = arith.addi %mul3A_0, %arg0 : i32
    %broadcast_in_dim3A = arith.constant 0.000000e+00 : f32
    %broadcast_in_dim3A_1 = vector.broadcast %broadcast_in_dim3A : f32 to vector<16xf32>
    %scan3A = arith.constant 0 : i32
    %scan3A_2 = arith.constant 0 : i32
    %scan3A_3 = arith.constant 640 : i32
    %scan3A_4 = arith.addi %scan3A_2, %scan3A_3 : i32
    %scan3A_5 = arith.constant 1 : i32
    %scan3A_6 = scf.for %scan3A_224 = %scan3A_2 to %scan3A_4 step %scan3A_5 iter_args(%scan3A_225 = %scan3A) -> (i32)  : i32 {
      %swap3A = arith.index_cast %scan3A_224 : i32 to index
      %swap3A_226 = arith.constant 0 : index
      %swap3A_227 = tpu.vector_load %arg8[%swap3A, %swap3A_226] {strides = array<i32>} : memref<640x16xf32, #tpu.memory_space<vmem>>, vector<1x16xf32>,
      %swap3A_228 = vector.shape_cast %swap3A_227 : vector<1x16xf32> to vector<16xf32>
      %swap3A_229 = vector.shape_cast %broadcast_in_dim3A_1 : vector<16xf32> to vector<1x16xf32>
      tpu.vector_store %arg8[%swap3A, %swap3A_226], %swap3A_229 {strides = array<i32>} : memref<640x16xf32, #tpu.memory_space<vmem>>, vector<1x16xf32>,
      %scan3A_230 = arith.constant 0 : i32
      scf.yield %scan3A_230 : i32
    }
    %scan3A_7 = arith.constant 640 : i32
    %mul3A_8 = arith.constant 640 : i32
    %mul3A_9 = arith.muli %arg1, %mul3A_8 : i32
    "tpu.region"() ({
      %run_scoped3A_224 = tpu.sem_alloc : memref<!tpu.dma_semaphore, #tpu.memory_space<semaphore_mem>>
      %dma_start3A_225 = arith.constant 0 : i32
      %dma_start3A_226 = tpu.memref_slice %arg9[%mul3A_9, %dma_start3A_225] : memref<10240x16xf32, #tpu.memory_space<vmem_shared>> -> memref<640x16xf32, #tpu.memory_space<vmem_shared>>
      %dma_start3A_227 = arith.constant 0 : i32
      %dma_start3A_228 = tpu.memref_slice %arg9[%mul3A_9, %dma_start3A_227] : memref<10240x16xf32, #tpu.memory_space<vmem_shared>> -> memref<640x16xf32, #tpu.memory_space<vmem_shared>>
      tpu.enqueue_dma source(%arg8 : memref<640x16xf32, #tpu.memory_space<vmem>>) target(%dma_start3A_228 : memref<640x16xf32, #tpu.memory_space<vmem_shared>>) target_semaphore(%run_scoped3A_224 : memref<!tpu.dma_semaphore, #tpu.memory_space<semaphore_mem>>)
      %dma_wait3A_229 = arith.constant 0 : i32
      %dma_wait3A_230 = tpu.memref_slice %arg9[%mul3A_9, %dma_wait3A_229] : memref<10240x16xf32, #tpu.memory_space<vmem_shared>> -> memref<640x16xf32, #tpu.memory_space<vmem_shared>>
      %dma_wait3A_231 = arith.constant 0 : i32
      %dma_wait3A_232 = tpu.memref_slice %arg9[%mul3A_9, %dma_wait3A_231] : memref<10240x16xf32, #tpu.memory_space<vmem_shared>> -> memref<640x16xf32, #tpu.memory_space<vmem_shared>>
      tpu.wait_dma2 semaphore(%run_scoped3A_224 : memref<!tpu.dma_semaphore, #tpu.memory_space<semaphore_mem>>) src(%arg8 : memref<640x16xf32, #tpu.memory_space<vmem>>) dst(%dma_wait3A_232 : memref<640x16xf32, #tpu.memory_space<vmem_shared>>)
      tpu.yield
    }) : () -> ()
    %mul3A_10 = arith.constant 625 : i32
    %mul3A_11 = arith.muli %arg1, %mul3A_10 : i32
    %mul3A_12 = arith.constant 625 : i32
    %mul3A_13 = arith.muli %arg1, %mul3A_12 : i32
    "tpu.region"() ({
      %run_scoped3A_224 = tpu.sem_alloc : memref<!tpu.dma_semaphore, #tpu.memory_space<semaphore_mem>>
      %dma_start3A_225 = arith.constant 0 : i32
      %dma_start3A_226 = tpu.memref_slice %arg10[%mul3A_13, %dma_start3A_225] : memref<10000x16xf32, #tpu.memory_space<vmem_shared>> -> memref<625x16xf32, #tpu.memory_space<vmem_shared>>
      %dma_start3A_227 = arith.constant 0 : i32
      %dma_start3A_228 = tpu.memref_slice %arg2[%mul3A_11, %dma_start3A_227] : memref<10000x16xf32, #tpu.memory_space<hbm>> -> memref<625x16xf32, #tpu.memory_space<hbm>>
      tpu.enqueue_dma source(%dma_start3A_228 : memref<625x16xf32, #tpu.memory_space<hbm>>) target(%dma_start3A_226 : memref<625x16xf32, #tpu.memory_space<vmem_shared>>) target_semaphore(%run_scoped3A_224 : memref<!tpu.dma_semaphore, #tpu.memory_space<semaphore_mem>>)
      %dma_wait3A_229 = arith.constant 0 : i32
      %dma_wait3A_230 = tpu.memref_slice %arg10[%mul3A_13, %dma_wait3A_229] : memref<10000x16xf32, #tpu.memory_space<vmem_shared>> -> memref<625x16xf32, #tpu.memory_space<vmem_shared>>
      %dma_wait3A_231 = arith.constant 0 : i32
      %dma_wait3A_232 = tpu.memref_slice %arg2[%mul3A_11, %dma_wait3A_231] : memref<10000x16xf32, #tpu.memory_space<hbm>> -> memref<625x16xf32, #tpu.memory_space<hbm>>
      tpu.wait_dma2 semaphore(%run_scoped3A_224 : memref<!tpu.dma_semaphore, #tpu.memory_space<semaphore_mem>>) src(%dma_wait3A_232 : memref<625x16xf32, #tpu.memory_space<hbm>>) dst(%dma_wait3A_230 : memref<625x16xf32, #tpu.memory_space<vmem_shared>>)
      tpu.yield
    }) : () -> ()
    %barrier3A = arith.constant 0 : index
    tpu.barrier barrier_id(%barrier3A)
    %mul3A_14 = arith.constant 80 : i32
    %mul3A_15 = arith.muli %add3A, %mul3A_14 : i32
    %run_scoped3A = arith.constant 0 : i32
    "tpu.region"() ({
      %run_scoped3A_224 = tpu.sem_alloc : memref<!tpu.dma_semaphore, #tpu.memory_space<semaphore_mem>>
      %dma_start3A_225 = arith.constant 0 : i32
      %dma_start3A_226 = arith.constant 0 : i32
      %dma_start3A_227 = tpu.memref_slice %arg3[%run_scoped3A, %dma_start3A_225, %dma_start3A_226] : memref<2x2560x125xi32, #tpu.memory_space<hbm>> -> memref<1x2560x125xi32, #tpu.memory_space<hbm>>
      %dma_start3A_228 = tpu.memref_squeeze %dma_start3A_227 : memref<1x2560x125xi32, #tpu.memory_space<hbm>> -> memref<2560x125xi32, #tpu.memory_space<hbm>>
      %dma_start3A_229 = arith.constant 0 : i32
      %dma_start3A_230 = tpu.memref_slice %dma_start3A_228[%mul3A_15, %dma_start3A_229] : memref<2560x125xi32, #tpu.memory_space<hbm>> -> memref<80x125xi32, #tpu.memory_space<hbm>>
      %dma_start3A_231 = arith.constant 0 : i32
      %dma_start3A_232 = arith.constant 0 : i32
      %dma_start3A_233 = tpu.memref_slice %arg3[%run_scoped3A, %dma_start3A_231, %dma_start3A_232] : memref<2x2560x125xi32, #tpu.memory_space<hbm>> -> memref<1x2560x125xi32, #tpu.memory_space<hbm>>
      %dma_start3A_234 = tpu.memref_squeeze %dma_start3A_233 : memref<1x2560x125xi32, #tpu.memory_space<hbm>> -> memref<2560x125xi32, #tpu.memory_space<hbm>>
      %dma_start3A_235 = arith.constant 0 : i32
      %dma_start3A_236 = tpu.memref_slice %dma_start3A_234[%mul3A_15, %dma_start3A_235] : memref<2560x125xi32, #tpu.memory_space<hbm>> -> memref<80x125xi32, #tpu.memory_space<hbm>>
      tpu.enqueue_dma source(%dma_start3A_236 : memref<80x125xi32, #tpu.memory_space<hbm>>) target(%arg5 : memref<80x125xi32, #tpu.memory_space<vmem>>) target_semaphore(%run_scoped3A_224 : memref<!tpu.dma_semaphore, #tpu.memory_space<semaphore_mem>>)
      %dma_wait3A_237 = arith.constant 0 : i32
      %dma_wait3A_238 = arith.constant 0 : i32
      %dma_wait3A_239 = tpu.memref_slice %arg3[%run_scoped3A, %dma_wait3A_237, %dma_wait3A_238] : memref<2x2560x125xi32, #tpu.memory_space<hbm>> -> memref<1x2560x125xi32, #tpu.memory_space<hbm>>
      %dma_wait3A_240 = tpu.memref_squeeze %dma_wait3A_239 : memref<1x2560x125xi32, #tpu.memory_space<hbm>> -> memref<2560x125xi32, #tpu.memory_space<hbm>>
      %dma_wait3A_241 = arith.constant 0 : i32
      %dma_wait3A_242 = tpu.memref_slice %dma_wait3A_240[%mul3A_15, %dma_wait3A_241] : memref<2560x125xi32, #tpu.memory_space<hbm>> -> memref<80x125xi32, #tpu.memory_space<hbm>>
      %dma_wait3A_243 = arith.constant 0 : i32
      %dma_wait3A_244 = arith.constant 0 : i32
      %dma_wait3A_245 = tpu.memref_slice %arg3[%run_scoped3A, %dma_wait3A_243, %dma_wait3A_244] : memref<2x2560x125xi32, #tpu.memory_space<hbm>> -> memref<1x2560x125xi32, #tpu.memory_space<hbm>>
      %dma_wait3A_246 = tpu.memref_squeeze %dma_wait3A_245 : memref<1x2560x125xi32, #tpu.memory_space<hbm>> -> memref<2560x125xi32, #tpu.memory_space<hbm>>
      %dma_wait3A_247 = arith.constant 0 : i32
      %dma_wait3A_248 = tpu.memref_slice %dma_wait3A_246[%mul3A_15, %dma_wait3A_247] : memref<2560x125xi32, #tpu.memory_space<hbm>> -> memref<80x125xi32, #tpu.memory_space<hbm>>
      tpu.wait_dma2 semaphore(%run_scoped3A_224 : memref<!tpu.dma_semaphore, #tpu.memory_space<semaphore_mem>>) src(%dma_wait3A_248 : memref<80x125xi32, #tpu.memory_space<hbm>>) dst(%arg5 : memref<80x125xi32, #tpu.memory_space<vmem>>)
      tpu.yield
    }) : () -> ()
    %mul3A_16 = arith.constant 80 : i32
    %mul3A_17 = arith.muli %add3A, %mul3A_16 : i32
    %run_scoped3A_18 = arith.constant 1 : i32
    "tpu.region"() ({
      %run_scoped3A_224 = tpu.sem_alloc : memref<!tpu.dma_semaphore, #tpu.memory_space<semaphore_mem>>
      %dma_start3A_225 = arith.constant 0 : i32
      %dma_start3A_226 = arith.constant 0 : i32
      %dma_start3A_227 = tpu.memref_slice %arg3[%run_scoped3A_18, %dma_start3A_225, %dma_start3A_226] : memref<2x2560x125xi32, #tpu.memory_space<hbm>> -> memref<1x2560x125xi32, #tpu.memory_space<hbm>>
      %dma_start3A_228 = tpu.memref_squeeze %dma_start3A_227 : memref<1x2560x125xi32, #tpu.memory_space<hbm>> -> memref<2560x125xi32, #tpu.memory_space<hbm>>
      %dma_start3A_229 = arith.constant 0 : i32
      %dma_start3A_230 = tpu.memref_slice %dma_start3A_228[%mul3A_17, %dma_start3A_229] : memref<2560x125xi32, #tpu.memory_space<hbm>> -> memref<80x125xi32, #tpu.memory_space<hbm>>
      %dma_start3A_231 = arith.constant 0 : i32
      %dma_start3A_232 = arith.constant 0 : i32
      %dma_start3A_233 = tpu.memref_slice %arg3[%run_scoped3A_18, %dma_start3A_231, %dma_start3A_232] : memref<2x2560x125xi32, #tpu.memory_space<hbm>> -> memref<1x2560x125xi32, #tpu.memory_space<hbm>>
      %dma_start3A_234 = tpu.memref_squeeze %dma_start3A_233 : memref<1x2560x125xi32, #tpu.memory_space<hbm>> -> memref<2560x125xi32, #tpu.memory_space<hbm>>
      %dma_start3A_235 = arith.constant 0 : i32
      %dma_start3A_236 = tpu.memref_slice %dma_start3A_234[%mul3A_17, %dma_start3A_235] : memref<2560x125xi32, #tpu.memory_space<hbm>> -> memref<80x125xi32, #tpu.memory_space<hbm>>
      tpu.enqueue_dma source(%dma_start3A_236 : memref<80x125xi32, #tpu.memory_space<hbm>>) target(%arg6 : memref<80x125xi32, #tpu.memory_space<vmem>>) target_semaphore(%run_scoped3A_224 : memref<!tpu.dma_semaphore, #tpu.memory_space<semaphore_mem>>)
      %dma_wait3A_237 = arith.constant 0 : i32
      %dma_wait3A_238 = arith.constant 0 : i32
      %dma_wait3A_239 = tpu.memref_slice %arg3[%run_scoped3A_18, %dma_wait3A_237, %dma_wait3A_238] : memref<2x2560x125xi32, #tpu.memory_space<hbm>> -> memref<1x2560x125xi32, #tpu.memory_space<hbm>>
      %dma_wait3A_240 = tpu.memref_squeeze %dma_wait3A_239 : memref<1x2560x125xi32, #tpu.memory_space<hbm>> -> memref<2560x125xi32, #tpu.memory_space<hbm>>
      %dma_wait3A_241 = arith.constant 0 : i32
      %dma_wait3A_242 = tpu.memref_slice %dma_wait3A_240[%mul3A_17, %dma_wait3A_241] : memref<2560x125xi32, #tpu.memory_space<hbm>> -> memref<80x125xi32, #tpu.memory_space<hbm>>
      %dma_wait3A_243 = arith.constant 0 : i32
      %dma_wait3A_244 = arith.constant 0 : i32
      %dma_wait3A_245 = tpu.memref_slice %arg3[%run_scoped3A_18, %dma_wait3A_243, %dma_wait3A_244] : memref<2x2560x125xi32, #tpu.memory_space<hbm>> -> memref<1x2560x125xi32, #tpu.memory_space<hbm>>
      %dma_wait3A_246 = tpu.memref_squeeze %dma_wait3A_245 : memref<1x2560x125xi32, #tpu.memory_space<hbm>> -> memref<2560x125xi32, #tpu.memory_space<hbm>>
      %dma_wait3A_247 = arith.constant 0 : i32
      %dma_wait3A_248 = tpu.memref_slice %dma_wait3A_246[%mul3A_17, %dma_wait3A_247] : memref<2560x125xi32, #tpu.memory_space<hbm>> -> memref<80x125xi32, #tpu.memory_space<hbm>>
      tpu.wait_dma2 semaphore(%run_scoped3A_224 : memref<!tpu.dma_semaphore, #tpu.memory_space<semaphore_mem>>) src(%dma_wait3A_248 : memref<80x125xi32, #tpu.memory_space<hbm>>) dst(%arg6 : memref<80x125xi32, #tpu.memory_space<vmem>>)
      tpu.yield
    }) : () -> ()
    %dma_start3A = arith.constant 0 : i32
    %dma_start3A_19 = arith.constant 0 : i32
    %dma_start3A_20 = arith.constant 0 : i32
    %dma_start3A_21 = arith.constant 0 : i32
    %dma_start3A_22 = tpu.memref_slice %arg7[%dma_start3A_19, %dma_start3A_20, %dma_start3A_21] : memref<16x125x16xf32, #tpu.memory_space<vmem>> -> memref<1x125x16xf32, #tpu.memory_space<vmem>>
    %dma_start3A_23 = tpu.memref_squeeze %dma_start3A_22 : memref<1x125x16xf32, #tpu.memory_space<vmem>> -> memref<125x16xf32, #tpu.memory_space<vmem>>
    %dma_start3A_24 = arith.constant 0 : i32
    %dma_start3A_25 = tpu.memref_slice %arg5[%dma_start3A, %dma_start3A_24] : memref<80x125xi32, #tpu.memory_space<vmem>> -> memref<1x125xi32, #tpu.memory_space<vmem>>
    %dma_start3A_26 = tpu.memref_squeeze %dma_start3A_25 : memref<1x125xi32, #tpu.memory_space<vmem>> -> memref<125xi32, #tpu.memory_space<vmem>>
    %dma_start3A_27 = arith.constant 0 : i32
    %dma_start3A_28 = arith.constant 0 : i32
    %dma_start3A_29 = tpu.memref_slice %arg10[%dma_start3A_27, %dma_start3A_28] : memref<10000x16xf32, #tpu.memory_space<vmem_shared>> -> memref<10000x16xf32, #tpu.memory_space<vmem_shared>>
    tpu.enqueue_indirect_dma source(%dma_start3A_29 : memref<10000x16xf32, #tpu.memory_space<vmem_shared>>) target(%dma_start3A_23 : memref<125x16xf32, #tpu.memory_space<vmem>>) offsets(%dma_start3A_26 : memref<125xi32, #tpu.memory_space<vmem>>) semaphore(%arg11 : memref<!tpu.dma_semaphore, #tpu.memory_space<semaphore_mem>>)
    %dma_start3A_30 = arith.constant 1 : i32
    %dma_start3A_31 = arith.constant 1 : i32
    %dma_start3A_32 = arith.constant 0 : i32
    %dma_start3A_33 = arith.constant 0 : i32
    %dma_start3A_34 = tpu.memref_slice %arg7[%dma_start3A_31, %dma_start3A_32, %dma_start3A_33] : memref<16x125x16xf32, #tpu.memory_space<vmem>> -> memref<1x125x16xf32, #tpu.memory_space<vmem>>
    %dma_start3A_35 = tpu.memref_squeeze %dma_start3A_34 : memref<1x125x16xf32, #tpu.memory_space<vmem>> -> memref<125x16xf32, #tpu.memory_space<vmem>>
    %dma_start3A_36 = arith.constant 0 : i32
    %dma_start3A_37 = tpu.memref_slice %arg5[%dma_start3A_30, %dma_start3A_36] : memref<80x125xi32, #tpu.memory_space<vmem>> -> memref<1x125xi32, #tpu.memory_space<vmem>>
    %dma_start3A_38 = tpu.memref_squeeze %dma_start3A_37 : memref<1x125xi32, #tpu.memory_space<vmem>> -> memref<125xi32, #tpu.memory_space<vmem>>
    %dma_start3A_39 = arith.constant 0 : i32
    %dma_start3A_40 = arith.constant 0 : i32
    %dma_start3A_41 = tpu.memref_slice %arg10[%dma_start3A_39, %dma_start3A_40] : memref<10000x16xf32, #tpu.memory_space<vmem_shared>> -> memref<10000x16xf32, #tpu.memory_space<vmem_shared>>
    tpu.enqueue_indirect_dma source(%dma_start3A_41 : memref<10000x16xf32, #tpu.memory_space<vmem_shared>>) target(%dma_start3A_35 : memref<125x16xf32, #tpu.memory_space<vmem>>) offsets(%dma_start3A_38 : memref<125xi32, #tpu.memory_space<vmem>>) semaphore(%arg11 : memref<!tpu.dma_semaphore, #tpu.memory_space<semaphore_mem>>)
    %dma_start3A_42 = arith.constant 2 : i32
    %dma_start3A_43 = arith.constant 2 : i32
    %dma_start3A_44 = arith.constant 0 : i32
    %dma_start3A_45 = arith.constant 0 : i32
    %dma_start3A_46 = tpu.memref_slice %arg7[%dma_start3A_43, %dma_start3A_44, %dma_start3A_45] : memref<16x125x16xf32, #tpu.memory_space<vmem>> -> memref<1x125x16xf32, #tpu.memory_space<vmem>>
    %dma_start3A_47 = tpu.memref_squeeze %dma_start3A_46 : memref<1x125x16xf32, #tpu.memory_space<vmem>> -> memref<125x16xf32, #tpu.memory_space<vmem>>
    %dma_start3A_48 = arith.constant 0 : i32
    %dma_start3A_49 = tpu.memref_slice %arg5[%dma_start3A_42, %dma_start3A_48] : memref<80x125xi32, #tpu.memory_space<vmem>> -> memref<1x125xi32, #tpu.memory_space<vmem>>
    %dma_start3A_50 = tpu.memref_squeeze %dma_start3A_49 : memref<1x125xi32, #tpu.memory_space<vmem>> -> memref<125xi32, #tpu.memory_space<vmem>>
    %dma_start3A_51 = arith.constant 0 : i32
    %dma_start3A_52 = arith.constant 0 : i32
    %dma_start3A_53 = tpu.memref_slice %arg10[%dma_start3A_51, %dma_start3A_52] : memref<10000x16xf32, #tpu.memory_space<vmem_shared>> -> memref<10000x16xf32, #tpu.memory_space<vmem_shared>>
    tpu.enqueue_indirect_dma source(%dma_start3A_53 : memref<10000x16xf32, #tpu.memory_space<vmem_shared>>) target(%dma_start3A_47 : memref<125x16xf32, #tpu.memory_space<vmem>>) offsets(%dma_start3A_50 : memref<125xi32, #tpu.memory_space<vmem>>) semaphore(%arg11 : memref<!tpu.dma_semaphore, #tpu.memory_space<semaphore_mem>>)
    %dma_start3A_54 = arith.constant 3 : i32
    %dma_start3A_55 = arith.constant 3 : i32
    %dma_start3A_56 = arith.constant 0 : i32
    %dma_start3A_57 = arith.constant 0 : i32
    %dma_start3A_58 = tpu.memref_slice %arg7[%dma_start3A_55, %dma_start3A_56, %dma_start3A_57] : memref<16x125x16xf32, #tpu.memory_space<vmem>> -> memref<1x125x16xf32, #tpu.memory_space<vmem>>
    %dma_start3A_59 = tpu.memref_squeeze %dma_start3A_58 : memref<1x125x16xf32, #tpu.memory_space<vmem>> -> memref<125x16xf32, #tpu.memory_space<vmem>>
    %dma_start3A_60 = arith.constant 0 : i32
    %dma_start3A_61 = tpu.memref_slice %arg5[%dma_start3A_54, %dma_start3A_60] : memref<80x125xi32, #tpu.memory_space<vmem>> -> memref<1x125xi32, #tpu.memory_space<vmem>>
    %dma_start3A_62 = tpu.memref_squeeze %dma_start3A_61 : memref<1x125xi32, #tpu.memory_space<vmem>> -> memref<125xi32, #tpu.memory_space<vmem>>
    %dma_start3A_63 = arith.constant 0 : i32
    %dma_start3A_64 = arith.constant 0 : i32
    %dma_start3A_65 = tpu.memref_slice %arg10[%dma_start3A_63, %dma_start3A_64] : memref<10000x16xf32, #tpu.memory_space<vmem_shared>> -> memref<10000x16xf32, #tpu.memory_space<vmem_shared>>
    tpu.enqueue_indirect_dma source(%dma_start3A_65 : memref<10000x16xf32, #tpu.memory_space<vmem_shared>>) target(%dma_start3A_59 : memref<125x16xf32, #tpu.memory_space<vmem>>) offsets(%dma_start3A_62 : memref<125xi32, #tpu.memory_space<vmem>>) semaphore(%arg11 : memref<!tpu.dma_semaphore, #tpu.memory_space<semaphore_mem>>)
    %dma_start3A_66 = arith.constant 4 : i32
    %dma_start3A_67 = arith.constant 4 : i32
    %dma_start3A_68 = arith.constant 0 : i32
    %dma_start3A_69 = arith.constant 0 : i32
    %dma_start3A_70 = tpu.memref_slice %arg7[%dma_start3A_67, %dma_start3A_68, %dma_start3A_69] : memref<16x125x16xf32, #tpu.memory_space<vmem>> -> memref<1x125x16xf32, #tpu.memory_space<vmem>>
    %dma_start3A_71 = tpu.memref_squeeze %dma_start3A_70 : memref<1x125x16xf32, #tpu.memory_space<vmem>> -> memref<125x16xf32, #tpu.memory_space<vmem>>
    %dma_start3A_72 = arith.constant 0 : i32
    %dma_start3A_73 = tpu.memref_slice %arg5[%dma_start3A_66, %dma_start3A_72] : memref<80x125xi32, #tpu.memory_space<vmem>> -> memref<1x125xi32, #tpu.memory_space<vmem>>
    %dma_start3A_74 = tpu.memref_squeeze %dma_start3A_73 : memref<1x125xi32, #tpu.memory_space<vmem>> -> memref<125xi32, #tpu.memory_space<vmem>>
    %dma_start3A_75 = arith.constant 0 : i32
    %dma_start3A_76 = arith.constant 0 : i32
    %dma_start3A_77 = tpu.memref_slice %arg10[%dma_start3A_75, %dma_start3A_76] : memref<10000x16xf32, #tpu.memory_space<vmem_shared>> -> memref<10000x16xf32, #tpu.memory_space<vmem_shared>>
    tpu.enqueue_indirect_dma source(%dma_start3A_77 : memref<10000x16xf32, #tpu.memory_space<vmem_shared>>) target(%dma_start3A_71 : memref<125x16xf32, #tpu.memory_space<vmem>>) offsets(%dma_start3A_74 : memref<125xi32, #tpu.memory_space<vmem>>) semaphore(%arg11 : memref<!tpu.dma_semaphore, #tpu.memory_space<semaphore_mem>>)
    %dma_start3A_78 = arith.constant 5 : i32
    %dma_start3A_79 = arith.constant 5 : i32
    %dma_start3A_80 = arith.constant 0 : i32
    %dma_start3A_81 = arith.constant 0 : i32
    %dma_start3A_82 = tpu.memref_slice %arg7[%dma_start3A_79, %dma_start3A_80, %dma_start3A_81] : memref<16x125x16xf32, #tpu.memory_space<vmem>> -> memref<1x125x16xf32, #tpu.memory_space<vmem>>
    %dma_start3A_83 = tpu.memref_squeeze %dma_start3A_82 : memref<1x125x16xf32, #tpu.memory_space<vmem>> -> memref<125x16xf32, #tpu.memory_space<vmem>>
    %dma_start3A_84 = arith.constant 0 : i32
    %dma_start3A_85 = tpu.memref_slice %arg5[%dma_start3A_78, %dma_start3A_84] : memref<80x125xi32, #tpu.memory_space<vmem>> -> memref<1x125xi32, #tpu.memory_space<vmem>>
    %dma_start3A_86 = tpu.memref_squeeze %dma_start3A_85 : memref<1x125xi32, #tpu.memory_space<vmem>> -> memref<125xi32, #tpu.memory_space<vmem>>
    %dma_start3A_87 = arith.constant 0 : i32
    %dma_start3A_88 = arith.constant 0 : i32
    %dma_start3A_89 = tpu.memref_slice %arg10[%dma_start3A_87, %dma_start3A_88] : memref<10000x16xf32, #tpu.memory_space<vmem_shared>> -> memref<10000x16xf32, #tpu.memory_space<vmem_shared>>
    tpu.enqueue_indirect_dma source(%dma_start3A_89 : memref<10000x16xf32, #tpu.memory_space<vmem_shared>>) target(%dma_start3A_83 : memref<125x16xf32, #tpu.memory_space<vmem>>) offsets(%dma_start3A_86 : memref<125xi32, #tpu.memory_space<vmem>>) semaphore(%arg11 : memref<!tpu.dma_semaphore, #tpu.memory_space<semaphore_mem>>)
    %dma_start3A_90 = arith.constant 6 : i32
    %dma_start3A_91 = arith.constant 6 : i32
    %dma_start3A_92 = arith.constant 0 : i32
    %dma_start3A_93 = arith.constant 0 : i32
    %dma_start3A_94 = tpu.memref_slice %arg7[%dma_start3A_91, %dma_start3A_92, %dma_start3A_93] : memref<16x125x16xf32, #tpu.memory_space<vmem>> -> memref<1x125x16xf32, #tpu.memory_space<vmem>>
    %dma_start3A_95 = tpu.memref_squeeze %dma_start3A_94 : memref<1x125x16xf32, #tpu.memory_space<vmem>> -> memref<125x16xf32, #tpu.memory_space<vmem>>
    %dma_start3A_96 = arith.constant 0 : i32
    %dma_start3A_97 = tpu.memref_slice %arg5[%dma_start3A_90, %dma_start3A_96] : memref<80x125xi32, #tpu.memory_space<vmem>> -> memref<1x125xi32, #tpu.memory_space<vmem>>
    %dma_start3A_98 = tpu.memref_squeeze %dma_start3A_97 : memref<1x125xi32, #tpu.memory_space<vmem>> -> memref<125xi32, #tpu.memory_space<vmem>>
    %dma_start3A_99 = arith.constant 0 : i32
    %dma_start3A_100 = arith.constant 0 : i32
    %dma_start3A_101 = tpu.memref_slice %arg10[%dma_start3A_99, %dma_start3A_100] : memref<10000x16xf32, #tpu.memory_space<vmem_shared>> -> memref<10000x16xf32, #tpu.memory_space<vmem_shared>>
    tpu.enqueue_indirect_dma source(%dma_start3A_101 : memref<10000x16xf32, #tpu.memory_space<vmem_shared>>) target(%dma_start3A_95 : memref<125x16xf32, #tpu.memory_space<vmem>>) offsets(%dma_start3A_98 : memref<125xi32, #tpu.memory_space<vmem>>) semaphore(%arg11 : memref<!tpu.dma_semaphore, #tpu.memory_space<semaphore_mem>>)
    %dma_start3A_102 = arith.constant 7 : i32
    %dma_start3A_103 = arith.constant 7 : i32
    %dma_start3A_104 = arith.constant 0 : i32
    %dma_start3A_105 = arith.constant 0 : i32
    %dma_start3A_106 = tpu.memref_slice %arg7[%dma_start3A_103, %dma_start3A_104, %dma_start3A_105] : memref<16x125x16xf32, #tpu.memory_space<vmem>> -> memref<1x125x16xf32, #tpu.memory_space<vmem>>
    %dma_start3A_107 = tpu.memref_squeeze %dma_start3A_106 : memref<1x125x16xf32, #tpu.memory_space<vmem>> -> memref<125x16xf32, #tpu.memory_space<vmem>>
    %dma_start3A_108 = arith.constant 0 : i32
    %dma_start3A_109 = tpu.memref_slice %arg5[%dma_start3A_102, %dma_start3A_108] : memref<80x125xi32, #tpu.memory_space<vmem>> -> memref<1x125xi32, #tpu.memory_space<vmem>>
    %dma_start3A_110 = tpu.memref_squeeze %dma_start3A_109 : memref<1x125xi32, #tpu.memory_space<vmem>> -> memref<125xi32, #tpu.memory_space<vmem>>
    %dma_start3A_111 = arith.constant 0 : i32
    %dma_start3A_112 = arith.constant 0 : i32
    %dma_start3A_113 = tpu.memref_slice %arg10[%dma_start3A_111, %dma_start3A_112] : memref<10000x16xf32, #tpu.memory_space<vmem_shared>> -> memref<10000x16xf32, #tpu.memory_space<vmem_shared>>
    tpu.enqueue_indirect_dma source(%dma_start3A_113 : memref<10000x16xf32, #tpu.memory_space<vmem_shared>>) target(%dma_start3A_107 : memref<125x16xf32, #tpu.memory_space<vmem>>) offsets(%dma_start3A_110 : memref<125xi32, #tpu.memory_space<vmem>>) semaphore(%arg11 : memref<!tpu.dma_semaphore, #tpu.memory_space<semaphore_mem>>)
    %scan3A_114 = arith.constant 0 : i32
    %scan3A_115 = arith.constant 0 : i32
    %scan3A_116 = arith.constant 10 : i32
    %scan3A_117 = arith.addi %scan3A_115, %scan3A_116 : i32
    %scan3A_118 = arith.constant 1 : i32
    %scan3A_119 = scf.for %scan3A_224 = %scan3A_115 to %scan3A_117 step %scan3A_118 iter_args(%scan3A_225 = %scan3A_114) -> (i32)  : i32 {
      %jit3A = arith.constant 2 : i32
      %eq3A = arith.constant 0 : i32
      %eq3A_226 = arith.cmpi eq, %jit3A, %eq3A : i32
      %jit3A_227 = arith.constant 1 : i32
      %select_n3A = arith.select %eq3A_226, %jit3A_227, %jit3A : i32
      %rem3A = arith.remsi %scan3A_224, %select_n3A : i32
      %ne3A = arith.constant 0 : i32
      %ne3A_228 = arith.cmpi ne, %rem3A, %ne3A : i32
      %lt3A = arith.constant 0 : i32
      %lt3A_229 = arith.cmpi slt, %rem3A, %lt3A : i32
      %lt3A_230 = arith.constant 0 : i32
      %lt3A_231 = arith.cmpi slt, %select_n3A, %lt3A_230 : i32
      %ne3A_232 = arith.xori %lt3A_229, %lt3A_231 : i1
      %and3A = arith.andi %ne3A_232, %ne3A_228 : i1
      %add3A_233 = arith.addi %rem3A, %select_n3A : i32
      %select_n3A_234 = arith.select %and3A, %add3A_233, %rem3A : i32
      %mul3A_235 = arith.constant 8 : i32
      %mul3A_236 = arith.muli %select_n3A_234, %mul3A_235 : i32
      %add3A_237 = arith.constant 1 : i32
      %add3A_238 = arith.addi %scan3A_224, %add3A_237 : i32
      %jit3A_239 = arith.constant 2 : i32
      %eq3A_240 = arith.constant 0 : i32
      %eq3A_241 = arith.cmpi eq, %jit3A_239, %eq3A_240 : i32
      %jit3A_242 = arith.constant 1 : i32
      %select_n3A_243 = arith.select %eq3A_241, %jit3A_242, %jit3A_239 : i32
      %rem3A_244 = arith.remsi %add3A_238, %select_n3A_243 : i32
      %ne3A_245 = arith.constant 0 : i32
      %ne3A_246 = arith.cmpi ne, %rem3A_244, %ne3A_245 : i32
      %lt3A_247 = arith.constant 0 : i32
      %lt3A_248 = arith.cmpi slt, %rem3A_244, %lt3A_247 : i32
      %lt3A_249 = arith.constant 0 : i32
      %lt3A_250 = arith.cmpi slt, %select_n3A_243, %lt3A_249 : i32
      %ne3A_251 = arith.xori %lt3A_248, %lt3A_250 : i1
      %and3A_252 = arith.andi %ne3A_251, %ne3A_246 : i1
      %add3A_253 = arith.addi %rem3A_244, %select_n3A_243 : i32
      %select_n3A_254 = arith.select %and3A_252, %add3A_253, %rem3A_244 : i32
      %mul3A_255 = arith.constant 8 : i32
      %mul3A_256 = arith.muli %select_n3A_254, %mul3A_255 : i32
      %add3A_257 = arith.constant 0 : i32
      %add3A_258 = arith.addi %mul3A_236, %add3A_257 : i32
      %dma_wait3A_259 = arith.constant 0 : i32
      %dma_wait3A_260 = arith.constant 0 : i32
      %dma_wait3A_261 = arith.constant 0 : i32
      %dma_wait3A_262 = tpu.memref_slice %arg7[%add3A_258, %dma_wait3A_260, %dma_wait3A_261] : memref<16x125x16xf32, #tpu.memory_space<vmem>> -> memref<1x125x16xf32, #tpu.memory_space<vmem>>
      %dma_wait3A_263 = tpu.memref_squeeze %dma_wait3A_262 : memref<1x125x16xf32, #tpu.memory_space<vmem>> -> memref<125x16xf32, #tpu.memory_space<vmem>>
      %dma_wait3A_264 = arith.constant 0 : i32
      %dma_wait3A_265 = tpu.memref_slice %arg5[%dma_wait3A_259, %dma_wait3A_264] : memref<80x125xi32, #tpu.memory_space<vmem>> -> memref<1x125xi32, #tpu.memory_space<vmem>>
      %dma_wait3A_266 = tpu.memref_squeeze %dma_wait3A_265 : memref<1x125xi32, #tpu.memory_space<vmem>> -> memref<125xi32, #tpu.memory_space<vmem>>
      %dma_wait3A_267 = arith.constant 0 : i32
      %dma_wait3A_268 = arith.constant 0 : i32
      %dma_wait3A_269 = tpu.memref_slice %arg10[%dma_wait3A_267, %dma_wait3A_268] : memref<10000x16xf32, #tpu.memory_space<vmem_shared>> -> memref<10000x16xf32, #tpu.memory_space<vmem_shared>>
      tpu.wait_indirect_dma semaphore(%arg11 : memref<!tpu.dma_semaphore, #tpu.memory_space<semaphore_mem>>) src(%dma_wait3A_269 : memref<10000x16xf32, #tpu.memory_space<vmem_shared>>) dst(%dma_wait3A_263 : memref<125x16xf32, #tpu.memory_space<vmem>>)
      %add3A_270 = arith.constant 1 : i32
      %add3A_271 = arith.addi %mul3A_236, %add3A_270 : i32
      %dma_wait3A_272 = arith.constant 1 : i32
      %dma_wait3A_273 = arith.constant 0 : i32
      %dma_wait3A_274 = arith.constant 0 : i32
      %dma_wait3A_275 = tpu.memref_slice %arg7[%add3A_271, %dma_wait3A_273, %dma_wait3A_274] : memref<16x125x16xf32, #tpu.memory_space<vmem>> -> memref<1x125x16xf32, #tpu.memory_space<vmem>>
      %dma_wait3A_276 = tpu.memref_squeeze %dma_wait3A_275 : memref<1x125x16xf32, #tpu.memory_space<vmem>> -> memref<125x16xf32, #tpu.memory_space<vmem>>
      %dma_wait3A_277 = arith.constant 0 : i32
      %dma_wait3A_278 = tpu.memref_slice %arg5[%dma_wait3A_272, %dma_wait3A_277] : memref<80x125xi32, #tpu.memory_space<vmem>> -> memref<1x125xi32, #tpu.memory_space<vmem>>
      %dma_wait3A_279 = tpu.memref_squeeze %dma_wait3A_278 : memref<1x125xi32, #tpu.memory_space<vmem>> -> memref<125xi32, #tpu.memory_space<vmem>>
      %dma_wait3A_280 = arith.constant 0 : i32
      %dma_wait3A_281 = arith.constant 0 : i32
      %dma_wait3A_282 = tpu.memref_slice %arg10[%dma_wait3A_280, %dma_wait3A_281] : memref<10000x16xf32, #tpu.memory_space<vmem_shared>> -> memref<10000x16xf32, #tpu.memory_space<vmem_shared>>
      tpu.wait_indirect_dma semaphore(%arg11 : memref<!tpu.dma_semaphore, #tpu.memory_space<semaphore_mem>>) src(%dma_wait3A_282 : memref<10000x16xf32, #tpu.memory_space<vmem_shared>>) dst(%dma_wait3A_276 : memref<125x16xf32, #tpu.memory_space<vmem>>)
      %add3A_283 = arith.constant 2 : i32
      %add3A_284 = arith.addi %mul3A_236, %add3A_283 : i32
      %dma_wait3A_285 = arith.constant 2 : i32
      %dma_wait3A_286 = arith.constant 0 : i32
      %dma_wait3A_287 = arith.constant 0 : i32
      %dma_wait3A_288 = tpu.memref_slice %arg7[%add3A_284, %dma_wait3A_286, %dma_wait3A_287] : memref<16x125x16xf32, #tpu.memory_space<vmem>> -> memref<1x125x16xf32, #tpu.memory_space<vmem>>
      %dma_wait3A_289 = tpu.memref_squeeze %dma_wait3A_288 : memref<1x125x16xf32, #tpu.memory_space<vmem>> -> memref<125x16xf32, #tpu.memory_space<vmem>>
      %dma_wait3A_290 = arith.constant 0 : i32
      %dma_wait3A_291 = tpu.memref_slice %arg5[%dma_wait3A_285, %dma_wait3A_290] : memref<80x125xi32, #tpu.memory_space<vmem>> -> memref<1x125xi32, #tpu.memory_space<vmem>>
      %dma_wait3A_292 = tpu.memref_squeeze %dma_wait3A_291 : memref<1x125xi32, #tpu.memory_space<vmem>> -> memref<125xi32, #tpu.memory_space<vmem>>
      %dma_wait3A_293 = arith.constant 0 : i32
      %dma_wait3A_294 = arith.constant 0 : i32
      %dma_wait3A_295 = tpu.memref_slice %arg10[%dma_wait3A_293, %dma_wait3A_294] : memref<10000x16xf32, #tpu.memory_space<vmem_shared>> -> memref<10000x16xf32, #tpu.memory_space<vmem_shared>>
      tpu.wait_indirect_dma semaphore(%arg11 : memref<!tpu.dma_semaphore, #tpu.memory_space<semaphore_mem>>) src(%dma_wait3A_295 : memref<10000x16xf32, #tpu.memory_space<vmem_shared>>) dst(%dma_wait3A_289 : memref<125x16xf32, #tpu.memory_space<vmem>>)
      %add3A_296 = arith.constant 3 : i32
      %add3A_297 = arith.addi %mul3A_236, %add3A_296 : i32
      %dma_wait3A_298 = arith.constant 3 : i32
      %dma_wait3A_299 = arith.constant 0 : i32
      %dma_wait3A_300 = arith.constant 0 : i32
      %dma_wait3A_301 = tpu.memref_slice %arg7[%add3A_297, %dma_wait3A_299, %dma_wait3A_300] : memref<16x125x16xf32, #tpu.memory_space<vmem>> -> memref<1x125x16xf32, #tpu.memory_space<vmem>>
      %dma_wait3A_302 = tpu.memref_squeeze %dma_wait3A_301 : memref<1x125x16xf32, #tpu.memory_space<vmem>> -> memref<125x16xf32, #tpu.memory_space<vmem>>
      %dma_wait3A_303 = arith.constant 0 : i32
      %dma_wait3A_304 = tpu.memref_slice %arg5[%dma_wait3A_298, %dma_wait3A_303] : memref<80x125xi32, #tpu.memory_space<vmem>> -> memref<1x125xi32, #tpu.memory_space<vmem>>
      %dma_wait3A_305 = tpu.memref_squeeze %dma_wait3A_304 : memref<1x125xi32, #tpu.memory_space<vmem>> -> memref<125xi32, #tpu.memory_space<vmem>>
      %dma_wait3A_306 = arith.constant 0 : i32
      %dma_wait3A_307 = arith.constant 0 : i32
      %dma_wait3A_308 = tpu.memref_slice %arg10[%dma_wait3A_306, %dma_wait3A_307] : memref<10000x16xf32, #tpu.memory_space<vmem_shared>> -> memref<10000x16xf32, #tpu.memory_space<vmem_shared>>
      tpu.wait_indirect_dma semaphore(%arg11 : memref<!tpu.dma_semaphore, #tpu.memory_space<semaphore_mem>>) src(%dma_wait3A_308 : memref<10000x16xf32, #tpu.memory_space<vmem_shared>>) dst(%dma_wait3A_302 : memref<125x16xf32, #tpu.memory_space<vmem>>)
      %add3A_309 = arith.constant 4 : i32
      %add3A_310 = arith.addi %mul3A_236, %add3A_309 : i32
      %dma_wait3A_311 = arith.constant 4 : i32
      %dma_wait3A_312 = arith.constant 0 : i32
      %dma_wait3A_313 = arith.constant 0 : i32
      %dma_wait3A_314 = tpu.memref_slice %arg7[%add3A_310, %dma_wait3A_312, %dma_wait3A_313] : memref<16x125x16xf32, #tpu.memory_space<vmem>> -> memref<1x125x16xf32, #tpu.memory_space<vmem>>
      %dma_wait3A_315 = tpu.memref_squeeze %dma_wait3A_314 : memref<1x125x16xf32, #tpu.memory_space<vmem>> -> memref<125x16xf32, #tpu.memory_space<vmem>>
      %dma_wait3A_316 = arith.constant 0 : i32
      %dma_wait3A_317 = tpu.memref_slice %arg5[%dma_wait3A_311, %dma_wait3A_316] : memref<80x125xi32, #tpu.memory_space<vmem>> -> memref<1x125xi32, #tpu.memory_space<vmem>>
      %dma_wait3A_318 = tpu.memref_squeeze %dma_wait3A_317 : memref<1x125xi32, #tpu.memory_space<vmem>> -> memref<125xi32, #tpu.memory_space<vmem>>
      %dma_wait3A_319 = arith.constant 0 : i32
      %dma_wait3A_320 = arith.constant 0 : i32
      %dma_wait3A_321 = tpu.memref_slice %arg10[%dma_wait3A_319, %dma_wait3A_320] : memref<10000x16xf32, #tpu.memory_space<vmem_shared>> -> memref<10000x16xf32, #tpu.memory_space<vmem_shared>>
      tpu.wait_indirect_dma semaphore(%arg11 : memref<!tpu.dma_semaphore, #tpu.memory_space<semaphore_mem>>) src(%dma_wait3A_321 : memref<10000x16xf32, #tpu.memory_space<vmem_shared>>) dst(%dma_wait3A_315 : memref<125x16xf32, #tpu.memory_space<vmem>>)
      %add3A_322 = arith.constant 5 : i32
      %add3A_323 = arith.addi %mul3A_236, %add3A_322 : i32
      %dma_wait3A_324 = arith.constant 5 : i32
      %dma_wait3A_325 = arith.constant 0 : i32
      %dma_wait3A_326 = arith.constant 0 : i32
      %dma_wait3A_327 = tpu.memref_slice %arg7[%add3A_323, %dma_wait3A_325, %dma_wait3A_326] : memref<16x125x16xf32, #tpu.memory_space<vmem>> -> memref<1x125x16xf32, #tpu.memory_space<vmem>>
      %dma_wait3A_328 = tpu.memref_squeeze %dma_wait3A_327 : memref<1x125x16xf32, #tpu.memory_space<vmem>> -> memref<125x16xf32, #tpu.memory_space<vmem>>
      %dma_wait3A_329 = arith.constant 0 : i32
      %dma_wait3A_330 = tpu.memref_slice %arg5[%dma_wait3A_324, %dma_wait3A_329] : memref<80x125xi32, #tpu.memory_space<vmem>> -> memref<1x125xi32, #tpu.memory_space<vmem>>
      %dma_wait3A_331 = tpu.memref_squeeze %dma_wait3A_330 : memref<1x125xi32, #tpu.memory_space<vmem>> -> memref<125xi32, #tpu.memory_space<vmem>>
      %dma_wait3A_332 = arith.constant 0 : i32
      %dma_wait3A_333 = arith.constant 0 : i32
      %dma_wait3A_334 = tpu.memref_slice %arg10[%dma_wait3A_332, %dma_wait3A_333] : memref<10000x16xf32, #tpu.memory_space<vmem_shared>> -> memref<10000x16xf32, #tpu.memory_space<vmem_shared>>
      tpu.wait_indirect_dma semaphore(%arg11 : memref<!tpu.dma_semaphore, #tpu.memory_space<semaphore_mem>>) src(%dma_wait3A_334 : memref<10000x16xf32, #tpu.memory_space<vmem_shared>>) dst(%dma_wait3A_328 : memref<125x16xf32, #tpu.memory_space<vmem>>)
      %add3A_335 = arith.constant 6 : i32
      %add3A_336 = arith.addi %mul3A_236, %add3A_335 : i32
      %dma_wait3A_337 = arith.constant 6 : i32
      %dma_wait3A_338 = arith.constant 0 : i32
      %dma_wait3A_339 = arith.constant 0 : i32
      %dma_wait3A_340 = tpu.memref_slice %arg7[%add3A_336, %dma_wait3A_338, %dma_wait3A_339] : memref<16x125x16xf32, #tpu.memory_space<vmem>> -> memref<1x125x16xf32, #tpu.memory_space<vmem>>
      %dma_wait3A_341 = tpu.memref_squeeze %dma_wait3A_340 : memref<1x125x16xf32, #tpu.memory_space<vmem>> -> memref<125x16xf32, #tpu.memory_space<vmem>>
      %dma_wait3A_342 = arith.constant 0 : i32
      %dma_wait3A_343 = tpu.memref_slice %arg5[%dma_wait3A_337, %dma_wait3A_342] : memref<80x125xi32, #tpu.memory_space<vmem>> -> memref<1x125xi32, #tpu.memory_space<vmem>>
      %dma_wait3A_344 = tpu.memref_squeeze %dma_wait3A_343 : memref<1x125xi32, #tpu.memory_space<vmem>> -> memref<125xi32, #tpu.memory_space<vmem>>
      %dma_wait3A_345 = arith.constant 0 : i32
      %dma_wait3A_346 = arith.constant 0 : i32
      %dma_wait3A_347 = tpu.memref_slice %arg10[%dma_wait3A_345, %dma_wait3A_346] : memref<10000x16xf32, #tpu.memory_space<vmem_shared>> -> memref<10000x16xf32, #tpu.memory_space<vmem_shared>>
      tpu.wait_indirect_dma semaphore(%arg11 : memref<!tpu.dma_semaphore, #tpu.memory_space<semaphore_mem>>) src(%dma_wait3A_347 : memref<10000x16xf32, #tpu.memory_space<vmem_shared>>) dst(%dma_wait3A_341 : memref<125x16xf32, #tpu.memory_space<vmem>>)
      %add3A_348 = arith.constant 7 : i32
      %add3A_349 = arith.addi %mul3A_236, %add3A_348 : i32
      %dma_wait3A_350 = arith.constant 7 : i32
      %dma_wait3A_351 = arith.constant 0 : i32
      %dma_wait3A_352 = arith.constant 0 : i32
      %dma_wait3A_353 = tpu.memref_slice %arg7[%add3A_349, %dma_wait3A_351, %dma_wait3A_352] : memref<16x125x16xf32, #tpu.memory_space<vmem>> -> memref<1x125x16xf32, #tpu.memory_space<vmem>>
      %dma_wait3A_354 = tpu.memref_squeeze %dma_wait3A_353 : memref<1x125x16xf32, #tpu.memory_space<vmem>> -> memref<125x16xf32, #tpu.memory_space<vmem>>
      %dma_wait3A_355 = arith.constant 0 : i32
      %dma_wait3A_356 = tpu.memref_slice %arg5[%dma_wait3A_350, %dma_wait3A_355] : memref<80x125xi32, #tpu.memory_space<vmem>> -> memref<1x125xi32, #tpu.memory_space<vmem>>
      %dma_wait3A_357 = tpu.memref_squeeze %dma_wait3A_356 : memref<1x125xi32, #tpu.memory_space<vmem>> -> memref<125xi32, #tpu.memory_space<vmem>>
      %dma_wait3A_358 = arith.constant 0 : i32
      %dma_wait3A_359 = arith.constant 0 : i32
      %dma_wait3A_360 = tpu.memref_slice %arg10[%dma_wait3A_358, %dma_wait3A_359] : memref<10000x16xf32, #tpu.memory_space<vmem_shared>> -> memref<10000x16xf32, #tpu.memory_space<vmem_shared>>
      tpu.wait_indirect_dma semaphore(%arg11 : memref<!tpu.dma_semaphore, #tpu.memory_space<semaphore_mem>>) src(%dma_wait3A_360 : memref<10000x16xf32, #tpu.memory_space<vmem_shared>>) dst(%dma_wait3A_354 : memref<125x16xf32, #tpu.memory_space<vmem>>)
      %gt3A = arith.constant 0 : i32
      %gt3A_361 = arith.cmpi sgt, %scan3A_224, %gt3A : i32
      %convert_element_type3A = arith.extui %gt3A_361 : i1 to i32
      %cond3A = arith.constant 0 : i32
      %cond3A_362 = arith.cmpi ne, %convert_element_type3A, %cond3A : i32
      scf.if %cond3A_362 {
        %add3A_499 = arith.constant 0 : i32
        %add3A_500 = arith.addi %mul3A_256, %add3A_499 : i32
        %dma_wait3A_501 = arith.constant 0 : i32
        %dma_wait3A_502 = arith.constant 0 : i32
        %dma_wait3A_503 = arith.constant 0 : i32
        %dma_wait3A_504 = tpu.memref_slice %arg7[%add3A_500, %dma_wait3A_502, %dma_wait3A_503] : memref<16x125x16xf32, #tpu.memory_space<vmem>> -> memref<1x125x16xf32, #tpu.memory_space<vmem>>
        %dma_wait3A_505 = tpu.memref_squeeze %dma_wait3A_504 : memref<1x125x16xf32, #tpu.memory_space<vmem>> -> memref<125x16xf32, #tpu.memory_space<vmem>>
        %dma_wait3A_506 = arith.constant 0 : i32
        %dma_wait3A_507 = tpu.memref_slice %arg6[%dma_wait3A_501, %dma_wait3A_506] : memref<80x125xi32, #tpu.memory_space<vmem>> -> memref<1x125xi32, #tpu.memory_space<vmem>>
        %dma_wait3A_508 = tpu.memref_squeeze %dma_wait3A_507 : memref<1x125xi32, #tpu.memory_space<vmem>> -> memref<125xi32, #tpu.memory_space<vmem>>
        %dma_wait3A_509 = arith.constant 0 : i32
        %dma_wait3A_510 = arith.constant 0 : i32
        %dma_wait3A_511 = tpu.memref_slice %arg9[%dma_wait3A_509, %dma_wait3A_510] : memref<10240x16xf32, #tpu.memory_space<vmem_shared>> -> memref<10240x16xf32, #tpu.memory_space<vmem_shared>>
        tpu.wait_indirect_dma semaphore(%arg12 : memref<!tpu.dma_semaphore, #tpu.memory_space<semaphore_mem>>) src(%dma_wait3A_505 : memref<125x16xf32, #tpu.memory_space<vmem>>) dst(%dma_wait3A_511 : memref<10240x16xf32, #tpu.memory_space<vmem_shared>>)
        %add3A_512 = arith.constant 1 : i32
        %add3A_513 = arith.addi %mul3A_256, %add3A_512 : i32
        %dma_wait3A_514 = arith.constant 1 : i32
        %dma_wait3A_515 = arith.constant 0 : i32
        %dma_wait3A_516 = arith.constant 0 : i32
        %dma_wait3A_517 = tpu.memref_slice %arg7[%add3A_513, %dma_wait3A_515, %dma_wait3A_516] : memref<16x125x16xf32, #tpu.memory_space<vmem>> -> memref<1x125x16xf32, #tpu.memory_space<vmem>>
        %dma_wait3A_518 = tpu.memref_squeeze %dma_wait3A_517 : memref<1x125x16xf32, #tpu.memory_space<vmem>> -> memref<125x16xf32, #tpu.memory_space<vmem>>
        %dma_wait3A_519 = arith.constant 0 : i32
        %dma_wait3A_520 = tpu.memref_slice %arg6[%dma_wait3A_514, %dma_wait3A_519] : memref<80x125xi32, #tpu.memory_space<vmem>> -> memref<1x125xi32, #tpu.memory_space<vmem>>
        %dma_wait3A_521 = tpu.memref_squeeze %dma_wait3A_520 : memref<1x125xi32, #tpu.memory_space<vmem>> -> memref<125xi32, #tpu.memory_space<vmem>>
        %dma_wait3A_522 = arith.constant 0 : i32
        %dma_wait3A_523 = arith.constant 0 : i32
        %dma_wait3A_524 = tpu.memref_slice %arg9[%dma_wait3A_522, %dma_wait3A_523] : memref<10240x16xf32, #tpu.memory_space<vmem_shared>> -> memref<10240x16xf32, #tpu.memory_space<vmem_shared>>
        tpu.wait_indirect_dma semaphore(%arg12 : memref<!tpu.dma_semaphore, #tpu.memory_space<semaphore_mem>>) src(%dma_wait3A_518 : memref<125x16xf32, #tpu.memory_space<vmem>>) dst(%dma_wait3A_524 : memref<10240x16xf32, #tpu.memory_space<vmem_shared>>)
        %add3A_525 = arith.constant 2 : i32
        %add3A_526 = arith.addi %mul3A_256, %add3A_525 : i32
        %dma_wait3A_527 = arith.constant 2 : i32
        %dma_wait3A_528 = arith.constant 0 : i32
        %dma_wait3A_529 = arith.constant 0 : i32
        %dma_wait3A_530 = tpu.memref_slice %arg7[%add3A_526, %dma_wait3A_528, %dma_wait3A_529] : memref<16x125x16xf32, #tpu.memory_space<vmem>> -> memref<1x125x16xf32, #tpu.memory_space<vmem>>
        %dma_wait3A_531 = tpu.memref_squeeze %dma_wait3A_530 : memref<1x125x16xf32, #tpu.memory_space<vmem>> -> memref<125x16xf32, #tpu.memory_space<vmem>>
        %dma_wait3A_532 = arith.constant 0 : i32
        %dma_wait3A_533 = tpu.memref_slice %arg6[%dma_wait3A_527, %dma_wait3A_532] : memref<80x125xi32, #tpu.memory_space<vmem>> -> memref<1x125xi32, #tpu.memory_space<vmem>>
        %dma_wait3A_534 = tpu.memref_squeeze %dma_wait3A_533 : memref<1x125xi32, #tpu.memory_space<vmem>> -> memref<125xi32, #tpu.memory_space<vmem>>
        %dma_wait3A_535 = arith.constant 0 : i32
        %dma_wait3A_536 = arith.constant 0 : i32
        %dma_wait3A_537 = tpu.memref_slice %arg9[%dma_wait3A_535, %dma_wait3A_536] : memref<10240x16xf32, #tpu.memory_space<vmem_shared>> -> memref<10240x16xf32, #tpu.memory_space<vmem_shared>>
        tpu.wait_indirect_dma semaphore(%arg12 : memref<!tpu.dma_semaphore, #tpu.memory_space<semaphore_mem>>) src(%dma_wait3A_531 : memref<125x16xf32, #tpu.memory_space<vmem>>) dst(%dma_wait3A_537 : memref<10240x16xf32, #tpu.memory_space<vmem_shared>>)
        %add3A_538 = arith.constant 3 : i32
        %add3A_539 = arith.addi %mul3A_256, %add3A_538 : i32
        %dma_wait3A_540 = arith.constant 3 : i32
        %dma_wait3A_541 = arith.constant 0 : i32
        %dma_wait3A_542 = arith.constant 0 : i32
        %dma_wait3A_543 = tpu.memref_slice %arg7[%add3A_539, %dma_wait3A_541, %dma_wait3A_542] : memref<16x125x16xf32, #tpu.memory_space<vmem>> -> memref<1x125x16xf32, #tpu.memory_space<vmem>>
        %dma_wait3A_544 = tpu.memref_squeeze %dma_wait3A_543 : memref<1x125x16xf32, #tpu.memory_space<vmem>> -> memref<125x16xf32, #tpu.memory_space<vmem>>
        %dma_wait3A_545 = arith.constant 0 : i32
        %dma_wait3A_546 = tpu.memref_slice %arg6[%dma_wait3A_540, %dma_wait3A_545] : memref<80x125xi32, #tpu.memory_space<vmem>> -> memref<1x125xi32, #tpu.memory_space<vmem>>
        %dma_wait3A_547 = tpu.memref_squeeze %dma_wait3A_546 : memref<1x125xi32, #tpu.memory_space<vmem>> -> memref<125xi32, #tpu.memory_space<vmem>>
        %dma_wait3A_548 = arith.constant 0 : i32
        %dma_wait3A_549 = arith.constant 0 : i32
        %dma_wait3A_550 = tpu.memref_slice %arg9[%dma_wait3A_548, %dma_wait3A_549] : memref<10240x16xf32, #tpu.memory_space<vmem_shared>> -> memref<10240x16xf32, #tpu.memory_space<vmem_shared>>
        tpu.wait_indirect_dma semaphore(%arg12 : memref<!tpu.dma_semaphore, #tpu.memory_space<semaphore_mem>>) src(%dma_wait3A_544 : memref<125x16xf32, #tpu.memory_space<vmem>>) dst(%dma_wait3A_550 : memref<10240x16xf32, #tpu.memory_space<vmem_shared>>)
        %add3A_551 = arith.constant 4 : i32
        %add3A_552 = arith.addi %mul3A_256, %add3A_551 : i32
        %dma_wait3A_553 = arith.constant 4 : i32
        %dma_wait3A_554 = arith.constant 0 : i32
        %dma_wait3A_555 = arith.constant 0 : i32
        %dma_wait3A_556 = tpu.memref_slice %arg7[%add3A_552, %dma_wait3A_554, %dma_wait3A_555] : memref<16x125x16xf32, #tpu.memory_space<vmem>> -> memref<1x125x16xf32, #tpu.memory_space<vmem>>
        %dma_wait3A_557 = tpu.memref_squeeze %dma_wait3A_556 : memref<1x125x16xf32, #tpu.memory_space<vmem>> -> memref<125x16xf32, #tpu.memory_space<vmem>>
        %dma_wait3A_558 = arith.constant 0 : i32
        %dma_wait3A_559 = tpu.memref_slice %arg6[%dma_wait3A_553, %dma_wait3A_558] : memref<80x125xi32, #tpu.memory_space<vmem>> -> memref<1x125xi32, #tpu.memory_space<vmem>>
        %dma_wait3A_560 = tpu.memref_squeeze %dma_wait3A_559 : memref<1x125xi32, #tpu.memory_space<vmem>> -> memref<125xi32, #tpu.memory_space<vmem>>
        %dma_wait3A_561 = arith.constant 0 : i32
        %dma_wait3A_562 = arith.constant 0 : i32
        %dma_wait3A_563 = tpu.memref_slice %arg9[%dma_wait3A_561, %dma_wait3A_562] : memref<10240x16xf32, #tpu.memory_space<vmem_shared>> -> memref<10240x16xf32, #tpu.memory_space<vmem_shared>>
        tpu.wait_indirect_dma semaphore(%arg12 : memref<!tpu.dma_semaphore, #tpu.memory_space<semaphore_mem>>) src(%dma_wait3A_557 : memref<125x16xf32, #tpu.memory_space<vmem>>) dst(%dma_wait3A_563 : memref<10240x16xf32, #tpu.memory_space<vmem_shared>>)
        %add3A_564 = arith.constant 5 : i32
        %add3A_565 = arith.addi %mul3A_256, %add3A_564 : i32
        %dma_wait3A_566 = arith.constant 5 : i32
        %dma_wait3A_567 = arith.constant 0 : i32
        %dma_wait3A_568 = arith.constant 0 : i32
        %dma_wait3A_569 = tpu.memref_slice %arg7[%add3A_565, %dma_wait3A_567, %dma_wait3A_568] : memref<16x125x16xf32, #tpu.memory_space<vmem>> -> memref<1x125x16xf32, #tpu.memory_space<vmem>>
        %dma_wait3A_570 = tpu.memref_squeeze %dma_wait3A_569 : memref<1x125x16xf32, #tpu.memory_space<vmem>> -> memref<125x16xf32, #tpu.memory_space<vmem>>
        %dma_wait3A_571 = arith.constant 0 : i32
        %dma_wait3A_572 = tpu.memref_slice %arg6[%dma_wait3A_566, %dma_wait3A_571] : memref<80x125xi32, #tpu.memory_space<vmem>> -> memref<1x125xi32, #tpu.memory_space<vmem>>
        %dma_wait3A_573 = tpu.memref_squeeze %dma_wait3A_572 : memref<1x125xi32, #tpu.memory_space<vmem>> -> memref<125xi32, #tpu.memory_space<vmem>>
        %dma_wait3A_574 = arith.constant 0 : i32
        %dma_wait3A_575 = arith.constant 0 : i32
        %dma_wait3A_576 = tpu.memref_slice %arg9[%dma_wait3A_574, %dma_wait3A_575] : memref<10240x16xf32, #tpu.memory_space<vmem_shared>> -> memref<10240x16xf32, #tpu.memory_space<vmem_shared>>
        tpu.wait_indirect_dma semaphore(%arg12 : memref<!tpu.dma_semaphore, #tpu.memory_space<semaphore_mem>>) src(%dma_wait3A_570 : memref<125x16xf32, #tpu.memory_space<vmem>>) dst(%dma_wait3A_576 : memref<10240x16xf32, #tpu.memory_space<vmem_shared>>)
        %add3A_577 = arith.constant 6 : i32
        %add3A_578 = arith.addi %mul3A_256, %add3A_577 : i32
        %dma_wait3A_579 = arith.constant 6 : i32
        %dma_wait3A_580 = arith.constant 0 : i32
        %dma_wait3A_581 = arith.constant 0 : i32
        %dma_wait3A_582 = tpu.memref_slice %arg7[%add3A_578, %dma_wait3A_580, %dma_wait3A_581] : memref<16x125x16xf32, #tpu.memory_space<vmem>> -> memref<1x125x16xf32, #tpu.memory_space<vmem>>
        %dma_wait3A_583 = tpu.memref_squeeze %dma_wait3A_582 : memref<1x125x16xf32, #tpu.memory_space<vmem>> -> memref<125x16xf32, #tpu.memory_space<vmem>>
        %dma_wait3A_584 = arith.constant 0 : i32
        %dma_wait3A_585 = tpu.memref_slice %arg6[%dma_wait3A_579, %dma_wait3A_584] : memref<80x125xi32, #tpu.memory_space<vmem>> -> memref<1x125xi32, #tpu.memory_space<vmem>>
        %dma_wait3A_586 = tpu.memref_squeeze %dma_wait3A_585 : memref<1x125xi32, #tpu.memory_space<vmem>> -> memref<125xi32, #tpu.memory_space<vmem>>
        %dma_wait3A_587 = arith.constant 0 : i32
        %dma_wait3A_588 = arith.constant 0 : i32
        %dma_wait3A_589 = tpu.memref_slice %arg9[%dma_wait3A_587, %dma_wait3A_588] : memref<10240x16xf32, #tpu.memory_space<vmem_shared>> -> memref<10240x16xf32, #tpu.memory_space<vmem_shared>>
        tpu.wait_indirect_dma semaphore(%arg12 : memref<!tpu.dma_semaphore, #tpu.memory_space<semaphore_mem>>) src(%dma_wait3A_583 : memref<125x16xf32, #tpu.memory_space<vmem>>) dst(%dma_wait3A_589 : memref<10240x16xf32, #tpu.memory_space<vmem_shared>>)
        %add3A_590 = arith.constant 7 : i32
        %add3A_591 = arith.addi %mul3A_256, %add3A_590 : i32
        %dma_wait3A_592 = arith.constant 7 : i32
        %dma_wait3A_593 = arith.constant 0 : i32
        %dma_wait3A_594 = arith.constant 0 : i32
        %dma_wait3A_595 = tpu.memref_slice %arg7[%add3A_591, %dma_wait3A_593, %dma_wait3A_594] : memref<16x125x16xf32, #tpu.memory_space<vmem>> -> memref<1x125x16xf32, #tpu.memory_space<vmem>>
        %dma_wait3A_596 = tpu.memref_squeeze %dma_wait3A_595 : memref<1x125x16xf32, #tpu.memory_space<vmem>> -> memref<125x16xf32, #tpu.memory_space<vmem>>
        %dma_wait3A_597 = arith.constant 0 : i32
        %dma_wait3A_598 = tpu.memref_slice %arg6[%dma_wait3A_592, %dma_wait3A_597] : memref<80x125xi32, #tpu.memory_space<vmem>> -> memref<1x125xi32, #tpu.memory_space<vmem>>
        %dma_wait3A_599 = tpu.memref_squeeze %dma_wait3A_598 : memref<1x125xi32, #tpu.memory_space<vmem>> -> memref<125xi32, #tpu.memory_space<vmem>>
        %dma_wait3A_600 = arith.constant 0 : i32
        %dma_wait3A_601 = arith.constant 0 : i32
        %dma_wait3A_602 = tpu.memref_slice %arg9[%dma_wait3A_600, %dma_wait3A_601] : memref<10240x16xf32, #tpu.memory_space<vmem_shared>> -> memref<10240x16xf32, #tpu.memory_space<vmem_shared>>
        tpu.wait_indirect_dma semaphore(%arg12 : memref<!tpu.dma_semaphore, #tpu.memory_space<semaphore_mem>>) src(%dma_wait3A_596 : memref<125x16xf32, #tpu.memory_space<vmem>>) dst(%dma_wait3A_602 : memref<10240x16xf32, #tpu.memory_space<vmem_shared>>)
      } else {
      }
      %add3A_363 = arith.constant 1 : i32
      %add3A_364 = arith.addi %scan3A_224, %add3A_363 : i32
      %lt3A_365 = arith.constant 10 : i32
      %lt3A_366 = arith.cmpi slt, %add3A_364, %lt3A_365 : i32
      %convert_element_type3A_367 = arith.extui %lt3A_366 : i1 to i32
      %cond3A_368 = arith.constant 0 : i32
      %cond3A_369 = arith.cmpi ne, %convert_element_type3A_367, %cond3A_368 : i32
      scf.if %cond3A_369 {
        %add3A_499 = arith.constant 1 : i32
        %add3A_500 = arith.addi %scan3A_224, %add3A_499 : i32
        %mul3A_501 = arith.constant 8 : i32
        %mul3A_502 = arith.muli %add3A_500, %mul3A_501 : i32
        %add3A_503 = arith.constant 0 : i32
        %add3A_504 = arith.addi %mul3A_502, %add3A_503 : i32
        %add3A_505 = arith.constant 0 : i32
        %add3A_506 = arith.addi %mul3A_256, %add3A_505 : i32
        %dma_start3A_507 = arith.constant 0 : i32
        %dma_start3A_508 = arith.constant 0 : i32
        %dma_start3A_509 = tpu.memref_slice %arg7[%add3A_506, %dma_start3A_507, %dma_start3A_508] : memref<16x125x16xf32, #tpu.memory_space<vmem>> -> memref<1x125x16xf32, #tpu.memory_space<vmem>>
        %dma_start3A_510 = tpu.memref_squeeze %dma_start3A_509 : memref<1x125x16xf32, #tpu.memory_space<vmem>> -> memref<125x16xf32, #tpu.memory_space<vmem>>
        %dma_start3A_511 = arith.constant 0 : i32
        %dma_start3A_512 = tpu.memref_slice %arg5[%add3A_504, %dma_start3A_511] : memref<80x125xi32, #tpu.memory_space<vmem>> -> memref<1x125xi32, #tpu.memory_space<vmem>>
        %dma_start3A_513 = tpu.memref_squeeze %dma_start3A_512 : memref<1x125xi32, #tpu.memory_space<vmem>> -> memref<125xi32, #tpu.memory_space<vmem>>
        %dma_start3A_514 = arith.constant 0 : i32
        %dma_start3A_515 = arith.constant 0 : i32
        %dma_start3A_516 = tpu.memref_slice %arg10[%dma_start3A_514, %dma_start3A_515] : memref<10000x16xf32, #tpu.memory_space<vmem_shared>> -> memref<10000x16xf32, #tpu.memory_space<vmem_shared>>
        tpu.enqueue_indirect_dma source(%dma_start3A_516 : memref<10000x16xf32, #tpu.memory_space<vmem_shared>>) target(%dma_start3A_510 : memref<125x16xf32, #tpu.memory_space<vmem>>) offsets(%dma_start3A_513 : memref<125xi32, #tpu.memory_space<vmem>>) semaphore(%arg11 : memref<!tpu.dma_semaphore, #tpu.memory_space<semaphore_mem>>)
        %add3A_517 = arith.constant 1 : i32
        %add3A_518 = arith.addi %scan3A_224, %add3A_517 : i32
        %mul3A_519 = arith.constant 8 : i32
        %mul3A_520 = arith.muli %add3A_518, %mul3A_519 : i32
        %add3A_521 = arith.constant 1 : i32
        %add3A_522 = arith.addi %mul3A_520, %add3A_521 : i32
        %add3A_523 = arith.constant 1 : i32
        %add3A_524 = arith.addi %mul3A_256, %add3A_523 : i32
        %dma_start3A_525 = arith.constant 0 : i32
        %dma_start3A_526 = arith.constant 0 : i32
        %dma_start3A_527 = tpu.memref_slice %arg7[%add3A_524, %dma_start3A_525, %dma_start3A_526] : memref<16x125x16xf32, #tpu.memory_space<vmem>> -> memref<1x125x16xf32, #tpu.memory_space<vmem>>
        %dma_start3A_528 = tpu.memref_squeeze %dma_start3A_527 : memref<1x125x16xf32, #tpu.memory_space<vmem>> -> memref<125x16xf32, #tpu.memory_space<vmem>>
        %dma_start3A_529 = arith.constant 0 : i32
        %dma_start3A_530 = tpu.memref_slice %arg5[%add3A_522, %dma_start3A_529] : memref<80x125xi32, #tpu.memory_space<vmem>> -> memref<1x125xi32, #tpu.memory_space<vmem>>
        %dma_start3A_531 = tpu.memref_squeeze %dma_start3A_530 : memref<1x125xi32, #tpu.memory_space<vmem>> -> memref<125xi32, #tpu.memory_space<vmem>>
        %dma_start3A_532 = arith.constant 0 : i32
        %dma_start3A_533 = arith.constant 0 : i32
        %dma_start3A_534 = tpu.memref_slice %arg10[%dma_start3A_532, %dma_start3A_533] : memref<10000x16xf32, #tpu.memory_space<vmem_shared>> -> memref<10000x16xf32, #tpu.memory_space<vmem_shared>>
        tpu.enqueue_indirect_dma source(%dma_start3A_534 : memref<10000x16xf32, #tpu.memory_space<vmem_shared>>) target(%dma_start3A_528 : memref<125x16xf32, #tpu.memory_space<vmem>>) offsets(%dma_start3A_531 : memref<125xi32, #tpu.memory_space<vmem>>) semaphore(%arg11 : memref<!tpu.dma_semaphore, #tpu.memory_space<semaphore_mem>>)
        %add3A_535 = arith.constant 1 : i32
        %add3A_536 = arith.addi %scan3A_224, %add3A_535 : i32
        %mul3A_537 = arith.constant 8 : i32
        %mul3A_538 = arith.muli %add3A_536, %mul3A_537 : i32
        %add3A_539 = arith.constant 2 : i32
        %add3A_540 = arith.addi %mul3A_538, %add3A_539 : i32
        %add3A_541 = arith.constant 2 : i32
        %add3A_542 = arith.addi %mul3A_256, %add3A_541 : i32
        %dma_start3A_543 = arith.constant 0 : i32
        %dma_start3A_544 = arith.constant 0 : i32
        %dma_start3A_545 = tpu.memref_slice %arg7[%add3A_542, %dma_start3A_543, %dma_start3A_544] : memref<16x125x16xf32, #tpu.memory_space<vmem>> -> memref<1x125x16xf32, #tpu.memory_space<vmem>>
        %dma_start3A_546 = tpu.memref_squeeze %dma_start3A_545 : memref<1x125x16xf32, #tpu.memory_space<vmem>> -> memref<125x16xf32, #tpu.memory_space<vmem>>
        %dma_start3A_547 = arith.constant 0 : i32
        %dma_start3A_548 = tpu.memref_slice %arg5[%add3A_540, %dma_start3A_547] : memref<80x125xi32, #tpu.memory_space<vmem>> -> memref<1x125xi32, #tpu.memory_space<vmem>>
        %dma_start3A_549 = tpu.memref_squeeze %dma_start3A_548 : memref<1x125xi32, #tpu.memory_space<vmem>> -> memref<125xi32, #tpu.memory_space<vmem>>
        %dma_start3A_550 = arith.constant 0 : i32
        %dma_start3A_551 = arith.constant 0 : i32
        %dma_start3A_552 = tpu.memref_slice %arg10[%dma_start3A_550, %dma_start3A_551] : memref<10000x16xf32, #tpu.memory_space<vmem_shared>> -> memref<10000x16xf32, #tpu.memory_space<vmem_shared>>
        tpu.enqueue_indirect_dma source(%dma_start3A_552 : memref<10000x16xf32, #tpu.memory_space<vmem_shared>>) target(%dma_start3A_546 : memref<125x16xf32, #tpu.memory_space<vmem>>) offsets(%dma_start3A_549 : memref<125xi32, #tpu.memory_space<vmem>>) semaphore(%arg11 : memref<!tpu.dma_semaphore, #tpu.memory_space<semaphore_mem>>)
        %add3A_553 = arith.constant 1 : i32
        %add3A_554 = arith.addi %scan3A_224, %add3A_553 : i32
        %mul3A_555 = arith.constant 8 : i32
        %mul3A_556 = arith.muli %add3A_554, %mul3A_555 : i32
        %add3A_557 = arith.constant 3 : i32
        %add3A_558 = arith.addi %mul3A_556, %add3A_557 : i32
        %add3A_559 = arith.constant 3 : i32
        %add3A_560 = arith.addi %mul3A_256, %add3A_559 : i32
        %dma_start3A_561 = arith.constant 0 : i32
        %dma_start3A_562 = arith.constant 0 : i32
        %dma_start3A_563 = tpu.memref_slice %arg7[%add3A_560, %dma_start3A_561, %dma_start3A_562] : memref<16x125x16xf32, #tpu.memory_space<vmem>> -> memref<1x125x16xf32, #tpu.memory_space<vmem>>
        %dma_start3A_564 = tpu.memref_squeeze %dma_start3A_563 : memref<1x125x16xf32, #tpu.memory_space<vmem>> -> memref<125x16xf32, #tpu.memory_space<vmem>>
        %dma_start3A_565 = arith.constant 0 : i32
        %dma_start3A_566 = tpu.memref_slice %arg5[%add3A_558, %dma_start3A_565] : memref<80x125xi32, #tpu.memory_space<vmem>> -> memref<1x125xi32, #tpu.memory_space<vmem>>
        %dma_start3A_567 = tpu.memref_squeeze %dma_start3A_566 : memref<1x125xi32, #tpu.memory_space<vmem>> -> memref<125xi32, #tpu.memory_space<vmem>>
        %dma_start3A_568 = arith.constant 0 : i32
        %dma_start3A_569 = arith.constant 0 : i32
        %dma_start3A_570 = tpu.memref_slice %arg10[%dma_start3A_568, %dma_start3A_569] : memref<10000x16xf32, #tpu.memory_space<vmem_shared>> -> memref<10000x16xf32, #tpu.memory_space<vmem_shared>>
        tpu.enqueue_indirect_dma source(%dma_start3A_570 : memref<10000x16xf32, #tpu.memory_space<vmem_shared>>) target(%dma_start3A_564 : memref<125x16xf32, #tpu.memory_space<vmem>>) offsets(%dma_start3A_567 : memref<125xi32, #tpu.memory_space<vmem>>) semaphore(%arg11 : memref<!tpu.dma_semaphore, #tpu.memory_space<semaphore_mem>>)
        %add3A_571 = arith.constant 1 : i32
        %add3A_572 = arith.addi %scan3A_224, %add3A_571 : i32
        %mul3A_573 = arith.constant 8 : i32
        %mul3A_574 = arith.muli %add3A_572, %mul3A_573 : i32
        %add3A_575 = arith.constant 4 : i32
        %add3A_576 = arith.addi %mul3A_574, %add3A_575 : i32
        %add3A_577 = arith.constant 4 : i32
        %add3A_578 = arith.addi %mul3A_256, %add3A_577 : i32
        %dma_start3A_579 = arith.constant 0 : i32
        %dma_start3A_580 = arith.constant 0 : i32
        %dma_start3A_581 = tpu.memref_slice %arg7[%add3A_578, %dma_start3A_579, %dma_start3A_580] : memref<16x125x16xf32, #tpu.memory_space<vmem>> -> memref<1x125x16xf32, #tpu.memory_space<vmem>>
        %dma_start3A_582 = tpu.memref_squeeze %dma_start3A_581 : memref<1x125x16xf32, #tpu.memory_space<vmem>> -> memref<125x16xf32, #tpu.memory_space<vmem>>
        %dma_start3A_583 = arith.constant 0 : i32
        %dma_start3A_584 = tpu.memref_slice %arg5[%add3A_576, %dma_start3A_583] : memref<80x125xi32, #tpu.memory_space<vmem>> -> memref<1x125xi32, #tpu.memory_space<vmem>>
        %dma_start3A_585 = tpu.memref_squeeze %dma_start3A_584 : memref<1x125xi32, #tpu.memory_space<vmem>> -> memref<125xi32, #tpu.memory_space<vmem>>
        %dma_start3A_586 = arith.constant 0 : i32
        %dma_start3A_587 = arith.constant 0 : i32
        %dma_start3A_588 = tpu.memref_slice %arg10[%dma_start3A_586, %dma_start3A_587] : memref<10000x16xf32, #tpu.memory_space<vmem_shared>> -> memref<10000x16xf32, #tpu.memory_space<vmem_shared>>
        tpu.enqueue_indirect_dma source(%dma_start3A_588 : memref<10000x16xf32, #tpu.memory_space<vmem_shared>>) target(%dma_start3A_582 : memref<125x16xf32, #tpu.memory_space<vmem>>) offsets(%dma_start3A_585 : memref<125xi32, #tpu.memory_space<vmem>>) semaphore(%arg11 : memref<!tpu.dma_semaphore, #tpu.memory_space<semaphore_mem>>)
        %add3A_589 = arith.constant 1 : i32
        %add3A_590 = arith.addi %scan3A_224, %add3A_589 : i32
        %mul3A_591 = arith.constant 8 : i32
        %mul3A_592 = arith.muli %add3A_590, %mul3A_591 : i32
        %add3A_593 = arith.constant 5 : i32
        %add3A_594 = arith.addi %mul3A_592, %add3A_593 : i32
        %add3A_595 = arith.constant 5 : i32
        %add3A_596 = arith.addi %mul3A_256, %add3A_595 : i32
        %dma_start3A_597 = arith.constant 0 : i32
        %dma_start3A_598 = arith.constant 0 : i32
        %dma_start3A_599 = tpu.memref_slice %arg7[%add3A_596, %dma_start3A_597, %dma_start3A_598] : memref<16x125x16xf32, #tpu.memory_space<vmem>> -> memref<1x125x16xf32, #tpu.memory_space<vmem>>
        %dma_start3A_600 = tpu.memref_squeeze %dma_start3A_599 : memref<1x125x16xf32, #tpu.memory_space<vmem>> -> memref<125x16xf32, #tpu.memory_space<vmem>>
        %dma_start3A_601 = arith.constant 0 : i32
        %dma_start3A_602 = tpu.memref_slice %arg5[%add3A_594, %dma_start3A_601] : memref<80x125xi32, #tpu.memory_space<vmem>> -> memref<1x125xi32, #tpu.memory_space<vmem>>
        %dma_start3A_603 = tpu.memref_squeeze %dma_start3A_602 : memref<1x125xi32, #tpu.memory_space<vmem>> -> memref<125xi32, #tpu.memory_space<vmem>>
        %dma_start3A_604 = arith.constant 0 : i32
        %dma_start3A_605 = arith.constant 0 : i32
        %dma_start3A_606 = tpu.memref_slice %arg10[%dma_start3A_604, %dma_start3A_605] : memref<10000x16xf32, #tpu.memory_space<vmem_shared>> -> memref<10000x16xf32, #tpu.memory_space<vmem_shared>>
        tpu.enqueue_indirect_dma source(%dma_start3A_606 : memref<10000x16xf32, #tpu.memory_space<vmem_shared>>) target(%dma_start3A_600 : memref<125x16xf32, #tpu.memory_space<vmem>>) offsets(%dma_start3A_603 : memref<125xi32, #tpu.memory_space<vmem>>) semaphore(%arg11 : memref<!tpu.dma_semaphore, #tpu.memory_space<semaphore_mem>>)
        %add3A_607 = arith.constant 1 : i32
        %add3A_608 = arith.addi %scan3A_224, %add3A_607 : i32
        %mul3A_609 = arith.constant 8 : i32
        %mul3A_610 = arith.muli %add3A_608, %mul3A_609 : i32
        %add3A_611 = arith.constant 6 : i32
        %add3A_612 = arith.addi %mul3A_610, %add3A_611 : i32
        %add3A_613 = arith.constant 6 : i32
        %add3A_614 = arith.addi %mul3A_256, %add3A_613 : i32
        %dma_start3A_615 = arith.constant 0 : i32
        %dma_start3A_616 = arith.constant 0 : i32
        %dma_start3A_617 = tpu.memref_slice %arg7[%add3A_614, %dma_start3A_615, %dma_start3A_616] : memref<16x125x16xf32, #tpu.memory_space<vmem>> -> memref<1x125x16xf32, #tpu.memory_space<vmem>>
        %dma_start3A_618 = tpu.memref_squeeze %dma_start3A_617 : memref<1x125x16xf32, #tpu.memory_space<vmem>> -> memref<125x16xf32, #tpu.memory_space<vmem>>
        %dma_start3A_619 = arith.constant 0 : i32
        %dma_start3A_620 = tpu.memref_slice %arg5[%add3A_612, %dma_start3A_619] : memref<80x125xi32, #tpu.memory_space<vmem>> -> memref<1x125xi32, #tpu.memory_space<vmem>>
        %dma_start3A_621 = tpu.memref_squeeze %dma_start3A_620 : memref<1x125xi32, #tpu.memory_space<vmem>> -> memref<125xi32, #tpu.memory_space<vmem>>
        %dma_start3A_622 = arith.constant 0 : i32
        %dma_start3A_623 = arith.constant 0 : i32
        %dma_start3A_624 = tpu.memref_slice %arg10[%dma_start3A_622, %dma_start3A_623] : memref<10000x16xf32, #tpu.memory_space<vmem_shared>> -> memref<10000x16xf32, #tpu.memory_space<vmem_shared>>
        tpu.enqueue_indirect_dma source(%dma_start3A_624 : memref<10000x16xf32, #tpu.memory_space<vmem_shared>>) target(%dma_start3A_618 : memref<125x16xf32, #tpu.memory_space<vmem>>) offsets(%dma_start3A_621 : memref<125xi32, #tpu.memory_space<vmem>>) semaphore(%arg11 : memref<!tpu.dma_semaphore, #tpu.memory_space<semaphore_mem>>)
        %add3A_625 = arith.constant 1 : i32
        %add3A_626 = arith.addi %scan3A_224, %add3A_625 : i32
        %mul3A_627 = arith.constant 8 : i32
        %mul3A_628 = arith.muli %add3A_626, %mul3A_627 : i32
        %add3A_629 = arith.constant 7 : i32
        %add3A_630 = arith.addi %mul3A_628, %add3A_629 : i32
        %add3A_631 = arith.constant 7 : i32
        %add3A_632 = arith.addi %mul3A_256, %add3A_631 : i32
        %dma_start3A_633 = arith.constant 0 : i32
        %dma_start3A_634 = arith.constant 0 : i32
        %dma_start3A_635 = tpu.memref_slice %arg7[%add3A_632, %dma_start3A_633, %dma_start3A_634] : memref<16x125x16xf32, #tpu.memory_space<vmem>> -> memref<1x125x16xf32, #tpu.memory_space<vmem>>
        %dma_start3A_636 = tpu.memref_squeeze %dma_start3A_635 : memref<1x125x16xf32, #tpu.memory_space<vmem>> -> memref<125x16xf32, #tpu.memory_space<vmem>>
        %dma_start3A_637 = arith.constant 0 : i32
        %dma_start3A_638 = tpu.memref_slice %arg5[%add3A_630, %dma_start3A_637] : memref<80x125xi32, #tpu.memory_space<vmem>> -> memref<1x125xi32, #tpu.memory_space<vmem>>
        %dma_start3A_639 = tpu.memref_squeeze %dma_start3A_638 : memref<1x125xi32, #tpu.memory_space<vmem>> -> memref<125xi32, #tpu.memory_space<vmem>>
        %dma_start3A_640 = arith.constant 0 : i32
        %dma_start3A_641 = arith.constant 0 : i32
        %dma_start3A_642 = tpu.memref_slice %arg10[%dma_start3A_640, %dma_start3A_641] : memref<10000x16xf32, #tpu.memory_space<vmem_shared>> -> memref<10000x16xf32, #tpu.memory_space<vmem_shared>>
        tpu.enqueue_indirect_dma source(%dma_start3A_642 : memref<10000x16xf32, #tpu.memory_space<vmem_shared>>) target(%dma_start3A_636 : memref<125x16xf32, #tpu.memory_space<vmem>>) offsets(%dma_start3A_639 : memref<125xi32, #tpu.memory_space<vmem>>) semaphore(%arg11 : memref<!tpu.dma_semaphore, #tpu.memory_space<semaphore_mem>>)
      } else {
      }
      %add3A_370 = arith.constant 0 : i32
      %add3A_371 = arith.addi %mul3A_236, %add3A_370 : i32
      %mul3A_372 = arith.constant 8 : i32
      %mul3A_373 = arith.muli %scan3A_224, %mul3A_372 : i32
      %add3A_374 = arith.constant 0 : i32
      %add3A_375 = arith.addi %mul3A_373, %add3A_374 : i32
      %dma_start3A_376 = arith.constant 0 : i32
      %dma_start3A_377 = arith.constant 0 : i32
      %dma_start3A_378 = tpu.memref_slice %arg7[%add3A_371, %dma_start3A_376, %dma_start3A_377] : memref<16x125x16xf32, #tpu.memory_space<vmem>> -> memref<1x125x16xf32, #tpu.memory_space<vmem>>
      %dma_start3A_379 = tpu.memref_squeeze %dma_start3A_378 : memref<1x125x16xf32, #tpu.memory_space<vmem>> -> memref<125x16xf32, #tpu.memory_space<vmem>>
      %dma_start3A_380 = arith.constant 0 : i32
      %dma_start3A_381 = tpu.memref_slice %arg6[%add3A_375, %dma_start3A_380] : memref<80x125xi32, #tpu.memory_space<vmem>> -> memref<1x125xi32, #tpu.memory_space<vmem>>
      %dma_start3A_382 = tpu.memref_squeeze %dma_start3A_381 : memref<1x125xi32, #tpu.memory_space<vmem>> -> memref<125xi32, #tpu.memory_space<vmem>>
      %dma_start3A_383 = arith.constant 0 : i32
      %dma_start3A_384 = arith.constant 0 : i32
      %dma_start3A_385 = tpu.memref_slice %arg9[%dma_start3A_383, %dma_start3A_384] : memref<10240x16xf32, #tpu.memory_space<vmem_shared>> -> memref<10240x16xf32, #tpu.memory_space<vmem_shared>>
      tpu.enqueue_indirect_dma source(%dma_start3A_379 : memref<125x16xf32, #tpu.memory_space<vmem>>) target(%dma_start3A_385 : memref<10240x16xf32, #tpu.memory_space<vmem_shared>>) offsets(%dma_start3A_382 : memref<125xi32, #tpu.memory_space<vmem>>) semaphore(%arg12 : memref<!tpu.dma_semaphore, #tpu.memory_space<semaphore_mem>>) {add = true}
      %add3A_386 = arith.constant 1 : i32
      %add3A_387 = arith.addi %mul3A_236, %add3A_386 : i32
      %mul3A_388 = arith.constant 8 : i32
      %mul3A_389 = arith.muli %scan3A_224, %mul3A_388 : i32
      %add3A_390 = arith.constant 1 : i32
      %add3A_391 = arith.addi %mul3A_389, %add3A_390 : i32
      %dma_start3A_392 = arith.constant 0 : i32
      %dma_start3A_393 = arith.constant 0 : i32
      %dma_start3A_394 = tpu.memref_slice %arg7[%add3A_387, %dma_start3A_392, %dma_start3A_393] : memref<16x125x16xf32, #tpu.memory_space<vmem>> -> memref<1x125x16xf32, #tpu.memory_space<vmem>>
      %dma_start3A_395 = tpu.memref_squeeze %dma_start3A_394 : memref<1x125x16xf32, #tpu.memory_space<vmem>> -> memref<125x16xf32, #tpu.memory_space<vmem>>
      %dma_start3A_396 = arith.constant 0 : i32
      %dma_start3A_397 = tpu.memref_slice %arg6[%add3A_391, %dma_start3A_396] : memref<80x125xi32, #tpu.memory_space<vmem>> -> memref<1x125xi32, #tpu.memory_space<vmem>>
      %dma_start3A_398 = tpu.memref_squeeze %dma_start3A_397 : memref<1x125xi32, #tpu.memory_space<vmem>> -> memref<125xi32, #tpu.memory_space<vmem>>
      %dma_start3A_399 = arith.constant 0 : i32
      %dma_start3A_400 = arith.constant 0 : i32
      %dma_start3A_401 = tpu.memref_slice %arg9[%dma_start3A_399, %dma_start3A_400] : memref<10240x16xf32, #tpu.memory_space<vmem_shared>> -> memref<10240x16xf32, #tpu.memory_space<vmem_shared>>
      tpu.enqueue_indirect_dma source(%dma_start3A_395 : memref<125x16xf32, #tpu.memory_space<vmem>>) target(%dma_start3A_401 : memref<10240x16xf32, #tpu.memory_space<vmem_shared>>) offsets(%dma_start3A_398 : memref<125xi32, #tpu.memory_space<vmem>>) semaphore(%arg12 : memref<!tpu.dma_semaphore, #tpu.memory_space<semaphore_mem>>) {add = true}
      %add3A_402 = arith.constant 2 : i32
      %add3A_403 = arith.addi %mul3A_236, %add3A_402 : i32
      %mul3A_404 = arith.constant 8 : i32
      %mul3A_405 = arith.muli %scan3A_224, %mul3A_404 : i32
      %add3A_406 = arith.constant 2 : i32
      %add3A_407 = arith.addi %mul3A_405, %add3A_406 : i32
      %dma_start3A_408 = arith.constant 0 : i32
      %dma_start3A_409 = arith.constant 0 : i32
      %dma_start3A_410 = tpu.memref_slice %arg7[%add3A_403, %dma_start3A_408, %dma_start3A_409] : memref<16x125x16xf32, #tpu.memory_space<vmem>> -> memref<1x125x16xf32, #tpu.memory_space<vmem>>
      %dma_start3A_411 = tpu.memref_squeeze %dma_start3A_410 : memref<1x125x16xf32, #tpu.memory_space<vmem>> -> memref<125x16xf32, #tpu.memory_space<vmem>>
      %dma_start3A_412 = arith.constant 0 : i32
      %dma_start3A_413 = tpu.memref_slice %arg6[%add3A_407, %dma_start3A_412] : memref<80x125xi32, #tpu.memory_space<vmem>> -> memref<1x125xi32, #tpu.memory_space<vmem>>
      %dma_start3A_414 = tpu.memref_squeeze %dma_start3A_413 : memref<1x125xi32, #tpu.memory_space<vmem>> -> memref<125xi32, #tpu.memory_space<vmem>>
      %dma_start3A_415 = arith.constant 0 : i32
      %dma_start3A_416 = arith.constant 0 : i32
      %dma_start3A_417 = tpu.memref_slice %arg9[%dma_start3A_415, %dma_start3A_416] : memref<10240x16xf32, #tpu.memory_space<vmem_shared>> -> memref<10240x16xf32, #tpu.memory_space<vmem_shared>>
      tpu.enqueue_indirect_dma source(%dma_start3A_411 : memref<125x16xf32, #tpu.memory_space<vmem>>) target(%dma_start3A_417 : memref<10240x16xf32, #tpu.memory_space<vmem_shared>>) offsets(%dma_start3A_414 : memref<125xi32, #tpu.memory_space<vmem>>) semaphore(%arg12 : memref<!tpu.dma_semaphore, #tpu.memory_space<semaphore_mem>>) {add = true}
      %add3A_418 = arith.constant 3 : i32
      %add3A_419 = arith.addi %mul3A_236, %add3A_418 : i32
      %mul3A_420 = arith.constant 8 : i32
      %mul3A_421 = arith.muli %scan3A_224, %mul3A_420 : i32
      %add3A_422 = arith.constant 3 : i32
      %add3A_423 = arith.addi %mul3A_421, %add3A_422 : i32
      %dma_start3A_424 = arith.constant 0 : i32
      %dma_start3A_425 = arith.constant 0 : i32
      %dma_start3A_426 = tpu.memref_slice %arg7[%add3A_419, %dma_start3A_424, %dma_start3A_425] : memref<16x125x16xf32, #tpu.memory_space<vmem>> -> memref<1x125x16xf32, #tpu.memory_space<vmem>>
      %dma_start3A_427 = tpu.memref_squeeze %dma_start3A_426 : memref<1x125x16xf32, #tpu.memory_space<vmem>> -> memref<125x16xf32, #tpu.memory_space<vmem>>
      %dma_start3A_428 = arith.constant 0 : i32
      %dma_start3A_429 = tpu.memref_slice %arg6[%add3A_423, %dma_start3A_428] : memref<80x125xi32, #tpu.memory_space<vmem>> -> memref<1x125xi32, #tpu.memory_space<vmem>>
      %dma_start3A_430 = tpu.memref_squeeze %dma_start3A_429 : memref<1x125xi32, #tpu.memory_space<vmem>> -> memref<125xi32, #tpu.memory_space<vmem>>
      %dma_start3A_431 = arith.constant 0 : i32
      %dma_start3A_432 = arith.constant 0 : i32
      %dma_start3A_433 = tpu.memref_slice %arg9[%dma_start3A_431, %dma_start3A_432] : memref<10240x16xf32, #tpu.memory_space<vmem_shared>> -> memref<10240x16xf32, #tpu.memory_space<vmem_shared>>
      tpu.enqueue_indirect_dma source(%dma_start3A_427 : memref<125x16xf32, #tpu.memory_space<vmem>>) target(%dma_start3A_433 : memref<10240x16xf32, #tpu.memory_space<vmem_shared>>) offsets(%dma_start3A_430 : memref<125xi32, #tpu.memory_space<vmem>>) semaphore(%arg12 : memref<!tpu.dma_semaphore, #tpu.memory_space<semaphore_mem>>) {add = true}
      %add3A_434 = arith.constant 4 : i32
      %add3A_435 = arith.addi %mul3A_236, %add3A_434 : i32
      %mul3A_436 = arith.constant 8 : i32
      %mul3A_437 = arith.muli %scan3A_224, %mul3A_436 : i32
      %add3A_438 = arith.constant 4 : i32
      %add3A_439 = arith.addi %mul3A_437, %add3A_438 : i32
      %dma_start3A_440 = arith.constant 0 : i32
      %dma_start3A_441 = arith.constant 0 : i32
      %dma_start3A_442 = tpu.memref_slice %arg7[%add3A_435, %dma_start3A_440, %dma_start3A_441] : memref<16x125x16xf32, #tpu.memory_space<vmem>> -> memref<1x125x16xf32, #tpu.memory_space<vmem>>
      %dma_start3A_443 = tpu.memref_squeeze %dma_start3A_442 : memref<1x125x16xf32, #tpu.memory_space<vmem>> -> memref<125x16xf32, #tpu.memory_space<vmem>>
      %dma_start3A_444 = arith.constant 0 : i32
      %dma_start3A_445 = tpu.memref_slice %arg6[%add3A_439, %dma_start3A_444] : memref<80x125xi32, #tpu.memory_space<vmem>> -> memref<1x125xi32, #tpu.memory_space<vmem>>
      %dma_start3A_446 = tpu.memref_squeeze %dma_start3A_445 : memref<1x125xi32, #tpu.memory_space<vmem>> -> memref<125xi32, #tpu.memory_space<vmem>>
      %dma_start3A_447 = arith.constant 0 : i32
      %dma_start3A_448 = arith.constant 0 : i32
      %dma_start3A_449 = tpu.memref_slice %arg9[%dma_start3A_447, %dma_start3A_448] : memref<10240x16xf32, #tpu.memory_space<vmem_shared>> -> memref<10240x16xf32, #tpu.memory_space<vmem_shared>>
      tpu.enqueue_indirect_dma source(%dma_start3A_443 : memref<125x16xf32, #tpu.memory_space<vmem>>) target(%dma_start3A_449 : memref<10240x16xf32, #tpu.memory_space<vmem_shared>>) offsets(%dma_start3A_446 : memref<125xi32, #tpu.memory_space<vmem>>) semaphore(%arg12 : memref<!tpu.dma_semaphore, #tpu.memory_space<semaphore_mem>>) {add = true}
      %add3A_450 = arith.constant 5 : i32
      %add3A_451 = arith.addi %mul3A_236, %add3A_450 : i32
      %mul3A_452 = arith.constant 8 : i32
      %mul3A_453 = arith.muli %scan3A_224, %mul3A_452 : i32
      %add3A_454 = arith.constant 5 : i32
      %add3A_455 = arith.addi %mul3A_453, %add3A_454 : i32
      %dma_start3A_456 = arith.constant 0 : i32
      %dma_start3A_457 = arith.constant 0 : i32
      %dma_start3A_458 = tpu.memref_slice %arg7[%add3A_451, %dma_start3A_456, %dma_start3A_457] : memref<16x125x16xf32, #tpu.memory_space<vmem>> -> memref<1x125x16xf32, #tpu.memory_space<vmem>>
      %dma_start3A_459 = tpu.memref_squeeze %dma_start3A_458 : memref<1x125x16xf32, #tpu.memory_space<vmem>> -> memref<125x16xf32, #tpu.memory_space<vmem>>
      %dma_start3A_460 = arith.constant 0 : i32
      %dma_start3A_461 = tpu.memref_slice %arg6[%add3A_455, %dma_start3A_460] : memref<80x125xi32, #tpu.memory_space<vmem>> -> memref<1x125xi32, #tpu.memory_space<vmem>>
      %dma_start3A_462 = tpu.memref_squeeze %dma_start3A_461 : memref<1x125xi32, #tpu.memory_space<vmem>> -> memref<125xi32, #tpu.memory_space<vmem>>
      %dma_start3A_463 = arith.constant 0 : i32
      %dma_start3A_464 = arith.constant 0 : i32
      %dma_start3A_465 = tpu.memref_slice %arg9[%dma_start3A_463, %dma_start3A_464] : memref<10240x16xf32, #tpu.memory_space<vmem_shared>> -> memref<10240x16xf32, #tpu.memory_space<vmem_shared>>
      tpu.enqueue_indirect_dma source(%dma_start3A_459 : memref<125x16xf32, #tpu.memory_space<vmem>>) target(%dma_start3A_465 : memref<10240x16xf32, #tpu.memory_space<vmem_shared>>) offsets(%dma_start3A_462 : memref<125xi32, #tpu.memory_space<vmem>>) semaphore(%arg12 : memref<!tpu.dma_semaphore, #tpu.memory_space<semaphore_mem>>) {add = true}
      %add3A_466 = arith.constant 6 : i32
      %add3A_467 = arith.addi %mul3A_236, %add3A_466 : i32
      %mul3A_468 = arith.constant 8 : i32
      %mul3A_469 = arith.muli %scan3A_224, %mul3A_468 : i32
      %add3A_470 = arith.constant 6 : i32
      %add3A_471 = arith.addi %mul3A_469, %add3A_470 : i32
      %dma_start3A_472 = arith.constant 0 : i32
      %dma_start3A_473 = arith.constant 0 : i32
      %dma_start3A_474 = tpu.memref_slice %arg7[%add3A_467, %dma_start3A_472, %dma_start3A_473] : memref<16x125x16xf32, #tpu.memory_space<vmem>> -> memref<1x125x16xf32, #tpu.memory_space<vmem>>
      %dma_start3A_475 = tpu.memref_squeeze %dma_start3A_474 : memref<1x125x16xf32, #tpu.memory_space<vmem>> -> memref<125x16xf32, #tpu.memory_space<vmem>>
      %dma_start3A_476 = arith.constant 0 : i32
      %dma_start3A_477 = tpu.memref_slice %arg6[%add3A_471, %dma_start3A_476] : memref<80x125xi32, #tpu.memory_space<vmem>> -> memref<1x125xi32, #tpu.memory_space<vmem>>
      %dma_start3A_478 = tpu.memref_squeeze %dma_start3A_477 : memref<1x125xi32, #tpu.memory_space<vmem>> -> memref<125xi32, #tpu.memory_space<vmem>>
      %dma_start3A_479 = arith.constant 0 : i32
      %dma_start3A_480 = arith.constant 0 : i32
      %dma_start3A_481 = tpu.memref_slice %arg9[%dma_start3A_479, %dma_start3A_480] : memref<10240x16xf32, #tpu.memory_space<vmem_shared>> -> memref<10240x16xf32, #tpu.memory_space<vmem_shared>>
      tpu.enqueue_indirect_dma source(%dma_start3A_475 : memref<125x16xf32, #tpu.memory_space<vmem>>) target(%dma_start3A_481 : memref<10240x16xf32, #tpu.memory_space<vmem_shared>>) offsets(%dma_start3A_478 : memref<125xi32, #tpu.memory_space<vmem>>) semaphore(%arg12 : memref<!tpu.dma_semaphore, #tpu.memory_space<semaphore_mem>>) {add = true}
      %add3A_482 = arith.constant 7 : i32
      %add3A_483 = arith.addi %mul3A_236, %add3A_482 : i32
      %mul3A_484 = arith.constant 8 : i32
      %mul3A_485 = arith.muli %scan3A_224, %mul3A_484 : i32
      %add3A_486 = arith.constant 7 : i32
      %add3A_487 = arith.addi %mul3A_485, %add3A_486 : i32
      %dma_start3A_488 = arith.constant 0 : i32
      %dma_start3A_489 = arith.constant 0 : i32
      %dma_start3A_490 = tpu.memref_slice %arg7[%add3A_483, %dma_start3A_488, %dma_start3A_489] : memref<16x125x16xf32, #tpu.memory_space<vmem>> -> memref<1x125x16xf32, #tpu.memory_space<vmem>>
      %dma_start3A_491 = tpu.memref_squeeze %dma_start3A_490 : memref<1x125x16xf32, #tpu.memory_space<vmem>> -> memref<125x16xf32, #tpu.memory_space<vmem>>
      %dma_start3A_492 = arith.constant 0 : i32
      %dma_start3A_493 = tpu.memref_slice %arg6[%add3A_487, %dma_start3A_492] : memref<80x125xi32, #tpu.memory_space<vmem>> -> memref<1x125xi32, #tpu.memory_space<vmem>>
      %dma_start3A_494 = tpu.memref_squeeze %dma_start3A_493 : memref<1x125xi32, #tpu.memory_space<vmem>> -> memref<125xi32, #tpu.memory_space<vmem>>
      %dma_start3A_495 = arith.constant 0 : i32
      %dma_start3A_496 = arith.constant 0 : i32
      %dma_start3A_497 = tpu.memref_slice %arg9[%dma_start3A_495, %dma_start3A_496] : memref<10240x16xf32, #tpu.memory_space<vmem_shared>> -> memref<10240x16xf32, #tpu.memory_space<vmem_shared>>
      tpu.enqueue_indirect_dma source(%dma_start3A_491 : memref<125x16xf32, #tpu.memory_space<vmem>>) target(%dma_start3A_497 : memref<10240x16xf32, #tpu.memory_space<vmem_shared>>) offsets(%dma_start3A_494 : memref<125xi32, #tpu.memory_space<vmem>>) semaphore(%arg12 : memref<!tpu.dma_semaphore, #tpu.memory_space<semaphore_mem>>) {add = true}
      %scan3A_498 = arith.constant 0 : i32
      scf.yield %scan3A_498 : i32
    }
    %scan3A_120 = arith.constant 10 : i32
    %dma_wait3A = arith.constant 0 : i32
    %dma_wait3A_121 = arith.constant 0 : i32
    %dma_wait3A_122 = arith.constant 0 : i32
    %dma_wait3A_123 = arith.constant 0 : i32
    %dma_wait3A_124 = tpu.memref_slice %arg7[%dma_wait3A, %dma_wait3A_122, %dma_wait3A_123] : memref<16x125x16xf32, #tpu.memory_space<vmem>> -> memref<1x125x16xf32, #tpu.memory_space<vmem>>
    %dma_wait3A_125 = tpu.memref_squeeze %dma_wait3A_124 : memref<1x125x16xf32, #tpu.memory_space<vmem>> -> memref<125x16xf32, #tpu.memory_space<vmem>>
    %dma_wait3A_126 = arith.constant 0 : i32
    %dma_wait3A_127 = tpu.memref_slice %arg6[%dma_wait3A_121, %dma_wait3A_126] : memref<80x125xi32, #tpu.memory_space<vmem>> -> memref<1x125xi32, #tpu.memory_space<vmem>>
    %dma_wait3A_128 = tpu.memref_squeeze %dma_wait3A_127 : memref<1x125xi32, #tpu.memory_space<vmem>> -> memref<125xi32, #tpu.memory_space<vmem>>
    %dma_wait3A_129 = arith.constant 0 : i32
    %dma_wait3A_130 = arith.constant 0 : i32
    %dma_wait3A_131 = tpu.memref_slice %arg9[%dma_wait3A_129, %dma_wait3A_130] : memref<10240x16xf32, #tpu.memory_space<vmem_shared>> -> memref<10240x16xf32, #tpu.memory_space<vmem_shared>>
    tpu.wait_indirect_dma semaphore(%arg12 : memref<!tpu.dma_semaphore, #tpu.memory_space<semaphore_mem>>) src(%dma_wait3A_125 : memref<125x16xf32, #tpu.memory_space<vmem>>) dst(%dma_wait3A_131 : memref<10240x16xf32, #tpu.memory_space<vmem_shared>>)
    %dma_wait3A_132 = arith.constant 1 : i32
    %dma_wait3A_133 = arith.constant 1 : i32
    %dma_wait3A_134 = arith.constant 0 : i32
    %dma_wait3A_135 = arith.constant 0 : i32
    %dma_wait3A_136 = tpu.memref_slice %arg7[%dma_wait3A_132, %dma_wait3A_134, %dma_wait3A_135] : memref<16x125x16xf32, #tpu.memory_space<vmem>> -> memref<1x125x16xf32, #tpu.memory_space<vmem>>
    %dma_wait3A_137 = tpu.memref_squeeze %dma_wait3A_136 : memref<1x125x16xf32, #tpu.memory_space<vmem>> -> memref<125x16xf32, #tpu.memory_space<vmem>>
    %dma_wait3A_138 = arith.constant 0 : i32
    %dma_wait3A_139 = tpu.memref_slice %arg6[%dma_wait3A_133, %dma_wait3A_138] : memref<80x125xi32, #tpu.memory_space<vmem>> -> memref<1x125xi32, #tpu.memory_space<vmem>>
    %dma_wait3A_140 = tpu.memref_squeeze %dma_wait3A_139 : memref<1x125xi32, #tpu.memory_space<vmem>> -> memref<125xi32, #tpu.memory_space<vmem>>
    %dma_wait3A_141 = arith.constant 0 : i32
    %dma_wait3A_142 = arith.constant 0 : i32
    %dma_wait3A_143 = tpu.memref_slice %arg9[%dma_wait3A_141, %dma_wait3A_142] : memref<10240x16xf32, #tpu.memory_space<vmem_shared>> -> memref<10240x16xf32, #tpu.memory_space<vmem_shared>>
    tpu.wait_indirect_dma semaphore(%arg12 : memref<!tpu.dma_semaphore, #tpu.memory_space<semaphore_mem>>) src(%dma_wait3A_137 : memref<125x16xf32, #tpu.memory_space<vmem>>) dst(%dma_wait3A_143 : memref<10240x16xf32, #tpu.memory_space<vmem_shared>>)
    %dma_wait3A_144 = arith.constant 2 : i32
    %dma_wait3A_145 = arith.constant 2 : i32
    %dma_wait3A_146 = arith.constant 0 : i32
    %dma_wait3A_147 = arith.constant 0 : i32
    %dma_wait3A_148 = tpu.memref_slice %arg7[%dma_wait3A_144, %dma_wait3A_146, %dma_wait3A_147] : memref<16x125x16xf32, #tpu.memory_space<vmem>> -> memref<1x125x16xf32, #tpu.memory_space<vmem>>
    %dma_wait3A_149 = tpu.memref_squeeze %dma_wait3A_148 : memref<1x125x16xf32, #tpu.memory_space<vmem>> -> memref<125x16xf32, #tpu.memory_space<vmem>>
    %dma_wait3A_150 = arith.constant 0 : i32
    %dma_wait3A_151 = tpu.memref_slice %arg6[%dma_wait3A_145, %dma_wait3A_150] : memref<80x125xi32, #tpu.memory_space<vmem>> -> memref<1x125xi32, #tpu.memory_space<vmem>>
    %dma_wait3A_152 = tpu.memref_squeeze %dma_wait3A_151 : memref<1x125xi32, #tpu.memory_space<vmem>> -> memref<125xi32, #tpu.memory_space<vmem>>
    %dma_wait3A_153 = arith.constant 0 : i32
    %dma_wait3A_154 = arith.constant 0 : i32
    %dma_wait3A_155 = tpu.memref_slice %arg9[%dma_wait3A_153, %dma_wait3A_154] : memref<10240x16xf32, #tpu.memory_space<vmem_shared>> -> memref<10240x16xf32, #tpu.memory_space<vmem_shared>>
    tpu.wait_indirect_dma semaphore(%arg12 : memref<!tpu.dma_semaphore, #tpu.memory_space<semaphore_mem>>) src(%dma_wait3A_149 : memref<125x16xf32, #tpu.memory_space<vmem>>) dst(%dma_wait3A_155 : memref<10240x16xf32, #tpu.memory_space<vmem_shared>>)
    %dma_wait3A_156 = arith.constant 3 : i32
    %dma_wait3A_157 = arith.constant 3 : i32
    %dma_wait3A_158 = arith.constant 0 : i32
    %dma_wait3A_159 = arith.constant 0 : i32
    %dma_wait3A_160 = tpu.memref_slice %arg7[%dma_wait3A_156, %dma_wait3A_158, %dma_wait3A_159] : memref<16x125x16xf32, #tpu.memory_space<vmem>> -> memref<1x125x16xf32, #tpu.memory_space<vmem>>
    %dma_wait3A_161 = tpu.memref_squeeze %dma_wait3A_160 : memref<1x125x16xf32, #tpu.memory_space<vmem>> -> memref<125x16xf32, #tpu.memory_space<vmem>>
    %dma_wait3A_162 = arith.constant 0 : i32
    %dma_wait3A_163 = tpu.memref_slice %arg6[%dma_wait3A_157, %dma_wait3A_162] : memref<80x125xi32, #tpu.memory_space<vmem>> -> memref<1x125xi32, #tpu.memory_space<vmem>>
    %dma_wait3A_164 = tpu.memref_squeeze %dma_wait3A_163 : memref<1x125xi32, #tpu.memory_space<vmem>> -> memref<125xi32, #tpu.memory_space<vmem>>
    %dma_wait3A_165 = arith.constant 0 : i32
    %dma_wait3A_166 = arith.constant 0 : i32
    %dma_wait3A_167 = tpu.memref_slice %arg9[%dma_wait3A_165, %dma_wait3A_166] : memref<10240x16xf32, #tpu.memory_space<vmem_shared>> -> memref<10240x16xf32, #tpu.memory_space<vmem_shared>>
    tpu.wait_indirect_dma semaphore(%arg12 : memref<!tpu.dma_semaphore, #tpu.memory_space<semaphore_mem>>) src(%dma_wait3A_161 : memref<125x16xf32, #tpu.memory_space<vmem>>) dst(%dma_wait3A_167 : memref<10240x16xf32, #tpu.memory_space<vmem_shared>>)
    %dma_wait3A_168 = arith.constant 4 : i32
    %dma_wait3A_169 = arith.constant 4 : i32
    %dma_wait3A_170 = arith.constant 0 : i32
    %dma_wait3A_171 = arith.constant 0 : i32
    %dma_wait3A_172 = tpu.memref_slice %arg7[%dma_wait3A_168, %dma_wait3A_170, %dma_wait3A_171] : memref<16x125x16xf32, #tpu.memory_space<vmem>> -> memref<1x125x16xf32, #tpu.memory_space<vmem>>
    %dma_wait3A_173 = tpu.memref_squeeze %dma_wait3A_172 : memref<1x125x16xf32, #tpu.memory_space<vmem>> -> memref<125x16xf32, #tpu.memory_space<vmem>>
    %dma_wait3A_174 = arith.constant 0 : i32
    %dma_wait3A_175 = tpu.memref_slice %arg6[%dma_wait3A_169, %dma_wait3A_174] : memref<80x125xi32, #tpu.memory_space<vmem>> -> memref<1x125xi32, #tpu.memory_space<vmem>>
    %dma_wait3A_176 = tpu.memref_squeeze %dma_wait3A_175 : memref<1x125xi32, #tpu.memory_space<vmem>> -> memref<125xi32, #tpu.memory_space<vmem>>
    %dma_wait3A_177 = arith.constant 0 : i32
    %dma_wait3A_178 = arith.constant 0 : i32
    %dma_wait3A_179 = tpu.memref_slice %arg9[%dma_wait3A_177, %dma_wait3A_178] : memref<10240x16xf32, #tpu.memory_space<vmem_shared>> -> memref<10240x16xf32, #tpu.memory_space<vmem_shared>>
    tpu.wait_indirect_dma semaphore(%arg12 : memref<!tpu.dma_semaphore, #tpu.memory_space<semaphore_mem>>) src(%dma_wait3A_173 : memref<125x16xf32, #tpu.memory_space<vmem>>) dst(%dma_wait3A_179 : memref<10240x16xf32, #tpu.memory_space<vmem_shared>>)
    %dma_wait3A_180 = arith.constant 5 : i32
    %dma_wait3A_181 = arith.constant 5 : i32
    %dma_wait3A_182 = arith.constant 0 : i32
    %dma_wait3A_183 = arith.constant 0 : i32
    %dma_wait3A_184 = tpu.memref_slice %arg7[%dma_wait3A_180, %dma_wait3A_182, %dma_wait3A_183] : memref<16x125x16xf32, #tpu.memory_space<vmem>> -> memref<1x125x16xf32, #tpu.memory_space<vmem>>
    %dma_wait3A_185 = tpu.memref_squeeze %dma_wait3A_184 : memref<1x125x16xf32, #tpu.memory_space<vmem>> -> memref<125x16xf32, #tpu.memory_space<vmem>>
    %dma_wait3A_186 = arith.constant 0 : i32
    %dma_wait3A_187 = tpu.memref_slice %arg6[%dma_wait3A_181, %dma_wait3A_186] : memref<80x125xi32, #tpu.memory_space<vmem>> -> memref<1x125xi32, #tpu.memory_space<vmem>>
    %dma_wait3A_188 = tpu.memref_squeeze %dma_wait3A_187 : memref<1x125xi32, #tpu.memory_space<vmem>> -> memref<125xi32, #tpu.memory_space<vmem>>
    %dma_wait3A_189 = arith.constant 0 : i32
    %dma_wait3A_190 = arith.constant 0 : i32
    %dma_wait3A_191 = tpu.memref_slice %arg9[%dma_wait3A_189, %dma_wait3A_190] : memref<10240x16xf32, #tpu.memory_space<vmem_shared>> -> memref<10240x16xf32, #tpu.memory_space<vmem_shared>>
    tpu.wait_indirect_dma semaphore(%arg12 : memref<!tpu.dma_semaphore, #tpu.memory_space<semaphore_mem>>) src(%dma_wait3A_185 : memref<125x16xf32, #tpu.memory_space<vmem>>) dst(%dma_wait3A_191 : memref<10240x16xf32, #tpu.memory_space<vmem_shared>>)
    %dma_wait3A_192 = arith.constant 6 : i32
    %dma_wait3A_193 = arith.constant 6 : i32
    %dma_wait3A_194 = arith.constant 0 : i32
    %dma_wait3A_195 = arith.constant 0 : i32
    %dma_wait3A_196 = tpu.memref_slice %arg7[%dma_wait3A_192, %dma_wait3A_194, %dma_wait3A_195] : memref<16x125x16xf32, #tpu.memory_space<vmem>> -> memref<1x125x16xf32, #tpu.memory_space<vmem>>
    %dma_wait3A_197 = tpu.memref_squeeze %dma_wait3A_196 : memref<1x125x16xf32, #tpu.memory_space<vmem>> -> memref<125x16xf32, #tpu.memory_space<vmem>>
    %dma_wait3A_198 = arith.constant 0 : i32
    %dma_wait3A_199 = tpu.memref_slice %arg6[%dma_wait3A_193, %dma_wait3A_198] : memref<80x125xi32, #tpu.memory_space<vmem>> -> memref<1x125xi32, #tpu.memory_space<vmem>>
    %dma_wait3A_200 = tpu.memref_squeeze %dma_wait3A_199 : memref<1x125xi32, #tpu.memory_space<vmem>> -> memref<125xi32, #tpu.memory_space<vmem>>
    %dma_wait3A_201 = arith.constant 0 : i32
    %dma_wait3A_202 = arith.constant 0 : i32
    %dma_wait3A_203 = tpu.memref_slice %arg9[%dma_wait3A_201, %dma_wait3A_202] : memref<10240x16xf32, #tpu.memory_space<vmem_shared>> -> memref<10240x16xf32, #tpu.memory_space<vmem_shared>>
    tpu.wait_indirect_dma semaphore(%arg12 : memref<!tpu.dma_semaphore, #tpu.memory_space<semaphore_mem>>) src(%dma_wait3A_197 : memref<125x16xf32, #tpu.memory_space<vmem>>) dst(%dma_wait3A_203 : memref<10240x16xf32, #tpu.memory_space<vmem_shared>>)
    %dma_wait3A_204 = arith.constant 7 : i32
    %dma_wait3A_205 = arith.constant 7 : i32
    %dma_wait3A_206 = arith.constant 0 : i32
    %dma_wait3A_207 = arith.constant 0 : i32
    %dma_wait3A_208 = tpu.memref_slice %arg7[%dma_wait3A_204, %dma_wait3A_206, %dma_wait3A_207] : memref<16x125x16xf32, #tpu.memory_space<vmem>> -> memref<1x125x16xf32, #tpu.memory_space<vmem>>
    %dma_wait3A_209 = tpu.memref_squeeze %dma_wait3A_208 : memref<1x125x16xf32, #tpu.memory_space<vmem>> -> memref<125x16xf32, #tpu.memory_space<vmem>>
    %dma_wait3A_210 = arith.constant 0 : i32
    %dma_wait3A_211 = tpu.memref_slice %arg6[%dma_wait3A_205, %dma_wait3A_210] : memref<80x125xi32, #tpu.memory_space<vmem>> -> memref<1x125xi32, #tpu.memory_space<vmem>>
    %dma_wait3A_212 = tpu.memref_squeeze %dma_wait3A_211 : memref<1x125xi32, #tpu.memory_space<vmem>> -> memref<125xi32, #tpu.memory_space<vmem>>
    %dma_wait3A_213 = arith.constant 0 : i32
    %dma_wait3A_214 = arith.constant 0 : i32
    %dma_wait3A_215 = tpu.memref_slice %arg9[%dma_wait3A_213, %dma_wait3A_214] : memref<10240x16xf32, #tpu.memory_space<vmem_shared>> -> memref<10240x16xf32, #tpu.memory_space<vmem_shared>>
    tpu.wait_indirect_dma semaphore(%arg12 : memref<!tpu.dma_semaphore, #tpu.memory_space<semaphore_mem>>) src(%dma_wait3A_209 : memref<125x16xf32, #tpu.memory_space<vmem>>) dst(%dma_wait3A_215 : memref<10240x16xf32, #tpu.memory_space<vmem_shared>>)
    %barrier3A_216 = arith.constant 0 : index
    tpu.barrier barrier_id(%barrier3A_216)
    %mul3A_217 = arith.constant 640 : i32
    %mul3A_218 = arith.muli %arg1, %mul3A_217 : i32
    %mul3A_219 = arith.constant 10240 : i32
    %mul3A_220 = arith.muli %arg0, %mul3A_219 : i32
    %mul3A_221 = arith.constant 640 : i32
    %mul3A_222 = arith.muli %arg1, %mul3A_221 : i32
    %add3A_223 = arith.addi %mul3A_220, %mul3A_222 : i32
    "tpu.region"() ({
      %run_scoped3A_224 = tpu.sem_alloc : memref<!tpu.dma_semaphore, #tpu.memory_space<semaphore_mem>>
      %dma_start3A_225 = arith.constant 0 : i32
      %dma_start3A_226 = tpu.memref_slice %arg4[%add3A_223, %dma_start3A_225] : memref<20480x16xf32, #tpu.memory_space<hbm>> -> memref<640x16xf32, #tpu.memory_space<hbm>>
      %dma_start3A_227 = arith.constant 0 : i32
      %dma_start3A_228 = tpu.memref_slice %arg9[%mul3A_218, %dma_start3A_227] : memref<10240x16xf32, #tpu.memory_space<vmem_shared>> -> memref<640x16xf32, #tpu.memory_space<vmem_shared>>
      tpu.enqueue_dma source(%dma_start3A_228 : memref<640x16xf32, #tpu.memory_space<vmem_shared>>) target(%dma_start3A_226 : memref<640x16xf32, #tpu.memory_space<hbm>>) target_semaphore(%run_scoped3A_224 : memref<!tpu.dma_semaphore, #tpu.memory_space<semaphore_mem>>)
      %dma_wait3A_229 = arith.constant 0 : i32
      %dma_wait3A_230 = tpu.memref_slice %arg4[%add3A_223, %dma_wait3A_229] : memref<20480x16xf32, #tpu.memory_space<hbm>> -> memref<640x16xf32, #tpu.memory_space<hbm>>
      %dma_wait3A_231 = arith.constant 0 : i32
      %dma_wait3A_232 = tpu.memref_slice %arg9[%mul3A_218, %dma_wait3A_231] : memref<10240x16xf32, #tpu.memory_space<vmem_shared>> -> memref<640x16xf32, #tpu.memory_space<vmem_shared>>
      tpu.wait_dma2 semaphore(%run_scoped3A_224 : memref<!tpu.dma_semaphore, #tpu.memory_space<semaphore_mem>>) src(%dma_wait3A_232 : memref<640x16xf32, #tpu.memory_space<vmem_shared>>) dst(%dma_wait3A_230 : memref<640x16xf32, #tpu.memory_space<hbm>>)
      tpu.yield
    }) : () -> ()
    return
  }
}

#map = affine_map<(d0, d1) -> (0, 0)>
#map1 = affine_map<(d0, d1) -> (0, 0, 0)>
module attributes {stable_mosaic.version = 14 : i64} {
  func.func @k(%arg0: i32, %arg1: i32, %arg2: memref<10000x16xf32, #tpu.memory_space<hbm>>, %arg3: memref<2x2560x125xi32, #tpu.memory_space<hbm>>, %arg4: memref<20480x16xf32, #tpu.memory_space<hbm>>, %arg5: memref<80x125xi32, #tpu.memory_space<vmem>>, %arg6: memref<80x125xi32, #tpu.memory_space<vmem>>, %arg7: memref<16x125x16xf32, #tpu.memory_space<vmem>>, %arg8: memref<640x16xf32, #tpu.memory_space<vmem>>, %arg9: memref<10240x16xf32, #tpu.memory_space<vmem_shared>>, %arg10: memref<10000x16xf32, #tpu.memory_space<vmem_shared>>, %arg11: memref<!tpu.dma_semaphore, #tpu.memory_space<semaphore_mem>>, %arg12: memref<!tpu.dma_semaphore, #tpu.memory_space<semaphore_mem>>) attributes {dimension_semantics = [#tpu.dimension_semantics<core_parallel>, #tpu.dimension_semantics<subcore_parallel>], iteration_bounds = array<i64: 2, 16>, scalar_prefetch = 0 : i64, scratch_operands = 8 : i64, tpu.core_type = #tpu.core_type<sc_vector_subcore>, window_params = [{transform_indices = #map}, {transform_indices = #map1}, {transform_indices = #map}]} {
    %mul3A = arith.constant 2 : i32
    %mul3A_0 = arith.muli %arg1, %mul3A : i32
    %add3A = arith.addi %mul3A_0, %arg0 : i32
    %broadcast_in_dim3A = arith.constant 0.000000e+00 : f32
    %broadcast_in_dim3A_1 = vector.broadcast %broadcast_in_dim3A : f32 to vector<16xf32>
    %scan3A = arith.constant 0 : i32
    %scan3A_2 = arith.constant 0 : i32
    %scan3A_3 = arith.constant 640 : i32
    %scan3A_4 = arith.addi %scan3A_2, %scan3A_3 : i32
    %scan3A_5 = arith.constant 1 : i32
    %scan3A_6 = scf.for %scan3A_224 = %scan3A_2 to %scan3A_4 step %scan3A_5 iter_args(%scan3A_225 = %scan3A) -> (i32)  : i32 {
      %swap3A = arith.index_cast %scan3A_224 : i32 to index
      %swap3A_226 = arith.constant 0 : index
      %swap3A_227 = tpu.vector_load %arg8[%swap3A, %swap3A_226] {strides = array<i32>} : memref<640x16xf32, #tpu.memory_space<vmem>>, vector<1x16xf32>,
      %swap3A_228 = vector.shape_cast %swap3A_227 : vector<1x16xf32> to vector<16xf32>
      %swap3A_229 = vector.shape_cast %broadcast_in_dim3A_1 : vector<16xf32> to vector<1x16xf32>
      tpu.vector_store %arg8[%swap3A, %swap3A_226], %swap3A_229 {strides = array<i32>} : memref<640x16xf32, #tpu.memory_space<vmem>>, vector<1x16xf32>,
      %scan3A_230 = arith.constant 0 : i32
      scf.yield %scan3A_230 : i32
    }
    %scan3A_7 = arith.constant 640 : i32
    %mul3A_8 = arith.constant 640 : i32
    %mul3A_9 = arith.muli %arg1, %mul3A_8 : i32
    "tpu.region"() ({
      %run_scoped3A_224 = tpu.sem_alloc : memref<!tpu.dma_semaphore, #tpu.memory_space<semaphore_mem>>
      %dma_start3A_225 = arith.constant 0 : i32
      %dma_start3A_226 = tpu.memref_slice %arg9[%mul3A_9, %dma_start3A_225] : memref<10240x16xf32, #tpu.memory_space<vmem_shared>> -> memref<640x16xf32, #tpu.memory_space<vmem_shared>>
      %dma_start3A_227 = arith.constant 0 : i32
      %dma_start3A_228 = tpu.memref_slice %arg9[%mul3A_9, %dma_start3A_227] : memref<10240x16xf32, #tpu.memory_space<vmem_shared>> -> memref<640x16xf32, #tpu.memory_space<vmem_shared>>
      tpu.enqueue_dma source(%arg8 : memref<640x16xf32, #tpu.memory_space<vmem>>) target(%dma_start3A_228 : memref<640x16xf32, #tpu.memory_space<vmem_shared>>) target_semaphore(%run_scoped3A_224 : memref<!tpu.dma_semaphore, #tpu.memory_space<semaphore_mem>>)
      %dma_wait3A_229 = arith.constant 0 : i32
      %dma_wait3A_230 = tpu.memref_slice %arg9[%mul3A_9, %dma_wait3A_229] : memref<10240x16xf32, #tpu.memory_space<vmem_shared>> -> memref<640x16xf32, #tpu.memory_space<vmem_shared>>
      %dma_wait3A_231 = arith.constant 0 : i32
      %dma_wait3A_232 = tpu.memref_slice %arg9[%mul3A_9, %dma_wait3A_231] : memref<10240x16xf32, #tpu.memory_space<vmem_shared>> -> memref<640x16xf32, #tpu.memory_space<vmem_shared>>
      tpu.wait_dma2 semaphore(%run_scoped3A_224 : memref<!tpu.dma_semaphore, #tpu.memory_space<semaphore_mem>>) src(%arg8 : memref<640x16xf32, #tpu.memory_space<vmem>>) dst(%dma_wait3A_232 : memref<640x16xf32, #tpu.memory_space<vmem_shared>>)
      tpu.yield
    }) : () -> ()
    %mul3A_10 = arith.constant 625 : i32
    %mul3A_11 = arith.muli %arg1, %mul3A_10 : i32
    %mul3A_12 = arith.constant 625 : i32
    %mul3A_13 = arith.muli %arg1, %mul3A_12 : i32
    "tpu.region"() ({
      %run_scoped3A_224 = tpu.sem_alloc : memref<!tpu.dma_semaphore, #tpu.memory_space<semaphore_mem>>
      %dma_start3A_225 = arith.constant 0 : i32
      %dma_start3A_226 = tpu.memref_slice %arg10[%mul3A_13, %dma_start3A_225] : memref<10000x16xf32, #tpu.memory_space<vmem_shared>> -> memref<625x16xf32, #tpu.memory_space<vmem_shared>>
      %dma_start3A_227 = arith.constant 0 : i32
      %dma_start3A_228 = tpu.memref_slice %arg2[%mul3A_11, %dma_start3A_227] : memref<10000x16xf32, #tpu.memory_space<hbm>> -> memref<625x16xf32, #tpu.memory_space<hbm>>
      tpu.enqueue_dma source(%dma_start3A_228 : memref<625x16xf32, #tpu.memory_space<hbm>>) target(%dma_start3A_226 : memref<625x16xf32, #tpu.memory_space<vmem_shared>>) target_semaphore(%run_scoped3A_224 : memref<!tpu.dma_semaphore, #tpu.memory_space<semaphore_mem>>)
      %dma_wait3A_229 = arith.constant 0 : i32
      %dma_wait3A_230 = tpu.memref_slice %arg10[%mul3A_13, %dma_wait3A_229] : memref<10000x16xf32, #tpu.memory_space<vmem_shared>> -> memref<625x16xf32, #tpu.memory_space<vmem_shared>>
      %dma_wait3A_231 = arith.constant 0 : i32
      %dma_wait3A_232 = tpu.memref_slice %arg2[%mul3A_11, %dma_wait3A_231] : memref<10000x16xf32, #tpu.memory_space<hbm>> -> memref<625x16xf32, #tpu.memory_space<hbm>>
      tpu.wait_dma2 semaphore(%run_scoped3A_224 : memref<!tpu.dma_semaphore, #tpu.memory_space<semaphore_mem>>) src(%dma_wait3A_232 : memref<625x16xf32, #tpu.memory_space<hbm>>) dst(%dma_wait3A_230 : memref<625x16xf32, #tpu.memory_space<vmem_shared>>)
      tpu.yield
    }) : () -> ()
    %barrier3A = arith.constant 0 : index
    tpu.barrier barrier_id(%barrier3A)
    %mul3A_14 = arith.constant 80 : i32
    %mul3A_15 = arith.muli %add3A, %mul3A_14 : i32
    %run_scoped3A = arith.constant 0 : i32
    "tpu.region"() ({
      %run_scoped3A_224 = tpu.sem_alloc : memref<!tpu.dma_semaphore, #tpu.memory_space<semaphore_mem>>
      %dma_start3A_225 = arith.constant 0 : i32
      %dma_start3A_226 = arith.constant 0 : i32
      %dma_start3A_227 = tpu.memref_slice %arg3[%run_scoped3A, %dma_start3A_225, %dma_start3A_226] : memref<2x2560x125xi32, #tpu.memory_space<hbm>> -> memref<1x2560x125xi32, #tpu.memory_space<hbm>>
      %dma_start3A_228 = tpu.memref_squeeze %dma_start3A_227 : memref<1x2560x125xi32, #tpu.memory_space<hbm>> -> memref<2560x125xi32, #tpu.memory_space<hbm>>
      %dma_start3A_229 = arith.constant 0 : i32
      %dma_start3A_230 = tpu.memref_slice %dma_start3A_228[%mul3A_15, %dma_start3A_229] : memref<2560x125xi32, #tpu.memory_space<hbm>> -> memref<80x125xi32, #tpu.memory_space<hbm>>
      %dma_start3A_231 = arith.constant 0 : i32
      %dma_start3A_232 = arith.constant 0 : i32
      %dma_start3A_233 = tpu.memref_slice %arg3[%run_scoped3A, %dma_start3A_231, %dma_start3A_232] : memref<2x2560x125xi32, #tpu.memory_space<hbm>> -> memref<1x2560x125xi32, #tpu.memory_space<hbm>>
      %dma_start3A_234 = tpu.memref_squeeze %dma_start3A_233 : memref<1x2560x125xi32, #tpu.memory_space<hbm>> -> memref<2560x125xi32, #tpu.memory_space<hbm>>
      %dma_start3A_235 = arith.constant 0 : i32
      %dma_start3A_236 = tpu.memref_slice %dma_start3A_234[%mul3A_15, %dma_start3A_235] : memref<2560x125xi32, #tpu.memory_space<hbm>> -> memref<80x125xi32, #tpu.memory_space<hbm>>
      tpu.enqueue_dma source(%dma_start3A_236 : memref<80x125xi32, #tpu.memory_space<hbm>>) target(%arg5 : memref<80x125xi32, #tpu.memory_space<vmem>>) target_semaphore(%run_scoped3A_224 : memref<!tpu.dma_semaphore, #tpu.memory_space<semaphore_mem>>)
      %dma_wait3A_237 = arith.constant 0 : i32
      %dma_wait3A_238 = arith.constant 0 : i32
      %dma_wait3A_239 = tpu.memref_slice %arg3[%run_scoped3A, %dma_wait3A_237, %dma_wait3A_238] : memref<2x2560x125xi32, #tpu.memory_space<hbm>> -> memref<1x2560x125xi32, #tpu.memory_space<hbm>>
      %dma_wait3A_240 = tpu.memref_squeeze %dma_wait3A_239 : memref<1x2560x125xi32, #tpu.memory_space<hbm>> -> memref<2560x125xi32, #tpu.memory_space<hbm>>
      %dma_wait3A_241 = arith.constant 0 : i32
      %dma_wait3A_242 = tpu.memref_slice %dma_wait3A_240[%mul3A_15, %dma_wait3A_241] : memref<2560x125xi32, #tpu.memory_space<hbm>> -> memref<80x125xi32, #tpu.memory_space<hbm>>
      %dma_wait3A_243 = arith.constant 0 : i32
      %dma_wait3A_244 = arith.constant 0 : i32
      %dma_wait3A_245 = tpu.memref_slice %arg3[%run_scoped3A, %dma_wait3A_243, %dma_wait3A_244] : memref<2x2560x125xi32, #tpu.memory_space<hbm>> -> memref<1x2560x125xi32, #tpu.memory_space<hbm>>
      %dma_wait3A_246 = tpu.memref_squeeze %dma_wait3A_245 : memref<1x2560x125xi32, #tpu.memory_space<hbm>> -> memref<2560x125xi32, #tpu.memory_space<hbm>>
      %dma_wait3A_247 = arith.constant 0 : i32
      %dma_wait3A_248 = tpu.memref_slice %dma_wait3A_246[%mul3A_15, %dma_wait3A_247] : memref<2560x125xi32, #tpu.memory_space<hbm>> -> memref<80x125xi32, #tpu.memory_space<hbm>>
      tpu.wait_dma2 semaphore(%run_scoped3A_224 : memref<!tpu.dma_semaphore, #tpu.memory_space<semaphore_mem>>) src(%dma_wait3A_248 : memref<80x125xi32, #tpu.memory_space<hbm>>) dst(%arg5 : memref<80x125xi32, #tpu.memory_space<vmem>>)
      tpu.yield
    }) : () -> ()
    %mul3A_16 = arith.constant 80 : i32
    %mul3A_17 = arith.muli %add3A, %mul3A_16 : i32
    %run_scoped3A_18 = arith.constant 1 : i32
    "tpu.region"() ({
      %run_scoped3A_224 = tpu.sem_alloc : memref<!tpu.dma_semaphore, #tpu.memory_space<semaphore_mem>>
      %dma_start3A_225 = arith.constant 0 : i32
      %dma_start3A_226 = arith.constant 0 : i32
      %dma_start3A_227 = tpu.memref_slice %arg3[%run_scoped3A_18, %dma_start3A_225, %dma_start3A_226] : memref<2x2560x125xi32, #tpu.memory_space<hbm>> -> memref<1x2560x125xi32, #tpu.memory_space<hbm>>
      %dma_start3A_228 = tpu.memref_squeeze %dma_start3A_227 : memref<1x2560x125xi32, #tpu.memory_space<hbm>> -> memref<2560x125xi32, #tpu.memory_space<hbm>>
      %dma_start3A_229 = arith.constant 0 : i32
      %dma_start3A_230 = tpu.memref_slice %dma_start3A_228[%mul3A_17, %dma_start3A_229] : memref<2560x125xi32, #tpu.memory_space<hbm>> -> memref<80x125xi32, #tpu.memory_space<hbm>>
      %dma_start3A_231 = arith.constant 0 : i32
      %dma_start3A_232 = arith.constant 0 : i32
      %dma_start3A_233 = tpu.memref_slice %arg3[%run_scoped3A_18, %dma_start3A_231, %dma_start3A_232] : memref<2x2560x125xi32, #tpu.memory_space<hbm>> -> memref<1x2560x125xi32, #tpu.memory_space<hbm>>
      %dma_start3A_234 = tpu.memref_squeeze %dma_start3A_233 : memref<1x2560x125xi32, #tpu.memory_space<hbm>> -> memref<2560x125xi32, #tpu.memory_space<hbm>>
      %dma_start3A_235 = arith.constant 0 : i32
      %dma_start3A_236 = tpu.memref_slice %dma_start3A_234[%mul3A_17, %dma_start3A_235] : memref<2560x125xi32, #tpu.memory_space<hbm>> -> memref<80x125xi32, #tpu.memory_space<hbm>>
      tpu.enqueue_dma source(%dma_start3A_236 : memref<80x125xi32, #tpu.memory_space<hbm>>) target(%arg6 : memref<80x125xi32, #tpu.memory_space<vmem>>) target_semaphore(%run_scoped3A_224 : memref<!tpu.dma_semaphore, #tpu.memory_space<semaphore_mem>>)
      %dma_wait3A_237 = arith.constant 0 : i32
      %dma_wait3A_238 = arith.constant 0 : i32
      %dma_wait3A_239 = tpu.memref_slice %arg3[%run_scoped3A_18, %dma_wait3A_237, %dma_wait3A_238] : memref<2x2560x125xi32, #tpu.memory_space<hbm>> -> memref<1x2560x125xi32, #tpu.memory_space<hbm>>
      %dma_wait3A_240 = tpu.memref_squeeze %dma_wait3A_239 : memref<1x2560x125xi32, #tpu.memory_space<hbm>> -> memref<2560x125xi32, #tpu.memory_space<hbm>>
      %dma_wait3A_241 = arith.constant 0 : i32
      %dma_wait3A_242 = tpu.memref_slice %dma_wait3A_240[%mul3A_17, %dma_wait3A_241] : memref<2560x125xi32, #tpu.memory_space<hbm>> -> memref<80x125xi32, #tpu.memory_space<hbm>>
      %dma_wait3A_243 = arith.constant 0 : i32
      %dma_wait3A_244 = arith.constant 0 : i32
      %dma_wait3A_245 = tpu.memref_slice %arg3[%run_scoped3A_18, %dma_wait3A_243, %dma_wait3A_244] : memref<2x2560x125xi32, #tpu.memory_space<hbm>> -> memref<1x2560x125xi32, #tpu.memory_space<hbm>>
      %dma_wait3A_246 = tpu.memref_squeeze %dma_wait3A_245 : memref<1x2560x125xi32, #tpu.memory_space<hbm>> -> memref<2560x125xi32, #tpu.memory_space<hbm>>
      %dma_wait3A_247 = arith.constant 0 : i32
      %dma_wait3A_248 = tpu.memref_slice %dma_wait3A_246[%mul3A_17, %dma_wait3A_247] : memref<2560x125xi32, #tpu.memory_space<hbm>> -> memref<80x125xi32, #tpu.memory_space<hbm>>
      tpu.wait_dma2 semaphore(%run_scoped3A_224 : memref<!tpu.dma_semaphore, #tpu.memory_space<semaphore_mem>>) src(%dma_wait3A_248 : memref<80x125xi32, #tpu.memory_space<hbm>>) dst(%arg6 : memref<80x125xi32, #tpu.memory_space<vmem>>)
      tpu.yield
    }) : () -> ()
    %dma_start3A = arith.constant 0 : i32
    %dma_start3A_19 = arith.constant 0 : i32
    %dma_start3A_20 = arith.constant 0 : i32
    %dma_start3A_21 = arith.constant 0 : i32
    %dma_start3A_22 = tpu.memref_slice %arg7[%dma_start3A_19, %dma_start3A_20, %dma_start3A_21] : memref<16x125x16xf32, #tpu.memory_space<vmem>> -> memref<1x125x16xf32, #tpu.memory_space<vmem>>
    %dma_start3A_23 = tpu.memref_squeeze %dma_start3A_22 : memref<1x125x16xf32, #tpu.memory_space<vmem>> -> memref<125x16xf32, #tpu.memory_space<vmem>>
    %dma_start3A_24 = arith.constant 0 : i32
    %dma_start3A_25 = tpu.memref_slice %arg5[%dma_start3A, %dma_start3A_24] : memref<80x125xi32, #tpu.memory_space<vmem>> -> memref<1x125xi32, #tpu.memory_space<vmem>>
    %dma_start3A_26 = tpu.memref_squeeze %dma_start3A_25 : memref<1x125xi32, #tpu.memory_space<vmem>> -> memref<125xi32, #tpu.memory_space<vmem>>
    %dma_start3A_27 = arith.constant 0 : i32
    %dma_start3A_28 = arith.constant 0 : i32
    %dma_start3A_29 = tpu.memref_slice %arg10[%dma_start3A_27, %dma_start3A_28] : memref<10000x16xf32, #tpu.memory_space<vmem_shared>> -> memref<10000x16xf32, #tpu.memory_space<vmem_shared>>
    tpu.enqueue_indirect_dma source(%dma_start3A_29 : memref<10000x16xf32, #tpu.memory_space<vmem_shared>>) target(%dma_start3A_23 : memref<125x16xf32, #tpu.memory_space<vmem>>) offsets(%dma_start3A_26 : memref<125xi32, #tpu.memory_space<vmem>>) semaphore(%arg11 : memref<!tpu.dma_semaphore, #tpu.memory_space<semaphore_mem>>)
    %dma_start3A_30 = arith.constant 1 : i32
    %dma_start3A_31 = arith.constant 1 : i32
    %dma_start3A_32 = arith.constant 0 : i32
    %dma_start3A_33 = arith.constant 0 : i32
    %dma_start3A_34 = tpu.memref_slice %arg7[%dma_start3A_31, %dma_start3A_32, %dma_start3A_33] : memref<16x125x16xf32, #tpu.memory_space<vmem>> -> memref<1x125x16xf32, #tpu.memory_space<vmem>>
    %dma_start3A_35 = tpu.memref_squeeze %dma_start3A_34 : memref<1x125x16xf32, #tpu.memory_space<vmem>> -> memref<125x16xf32, #tpu.memory_space<vmem>>
    %dma_start3A_36 = arith.constant 0 : i32
    %dma_start3A_37 = tpu.memref_slice %arg5[%dma_start3A_30, %dma_start3A_36] : memref<80x125xi32, #tpu.memory_space<vmem>> -> memref<1x125xi32, #tpu.memory_space<vmem>>
    %dma_start3A_38 = tpu.memref_squeeze %dma_start3A_37 : memref<1x125xi32, #tpu.memory_space<vmem>> -> memref<125xi32, #tpu.memory_space<vmem>>
    %dma_start3A_39 = arith.constant 0 : i32
    %dma_start3A_40 = arith.constant 0 : i32
    %dma_start3A_41 = tpu.memref_slice %arg10[%dma_start3A_39, %dma_start3A_40] : memref<10000x16xf32, #tpu.memory_space<vmem_shared>> -> memref<10000x16xf32, #tpu.memory_space<vmem_shared>>
    tpu.enqueue_indirect_dma source(%dma_start3A_41 : memref<10000x16xf32, #tpu.memory_space<vmem_shared>>) target(%dma_start3A_35 : memref<125x16xf32, #tpu.memory_space<vmem>>) offsets(%dma_start3A_38 : memref<125xi32, #tpu.memory_space<vmem>>) semaphore(%arg11 : memref<!tpu.dma_semaphore, #tpu.memory_space<semaphore_mem>>)
    %dma_start3A_42 = arith.constant 2 : i32
    %dma_start3A_43 = arith.constant 2 : i32
    %dma_start3A_44 = arith.constant 0 : i32
    %dma_start3A_45 = arith.constant 0 : i32
    %dma_start3A_46 = tpu.memref_slice %arg7[%dma_start3A_43, %dma_start3A_44, %dma_start3A_45] : memref<16x125x16xf32, #tpu.memory_space<vmem>> -> memref<1x125x16xf32, #tpu.memory_space<vmem>>
    %dma_start3A_47 = tpu.memref_squeeze %dma_start3A_46 : memref<1x125x16xf32, #tpu.memory_space<vmem>> -> memref<125x16xf32, #tpu.memory_space<vmem>>
    %dma_start3A_48 = arith.constant 0 : i32
    %dma_start3A_49 = tpu.memref_slice %arg5[%dma_start3A_42, %dma_start3A_48] : memref<80x125xi32, #tpu.memory_space<vmem>> -> memref<1x125xi32, #tpu.memory_space<vmem>>
    %dma_start3A_50 = tpu.memref_squeeze %dma_start3A_49 : memref<1x125xi32, #tpu.memory_space<vmem>> -> memref<125xi32, #tpu.memory_space<vmem>>
    %dma_start3A_51 = arith.constant 0 : i32
    %dma_start3A_52 = arith.constant 0 : i32
    %dma_start3A_53 = tpu.memref_slice %arg10[%dma_start3A_51, %dma_start3A_52] : memref<10000x16xf32, #tpu.memory_space<vmem_shared>> -> memref<10000x16xf32, #tpu.memory_space<vmem_shared>>
    tpu.enqueue_indirect_dma source(%dma_start3A_53 : memref<10000x16xf32, #tpu.memory_space<vmem_shared>>) target(%dma_start3A_47 : memref<125x16xf32, #tpu.memory_space<vmem>>) offsets(%dma_start3A_50 : memref<125xi32, #tpu.memory_space<vmem>>) semaphore(%arg11 : memref<!tpu.dma_semaphore, #tpu.memory_space<semaphore_mem>>)
    %dma_start3A_54 = arith.constant 3 : i32
    %dma_start3A_55 = arith.constant 3 : i32
    %dma_start3A_56 = arith.constant 0 : i32
    %dma_start3A_57 = arith.constant 0 : i32
    %dma_start3A_58 = tpu.memref_slice %arg7[%dma_start3A_55, %dma_start3A_56, %dma_start3A_57] : memref<16x125x16xf32, #tpu.memory_space<vmem>> -> memref<1x125x16xf32, #tpu.memory_space<vmem>>
    %dma_start3A_59 = tpu.memref_squeeze %dma_start3A_58 : memref<1x125x16xf32, #tpu.memory_space<vmem>> -> memref<125x16xf32, #tpu.memory_space<vmem>>
    %dma_start3A_60 = arith.constant 0 : i32
    %dma_start3A_61 = tpu.memref_slice %arg5[%dma_start3A_54, %dma_start3A_60] : memref<80x125xi32, #tpu.memory_space<vmem>> -> memref<1x125xi32, #tpu.memory_space<vmem>>
    %dma_start3A_62 = tpu.memref_squeeze %dma_start3A_61 : memref<1x125xi32, #tpu.memory_space<vmem>> -> memref<125xi32, #tpu.memory_space<vmem>>
    %dma_start3A_63 = arith.constant 0 : i32
    %dma_start3A_64 = arith.constant 0 : i32
    %dma_start3A_65 = tpu.memref_slice %arg10[%dma_start3A_63, %dma_start3A_64] : memref<10000x16xf32, #tpu.memory_space<vmem_shared>> -> memref<10000x16xf32, #tpu.memory_space<vmem_shared>>
    tpu.enqueue_indirect_dma source(%dma_start3A_65 : memref<10000x16xf32, #tpu.memory_space<vmem_shared>>) target(%dma_start3A_59 : memref<125x16xf32, #tpu.memory_space<vmem>>) offsets(%dma_start3A_62 : memref<125xi32, #tpu.memory_space<vmem>>) semaphore(%arg11 : memref<!tpu.dma_semaphore, #tpu.memory_space<semaphore_mem>>)
    %dma_start3A_66 = arith.constant 4 : i32
    %dma_start3A_67 = arith.constant 4 : i32
    %dma_start3A_68 = arith.constant 0 : i32
    %dma_start3A_69 = arith.constant 0 : i32
    %dma_start3A_70 = tpu.memref_slice %arg7[%dma_start3A_67, %dma_start3A_68, %dma_start3A_69] : memref<16x125x16xf32, #tpu.memory_space<vmem>> -> memref<1x125x16xf32, #tpu.memory_space<vmem>>
    %dma_start3A_71 = tpu.memref_squeeze %dma_start3A_70 : memref<1x125x16xf32, #tpu.memory_space<vmem>> -> memref<125x16xf32, #tpu.memory_space<vmem>>
    %dma_start3A_72 = arith.constant 0 : i32
    %dma_start3A_73 = tpu.memref_slice %arg5[%dma_start3A_66, %dma_start3A_72] : memref<80x125xi32, #tpu.memory_space<vmem>> -> memref<1x125xi32, #tpu.memory_space<vmem>>
    %dma_start3A_74 = tpu.memref_squeeze %dma_start3A_73 : memref<1x125xi32, #tpu.memory_space<vmem>> -> memref<125xi32, #tpu.memory_space<vmem>>
    %dma_start3A_75 = arith.constant 0 : i32
    %dma_start3A_76 = arith.constant 0 : i32
    %dma_start3A_77 = tpu.memref_slice %arg10[%dma_start3A_75, %dma_start3A_76] : memref<10000x16xf32, #tpu.memory_space<vmem_shared>> -> memref<10000x16xf32, #tpu.memory_space<vmem_shared>>
    tpu.enqueue_indirect_dma source(%dma_start3A_77 : memref<10000x16xf32, #tpu.memory_space<vmem_shared>>) target(%dma_start3A_71 : memref<125x16xf32, #tpu.memory_space<vmem>>) offsets(%dma_start3A_74 : memref<125xi32, #tpu.memory_space<vmem>>) semaphore(%arg11 : memref<!tpu.dma_semaphore, #tpu.memory_space<semaphore_mem>>)
    %dma_start3A_78 = arith.constant 5 : i32
    %dma_start3A_79 = arith.constant 5 : i32
    %dma_start3A_80 = arith.constant 0 : i32
    %dma_start3A_81 = arith.constant 0 : i32
    %dma_start3A_82 = tpu.memref_slice %arg7[%dma_start3A_79, %dma_start3A_80, %dma_start3A_81] : memref<16x125x16xf32, #tpu.memory_space<vmem>> -> memref<1x125x16xf32, #tpu.memory_space<vmem>>
    %dma_start3A_83 = tpu.memref_squeeze %dma_start3A_82 : memref<1x125x16xf32, #tpu.memory_space<vmem>> -> memref<125x16xf32, #tpu.memory_space<vmem>>
    %dma_start3A_84 = arith.constant 0 : i32
    %dma_start3A_85 = tpu.memref_slice %arg5[%dma_start3A_78, %dma_start3A_84] : memref<80x125xi32, #tpu.memory_space<vmem>> -> memref<1x125xi32, #tpu.memory_space<vmem>>
    %dma_start3A_86 = tpu.memref_squeeze %dma_start3A_85 : memref<1x125xi32, #tpu.memory_space<vmem>> -> memref<125xi32, #tpu.memory_space<vmem>>
    %dma_start3A_87 = arith.constant 0 : i32
    %dma_start3A_88 = arith.constant 0 : i32
    %dma_start3A_89 = tpu.memref_slice %arg10[%dma_start3A_87, %dma_start3A_88] : memref<10000x16xf32, #tpu.memory_space<vmem_shared>> -> memref<10000x16xf32, #tpu.memory_space<vmem_shared>>
    tpu.enqueue_indirect_dma source(%dma_start3A_89 : memref<10000x16xf32, #tpu.memory_space<vmem_shared>>) target(%dma_start3A_83 : memref<125x16xf32, #tpu.memory_space<vmem>>) offsets(%dma_start3A_86 : memref<125xi32, #tpu.memory_space<vmem>>) semaphore(%arg11 : memref<!tpu.dma_semaphore, #tpu.memory_space<semaphore_mem>>)
    %dma_start3A_90 = arith.constant 6 : i32
    %dma_start3A_91 = arith.constant 6 : i32
    %dma_start3A_92 = arith.constant 0 : i32
    %dma_start3A_93 = arith.constant 0 : i32
    %dma_start3A_94 = tpu.memref_slice %arg7[%dma_start3A_91, %dma_start3A_92, %dma_start3A_93] : memref<16x125x16xf32, #tpu.memory_space<vmem>> -> memref<1x125x16xf32, #tpu.memory_space<vmem>>
    %dma_start3A_95 = tpu.memref_squeeze %dma_start3A_94 : memref<1x125x16xf32, #tpu.memory_space<vmem>> -> memref<125x16xf32, #tpu.memory_space<vmem>>
    %dma_start3A_96 = arith.constant 0 : i32
    %dma_start3A_97 = tpu.memref_slice %arg5[%dma_start3A_90, %dma_start3A_96] : memref<80x125xi32, #tpu.memory_space<vmem>> -> memref<1x125xi32, #tpu.memory_space<vmem>>
    %dma_start3A_98 = tpu.memref_squeeze %dma_start3A_97 : memref<1x125xi32, #tpu.memory_space<vmem>> -> memref<125xi32, #tpu.memory_space<vmem>>
    %dma_start3A_99 = arith.constant 0 : i32
    %dma_start3A_100 = arith.constant 0 : i32
    %dma_start3A_101 = tpu.memref_slice %arg10[%dma_start3A_99, %dma_start3A_100] : memref<10000x16xf32, #tpu.memory_space<vmem_shared>> -> memref<10000x16xf32, #tpu.memory_space<vmem_shared>>
    tpu.enqueue_indirect_dma source(%dma_start3A_101 : memref<10000x16xf32, #tpu.memory_space<vmem_shared>>) target(%dma_start3A_95 : memref<125x16xf32, #tpu.memory_space<vmem>>) offsets(%dma_start3A_98 : memref<125xi32, #tpu.memory_space<vmem>>) semaphore(%arg11 : memref<!tpu.dma_semaphore, #tpu.memory_space<semaphore_mem>>)
    %dma_start3A_102 = arith.constant 7 : i32
    %dma_start3A_103 = arith.constant 7 : i32
    %dma_start3A_104 = arith.constant 0 : i32
    %dma_start3A_105 = arith.constant 0 : i32
    %dma_start3A_106 = tpu.memref_slice %arg7[%dma_start3A_103, %dma_start3A_104, %dma_start3A_105] : memref<16x125x16xf32, #tpu.memory_space<vmem>> -> memref<1x125x16xf32, #tpu.memory_space<vmem>>
    %dma_start3A_107 = tpu.memref_squeeze %dma_start3A_106 : memref<1x125x16xf32, #tpu.memory_space<vmem>> -> memref<125x16xf32, #tpu.memory_space<vmem>>
    %dma_start3A_108 = arith.constant 0 : i32
    %dma_start3A_109 = tpu.memref_slice %arg5[%dma_start3A_102, %dma_start3A_108] : memref<80x125xi32, #tpu.memory_space<vmem>> -> memref<1x125xi32, #tpu.memory_space<vmem>>
    %dma_start3A_110 = tpu.memref_squeeze %dma_start3A_109 : memref<1x125xi32, #tpu.memory_space<vmem>> -> memref<125xi32, #tpu.memory_space<vmem>>
    %dma_start3A_111 = arith.constant 0 : i32
    %dma_start3A_112 = arith.constant 0 : i32
    %dma_start3A_113 = tpu.memref_slice %arg10[%dma_start3A_111, %dma_start3A_112] : memref<10000x16xf32, #tpu.memory_space<vmem_shared>> -> memref<10000x16xf32, #tpu.memory_space<vmem_shared>>
    tpu.enqueue_indirect_dma source(%dma_start3A_113 : memref<10000x16xf32, #tpu.memory_space<vmem_shared>>) target(%dma_start3A_107 : memref<125x16xf32, #tpu.memory_space<vmem>>) offsets(%dma_start3A_110 : memref<125xi32, #tpu.memory_space<vmem>>) semaphore(%arg11 : memref<!tpu.dma_semaphore, #tpu.memory_space<semaphore_mem>>)
    %scan3A_114 = arith.constant 0 : i32
    %scan3A_115 = arith.constant 0 : i32
    %scan3A_116 = arith.constant 10 : i32
    %scan3A_117 = arith.addi %scan3A_115, %scan3A_116 : i32
    %scan3A_118 = arith.constant 1 : i32
    %scan3A_119 = scf.for %scan3A_224 = %scan3A_115 to %scan3A_117 step %scan3A_118 iter_args(%scan3A_225 = %scan3A_114) -> (i32)  : i32 {
      %jit3A = arith.constant 2 : i32
      %eq3A = arith.constant 0 : i32
      %eq3A_226 = arith.cmpi eq, %jit3A, %eq3A : i32
      %jit3A_227 = arith.constant 1 : i32
      %select_n3A = arith.select %eq3A_226, %jit3A_227, %jit3A : i32
      %rem3A = arith.remsi %scan3A_224, %select_n3A : i32
      %ne3A = arith.constant 0 : i32
      %ne3A_228 = arith.cmpi ne, %rem3A, %ne3A : i32
      %lt3A = arith.constant 0 : i32
      %lt3A_229 = arith.cmpi slt, %rem3A, %lt3A : i32
      %lt3A_230 = arith.constant 0 : i32
      %lt3A_231 = arith.cmpi slt, %select_n3A, %lt3A_230 : i32
      %ne3A_232 = arith.xori %lt3A_229, %lt3A_231 : i1
      %and3A = arith.andi %ne3A_232, %ne3A_228 : i1
      %add3A_233 = arith.addi %rem3A, %select_n3A : i32
      %select_n3A_234 = arith.select %and3A, %add3A_233, %rem3A : i32
      %mul3A_235 = arith.constant 8 : i32
      %mul3A_236 = arith.muli %select_n3A_234, %mul3A_235 : i32
      %add3A_237 = arith.constant 1 : i32
      %add3A_238 = arith.addi %scan3A_224, %add3A_237 : i32
      %jit3A_239 = arith.constant 2 : i32
      %eq3A_240 = arith.constant 0 : i32
      %eq3A_241 = arith.cmpi eq, %jit3A_239, %eq3A_240 : i32
      %jit3A_242 = arith.constant 1 : i32
      %select_n3A_243 = arith.select %eq3A_241, %jit3A_242, %jit3A_239 : i32
      %rem3A_244 = arith.remsi %add3A_238, %select_n3A_243 : i32
      %ne3A_245 = arith.constant 0 : i32
      %ne3A_246 = arith.cmpi ne, %rem3A_244, %ne3A_245 : i32
      %lt3A_247 = arith.constant 0 : i32
      %lt3A_248 = arith.cmpi slt, %rem3A_244, %lt3A_247 : i32
      %lt3A_249 = arith.constant 0 : i32
      %lt3A_250 = arith.cmpi slt, %select_n3A_243, %lt3A_249 : i32
      %ne3A_251 = arith.xori %lt3A_248, %lt3A_250 : i1
      %and3A_252 = arith.andi %ne3A_251, %ne3A_246 : i1
      %add3A_253 = arith.addi %rem3A_244, %select_n3A_243 : i32
      %select_n3A_254 = arith.select %and3A_252, %add3A_253, %rem3A_244 : i32
      %mul3A_255 = arith.constant 8 : i32
      %mul3A_256 = arith.muli %select_n3A_254, %mul3A_255 : i32
      %add3A_257 = arith.constant 0 : i32
      %add3A_258 = arith.addi %mul3A_236, %add3A_257 : i32
      %dma_wait3A_259 = arith.constant 0 : i32
      %dma_wait3A_260 = arith.constant 0 : i32
      %dma_wait3A_261 = arith.constant 0 : i32
      %dma_wait3A_262 = tpu.memref_slice %arg7[%add3A_258, %dma_wait3A_260, %dma_wait3A_261] : memref<16x125x16xf32, #tpu.memory_space<vmem>> -> memref<1x125x16xf32, #tpu.memory_space<vmem>>
      %dma_wait3A_263 = tpu.memref_squeeze %dma_wait3A_262 : memref<1x125x16xf32, #tpu.memory_space<vmem>> -> memref<125x16xf32, #tpu.memory_space<vmem>>
      %dma_wait3A_264 = arith.constant 0 : i32
      %dma_wait3A_265 = tpu.memref_slice %arg5[%dma_wait3A_259, %dma_wait3A_264] : memref<80x125xi32, #tpu.memory_space<vmem>> -> memref<1x125xi32, #tpu.memory_space<vmem>>
      %dma_wait3A_266 = tpu.memref_squeeze %dma_wait3A_265 : memref<1x125xi32, #tpu.memory_space<vmem>> -> memref<125xi32, #tpu.memory_space<vmem>>
      %dma_wait3A_267 = arith.constant 0 : i32
      %dma_wait3A_268 = arith.constant 0 : i32
      %dma_wait3A_269 = tpu.memref_slice %arg10[%dma_wait3A_267, %dma_wait3A_268] : memref<10000x16xf32, #tpu.memory_space<vmem_shared>> -> memref<10000x16xf32, #tpu.memory_space<vmem_shared>>
      tpu.wait_indirect_dma semaphore(%arg11 : memref<!tpu.dma_semaphore, #tpu.memory_space<semaphore_mem>>) src(%dma_wait3A_269 : memref<10000x16xf32, #tpu.memory_space<vmem_shared>>) dst(%dma_wait3A_263 : memref<125x16xf32, #tpu.memory_space<vmem>>)
      %add3A_270 = arith.constant 1 : i32
      %add3A_271 = arith.addi %mul3A_236, %add3A_270 : i32
      %dma_wait3A_272 = arith.constant 1 : i32
      %dma_wait3A_273 = arith.constant 0 : i32
      %dma_wait3A_274 = arith.constant 0 : i32
      %dma_wait3A_275 = tpu.memref_slice %arg7[%add3A_271, %dma_wait3A_273, %dma_wait3A_274] : memref<16x125x16xf32, #tpu.memory_space<vmem>> -> memref<1x125x16xf32, #tpu.memory_space<vmem>>
      %dma_wait3A_276 = tpu.memref_squeeze %dma_wait3A_275 : memref<1x125x16xf32, #tpu.memory_space<vmem>> -> memref<125x16xf32, #tpu.memory_space<vmem>>
      %dma_wait3A_277 = arith.constant 0 : i32
      %dma_wait3A_278 = tpu.memref_slice %arg5[%dma_wait3A_272, %dma_wait3A_277] : memref<80x125xi32, #tpu.memory_space<vmem>> -> memref<1x125xi32, #tpu.memory_space<vmem>>
      %dma_wait3A_279 = tpu.memref_squeeze %dma_wait3A_278 : memref<1x125xi32, #tpu.memory_space<vmem>> -> memref<125xi32, #tpu.memory_space<vmem>>
      %dma_wait3A_280 = arith.constant 0 : i32
      %dma_wait3A_281 = arith.constant 0 : i32
      %dma_wait3A_282 = tpu.memref_slice %arg10[%dma_wait3A_280, %dma_wait3A_281] : memref<10000x16xf32, #tpu.memory_space<vmem_shared>> -> memref<10000x16xf32, #tpu.memory_space<vmem_shared>>
      tpu.wait_indirect_dma semaphore(%arg11 : memref<!tpu.dma_semaphore, #tpu.memory_space<semaphore_mem>>) src(%dma_wait3A_282 : memref<10000x16xf32, #tpu.memory_space<vmem_shared>>) dst(%dma_wait3A_276 : memref<125x16xf32, #tpu.memory_space<vmem>>)
      %add3A_283 = arith.constant 2 : i32
      %add3A_284 = arith.addi %mul3A_236, %add3A_283 : i32
      %dma_wait3A_285 = arith.constant 2 : i32
      %dma_wait3A_286 = arith.constant 0 : i32
      %dma_wait3A_287 = arith.constant 0 : i32
      %dma_wait3A_288 = tpu.memref_slice %arg7[%add3A_284, %dma_wait3A_286, %dma_wait3A_287] : memref<16x125x16xf32, #tpu.memory_space<vmem>> -> memref<1x125x16xf32, #tpu.memory_space<vmem>>
      %dma_wait3A_289 = tpu.memref_squeeze %dma_wait3A_288 : memref<1x125x16xf32, #tpu.memory_space<vmem>> -> memref<125x16xf32, #tpu.memory_space<vmem>>
      %dma_wait3A_290 = arith.constant 0 : i32
      %dma_wait3A_291 = tpu.memref_slice %arg5[%dma_wait3A_285, %dma_wait3A_290] : memref<80x125xi32, #tpu.memory_space<vmem>> -> memref<1x125xi32, #tpu.memory_space<vmem>>
      %dma_wait3A_292 = tpu.memref_squeeze %dma_wait3A_291 : memref<1x125xi32, #tpu.memory_space<vmem>> -> memref<125xi32, #tpu.memory_space<vmem>>
      %dma_wait3A_293 = arith.constant 0 : i32
      %dma_wait3A_294 = arith.constant 0 : i32
      %dma_wait3A_295 = tpu.memref_slice %arg10[%dma_wait3A_293, %dma_wait3A_294] : memref<10000x16xf32, #tpu.memory_space<vmem_shared>> -> memref<10000x16xf32, #tpu.memory_space<vmem_shared>>
      tpu.wait_indirect_dma semaphore(%arg11 : memref<!tpu.dma_semaphore, #tpu.memory_space<semaphore_mem>>) src(%dma_wait3A_295 : memref<10000x16xf32, #tpu.memory_space<vmem_shared>>) dst(%dma_wait3A_289 : memref<125x16xf32, #tpu.memory_space<vmem>>)
      %add3A_296 = arith.constant 3 : i32
      %add3A_297 = arith.addi %mul3A_236, %add3A_296 : i32
      %dma_wait3A_298 = arith.constant 3 : i32
      %dma_wait3A_299 = arith.constant 0 : i32
      %dma_wait3A_300 = arith.constant 0 : i32
      %dma_wait3A_301 = tpu.memref_slice %arg7[%add3A_297, %dma_wait3A_299, %dma_wait3A_300] : memref<16x125x16xf32, #tpu.memory_space<vmem>> -> memref<1x125x16xf32, #tpu.memory_space<vmem>>
      %dma_wait3A_302 = tpu.memref_squeeze %dma_wait3A_301 : memref<1x125x16xf32, #tpu.memory_space<vmem>> -> memref<125x16xf32, #tpu.memory_space<vmem>>
      %dma_wait3A_303 = arith.constant 0 : i32
      %dma_wait3A_304 = tpu.memref_slice %arg5[%dma_wait3A_298, %dma_wait3A_303] : memref<80x125xi32, #tpu.memory_space<vmem>> -> memref<1x125xi32, #tpu.memory_space<vmem>>
      %dma_wait3A_305 = tpu.memref_squeeze %dma_wait3A_304 : memref<1x125xi32, #tpu.memory_space<vmem>> -> memref<125xi32, #tpu.memory_space<vmem>>
      %dma_wait3A_306 = arith.constant 0 : i32
      %dma_wait3A_307 = arith.constant 0 : i32
      %dma_wait3A_308 = tpu.memref_slice %arg10[%dma_wait3A_306, %dma_wait3A_307] : memref<10000x16xf32, #tpu.memory_space<vmem_shared>> -> memref<10000x16xf32, #tpu.memory_space<vmem_shared>>
      tpu.wait_indirect_dma semaphore(%arg11 : memref<!tpu.dma_semaphore, #tpu.memory_space<semaphore_mem>>) src(%dma_wait3A_308 : memref<10000x16xf32, #tpu.memory_space<vmem_shared>>) dst(%dma_wait3A_302 : memref<125x16xf32, #tpu.memory_space<vmem>>)
      %add3A_309 = arith.constant 4 : i32
      %add3A_310 = arith.addi %mul3A_236, %add3A_309 : i32
      %dma_wait3A_311 = arith.constant 4 : i32
      %dma_wait3A_312 = arith.constant 0 : i32
      %dma_wait3A_313 = arith.constant 0 : i32
      %dma_wait3A_314 = tpu.memref_slice %arg7[%add3A_310, %dma_wait3A_312, %dma_wait3A_313] : memref<16x125x16xf32, #tpu.memory_space<vmem>> -> memref<1x125x16xf32, #tpu.memory_space<vmem>>
      %dma_wait3A_315 = tpu.memref_squeeze %dma_wait3A_314 : memref<1x125x16xf32, #tpu.memory_space<vmem>> -> memref<125x16xf32, #tpu.memory_space<vmem>>
      %dma_wait3A_316 = arith.constant 0 : i32
      %dma_wait3A_317 = tpu.memref_slice %arg5[%dma_wait3A_311, %dma_wait3A_316] : memref<80x125xi32, #tpu.memory_space<vmem>> -> memref<1x125xi32, #tpu.memory_space<vmem>>
      %dma_wait3A_318 = tpu.memref_squeeze %dma_wait3A_317 : memref<1x125xi32, #tpu.memory_space<vmem>> -> memref<125xi32, #tpu.memory_space<vmem>>
      %dma_wait3A_319 = arith.constant 0 : i32
      %dma_wait3A_320 = arith.constant 0 : i32
      %dma_wait3A_321 = tpu.memref_slice %arg10[%dma_wait3A_319, %dma_wait3A_320] : memref<10000x16xf32, #tpu.memory_space<vmem_shared>> -> memref<10000x16xf32, #tpu.memory_space<vmem_shared>>
      tpu.wait_indirect_dma semaphore(%arg11 : memref<!tpu.dma_semaphore, #tpu.memory_space<semaphore_mem>>) src(%dma_wait3A_321 : memref<10000x16xf32, #tpu.memory_space<vmem_shared>>) dst(%dma_wait3A_315 : memref<125x16xf32, #tpu.memory_space<vmem>>)
      %add3A_322 = arith.constant 5 : i32
      %add3A_323 = arith.addi %mul3A_236, %add3A_322 : i32
      %dma_wait3A_324 = arith.constant 5 : i32
      %dma_wait3A_325 = arith.constant 0 : i32
      %dma_wait3A_326 = arith.constant 0 : i32
      %dma_wait3A_327 = tpu.memref_slice %arg7[%add3A_323, %dma_wait3A_325, %dma_wait3A_326] : memref<16x125x16xf32, #tpu.memory_space<vmem>> -> memref<1x125x16xf32, #tpu.memory_space<vmem>>
      %dma_wait3A_328 = tpu.memref_squeeze %dma_wait3A_327 : memref<1x125x16xf32, #tpu.memory_space<vmem>> -> memref<125x16xf32, #tpu.memory_space<vmem>>
      %dma_wait3A_329 = arith.constant 0 : i32
      %dma_wait3A_330 = tpu.memref_slice %arg5[%dma_wait3A_324, %dma_wait3A_329] : memref<80x125xi32, #tpu.memory_space<vmem>> -> memref<1x125xi32, #tpu.memory_space<vmem>>
      %dma_wait3A_331 = tpu.memref_squeeze %dma_wait3A_330 : memref<1x125xi32, #tpu.memory_space<vmem>> -> memref<125xi32, #tpu.memory_space<vmem>>
      %dma_wait3A_332 = arith.constant 0 : i32
      %dma_wait3A_333 = arith.constant 0 : i32
      %dma_wait3A_334 = tpu.memref_slice %arg10[%dma_wait3A_332, %dma_wait3A_333] : memref<10000x16xf32, #tpu.memory_space<vmem_shared>> -> memref<10000x16xf32, #tpu.memory_space<vmem_shared>>
      tpu.wait_indirect_dma semaphore(%arg11 : memref<!tpu.dma_semaphore, #tpu.memory_space<semaphore_mem>>) src(%dma_wait3A_334 : memref<10000x16xf32, #tpu.memory_space<vmem_shared>>) dst(%dma_wait3A_328 : memref<125x16xf32, #tpu.memory_space<vmem>>)
      %add3A_335 = arith.constant 6 : i32
      %add3A_336 = arith.addi %mul3A_236, %add3A_335 : i32
      %dma_wait3A_337 = arith.constant 6 : i32
      %dma_wait3A_338 = arith.constant 0 : i32
      %dma_wait3A_339 = arith.constant 0 : i32
      %dma_wait3A_340 = tpu.memref_slice %arg7[%add3A_336, %dma_wait3A_338, %dma_wait3A_339] : memref<16x125x16xf32, #tpu.memory_space<vmem>> -> memref<1x125x16xf32, #tpu.memory_space<vmem>>
      %dma_wait3A_341 = tpu.memref_squeeze %dma_wait3A_340 : memref<1x125x16xf32, #tpu.memory_space<vmem>> -> memref<125x16xf32, #tpu.memory_space<vmem>>
      %dma_wait3A_342 = arith.constant 0 : i32
      %dma_wait3A_343 = tpu.memref_slice %arg5[%dma_wait3A_337, %dma_wait3A_342] : memref<80x125xi32, #tpu.memory_space<vmem>> -> memref<1x125xi32, #tpu.memory_space<vmem>>
      %dma_wait3A_344 = tpu.memref_squeeze %dma_wait3A_343 : memref<1x125xi32, #tpu.memory_space<vmem>> -> memref<125xi32, #tpu.memory_space<vmem>>
      %dma_wait3A_345 = arith.constant 0 : i32
      %dma_wait3A_346 = arith.constant 0 : i32
      %dma_wait3A_347 = tpu.memref_slice %arg10[%dma_wait3A_345, %dma_wait3A_346] : memref<10000x16xf32, #tpu.memory_space<vmem_shared>> -> memref<10000x16xf32, #tpu.memory_space<vmem_shared>>
      tpu.wait_indirect_dma semaphore(%arg11 : memref<!tpu.dma_semaphore, #tpu.memory_space<semaphore_mem>>) src(%dma_wait3A_347 : memref<10000x16xf32, #tpu.memory_space<vmem_shared>>) dst(%dma_wait3A_341 : memref<125x16xf32, #tpu.memory_space<vmem>>)
      %add3A_348 = arith.constant 7 : i32
      %add3A_349 = arith.addi %mul3A_236, %add3A_348 : i32
      %dma_wait3A_350 = arith.constant 7 : i32
      %dma_wait3A_351 = arith.constant 0 : i32
      %dma_wait3A_352 = arith.constant 0 : i32
      %dma_wait3A_353 = tpu.memref_slice %arg7[%add3A_349, %dma_wait3A_351, %dma_wait3A_352] : memref<16x125x16xf32, #tpu.memory_space<vmem>> -> memref<1x125x16xf32, #tpu.memory_space<vmem>>
      %dma_wait3A_354 = tpu.memref_squeeze %dma_wait3A_353 : memref<1x125x16xf32, #tpu.memory_space<vmem>> -> memref<125x16xf32, #tpu.memory_space<vmem>>
      %dma_wait3A_355 = arith.constant 0 : i32
      %dma_wait3A_356 = tpu.memref_slice %arg5[%dma_wait3A_350, %dma_wait3A_355] : memref<80x125xi32, #tpu.memory_space<vmem>> -> memref<1x125xi32, #tpu.memory_space<vmem>>
      %dma_wait3A_357 = tpu.memref_squeeze %dma_wait3A_356 : memref<1x125xi32, #tpu.memory_space<vmem>> -> memref<125xi32, #tpu.memory_space<vmem>>
      %dma_wait3A_358 = arith.constant 0 : i32
      %dma_wait3A_359 = arith.constant 0 : i32
      %dma_wait3A_360 = tpu.memref_slice %arg10[%dma_wait3A_358, %dma_wait3A_359] : memref<10000x16xf32, #tpu.memory_space<vmem_shared>> -> memref<10000x16xf32, #tpu.memory_space<vmem_shared>>
      tpu.wait_indirect_dma semaphore(%arg11 : memref<!tpu.dma_semaphore, #tpu.memory_space<semaphore_mem>>) src(%dma_wait3A_360 : memref<10000x16xf32, #tpu.memory_space<vmem_shared>>) dst(%dma_wait3A_354 : memref<125x16xf32, #tpu.memory_space<vmem>>)
      %gt3A = arith.constant 0 : i32
      %gt3A_361 = arith.cmpi sgt, %scan3A_224, %gt3A : i32
      %convert_element_type3A = arith.extui %gt3A_361 : i1 to i32
      %cond3A = arith.constant 0 : i32
      %cond3A_362 = arith.cmpi ne, %convert_element_type3A, %cond3A : i32
      scf.if %cond3A_362 {
        %add3A_499 = arith.constant 0 : i32
        %add3A_500 = arith.addi %mul3A_256, %add3A_499 : i32
        %dma_wait3A_501 = arith.constant 0 : i32
        %dma_wait3A_502 = arith.constant 0 : i32
        %dma_wait3A_503 = arith.constant 0 : i32
        %dma_wait3A_504 = tpu.memref_slice %arg7[%add3A_500, %dma_wait3A_502, %dma_wait3A_503] : memref<16x125x16xf32, #tpu.memory_space<vmem>> -> memref<1x125x16xf32, #tpu.memory_space<vmem>>
        %dma_wait3A_505 = tpu.memref_squeeze %dma_wait3A_504 : memref<1x125x16xf32, #tpu.memory_space<vmem>> -> memref<125x16xf32, #tpu.memory_space<vmem>>
        %dma_wait3A_506 = arith.constant 0 : i32
        %dma_wait3A_507 = tpu.memref_slice %arg6[%dma_wait3A_501, %dma_wait3A_506] : memref<80x125xi32, #tpu.memory_space<vmem>> -> memref<1x125xi32, #tpu.memory_space<vmem>>
        %dma_wait3A_508 = tpu.memref_squeeze %dma_wait3A_507 : memref<1x125xi32, #tpu.memory_space<vmem>> -> memref<125xi32, #tpu.memory_space<vmem>>
        %dma_wait3A_509 = arith.constant 0 : i32
        %dma_wait3A_510 = arith.constant 0 : i32
        %dma_wait3A_511 = tpu.memref_slice %arg9[%dma_wait3A_509, %dma_wait3A_510] : memref<10240x16xf32, #tpu.memory_space<vmem_shared>> -> memref<10240x16xf32, #tpu.memory_space<vmem_shared>>
        tpu.wait_indirect_dma semaphore(%arg12 : memref<!tpu.dma_semaphore, #tpu.memory_space<semaphore_mem>>) src(%dma_wait3A_505 : memref<125x16xf32, #tpu.memory_space<vmem>>) dst(%dma_wait3A_511 : memref<10240x16xf32, #tpu.memory_space<vmem_shared>>)
        %add3A_512 = arith.constant 1 : i32
        %add3A_513 = arith.addi %mul3A_256, %add3A_512 : i32
        %dma_wait3A_514 = arith.constant 1 : i32
        %dma_wait3A_515 = arith.constant 0 : i32
        %dma_wait3A_516 = arith.constant 0 : i32
        %dma_wait3A_517 = tpu.memref_slice %arg7[%add3A_513, %dma_wait3A_515, %dma_wait3A_516] : memref<16x125x16xf32, #tpu.memory_space<vmem>> -> memref<1x125x16xf32, #tpu.memory_space<vmem>>
        %dma_wait3A_518 = tpu.memref_squeeze %dma_wait3A_517 : memref<1x125x16xf32, #tpu.memory_space<vmem>> -> memref<125x16xf32, #tpu.memory_space<vmem>>
        %dma_wait3A_519 = arith.constant 0 : i32
        %dma_wait3A_520 = tpu.memref_slice %arg6[%dma_wait3A_514, %dma_wait3A_519] : memref<80x125xi32, #tpu.memory_space<vmem>> -> memref<1x125xi32, #tpu.memory_space<vmem>>
        %dma_wait3A_521 = tpu.memref_squeeze %dma_wait3A_520 : memref<1x125xi32, #tpu.memory_space<vmem>> -> memref<125xi32, #tpu.memory_space<vmem>>
        %dma_wait3A_522 = arith.constant 0 : i32
        %dma_wait3A_523 = arith.constant 0 : i32
        %dma_wait3A_524 = tpu.memref_slice %arg9[%dma_wait3A_522, %dma_wait3A_523] : memref<10240x16xf32, #tpu.memory_space<vmem_shared>> -> memref<10240x16xf32, #tpu.memory_space<vmem_shared>>
        tpu.wait_indirect_dma semaphore(%arg12 : memref<!tpu.dma_semaphore, #tpu.memory_space<semaphore_mem>>) src(%dma_wait3A_518 : memref<125x16xf32, #tpu.memory_space<vmem>>) dst(%dma_wait3A_524 : memref<10240x16xf32, #tpu.memory_space<vmem_shared>>)
        %add3A_525 = arith.constant 2 : i32
        %add3A_526 = arith.addi %mul3A_256, %add3A_525 : i32
        %dma_wait3A_527 = arith.constant 2 : i32
        %dma_wait3A_528 = arith.constant 0 : i32
        %dma_wait3A_529 = arith.constant 0 : i32
        %dma_wait3A_530 = tpu.memref_slice %arg7[%add3A_526, %dma_wait3A_528, %dma_wait3A_529] : memref<16x125x16xf32, #tpu.memory_space<vmem>> -> memref<1x125x16xf32, #tpu.memory_space<vmem>>
        %dma_wait3A_531 = tpu.memref_squeeze %dma_wait3A_530 : memref<1x125x16xf32, #tpu.memory_space<vmem>> -> memref<125x16xf32, #tpu.memory_space<vmem>>
        %dma_wait3A_532 = arith.constant 0 : i32
        %dma_wait3A_533 = tpu.memref_slice %arg6[%dma_wait3A_527, %dma_wait3A_532] : memref<80x125xi32, #tpu.memory_space<vmem>> -> memref<1x125xi32, #tpu.memory_space<vmem>>
        %dma_wait3A_534 = tpu.memref_squeeze %dma_wait3A_533 : memref<1x125xi32, #tpu.memory_space<vmem>> -> memref<125xi32, #tpu.memory_space<vmem>>
        %dma_wait3A_535 = arith.constant 0 : i32
        %dma_wait3A_536 = arith.constant 0 : i32
        %dma_wait3A_537 = tpu.memref_slice %arg9[%dma_wait3A_535, %dma_wait3A_536] : memref<10240x16xf32, #tpu.memory_space<vmem_shared>> -> memref<10240x16xf32, #tpu.memory_space<vmem_shared>>
        tpu.wait_indirect_dma semaphore(%arg12 : memref<!tpu.dma_semaphore, #tpu.memory_space<semaphore_mem>>) src(%dma_wait3A_531 : memref<125x16xf32, #tpu.memory_space<vmem>>) dst(%dma_wait3A_537 : memref<10240x16xf32, #tpu.memory_space<vmem_shared>>)
        %add3A_538 = arith.constant 3 : i32
        %add3A_539 = arith.addi %mul3A_256, %add3A_538 : i32
        %dma_wait3A_540 = arith.constant 3 : i32
        %dma_wait3A_541 = arith.constant 0 : i32
        %dma_wait3A_542 = arith.constant 0 : i32
        %dma_wait3A_543 = tpu.memref_slice %arg7[%add3A_539, %dma_wait3A_541, %dma_wait3A_542] : memref<16x125x16xf32, #tpu.memory_space<vmem>> -> memref<1x125x16xf32, #tpu.memory_space<vmem>>
        %dma_wait3A_544 = tpu.memref_squeeze %dma_wait3A_543 : memref<1x125x16xf32, #tpu.memory_space<vmem>> -> memref<125x16xf32, #tpu.memory_space<vmem>>
        %dma_wait3A_545 = arith.constant 0 : i32
        %dma_wait3A_546 = tpu.memref_slice %arg6[%dma_wait3A_540, %dma_wait3A_545] : memref<80x125xi32, #tpu.memory_space<vmem>> -> memref<1x125xi32, #tpu.memory_space<vmem>>
        %dma_wait3A_547 = tpu.memref_squeeze %dma_wait3A_546 : memref<1x125xi32, #tpu.memory_space<vmem>> -> memref<125xi32, #tpu.memory_space<vmem>>
        %dma_wait3A_548 = arith.constant 0 : i32
        %dma_wait3A_549 = arith.constant 0 : i32
        %dma_wait3A_550 = tpu.memref_slice %arg9[%dma_wait3A_548, %dma_wait3A_549] : memref<10240x16xf32, #tpu.memory_space<vmem_shared>> -> memref<10240x16xf32, #tpu.memory_space<vmem_shared>>
        tpu.wait_indirect_dma semaphore(%arg12 : memref<!tpu.dma_semaphore, #tpu.memory_space<semaphore_mem>>) src(%dma_wait3A_544 : memref<125x16xf32, #tpu.memory_space<vmem>>) dst(%dma_wait3A_550 : memref<10240x16xf32, #tpu.memory_space<vmem_shared>>)
        %add3A_551 = arith.constant 4 : i32
        %add3A_552 = arith.addi %mul3A_256, %add3A_551 : i32
        %dma_wait3A_553 = arith.constant 4 : i32
        %dma_wait3A_554 = arith.constant 0 : i32
        %dma_wait3A_555 = arith.constant 0 : i32
        %dma_wait3A_556 = tpu.memref_slice %arg7[%add3A_552, %dma_wait3A_554, %dma_wait3A_555] : memref<16x125x16xf32, #tpu.memory_space<vmem>> -> memref<1x125x16xf32, #tpu.memory_space<vmem>>
        %dma_wait3A_557 = tpu.memref_squeeze %dma_wait3A_556 : memref<1x125x16xf32, #tpu.memory_space<vmem>> -> memref<125x16xf32, #tpu.memory_space<vmem>>
        %dma_wait3A_558 = arith.constant 0 : i32
        %dma_wait3A_559 = tpu.memref_slice %arg6[%dma_wait3A_553, %dma_wait3A_558] : memref<80x125xi32, #tpu.memory_space<vmem>> -> memref<1x125xi32, #tpu.memory_space<vmem>>
        %dma_wait3A_560 = tpu.memref_squeeze %dma_wait3A_559 : memref<1x125xi32, #tpu.memory_space<vmem>> -> memref<125xi32, #tpu.memory_space<vmem>>
        %dma_wait3A_561 = arith.constant 0 : i32
        %dma_wait3A_562 = arith.constant 0 : i32
        %dma_wait3A_563 = tpu.memref_slice %arg9[%dma_wait3A_561, %dma_wait3A_562] : memref<10240x16xf32, #tpu.memory_space<vmem_shared>> -> memref<10240x16xf32, #tpu.memory_space<vmem_shared>>
        tpu.wait_indirect_dma semaphore(%arg12 : memref<!tpu.dma_semaphore, #tpu.memory_space<semaphore_mem>>) src(%dma_wait3A_557 : memref<125x16xf32, #tpu.memory_space<vmem>>) dst(%dma_wait3A_563 : memref<10240x16xf32, #tpu.memory_space<vmem_shared>>)
        %add3A_564 = arith.constant 5 : i32
        %add3A_565 = arith.addi %mul3A_256, %add3A_564 : i32
        %dma_wait3A_566 = arith.constant 5 : i32
        %dma_wait3A_567 = arith.constant 0 : i32
        %dma_wait3A_568 = arith.constant 0 : i32
        %dma_wait3A_569 = tpu.memref_slice %arg7[%add3A_565, %dma_wait3A_567, %dma_wait3A_568] : memref<16x125x16xf32, #tpu.memory_space<vmem>> -> memref<1x125x16xf32, #tpu.memory_space<vmem>>
        %dma_wait3A_570 = tpu.memref_squeeze %dma_wait3A_569 : memref<1x125x16xf32, #tpu.memory_space<vmem>> -> memref<125x16xf32, #tpu.memory_space<vmem>>
        %dma_wait3A_571 = arith.constant 0 : i32
        %dma_wait3A_572 = tpu.memref_slice %arg6[%dma_wait3A_566, %dma_wait3A_571] : memref<80x125xi32, #tpu.memory_space<vmem>> -> memref<1x125xi32, #tpu.memory_space<vmem>>
        %dma_wait3A_573 = tpu.memref_squeeze %dma_wait3A_572 : memref<1x125xi32, #tpu.memory_space<vmem>> -> memref<125xi32, #tpu.memory_space<vmem>>
        %dma_wait3A_574 = arith.constant 0 : i32
        %dma_wait3A_575 = arith.constant 0 : i32
        %dma_wait3A_576 = tpu.memref_slice %arg9[%dma_wait3A_574, %dma_wait3A_575] : memref<10240x16xf32, #tpu.memory_space<vmem_shared>> -> memref<10240x16xf32, #tpu.memory_space<vmem_shared>>
        tpu.wait_indirect_dma semaphore(%arg12 : memref<!tpu.dma_semaphore, #tpu.memory_space<semaphore_mem>>) src(%dma_wait3A_570 : memref<125x16xf32, #tpu.memory_space<vmem>>) dst(%dma_wait3A_576 : memref<10240x16xf32, #tpu.memory_space<vmem_shared>>)
        %add3A_577 = arith.constant 6 : i32
        %add3A_578 = arith.addi %mul3A_256, %add3A_577 : i32
        %dma_wait3A_579 = arith.constant 6 : i32
        %dma_wait3A_580 = arith.constant 0 : i32
        %dma_wait3A_581 = arith.constant 0 : i32
        %dma_wait3A_582 = tpu.memref_slice %arg7[%add3A_578, %dma_wait3A_580, %dma_wait3A_581] : memref<16x125x16xf32, #tpu.memory_space<vmem>> -> memref<1x125x16xf32, #tpu.memory_space<vmem>>
        %dma_wait3A_583 = tpu.memref_squeeze %dma_wait3A_582 : memref<1x125x16xf32, #tpu.memory_space<vmem>> -> memref<125x16xf32, #tpu.memory_space<vmem>>
        %dma_wait3A_584 = arith.constant 0 : i32
        %dma_wait3A_585 = tpu.memref_slice %arg6[%dma_wait3A_579, %dma_wait3A_584] : memref<80x125xi32, #tpu.memory_space<vmem>> -> memref<1x125xi32, #tpu.memory_space<vmem>>
        %dma_wait3A_586 = tpu.memref_squeeze %dma_wait3A_585 : memref<1x125xi32, #tpu.memory_space<vmem>> -> memref<125xi32, #tpu.memory_space<vmem>>
        %dma_wait3A_587 = arith.constant 0 : i32
        %dma_wait3A_588 = arith.constant 0 : i32
        %dma_wait3A_589 = tpu.memref_slice %arg9[%dma_wait3A_587, %dma_wait3A_588] : memref<10240x16xf32, #tpu.memory_space<vmem_shared>> -> memref<10240x16xf32, #tpu.memory_space<vmem_shared>>
        tpu.wait_indirect_dma semaphore(%arg12 : memref<!tpu.dma_semaphore, #tpu.memory_space<semaphore_mem>>) src(%dma_wait3A_583 : memref<125x16xf32, #tpu.memory_space<vmem>>) dst(%dma_wait3A_589 : memref<10240x16xf32, #tpu.memory_space<vmem_shared>>)
        %add3A_590 = arith.constant 7 : i32
        %add3A_591 = arith.addi %mul3A_256, %add3A_590 : i32
        %dma_wait3A_592 = arith.constant 7 : i32
        %dma_wait3A_593 = arith.constant 0 : i32
        %dma_wait3A_594 = arith.constant 0 : i32
        %dma_wait3A_595 = tpu.memref_slice %arg7[%add3A_591, %dma_wait3A_593, %dma_wait3A_594] : memref<16x125x16xf32, #tpu.memory_space<vmem>> -> memref<1x125x16xf32, #tpu.memory_space<vmem>>
        %dma_wait3A_596 = tpu.memref_squeeze %dma_wait3A_595 : memref<1x125x16xf32, #tpu.memory_space<vmem>> -> memref<125x16xf32, #tpu.memory_space<vmem>>
        %dma_wait3A_597 = arith.constant 0 : i32
        %dma_wait3A_598 = tpu.memref_slice %arg6[%dma_wait3A_592, %dma_wait3A_597] : memref<80x125xi32, #tpu.memory_space<vmem>> -> memref<1x125xi32, #tpu.memory_space<vmem>>
        %dma_wait3A_599 = tpu.memref_squeeze %dma_wait3A_598 : memref<1x125xi32, #tpu.memory_space<vmem>> -> memref<125xi32, #tpu.memory_space<vmem>>
        %dma_wait3A_600 = arith.constant 0 : i32
        %dma_wait3A_601 = arith.constant 0 : i32
        %dma_wait3A_602 = tpu.memref_slice %arg9[%dma_wait3A_600, %dma_wait3A_601] : memref<10240x16xf32, #tpu.memory_space<vmem_shared>> -> memref<10240x16xf32, #tpu.memory_space<vmem_shared>>
        tpu.wait_indirect_dma semaphore(%arg12 : memref<!tpu.dma_semaphore, #tpu.memory_space<semaphore_mem>>) src(%dma_wait3A_596 : memref<125x16xf32, #tpu.memory_space<vmem>>) dst(%dma_wait3A_602 : memref<10240x16xf32, #tpu.memory_space<vmem_shared>>)
      } else {
      }
      %add3A_363 = arith.constant 1 : i32
      %add3A_364 = arith.addi %scan3A_224, %add3A_363 : i32
      %lt3A_365 = arith.constant 10 : i32
      %lt3A_366 = arith.cmpi slt, %add3A_364, %lt3A_365 : i32
      %convert_element_type3A_367 = arith.extui %lt3A_366 : i1 to i32
      %cond3A_368 = arith.constant 0 : i32
      %cond3A_369 = arith.cmpi ne, %convert_element_type3A_367, %cond3A_368 : i32
      scf.if %cond3A_369 {
        %add3A_499 = arith.constant 1 : i32
        %add3A_500 = arith.addi %scan3A_224, %add3A_499 : i32
        %mul3A_501 = arith.constant 8 : i32
        %mul3A_502 = arith.muli %add3A_500, %mul3A_501 : i32
        %add3A_503 = arith.constant 0 : i32
        %add3A_504 = arith.addi %mul3A_502, %add3A_503 : i32
        %add3A_505 = arith.constant 0 : i32
        %add3A_506 = arith.addi %mul3A_256, %add3A_505 : i32
        %dma_start3A_507 = arith.constant 0 : i32
        %dma_start3A_508 = arith.constant 0 : i32
        %dma_start3A_509 = tpu.memref_slice %arg7[%add3A_506, %dma_start3A_507, %dma_start3A_508] : memref<16x125x16xf32, #tpu.memory_space<vmem>> -> memref<1x125x16xf32, #tpu.memory_space<vmem>>
        %dma_start3A_510 = tpu.memref_squeeze %dma_start3A_509 : memref<1x125x16xf32, #tpu.memory_space<vmem>> -> memref<125x16xf32, #tpu.memory_space<vmem>>
        %dma_start3A_511 = arith.constant 0 : i32
        %dma_start3A_512 = tpu.memref_slice %arg5[%add3A_504, %dma_start3A_511] : memref<80x125xi32, #tpu.memory_space<vmem>> -> memref<1x125xi32, #tpu.memory_space<vmem>>
        %dma_start3A_513 = tpu.memref_squeeze %dma_start3A_512 : memref<1x125xi32, #tpu.memory_space<vmem>> -> memref<125xi32, #tpu.memory_space<vmem>>
        %dma_start3A_514 = arith.constant 0 : i32
        %dma_start3A_515 = arith.constant 0 : i32
        %dma_start3A_516 = tpu.memref_slice %arg10[%dma_start3A_514, %dma_start3A_515] : memref<10000x16xf32, #tpu.memory_space<vmem_shared>> -> memref<10000x16xf32, #tpu.memory_space<vmem_shared>>
        tpu.enqueue_indirect_dma source(%dma_start3A_516 : memref<10000x16xf32, #tpu.memory_space<vmem_shared>>) target(%dma_start3A_510 : memref<125x16xf32, #tpu.memory_space<vmem>>) offsets(%dma_start3A_513 : memref<125xi32, #tpu.memory_space<vmem>>) semaphore(%arg11 : memref<!tpu.dma_semaphore, #tpu.memory_space<semaphore_mem>>)
        %add3A_517 = arith.constant 1 : i32
        %add3A_518 = arith.addi %scan3A_224, %add3A_517 : i32
        %mul3A_519 = arith.constant 8 : i32
        %mul3A_520 = arith.muli %add3A_518, %mul3A_519 : i32
        %add3A_521 = arith.constant 1 : i32
        %add3A_522 = arith.addi %mul3A_520, %add3A_521 : i32
        %add3A_523 = arith.constant 1 : i32
        %add3A_524 = arith.addi %mul3A_256, %add3A_523 : i32
        %dma_start3A_525 = arith.constant 0 : i32
        %dma_start3A_526 = arith.constant 0 : i32
        %dma_start3A_527 = tpu.memref_slice %arg7[%add3A_524, %dma_start3A_525, %dma_start3A_526] : memref<16x125x16xf32, #tpu.memory_space<vmem>> -> memref<1x125x16xf32, #tpu.memory_space<vmem>>
        %dma_start3A_528 = tpu.memref_squeeze %dma_start3A_527 : memref<1x125x16xf32, #tpu.memory_space<vmem>> -> memref<125x16xf32, #tpu.memory_space<vmem>>
        %dma_start3A_529 = arith.constant 0 : i32
        %dma_start3A_530 = tpu.memref_slice %arg5[%add3A_522, %dma_start3A_529] : memref<80x125xi32, #tpu.memory_space<vmem>> -> memref<1x125xi32, #tpu.memory_space<vmem>>
        %dma_start3A_531 = tpu.memref_squeeze %dma_start3A_530 : memref<1x125xi32, #tpu.memory_space<vmem>> -> memref<125xi32, #tpu.memory_space<vmem>>
        %dma_start3A_532 = arith.constant 0 : i32
        %dma_start3A_533 = arith.constant 0 : i32
        %dma_start3A_534 = tpu.memref_slice %arg10[%dma_start3A_532, %dma_start3A_533] : memref<10000x16xf32, #tpu.memory_space<vmem_shared>> -> memref<10000x16xf32, #tpu.memory_space<vmem_shared>>
        tpu.enqueue_indirect_dma source(%dma_start3A_534 : memref<10000x16xf32, #tpu.memory_space<vmem_shared>>) target(%dma_start3A_528 : memref<125x16xf32, #tpu.memory_space<vmem>>) offsets(%dma_start3A_531 : memref<125xi32, #tpu.memory_space<vmem>>) semaphore(%arg11 : memref<!tpu.dma_semaphore, #tpu.memory_space<semaphore_mem>>)
        %add3A_535 = arith.constant 1 : i32
        %add3A_536 = arith.addi %scan3A_224, %add3A_535 : i32
        %mul3A_537 = arith.constant 8 : i32
        %mul3A_538 = arith.muli %add3A_536, %mul3A_537 : i32
        %add3A_539 = arith.constant 2 : i32
        %add3A_540 = arith.addi %mul3A_538, %add3A_539 : i32
        %add3A_541 = arith.constant 2 : i32
        %add3A_542 = arith.addi %mul3A_256, %add3A_541 : i32
        %dma_start3A_543 = arith.constant 0 : i32
        %dma_start3A_544 = arith.constant 0 : i32
        %dma_start3A_545 = tpu.memref_slice %arg7[%add3A_542, %dma_start3A_543, %dma_start3A_544] : memref<16x125x16xf32, #tpu.memory_space<vmem>> -> memref<1x125x16xf32, #tpu.memory_space<vmem>>
        %dma_start3A_546 = tpu.memref_squeeze %dma_start3A_545 : memref<1x125x16xf32, #tpu.memory_space<vmem>> -> memref<125x16xf32, #tpu.memory_space<vmem>>
        %dma_start3A_547 = arith.constant 0 : i32
        %dma_start3A_548 = tpu.memref_slice %arg5[%add3A_540, %dma_start3A_547] : memref<80x125xi32, #tpu.memory_space<vmem>> -> memref<1x125xi32, #tpu.memory_space<vmem>>
        %dma_start3A_549 = tpu.memref_squeeze %dma_start3A_548 : memref<1x125xi32, #tpu.memory_space<vmem>> -> memref<125xi32, #tpu.memory_space<vmem>>
        %dma_start3A_550 = arith.constant 0 : i32
        %dma_start3A_551 = arith.constant 0 : i32
        %dma_start3A_552 = tpu.memref_slice %arg10[%dma_start3A_550, %dma_start3A_551] : memref<10000x16xf32, #tpu.memory_space<vmem_shared>> -> memref<10000x16xf32, #tpu.memory_space<vmem_shared>>
        tpu.enqueue_indirect_dma source(%dma_start3A_552 : memref<10000x16xf32, #tpu.memory_space<vmem_shared>>) target(%dma_start3A_546 : memref<125x16xf32, #tpu.memory_space<vmem>>) offsets(%dma_start3A_549 : memref<125xi32, #tpu.memory_space<vmem>>) semaphore(%arg11 : memref<!tpu.dma_semaphore, #tpu.memory_space<semaphore_mem>>)
        %add3A_553 = arith.constant 1 : i32
        %add3A_554 = arith.addi %scan3A_224, %add3A_553 : i32
        %mul3A_555 = arith.constant 8 : i32
        %mul3A_556 = arith.muli %add3A_554, %mul3A_555 : i32
        %add3A_557 = arith.constant 3 : i32
        %add3A_558 = arith.addi %mul3A_556, %add3A_557 : i32
        %add3A_559 = arith.constant 3 : i32
        %add3A_560 = arith.addi %mul3A_256, %add3A_559 : i32
        %dma_start3A_561 = arith.constant 0 : i32
        %dma_start3A_562 = arith.constant 0 : i32
        %dma_start3A_563 = tpu.memref_slice %arg7[%add3A_560, %dma_start3A_561, %dma_start3A_562] : memref<16x125x16xf32, #tpu.memory_space<vmem>> -> memref<1x125x16xf32, #tpu.memory_space<vmem>>
        %dma_start3A_564 = tpu.memref_squeeze %dma_start3A_563 : memref<1x125x16xf32, #tpu.memory_space<vmem>> -> memref<125x16xf32, #tpu.memory_space<vmem>>
        %dma_start3A_565 = arith.constant 0 : i32
        %dma_start3A_566 = tpu.memref_slice %arg5[%add3A_558, %dma_start3A_565] : memref<80x125xi32, #tpu.memory_space<vmem>> -> memref<1x125xi32, #tpu.memory_space<vmem>>
        %dma_start3A_567 = tpu.memref_squeeze %dma_start3A_566 : memref<1x125xi32, #tpu.memory_space<vmem>> -> memref<125xi32, #tpu.memory_space<vmem>>
        %dma_start3A_568 = arith.constant 0 : i32
        %dma_start3A_569 = arith.constant 0 : i32
        %dma_start3A_570 = tpu.memref_slice %arg10[%dma_start3A_568, %dma_start3A_569] : memref<10000x16xf32, #tpu.memory_space<vmem_shared>> -> memref<10000x16xf32, #tpu.memory_space<vmem_shared>>
        tpu.enqueue_indirect_dma source(%dma_start3A_570 : memref<10000x16xf32, #tpu.memory_space<vmem_shared>>) target(%dma_start3A_564 : memref<125x16xf32, #tpu.memory_space<vmem>>) offsets(%dma_start3A_567 : memref<125xi32, #tpu.memory_space<vmem>>) semaphore(%arg11 : memref<!tpu.dma_semaphore, #tpu.memory_space<semaphore_mem>>)
        %add3A_571 = arith.constant 1 : i32
        %add3A_572 = arith.addi %scan3A_224, %add3A_571 : i32
        %mul3A_573 = arith.constant 8 : i32
        %mul3A_574 = arith.muli %add3A_572, %mul3A_573 : i32
        %add3A_575 = arith.constant 4 : i32
        %add3A_576 = arith.addi %mul3A_574, %add3A_575 : i32
        %add3A_577 = arith.constant 4 : i32
        %add3A_578 = arith.addi %mul3A_256, %add3A_577 : i32
        %dma_start3A_579 = arith.constant 0 : i32
        %dma_start3A_580 = arith.constant 0 : i32
        %dma_start3A_581 = tpu.memref_slice %arg7[%add3A_578, %dma_start3A_579, %dma_start3A_580] : memref<16x125x16xf32, #tpu.memory_space<vmem>> -> memref<1x125x16xf32, #tpu.memory_space<vmem>>
        %dma_start3A_582 = tpu.memref_squeeze %dma_start3A_581 : memref<1x125x16xf32, #tpu.memory_space<vmem>> -> memref<125x16xf32, #tpu.memory_space<vmem>>
        %dma_start3A_583 = arith.constant 0 : i32
        %dma_start3A_584 = tpu.memref_slice %arg5[%add3A_576, %dma_start3A_583] : memref<80x125xi32, #tpu.memory_space<vmem>> -> memref<1x125xi32, #tpu.memory_space<vmem>>
        %dma_start3A_585 = tpu.memref_squeeze %dma_start3A_584 : memref<1x125xi32, #tpu.memory_space<vmem>> -> memref<125xi32, #tpu.memory_space<vmem>>
        %dma_start3A_586 = arith.constant 0 : i32
        %dma_start3A_587 = arith.constant 0 : i32
        %dma_start3A_588 = tpu.memref_slice %arg10[%dma_start3A_586, %dma_start3A_587] : memref<10000x16xf32, #tpu.memory_space<vmem_shared>> -> memref<10000x16xf32, #tpu.memory_space<vmem_shared>>
        tpu.enqueue_indirect_dma source(%dma_start3A_588 : memref<10000x16xf32, #tpu.memory_space<vmem_shared>>) target(%dma_start3A_582 : memref<125x16xf32, #tpu.memory_space<vmem>>) offsets(%dma_start3A_585 : memref<125xi32, #tpu.memory_space<vmem>>) semaphore(%arg11 : memref<!tpu.dma_semaphore, #tpu.memory_space<semaphore_mem>>)
        %add3A_589 = arith.constant 1 : i32
        %add3A_590 = arith.addi %scan3A_224, %add3A_589 : i32
        %mul3A_591 = arith.constant 8 : i32
        %mul3A_592 = arith.muli %add3A_590, %mul3A_591 : i32
        %add3A_593 = arith.constant 5 : i32
        %add3A_594 = arith.addi %mul3A_592, %add3A_593 : i32
        %add3A_595 = arith.constant 5 : i32
        %add3A_596 = arith.addi %mul3A_256, %add3A_595 : i32
        %dma_start3A_597 = arith.constant 0 : i32
        %dma_start3A_598 = arith.constant 0 : i32
        %dma_start3A_599 = tpu.memref_slice %arg7[%add3A_596, %dma_start3A_597, %dma_start3A_598] : memref<16x125x16xf32, #tpu.memory_space<vmem>> -> memref<1x125x16xf32, #tpu.memory_space<vmem>>
        %dma_start3A_600 = tpu.memref_squeeze %dma_start3A_599 : memref<1x125x16xf32, #tpu.memory_space<vmem>> -> memref<125x16xf32, #tpu.memory_space<vmem>>
        %dma_start3A_601 = arith.constant 0 : i32
        %dma_start3A_602 = tpu.memref_slice %arg5[%add3A_594, %dma_start3A_601] : memref<80x125xi32, #tpu.memory_space<vmem>> -> memref<1x125xi32, #tpu.memory_space<vmem>>
        %dma_start3A_603 = tpu.memref_squeeze %dma_start3A_602 : memref<1x125xi32, #tpu.memory_space<vmem>> -> memref<125xi32, #tpu.memory_space<vmem>>
        %dma_start3A_604 = arith.constant 0 : i32
        %dma_start3A_605 = arith.constant 0 : i32
        %dma_start3A_606 = tpu.memref_slice %arg10[%dma_start3A_604, %dma_start3A_605] : memref<10000x16xf32, #tpu.memory_space<vmem_shared>> -> memref<10000x16xf32, #tpu.memory_space<vmem_shared>>
        tpu.enqueue_indirect_dma source(%dma_start3A_606 : memref<10000x16xf32, #tpu.memory_space<vmem_shared>>) target(%dma_start3A_600 : memref<125x16xf32, #tpu.memory_space<vmem>>) offsets(%dma_start3A_603 : memref<125xi32, #tpu.memory_space<vmem>>) semaphore(%arg11 : memref<!tpu.dma_semaphore, #tpu.memory_space<semaphore_mem>>)
        %add3A_607 = arith.constant 1 : i32
        %add3A_608 = arith.addi %scan3A_224, %add3A_607 : i32
        %mul3A_609 = arith.constant 8 : i32
        %mul3A_610 = arith.muli %add3A_608, %mul3A_609 : i32
        %add3A_611 = arith.constant 6 : i32
        %add3A_612 = arith.addi %mul3A_610, %add3A_611 : i32
        %add3A_613 = arith.constant 6 : i32
        %add3A_614 = arith.addi %mul3A_256, %add3A_613 : i32
        %dma_start3A_615 = arith.constant 0 : i32
        %dma_start3A_616 = arith.constant 0 : i32
        %dma_start3A_617 = tpu.memref_slice %arg7[%add3A_614, %dma_start3A_615, %dma_start3A_616] : memref<16x125x16xf32, #tpu.memory_space<vmem>> -> memref<1x125x16xf32, #tpu.memory_space<vmem>>
        %dma_start3A_618 = tpu.memref_squeeze %dma_start3A_617 : memref<1x125x16xf32, #tpu.memory_space<vmem>> -> memref<125x16xf32, #tpu.memory_space<vmem>>
        %dma_start3A_619 = arith.constant 0 : i32
        %dma_start3A_620 = tpu.memref_slice %arg5[%add3A_612, %dma_start3A_619] : memref<80x125xi32, #tpu.memory_space<vmem>> -> memref<1x125xi32, #tpu.memory_space<vmem>>
        %dma_start3A_621 = tpu.memref_squeeze %dma_start3A_620 : memref<1x125xi32, #tpu.memory_space<vmem>> -> memref<125xi32, #tpu.memory_space<vmem>>
        %dma_start3A_622 = arith.constant 0 : i32
        %dma_start3A_623 = arith.constant 0 : i32
        %dma_start3A_624 = tpu.memref_slice %arg10[%dma_start3A_622, %dma_start3A_623] : memref<10000x16xf32, #tpu.memory_space<vmem_shared>> -> memref<10000x16xf32, #tpu.memory_space<vmem_shared>>
        tpu.enqueue_indirect_dma source(%dma_start3A_624 : memref<10000x16xf32, #tpu.memory_space<vmem_shared>>) target(%dma_start3A_618 : memref<125x16xf32, #tpu.memory_space<vmem>>) offsets(%dma_start3A_621 : memref<125xi32, #tpu.memory_space<vmem>>) semaphore(%arg11 : memref<!tpu.dma_semaphore, #tpu.memory_space<semaphore_mem>>)
        %add3A_625 = arith.constant 1 : i32
        %add3A_626 = arith.addi %scan3A_224, %add3A_625 : i32
        %mul3A_627 = arith.constant 8 : i32
        %mul3A_628 = arith.muli %add3A_626, %mul3A_627 : i32
        %add3A_629 = arith.constant 7 : i32
        %add3A_630 = arith.addi %mul3A_628, %add3A_629 : i32
        %add3A_631 = arith.constant 7 : i32
        %add3A_632 = arith.addi %mul3A_256, %add3A_631 : i32
        %dma_start3A_633 = arith.constant 0 : i32
        %dma_start3A_634 = arith.constant 0 : i32
        %dma_start3A_635 = tpu.memref_slice %arg7[%add3A_632, %dma_start3A_633, %dma_start3A_634] : memref<16x125x16xf32, #tpu.memory_space<vmem>> -> memref<1x125x16xf32, #tpu.memory_space<vmem>>
        %dma_start3A_636 = tpu.memref_squeeze %dma_start3A_635 : memref<1x125x16xf32, #tpu.memory_space<vmem>> -> memref<125x16xf32, #tpu.memory_space<vmem>>
        %dma_start3A_637 = arith.constant 0 : i32
        %dma_start3A_638 = tpu.memref_slice %arg5[%add3A_630, %dma_start3A_637] : memref<80x125xi32, #tpu.memory_space<vmem>> -> memref<1x125xi32, #tpu.memory_space<vmem>>
        %dma_start3A_639 = tpu.memref_squeeze %dma_start3A_638 : memref<1x125xi32, #tpu.memory_space<vmem>> -> memref<125xi32, #tpu.memory_space<vmem>>
        %dma_start3A_640 = arith.constant 0 : i32
        %dma_start3A_641 = arith.constant 0 : i32
        %dma_start3A_642 = tpu.memref_slice %arg10[%dma_start3A_640, %dma_start3A_641] : memref<10000x16xf32, #tpu.memory_space<vmem_shared>> -> memref<10000x16xf32, #tpu.memory_space<vmem_shared>>
        tpu.enqueue_indirect_dma source(%dma_start3A_642 : memref<10000x16xf32, #tpu.memory_space<vmem_shared>>) target(%dma_start3A_636 : memref<125x16xf32, #tpu.memory_space<vmem>>) offsets(%dma_start3A_639 : memref<125xi32, #tpu.memory_space<vmem>>) semaphore(%arg11 : memref<!tpu.dma_semaphore, #tpu.memory_space<semaphore_mem>>)
      } else {
      }
      %add3A_370 = arith.constant 0 : i32
      %add3A_371 = arith.addi %mul3A_236, %add3A_370 : i32
      %mul3A_372 = arith.constant 8 : i32
      %mul3A_373 = arith.muli %scan3A_224, %mul3A_372 : i32
      %add3A_374 = arith.constant 0 : i32
      %add3A_375 = arith.addi %mul3A_373, %add3A_374 : i32
      %dma_start3A_376 = arith.constant 0 : i32
      %dma_start3A_377 = arith.constant 0 : i32
      %dma_start3A_378 = tpu.memref_slice %arg7[%add3A_371, %dma_start3A_376, %dma_start3A_377] : memref<16x125x16xf32, #tpu.memory_space<vmem>> -> memref<1x125x16xf32, #tpu.memory_space<vmem>>
      %dma_start3A_379 = tpu.memref_squeeze %dma_start3A_378 : memref<1x125x16xf32, #tpu.memory_space<vmem>> -> memref<125x16xf32, #tpu.memory_space<vmem>>
      %dma_start3A_380 = arith.constant 0 : i32
      %dma_start3A_381 = tpu.memref_slice %arg6[%add3A_375, %dma_start3A_380] : memref<80x125xi32, #tpu.memory_space<vmem>> -> memref<1x125xi32, #tpu.memory_space<vmem>>
      %dma_start3A_382 = tpu.memref_squeeze %dma_start3A_381 : memref<1x125xi32, #tpu.memory_space<vmem>> -> memref<125xi32, #tpu.memory_space<vmem>>
      %dma_start3A_383 = arith.constant 0 : i32
      %dma_start3A_384 = arith.constant 0 : i32
      %dma_start3A_385 = tpu.memref_slice %arg9[%dma_start3A_383, %dma_start3A_384] : memref<10240x16xf32, #tpu.memory_space<vmem_shared>> -> memref<10240x16xf32, #tpu.memory_space<vmem_shared>>
      tpu.enqueue_indirect_dma source(%dma_start3A_379 : memref<125x16xf32, #tpu.memory_space<vmem>>) target(%dma_start3A_385 : memref<10240x16xf32, #tpu.memory_space<vmem_shared>>) offsets(%dma_start3A_382 : memref<125xi32, #tpu.memory_space<vmem>>) semaphore(%arg12 : memref<!tpu.dma_semaphore, #tpu.memory_space<semaphore_mem>>) {add = true}
      %add3A_386 = arith.constant 1 : i32
      %add3A_387 = arith.addi %mul3A_236, %add3A_386 : i32
      %mul3A_388 = arith.constant 8 : i32
      %mul3A_389 = arith.muli %scan3A_224, %mul3A_388 : i32
      %add3A_390 = arith.constant 1 : i32
      %add3A_391 = arith.addi %mul3A_389, %add3A_390 : i32
      %dma_start3A_392 = arith.constant 0 : i32
      %dma_start3A_393 = arith.constant 0 : i32
      %dma_start3A_394 = tpu.memref_slice %arg7[%add3A_387, %dma_start3A_392, %dma_start3A_393] : memref<16x125x16xf32, #tpu.memory_space<vmem>> -> memref<1x125x16xf32, #tpu.memory_space<vmem>>
      %dma_start3A_395 = tpu.memref_squeeze %dma_start3A_394 : memref<1x125x16xf32, #tpu.memory_space<vmem>> -> memref<125x16xf32, #tpu.memory_space<vmem>>
      %dma_start3A_396 = arith.constant 0 : i32
      %dma_start3A_397 = tpu.memref_slice %arg6[%add3A_391, %dma_start3A_396] : memref<80x125xi32, #tpu.memory_space<vmem>> -> memref<1x125xi32, #tpu.memory_space<vmem>>
      %dma_start3A_398 = tpu.memref_squeeze %dma_start3A_397 : memref<1x125xi32, #tpu.memory_space<vmem>> -> memref<125xi32, #tpu.memory_space<vmem>>
      %dma_start3A_399 = arith.constant 0 : i32
      %dma_start3A_400 = arith.constant 0 : i32
      %dma_start3A_401 = tpu.memref_slice %arg9[%dma_start3A_399, %dma_start3A_400] : memref<10240x16xf32, #tpu.memory_space<vmem_shared>> -> memref<10240x16xf32, #tpu.memory_space<vmem_shared>>
      tpu.enqueue_indirect_dma source(%dma_start3A_395 : memref<125x16xf32, #tpu.memory_space<vmem>>) target(%dma_start3A_401 : memref<10240x16xf32, #tpu.memory_space<vmem_shared>>) offsets(%dma_start3A_398 : memref<125xi32, #tpu.memory_space<vmem>>) semaphore(%arg12 : memref<!tpu.dma_semaphore, #tpu.memory_space<semaphore_mem>>) {add = true}
      %add3A_402 = arith.constant 2 : i32
      %add3A_403 = arith.addi %mul3A_236, %add3A_402 : i32
      %mul3A_404 = arith.constant 8 : i32
      %mul3A_405 = arith.muli %scan3A_224, %mul3A_404 : i32
      %add3A_406 = arith.constant 2 : i32
      %add3A_407 = arith.addi %mul3A_405, %add3A_406 : i32
      %dma_start3A_408 = arith.constant 0 : i32
      %dma_start3A_409 = arith.constant 0 : i32
      %dma_start3A_410 = tpu.memref_slice %arg7[%add3A_403, %dma_start3A_408, %dma_start3A_409] : memref<16x125x16xf32, #tpu.memory_space<vmem>> -> memref<1x125x16xf32, #tpu.memory_space<vmem>>
      %dma_start3A_411 = tpu.memref_squeeze %dma_start3A_410 : memref<1x125x16xf32, #tpu.memory_space<vmem>> -> memref<125x16xf32, #tpu.memory_space<vmem>>
      %dma_start3A_412 = arith.constant 0 : i32
      %dma_start3A_413 = tpu.memref_slice %arg6[%add3A_407, %dma_start3A_412] : memref<80x125xi32, #tpu.memory_space<vmem>> -> memref<1x125xi32, #tpu.memory_space<vmem>>
      %dma_start3A_414 = tpu.memref_squeeze %dma_start3A_413 : memref<1x125xi32, #tpu.memory_space<vmem>> -> memref<125xi32, #tpu.memory_space<vmem>>
      %dma_start3A_415 = arith.constant 0 : i32
      %dma_start3A_416 = arith.constant 0 : i32
      %dma_start3A_417 = tpu.memref_slice %arg9[%dma_start3A_415, %dma_start3A_416] : memref<10240x16xf32, #tpu.memory_space<vmem_shared>> -> memref<10240x16xf32, #tpu.memory_space<vmem_shared>>
      tpu.enqueue_indirect_dma source(%dma_start3A_411 : memref<125x16xf32, #tpu.memory_space<vmem>>) target(%dma_start3A_417 : memref<10240x16xf32, #tpu.memory_space<vmem_shared>>) offsets(%dma_start3A_414 : memref<125xi32, #tpu.memory_space<vmem>>) semaphore(%arg12 : memref<!tpu.dma_semaphore, #tpu.memory_space<semaphore_mem>>) {add = true}
      %add3A_418 = arith.constant 3 : i32
      %add3A_419 = arith.addi %mul3A_236, %add3A_418 : i32
      %mul3A_420 = arith.constant 8 : i32
      %mul3A_421 = arith.muli %scan3A_224, %mul3A_420 : i32
      %add3A_422 = arith.constant 3 : i32
      %add3A_423 = arith.addi %mul3A_421, %add3A_422 : i32
      %dma_start3A_424 = arith.constant 0 : i32
      %dma_start3A_425 = arith.constant 0 : i32
      %dma_start3A_426 = tpu.memref_slice %arg7[%add3A_419, %dma_start3A_424, %dma_start3A_425] : memref<16x125x16xf32, #tpu.memory_space<vmem>> -> memref<1x125x16xf32, #tpu.memory_space<vmem>>
      %dma_start3A_427 = tpu.memref_squeeze %dma_start3A_426 : memref<1x125x16xf32, #tpu.memory_space<vmem>> -> memref<125x16xf32, #tpu.memory_space<vmem>>
      %dma_start3A_428 = arith.constant 0 : i32
      %dma_start3A_429 = tpu.memref_slice %arg6[%add3A_423, %dma_start3A_428] : memref<80x125xi32, #tpu.memory_space<vmem>> -> memref<1x125xi32, #tpu.memory_space<vmem>>
      %dma_start3A_430 = tpu.memref_squeeze %dma_start3A_429 : memref<1x125xi32, #tpu.memory_space<vmem>> -> memref<125xi32, #tpu.memory_space<vmem>>
      %dma_start3A_431 = arith.constant 0 : i32
      %dma_start3A_432 = arith.constant 0 : i32
      %dma_start3A_433 = tpu.memref_slice %arg9[%dma_start3A_431, %dma_start3A_432] : memref<10240x16xf32, #tpu.memory_space<vmem_shared>> -> memref<10240x16xf32, #tpu.memory_space<vmem_shared>>
      tpu.enqueue_indirect_dma source(%dma_start3A_427 : memref<125x16xf32, #tpu.memory_space<vmem>>) target(%dma_start3A_433 : memref<10240x16xf32, #tpu.memory_space<vmem_shared>>) offsets(%dma_start3A_430 : memref<125xi32, #tpu.memory_space<vmem>>) semaphore(%arg12 : memref<!tpu.dma_semaphore, #tpu.memory_space<semaphore_mem>>) {add = true}
      %add3A_434 = arith.constant 4 : i32
      %add3A_435 = arith.addi %mul3A_236, %add3A_434 : i32
      %mul3A_436 = arith.constant 8 : i32
      %mul3A_437 = arith.muli %scan3A_224, %mul3A_436 : i32
      %add3A_438 = arith.constant 4 : i32
      %add3A_439 = arith.addi %mul3A_437, %add3A_438 : i32
      %dma_start3A_440 = arith.constant 0 : i32
      %dma_start3A_441 = arith.constant 0 : i32
      %dma_start3A_442 = tpu.memref_slice %arg7[%add3A_435, %dma_start3A_440, %dma_start3A_441] : memref<16x125x16xf32, #tpu.memory_space<vmem>> -> memref<1x125x16xf32, #tpu.memory_space<vmem>>
      %dma_start3A_443 = tpu.memref_squeeze %dma_start3A_442 : memref<1x125x16xf32, #tpu.memory_space<vmem>> -> memref<125x16xf32, #tpu.memory_space<vmem>>
      %dma_start3A_444 = arith.constant 0 : i32
      %dma_start3A_445 = tpu.memref_slice %arg6[%add3A_439, %dma_start3A_444] : memref<80x125xi32, #tpu.memory_space<vmem>> -> memref<1x125xi32, #tpu.memory_space<vmem>>
      %dma_start3A_446 = tpu.memref_squeeze %dma_start3A_445 : memref<1x125xi32, #tpu.memory_space<vmem>> -> memref<125xi32, #tpu.memory_space<vmem>>
      %dma_start3A_447 = arith.constant 0 : i32
      %dma_start3A_448 = arith.constant 0 : i32
      %dma_start3A_449 = tpu.memref_slice %arg9[%dma_start3A_447, %dma_start3A_448] : memref<10240x16xf32, #tpu.memory_space<vmem_shared>> -> memref<10240x16xf32, #tpu.memory_space<vmem_shared>>
      tpu.enqueue_indirect_dma source(%dma_start3A_443 : memref<125x16xf32, #tpu.memory_space<vmem>>) target(%dma_start3A_449 : memref<10240x16xf32, #tpu.memory_space<vmem_shared>>) offsets(%dma_start3A_446 : memref<125xi32, #tpu.memory_space<vmem>>) semaphore(%arg12 : memref<!tpu.dma_semaphore, #tpu.memory_space<semaphore_mem>>) {add = true}
      %add3A_450 = arith.constant 5 : i32
      %add3A_451 = arith.addi %mul3A_236, %add3A_450 : i32
      %mul3A_452 = arith.constant 8 : i32
      %mul3A_453 = arith.muli %scan3A_224, %mul3A_452 : i32
      %add3A_454 = arith.constant 5 : i32
      %add3A_455 = arith.addi %mul3A_453, %add3A_454 : i32
      %dma_start3A_456 = arith.constant 0 : i32
      %dma_start3A_457 = arith.constant 0 : i32
      %dma_start3A_458 = tpu.memref_slice %arg7[%add3A_451, %dma_start3A_456, %dma_start3A_457] : memref<16x125x16xf32, #tpu.memory_space<vmem>> -> memref<1x125x16xf32, #tpu.memory_space<vmem>>
      %dma_start3A_459 = tpu.memref_squeeze %dma_start3A_458 : memref<1x125x16xf32, #tpu.memory_space<vmem>> -> memref<125x16xf32, #tpu.memory_space<vmem>>
      %dma_start3A_460 = arith.constant 0 : i32
      %dma_start3A_461 = tpu.memref_slice %arg6[%add3A_455, %dma_start3A_460] : memref<80x125xi32, #tpu.memory_space<vmem>> -> memref<1x125xi32, #tpu.memory_space<vmem>>
      %dma_start3A_462 = tpu.memref_squeeze %dma_start3A_461 : memref<1x125xi32, #tpu.memory_space<vmem>> -> memref<125xi32, #tpu.memory_space<vmem>>
      %dma_start3A_463 = arith.constant 0 : i32
      %dma_start3A_464 = arith.constant 0 : i32
      %dma_start3A_465 = tpu.memref_slice %arg9[%dma_start3A_463, %dma_start3A_464] : memref<10240x16xf32, #tpu.memory_space<vmem_shared>> -> memref<10240x16xf32, #tpu.memory_space<vmem_shared>>
      tpu.enqueue_indirect_dma source(%dma_start3A_459 : memref<125x16xf32, #tpu.memory_space<vmem>>) target(%dma_start3A_465 : memref<10240x16xf32, #tpu.memory_space<vmem_shared>>) offsets(%dma_start3A_462 : memref<125xi32, #tpu.memory_space<vmem>>) semaphore(%arg12 : memref<!tpu.dma_semaphore, #tpu.memory_space<semaphore_mem>>) {add = true}
      %add3A_466 = arith.constant 6 : i32
      %add3A_467 = arith.addi %mul3A_236, %add3A_466 : i32
      %mul3A_468 = arith.constant 8 : i32
      %mul3A_469 = arith.muli %scan3A_224, %mul3A_468 : i32
      %add3A_470 = arith.constant 6 : i32
      %add3A_471 = arith.addi %mul3A_469, %add3A_470 : i32
      %dma_start3A_472 = arith.constant 0 : i32
      %dma_start3A_473 = arith.constant 0 : i32
      %dma_start3A_474 = tpu.memref_slice %arg7[%add3A_467, %dma_start3A_472, %dma_start3A_473] : memref<16x125x16xf32, #tpu.memory_space<vmem>> -> memref<1x125x16xf32, #tpu.memory_space<vmem>>
      %dma_start3A_475 = tpu.memref_squeeze %dma_start3A_474 : memref<1x125x16xf32, #tpu.memory_space<vmem>> -> memref<125x16xf32, #tpu.memory_space<vmem>>
      %dma_start3A_476 = arith.constant 0 : i32
      %dma_start3A_477 = tpu.memref_slice %arg6[%add3A_471, %dma_start3A_476] : memref<80x125xi32, #tpu.memory_space<vmem>> -> memref<1x125xi32, #tpu.memory_space<vmem>>
      %dma_start3A_478 = tpu.memref_squeeze %dma_start3A_477 : memref<1x125xi32, #tpu.memory_space<vmem>> -> memref<125xi32, #tpu.memory_space<vmem>>
      %dma_start3A_479 = arith.constant 0 : i32
      %dma_start3A_480 = arith.constant 0 : i32
      %dma_start3A_481 = tpu.memref_slice %arg9[%dma_start3A_479, %dma_start3A_480] : memref<10240x16xf32, #tpu.memory_space<vmem_shared>> -> memref<10240x16xf32, #tpu.memory_space<vmem_shared>>
      tpu.enqueue_indirect_dma source(%dma_start3A_475 : memref<125x16xf32, #tpu.memory_space<vmem>>) target(%dma_start3A_481 : memref<10240x16xf32, #tpu.memory_space<vmem_shared>>) offsets(%dma_start3A_478 : memref<125xi32, #tpu.memory_space<vmem>>) semaphore(%arg12 : memref<!tpu.dma_semaphore, #tpu.memory_space<semaphore_mem>>) {add = true}
      %add3A_482 = arith.constant 7 : i32
      %add3A_483 = arith.addi %mul3A_236, %add3A_482 : i32
      %mul3A_484 = arith.constant 8 : i32
      %mul3A_485 = arith.muli %scan3A_224, %mul3A_484 : i32
      %add3A_486 = arith.constant 7 : i32
      %add3A_487 = arith.addi %mul3A_485, %add3A_486 : i32
      %dma_start3A_488 = arith.constant 0 : i32
      %dma_start3A_489 = arith.constant 0 : i32
      %dma_start3A_490 = tpu.memref_slice %arg7[%add3A_483, %dma_start3A_488, %dma_start3A_489] : memref<16x125x16xf32, #tpu.memory_space<vmem>> -> memref<1x125x16xf32, #tpu.memory_space<vmem>>
      %dma_start3A_491 = tpu.memref_squeeze %dma_start3A_490 : memref<1x125x16xf32, #tpu.memory_space<vmem>> -> memref<125x16xf32, #tpu.memory_space<vmem>>
      %dma_start3A_492 = arith.constant 0 : i32
      %dma_start3A_493 = tpu.memref_slice %arg6[%add3A_487, %dma_start3A_492] : memref<80x125xi32, #tpu.memory_space<vmem>> -> memref<1x125xi32, #tpu.memory_space<vmem>>
      %dma_start3A_494 = tpu.memref_squeeze %dma_start3A_493 : memref<1x125xi32, #tpu.memory_space<vmem>> -> memref<125xi32, #tpu.memory_space<vmem>>
      %dma_start3A_495 = arith.constant 0 : i32
      %dma_start3A_496 = arith.constant 0 : i32
      %dma_start3A_497 = tpu.memref_slice %arg9[%dma_start3A_495, %dma_start3A_496] : memref<10240x16xf32, #tpu.memory_space<vmem_shared>> -> memref<10240x16xf32, #tpu.memory_space<vmem_shared>>
      tpu.enqueue_indirect_dma source(%dma_start3A_491 : memref<125x16xf32, #tpu.memory_space<vmem>>) target(%dma_start3A_497 : memref<10240x16xf32, #tpu.memory_space<vmem_shared>>) offsets(%dma_start3A_494 : memref<125xi32, #tpu.memory_space<vmem>>) semaphore(%arg12 : memref<!tpu.dma_semaphore, #tpu.memory_space<semaphore_mem>>) {add = true}
      %scan3A_498 = arith.constant 0 : i32
      scf.yield %scan3A_498 : i32
    }
    %scan3A_120 = arith.constant 10 : i32
    %dma_wait3A = arith.constant 0 : i32
    %dma_wait3A_121 = arith.constant 0 : i32
    %dma_wait3A_122 = arith.constant 0 : i32
    %dma_wait3A_123 = arith.constant 0 : i32
    %dma_wait3A_124 = tpu.memref_slice %arg7[%dma_wait3A, %dma_wait3A_122, %dma_wait3A_123] : memref<16x125x16xf32, #tpu.memory_space<vmem>> -> memref<1x125x16xf32, #tpu.memory_space<vmem>>
    %dma_wait3A_125 = tpu.memref_squeeze %dma_wait3A_124 : memref<1x125x16xf32, #tpu.memory_space<vmem>> -> memref<125x16xf32, #tpu.memory_space<vmem>>
    %dma_wait3A_126 = arith.constant 0 : i32
    %dma_wait3A_127 = tpu.memref_slice %arg6[%dma_wait3A_121, %dma_wait3A_126] : memref<80x125xi32, #tpu.memory_space<vmem>> -> memref<1x125xi32, #tpu.memory_space<vmem>>
    %dma_wait3A_128 = tpu.memref_squeeze %dma_wait3A_127 : memref<1x125xi32, #tpu.memory_space<vmem>> -> memref<125xi32, #tpu.memory_space<vmem>>
    %dma_wait3A_129 = arith.constant 0 : i32
    %dma_wait3A_130 = arith.constant 0 : i32
    %dma_wait3A_131 = tpu.memref_slice %arg9[%dma_wait3A_129, %dma_wait3A_130] : memref<10240x16xf32, #tpu.memory_space<vmem_shared>> -> memref<10240x16xf32, #tpu.memory_space<vmem_shared>>
    tpu.wait_indirect_dma semaphore(%arg12 : memref<!tpu.dma_semaphore, #tpu.memory_space<semaphore_mem>>) src(%dma_wait3A_125 : memref<125x16xf32, #tpu.memory_space<vmem>>) dst(%dma_wait3A_131 : memref<10240x16xf32, #tpu.memory_space<vmem_shared>>)
    %dma_wait3A_132 = arith.constant 1 : i32
    %dma_wait3A_133 = arith.constant 1 : i32
    %dma_wait3A_134 = arith.constant 0 : i32
    %dma_wait3A_135 = arith.constant 0 : i32
    %dma_wait3A_136 = tpu.memref_slice %arg7[%dma_wait3A_132, %dma_wait3A_134, %dma_wait3A_135] : memref<16x125x16xf32, #tpu.memory_space<vmem>> -> memref<1x125x16xf32, #tpu.memory_space<vmem>>
    %dma_wait3A_137 = tpu.memref_squeeze %dma_wait3A_136 : memref<1x125x16xf32, #tpu.memory_space<vmem>> -> memref<125x16xf32, #tpu.memory_space<vmem>>
    %dma_wait3A_138 = arith.constant 0 : i32
    %dma_wait3A_139 = tpu.memref_slice %arg6[%dma_wait3A_133, %dma_wait3A_138] : memref<80x125xi32, #tpu.memory_space<vmem>> -> memref<1x125xi32, #tpu.memory_space<vmem>>
    %dma_wait3A_140 = tpu.memref_squeeze %dma_wait3A_139 : memref<1x125xi32, #tpu.memory_space<vmem>> -> memref<125xi32, #tpu.memory_space<vmem>>
    %dma_wait3A_141 = arith.constant 0 : i32
    %dma_wait3A_142 = arith.constant 0 : i32
    %dma_wait3A_143 = tpu.memref_slice %arg9[%dma_wait3A_141, %dma_wait3A_142] : memref<10240x16xf32, #tpu.memory_space<vmem_shared>> -> memref<10240x16xf32, #tpu.memory_space<vmem_shared>>
    tpu.wait_indirect_dma semaphore(%arg12 : memref<!tpu.dma_semaphore, #tpu.memory_space<semaphore_mem>>) src(%dma_wait3A_137 : memref<125x16xf32, #tpu.memory_space<vmem>>) dst(%dma_wait3A_143 : memref<10240x16xf32, #tpu.memory_space<vmem_shared>>)
    %dma_wait3A_144 = arith.constant 2 : i32
    %dma_wait3A_145 = arith.constant 2 : i32
    %dma_wait3A_146 = arith.constant 0 : i32
    %dma_wait3A_147 = arith.constant 0 : i32
    %dma_wait3A_148 = tpu.memref_slice %arg7[%dma_wait3A_144, %dma_wait3A_146, %dma_wait3A_147] : memref<16x125x16xf32, #tpu.memory_space<vmem>> -> memref<1x125x16xf32, #tpu.memory_space<vmem>>
    %dma_wait3A_149 = tpu.memref_squeeze %dma_wait3A_148 : memref<1x125x16xf32, #tpu.memory_space<vmem>> -> memref<125x16xf32, #tpu.memory_space<vmem>>
    %dma_wait3A_150 = arith.constant 0 : i32
    %dma_wait3A_151 = tpu.memref_slice %arg6[%dma_wait3A_145, %dma_wait3A_150] : memref<80x125xi32, #tpu.memory_space<vmem>> -> memref<1x125xi32, #tpu.memory_space<vmem>>
    %dma_wait3A_152 = tpu.memref_squeeze %dma_wait3A_151 : memref<1x125xi32, #tpu.memory_space<vmem>> -> memref<125xi32, #tpu.memory_space<vmem>>
    %dma_wait3A_153 = arith.constant 0 : i32
    %dma_wait3A_154 = arith.constant 0 : i32
    %dma_wait3A_155 = tpu.memref_slice %arg9[%dma_wait3A_153, %dma_wait3A_154] : memref<10240x16xf32, #tpu.memory_space<vmem_shared>> -> memref<10240x16xf32, #tpu.memory_space<vmem_shared>>
    tpu.wait_indirect_dma semaphore(%arg12 : memref<!tpu.dma_semaphore, #tpu.memory_space<semaphore_mem>>) src(%dma_wait3A_149 : memref<125x16xf32, #tpu.memory_space<vmem>>) dst(%dma_wait3A_155 : memref<10240x16xf32, #tpu.memory_space<vmem_shared>>)
    %dma_wait3A_156 = arith.constant 3 : i32
    %dma_wait3A_157 = arith.constant 3 : i32
    %dma_wait3A_158 = arith.constant 0 : i32
    %dma_wait3A_159 = arith.constant 0 : i32
    %dma_wait3A_160 = tpu.memref_slice %arg7[%dma_wait3A_156, %dma_wait3A_158, %dma_wait3A_159] : memref<16x125x16xf32, #tpu.memory_space<vmem>> -> memref<1x125x16xf32, #tpu.memory_space<vmem>>
    %dma_wait3A_161 = tpu.memref_squeeze %dma_wait3A_160 : memref<1x125x16xf32, #tpu.memory_space<vmem>> -> memref<125x16xf32, #tpu.memory_space<vmem>>
    %dma_wait3A_162 = arith.constant 0 : i32
    %dma_wait3A_163 = tpu.memref_slice %arg6[%dma_wait3A_157, %dma_wait3A_162] : memref<80x125xi32, #tpu.memory_space<vmem>> -> memref<1x125xi32, #tpu.memory_space<vmem>>
    %dma_wait3A_164 = tpu.memref_squeeze %dma_wait3A_163 : memref<1x125xi32, #tpu.memory_space<vmem>> -> memref<125xi32, #tpu.memory_space<vmem>>
    %dma_wait3A_165 = arith.constant 0 : i32
    %dma_wait3A_166 = arith.constant 0 : i32
    %dma_wait3A_167 = tpu.memref_slice %arg9[%dma_wait3A_165, %dma_wait3A_166] : memref<10240x16xf32, #tpu.memory_space<vmem_shared>> -> memref<10240x16xf32, #tpu.memory_space<vmem_shared>>
    tpu.wait_indirect_dma semaphore(%arg12 : memref<!tpu.dma_semaphore, #tpu.memory_space<semaphore_mem>>) src(%dma_wait3A_161 : memref<125x16xf32, #tpu.memory_space<vmem>>) dst(%dma_wait3A_167 : memref<10240x16xf32, #tpu.memory_space<vmem_shared>>)
    %dma_wait3A_168 = arith.constant 4 : i32
    %dma_wait3A_169 = arith.constant 4 : i32
    %dma_wait3A_170 = arith.constant 0 : i32
    %dma_wait3A_171 = arith.constant 0 : i32
    %dma_wait3A_172 = tpu.memref_slice %arg7[%dma_wait3A_168, %dma_wait3A_170, %dma_wait3A_171] : memref<16x125x16xf32, #tpu.memory_space<vmem>> -> memref<1x125x16xf32, #tpu.memory_space<vmem>>
    %dma_wait3A_173 = tpu.memref_squeeze %dma_wait3A_172 : memref<1x125x16xf32, #tpu.memory_space<vmem>> -> memref<125x16xf32, #tpu.memory_space<vmem>>
    %dma_wait3A_174 = arith.constant 0 : i32
    %dma_wait3A_175 = tpu.memref_slice %arg6[%dma_wait3A_169, %dma_wait3A_174] : memref<80x125xi32, #tpu.memory_space<vmem>> -> memref<1x125xi32, #tpu.memory_space<vmem>>
    %dma_wait3A_176 = tpu.memref_squeeze %dma_wait3A_175 : memref<1x125xi32, #tpu.memory_space<vmem>> -> memref<125xi32, #tpu.memory_space<vmem>>
    %dma_wait3A_177 = arith.constant 0 : i32
    %dma_wait3A_178 = arith.constant 0 : i32
    %dma_wait3A_179 = tpu.memref_slice %arg9[%dma_wait3A_177, %dma_wait3A_178] : memref<10240x16xf32, #tpu.memory_space<vmem_shared>> -> memref<10240x16xf32, #tpu.memory_space<vmem_shared>>
    tpu.wait_indirect_dma semaphore(%arg12 : memref<!tpu.dma_semaphore, #tpu.memory_space<semaphore_mem>>) src(%dma_wait3A_173 : memref<125x16xf32, #tpu.memory_space<vmem>>) dst(%dma_wait3A_179 : memref<10240x16xf32, #tpu.memory_space<vmem_shared>>)
    %dma_wait3A_180 = arith.constant 5 : i32
    %dma_wait3A_181 = arith.constant 5 : i32
    %dma_wait3A_182 = arith.constant 0 : i32
    %dma_wait3A_183 = arith.constant 0 : i32
    %dma_wait3A_184 = tpu.memref_slice %arg7[%dma_wait3A_180, %dma_wait3A_182, %dma_wait3A_183] : memref<16x125x16xf32, #tpu.memory_space<vmem>> -> memref<1x125x16xf32, #tpu.memory_space<vmem>>
    %dma_wait3A_185 = tpu.memref_squeeze %dma_wait3A_184 : memref<1x125x16xf32, #tpu.memory_space<vmem>> -> memref<125x16xf32, #tpu.memory_space<vmem>>
    %dma_wait3A_186 = arith.constant 0 : i32
    %dma_wait3A_187 = tpu.memref_slice %arg6[%dma_wait3A_181, %dma_wait3A_186] : memref<80x125xi32, #tpu.memory_space<vmem>> -> memref<1x125xi32, #tpu.memory_space<vmem>>
    %dma_wait3A_188 = tpu.memref_squeeze %dma_wait3A_187 : memref<1x125xi32, #tpu.memory_space<vmem>> -> memref<125xi32, #tpu.memory_space<vmem>>
    %dma_wait3A_189 = arith.constant 0 : i32
    %dma_wait3A_190 = arith.constant 0 : i32
    %dma_wait3A_191 = tpu.memref_slice %arg9[%dma_wait3A_189, %dma_wait3A_190] : memref<10240x16xf32, #tpu.memory_space<vmem_shared>> -> memref<10240x16xf32, #tpu.memory_space<vmem_shared>>
    tpu.wait_indirect_dma semaphore(%arg12 : memref<!tpu.dma_semaphore, #tpu.memory_space<semaphore_mem>>) src(%dma_wait3A_185 : memref<125x16xf32, #tpu.memory_space<vmem>>) dst(%dma_wait3A_191 : memref<10240x16xf32, #tpu.memory_space<vmem_shared>>)
    %dma_wait3A_192 = arith.constant 6 : i32
    %dma_wait3A_193 = arith.constant 6 : i32
    %dma_wait3A_194 = arith.constant 0 : i32
    %dma_wait3A_195 = arith.constant 0 : i32
    %dma_wait3A_196 = tpu.memref_slice %arg7[%dma_wait3A_192, %dma_wait3A_194, %dma_wait3A_195] : memref<16x125x16xf32, #tpu.memory_space<vmem>> -> memref<1x125x16xf32, #tpu.memory_space<vmem>>
    %dma_wait3A_197 = tpu.memref_squeeze %dma_wait3A_196 : memref<1x125x16xf32, #tpu.memory_space<vmem>> -> memref<125x16xf32, #tpu.memory_space<vmem>>
    %dma_wait3A_198 = arith.constant 0 : i32
    %dma_wait3A_199 = tpu.memref_slice %arg6[%dma_wait3A_193, %dma_wait3A_198] : memref<80x125xi32, #tpu.memory_space<vmem>> -> memref<1x125xi32, #tpu.memory_space<vmem>>
    %dma_wait3A_200 = tpu.memref_squeeze %dma_wait3A_199 : memref<1x125xi32, #tpu.memory_space<vmem>> -> memref<125xi32, #tpu.memory_space<vmem>>
    %dma_wait3A_201 = arith.constant 0 : i32
    %dma_wait3A_202 = arith.constant 0 : i32
    %dma_wait3A_203 = tpu.memref_slice %arg9[%dma_wait3A_201, %dma_wait3A_202] : memref<10240x16xf32, #tpu.memory_space<vmem_shared>> -> memref<10240x16xf32, #tpu.memory_space<vmem_shared>>
    tpu.wait_indirect_dma semaphore(%arg12 : memref<!tpu.dma_semaphore, #tpu.memory_space<semaphore_mem>>) src(%dma_wait3A_197 : memref<125x16xf32, #tpu.memory_space<vmem>>) dst(%dma_wait3A_203 : memref<10240x16xf32, #tpu.memory_space<vmem_shared>>)
    %dma_wait3A_204 = arith.constant 7 : i32
    %dma_wait3A_205 = arith.constant 7 : i32
    %dma_wait3A_206 = arith.constant 0 : i32
    %dma_wait3A_207 = arith.constant 0 : i32
    %dma_wait3A_208 = tpu.memref_slice %arg7[%dma_wait3A_204, %dma_wait3A_206, %dma_wait3A_207] : memref<16x125x16xf32, #tpu.memory_space<vmem>> -> memref<1x125x16xf32, #tpu.memory_space<vmem>>
    %dma_wait3A_209 = tpu.memref_squeeze %dma_wait3A_208 : memref<1x125x16xf32, #tpu.memory_space<vmem>> -> memref<125x16xf32, #tpu.memory_space<vmem>>
    %dma_wait3A_210 = arith.constant 0 : i32
    %dma_wait3A_211 = tpu.memref_slice %arg6[%dma_wait3A_205, %dma_wait3A_210] : memref<80x125xi32, #tpu.memory_space<vmem>> -> memref<1x125xi32, #tpu.memory_space<vmem>>
    %dma_wait3A_212 = tpu.memref_squeeze %dma_wait3A_211 : memref<1x125xi32, #tpu.memory_space<vmem>> -> memref<125xi32, #tpu.memory_space<vmem>>
    %dma_wait3A_213 = arith.constant 0 : i32
    %dma_wait3A_214 = arith.constant 0 : i32
    %dma_wait3A_215 = tpu.memref_slice %arg9[%dma_wait3A_213, %dma_wait3A_214] : memref<10240x16xf32, #tpu.memory_space<vmem_shared>> -> memref<10240x16xf32, #tpu.memory_space<vmem_shared>>
    tpu.wait_indirect_dma semaphore(%arg12 : memref<!tpu.dma_semaphore, #tpu.memory_space<semaphore_mem>>) src(%dma_wait3A_209 : memref<125x16xf32, #tpu.memory_space<vmem>>) dst(%dma_wait3A_215 : memref<10240x16xf32, #tpu.memory_space<vmem_shared>>)
    %barrier3A_216 = arith.constant 0 : index
    tpu.barrier barrier_id(%barrier3A_216)
    %mul3A_217 = arith.constant 640 : i32
    %mul3A_218 = arith.muli %arg1, %mul3A_217 : i32
    %mul3A_219 = arith.constant 10240 : i32
    %mul3A_220 = arith.muli %arg0, %mul3A_219 : i32
    %mul3A_221 = arith.constant 640 : i32
    %mul3A_222 = arith.muli %arg1, %mul3A_221 : i32
    %add3A_223 = arith.addi %mul3A_220, %mul3A_222 : i32
    "tpu.region"() ({
      %run_scoped3A_224 = tpu.sem_alloc : memref<!tpu.dma_semaphore, #tpu.memory_space<semaphore_mem>>
      %dma_start3A_225 = arith.constant 0 : i32
      %dma_start3A_226 = tpu.memref_slice %arg4[%add3A_223, %dma_start3A_225] : memref<20480x16xf32, #tpu.memory_space<hbm>> -> memref<640x16xf32, #tpu.memory_space<hbm>>
      %dma_start3A_227 = arith.constant 0 : i32
      %dma_start3A_228 = tpu.memref_slice %arg9[%mul3A_218, %dma_start3A_227] : memref<10240x16xf32, #tpu.memory_space<vmem_shared>> -> memref<640x16xf32, #tpu.memory_space<vmem_shared>>
      tpu.enqueue_dma source(%dma_start3A_228 : memref<640x16xf32, #tpu.memory_space<vmem_shared>>) target(%dma_start3A_226 : memref<640x16xf32, #tpu.memory_space<hbm>>) target_semaphore(%run_scoped3A_224 : memref<!tpu.dma_semaphore, #tpu.memory_space<semaphore_mem>>)
      %dma_wait3A_229 = arith.constant 0 : i32
      %dma_wait3A_230 = tpu.memref_slice %arg4[%add3A_223, %dma_wait3A_229] : memref<20480x16xf32, #tpu.memory_space<hbm>> -> memref<640x16xf32, #tpu.memory_space<hbm>>
      %dma_wait3A_231 = arith.constant 0 : i32
      %dma_wait3A_232 = tpu.memref_slice %arg9[%mul3A_218, %dma_wait3A_231] : memref<10240x16xf32, #tpu.memory_space<vmem_shared>> -> memref<640x16xf32, #tpu.memory_space<vmem_shared>>
      tpu.wait_dma2 semaphore(%run_scoped3A_224 : memref<!tpu.dma_semaphore, #tpu.memory_space<semaphore_mem>>) src(%dma_wait3A_232 : memref<640x16xf32, #tpu.memory_space<vmem_shared>>) dst(%dma_wait3A_230 : memref<640x16xf32, #tpu.memory_space<hbm>>)
      tpu.yield
    }) : () -> ()
    return
  }
}

#map = affine_map<(d0, d1) -> (0, 0)>
#map1 = affine_map<(d0, d1) -> (0, 0, 0)>
module attributes {stable_mosaic.version = 14 : i64} {
  func.func @k(%arg0: i32, %arg1: i32, %arg2: memref<10000x16xf32, #tpu.memory_space<hbm>>, %arg3: memref<2x2560x125xi32, #tpu.memory_space<hbm>>, %arg4: memref<20480x16xf32, #tpu.memory_space<hbm>>, %arg5: memref<80x125xi32, #tpu.memory_space<vmem>>, %arg6: memref<80x125xi32, #tpu.memory_space<vmem>>, %arg7: memref<16x125x16xf32, #tpu.memory_space<vmem>>, %arg8: memref<640x16xf32, #tpu.memory_space<vmem>>, %arg9: memref<10240x16xf32, #tpu.memory_space<vmem_shared>>, %arg10: memref<10000x16xf32, #tpu.memory_space<vmem_shared>>, %arg11: memref<!tpu.dma_semaphore, #tpu.memory_space<semaphore_mem>>, %arg12: memref<!tpu.dma_semaphore, #tpu.memory_space<semaphore_mem>>) attributes {dimension_semantics = [#tpu.dimension_semantics<core_parallel>, #tpu.dimension_semantics<subcore_parallel>], iteration_bounds = array<i64: 2, 16>, scalar_prefetch = 0 : i64, scratch_operands = 8 : i64, tpu.core_type = #tpu.core_type<sc_vector_subcore>, window_params = [{transform_indices = #map}, {transform_indices = #map1}, {transform_indices = #map}]} {
    %mul3A = arith.constant 2 : i32
    %mul3A_0 = arith.muli %arg1, %mul3A : i32
    %add3A = arith.addi %mul3A_0, %arg0 : i32
    %broadcast_in_dim3A = arith.constant 0.000000e+00 : f32
    %broadcast_in_dim3A_1 = vector.broadcast %broadcast_in_dim3A : f32 to vector<16xf32>
    %scan3A = arith.constant 0 : i32
    %scan3A_2 = arith.constant 0 : i32
    %scan3A_3 = arith.constant 640 : i32
    %scan3A_4 = arith.addi %scan3A_2, %scan3A_3 : i32
    %scan3A_5 = arith.constant 1 : i32
    %scan3A_6 = scf.for %scan3A_224 = %scan3A_2 to %scan3A_4 step %scan3A_5 iter_args(%scan3A_225 = %scan3A) -> (i32)  : i32 {
      %swap3A = arith.index_cast %scan3A_224 : i32 to index
      %swap3A_226 = arith.constant 0 : index
      %swap3A_227 = tpu.vector_load %arg8[%swap3A, %swap3A_226] {strides = array<i32>} : memref<640x16xf32, #tpu.memory_space<vmem>>, vector<1x16xf32>,
      %swap3A_228 = vector.shape_cast %swap3A_227 : vector<1x16xf32> to vector<16xf32>
      %swap3A_229 = vector.shape_cast %broadcast_in_dim3A_1 : vector<16xf32> to vector<1x16xf32>
      tpu.vector_store %arg8[%swap3A, %swap3A_226], %swap3A_229 {strides = array<i32>} : memref<640x16xf32, #tpu.memory_space<vmem>>, vector<1x16xf32>,
      %scan3A_230 = arith.constant 0 : i32
      scf.yield %scan3A_230 : i32
    }
    %scan3A_7 = arith.constant 640 : i32
    %mul3A_8 = arith.constant 640 : i32
    %mul3A_9 = arith.muli %arg1, %mul3A_8 : i32
    "tpu.region"() ({
      %run_scoped3A_224 = tpu.sem_alloc : memref<!tpu.dma_semaphore, #tpu.memory_space<semaphore_mem>>
      %dma_start3A_225 = arith.constant 0 : i32
      %dma_start3A_226 = tpu.memref_slice %arg9[%mul3A_9, %dma_start3A_225] : memref<10240x16xf32, #tpu.memory_space<vmem_shared>> -> memref<640x16xf32, #tpu.memory_space<vmem_shared>>
      %dma_start3A_227 = arith.constant 0 : i32
      %dma_start3A_228 = tpu.memref_slice %arg9[%mul3A_9, %dma_start3A_227] : memref<10240x16xf32, #tpu.memory_space<vmem_shared>> -> memref<640x16xf32, #tpu.memory_space<vmem_shared>>
      tpu.enqueue_dma source(%arg8 : memref<640x16xf32, #tpu.memory_space<vmem>>) target(%dma_start3A_228 : memref<640x16xf32, #tpu.memory_space<vmem_shared>>) target_semaphore(%run_scoped3A_224 : memref<!tpu.dma_semaphore, #tpu.memory_space<semaphore_mem>>)
      %dma_wait3A_229 = arith.constant 0 : i32
      %dma_wait3A_230 = tpu.memref_slice %arg9[%mul3A_9, %dma_wait3A_229] : memref<10240x16xf32, #tpu.memory_space<vmem_shared>> -> memref<640x16xf32, #tpu.memory_space<vmem_shared>>
      %dma_wait3A_231 = arith.constant 0 : i32
      %dma_wait3A_232 = tpu.memref_slice %arg9[%mul3A_9, %dma_wait3A_231] : memref<10240x16xf32, #tpu.memory_space<vmem_shared>> -> memref<640x16xf32, #tpu.memory_space<vmem_shared>>
      tpu.wait_dma2 semaphore(%run_scoped3A_224 : memref<!tpu.dma_semaphore, #tpu.memory_space<semaphore_mem>>) src(%arg8 : memref<640x16xf32, #tpu.memory_space<vmem>>) dst(%dma_wait3A_232 : memref<640x16xf32, #tpu.memory_space<vmem_shared>>)
      tpu.yield
    }) : () -> ()
    %mul3A_10 = arith.constant 625 : i32
    %mul3A_11 = arith.muli %arg1, %mul3A_10 : i32
    %mul3A_12 = arith.constant 625 : i32
    %mul3A_13 = arith.muli %arg1, %mul3A_12 : i32
    "tpu.region"() ({
      %run_scoped3A_224 = tpu.sem_alloc : memref<!tpu.dma_semaphore, #tpu.memory_space<semaphore_mem>>
      %dma_start3A_225 = arith.constant 0 : i32
      %dma_start3A_226 = tpu.memref_slice %arg10[%mul3A_13, %dma_start3A_225] : memref<10000x16xf32, #tpu.memory_space<vmem_shared>> -> memref<625x16xf32, #tpu.memory_space<vmem_shared>>
      %dma_start3A_227 = arith.constant 0 : i32
      %dma_start3A_228 = tpu.memref_slice %arg2[%mul3A_11, %dma_start3A_227] : memref<10000x16xf32, #tpu.memory_space<hbm>> -> memref<625x16xf32, #tpu.memory_space<hbm>>
      tpu.enqueue_dma source(%dma_start3A_228 : memref<625x16xf32, #tpu.memory_space<hbm>>) target(%dma_start3A_226 : memref<625x16xf32, #tpu.memory_space<vmem_shared>>) target_semaphore(%run_scoped3A_224 : memref<!tpu.dma_semaphore, #tpu.memory_space<semaphore_mem>>)
      %dma_wait3A_229 = arith.constant 0 : i32
      %dma_wait3A_230 = tpu.memref_slice %arg10[%mul3A_13, %dma_wait3A_229] : memref<10000x16xf32, #tpu.memory_space<vmem_shared>> -> memref<625x16xf32, #tpu.memory_space<vmem_shared>>
      %dma_wait3A_231 = arith.constant 0 : i32
      %dma_wait3A_232 = tpu.memref_slice %arg2[%mul3A_11, %dma_wait3A_231] : memref<10000x16xf32, #tpu.memory_space<hbm>> -> memref<625x16xf32, #tpu.memory_space<hbm>>
      tpu.wait_dma2 semaphore(%run_scoped3A_224 : memref<!tpu.dma_semaphore, #tpu.memory_space<semaphore_mem>>) src(%dma_wait3A_232 : memref<625x16xf32, #tpu.memory_space<hbm>>) dst(%dma_wait3A_230 : memref<625x16xf32, #tpu.memory_space<vmem_shared>>)
      tpu.yield
    }) : () -> ()
    %barrier3A = arith.constant 0 : index
    tpu.barrier barrier_id(%barrier3A)
    %mul3A_14 = arith.constant 80 : i32
    %mul3A_15 = arith.muli %add3A, %mul3A_14 : i32
    %run_scoped3A = arith.constant 0 : i32
    "tpu.region"() ({
      %run_scoped3A_224 = tpu.sem_alloc : memref<!tpu.dma_semaphore, #tpu.memory_space<semaphore_mem>>
      %dma_start3A_225 = arith.constant 0 : i32
      %dma_start3A_226 = arith.constant 0 : i32
      %dma_start3A_227 = tpu.memref_slice %arg3[%run_scoped3A, %dma_start3A_225, %dma_start3A_226] : memref<2x2560x125xi32, #tpu.memory_space<hbm>> -> memref<1x2560x125xi32, #tpu.memory_space<hbm>>
      %dma_start3A_228 = tpu.memref_squeeze %dma_start3A_227 : memref<1x2560x125xi32, #tpu.memory_space<hbm>> -> memref<2560x125xi32, #tpu.memory_space<hbm>>
      %dma_start3A_229 = arith.constant 0 : i32
      %dma_start3A_230 = tpu.memref_slice %dma_start3A_228[%mul3A_15, %dma_start3A_229] : memref<2560x125xi32, #tpu.memory_space<hbm>> -> memref<80x125xi32, #tpu.memory_space<hbm>>
      %dma_start3A_231 = arith.constant 0 : i32
      %dma_start3A_232 = arith.constant 0 : i32
      %dma_start3A_233 = tpu.memref_slice %arg3[%run_scoped3A, %dma_start3A_231, %dma_start3A_232] : memref<2x2560x125xi32, #tpu.memory_space<hbm>> -> memref<1x2560x125xi32, #tpu.memory_space<hbm>>
      %dma_start3A_234 = tpu.memref_squeeze %dma_start3A_233 : memref<1x2560x125xi32, #tpu.memory_space<hbm>> -> memref<2560x125xi32, #tpu.memory_space<hbm>>
      %dma_start3A_235 = arith.constant 0 : i32
      %dma_start3A_236 = tpu.memref_slice %dma_start3A_234[%mul3A_15, %dma_start3A_235] : memref<2560x125xi32, #tpu.memory_space<hbm>> -> memref<80x125xi32, #tpu.memory_space<hbm>>
      tpu.enqueue_dma source(%dma_start3A_236 : memref<80x125xi32, #tpu.memory_space<hbm>>) target(%arg5 : memref<80x125xi32, #tpu.memory_space<vmem>>) target_semaphore(%run_scoped3A_224 : memref<!tpu.dma_semaphore, #tpu.memory_space<semaphore_mem>>)
      %dma_wait3A_237 = arith.constant 0 : i32
      %dma_wait3A_238 = arith.constant 0 : i32
      %dma_wait3A_239 = tpu.memref_slice %arg3[%run_scoped3A, %dma_wait3A_237, %dma_wait3A_238] : memref<2x2560x125xi32, #tpu.memory_space<hbm>> -> memref<1x2560x125xi32, #tpu.memory_space<hbm>>
      %dma_wait3A_240 = tpu.memref_squeeze %dma_wait3A_239 : memref<1x2560x125xi32, #tpu.memory_space<hbm>> -> memref<2560x125xi32, #tpu.memory_space<hbm>>
      %dma_wait3A_241 = arith.constant 0 : i32
      %dma_wait3A_242 = tpu.memref_slice %dma_wait3A_240[%mul3A_15, %dma_wait3A_241] : memref<2560x125xi32, #tpu.memory_space<hbm>> -> memref<80x125xi32, #tpu.memory_space<hbm>>
      %dma_wait3A_243 = arith.constant 0 : i32
      %dma_wait3A_244 = arith.constant 0 : i32
      %dma_wait3A_245 = tpu.memref_slice %arg3[%run_scoped3A, %dma_wait3A_243, %dma_wait3A_244] : memref<2x2560x125xi32, #tpu.memory_space<hbm>> -> memref<1x2560x125xi32, #tpu.memory_space<hbm>>
      %dma_wait3A_246 = tpu.memref_squeeze %dma_wait3A_245 : memref<1x2560x125xi32, #tpu.memory_space<hbm>> -> memref<2560x125xi32, #tpu.memory_space<hbm>>
      %dma_wait3A_247 = arith.constant 0 : i32
      %dma_wait3A_248 = tpu.memref_slice %dma_wait3A_246[%mul3A_15, %dma_wait3A_247] : memref<2560x125xi32, #tpu.memory_space<hbm>> -> memref<80x125xi32, #tpu.memory_space<hbm>>
      tpu.wait_dma2 semaphore(%run_scoped3A_224 : memref<!tpu.dma_semaphore, #tpu.memory_space<semaphore_mem>>) src(%dma_wait3A_248 : memref<80x125xi32, #tpu.memory_space<hbm>>) dst(%arg5 : memref<80x125xi32, #tpu.memory_space<vmem>>)
      tpu.yield
    }) : () -> ()
    %mul3A_16 = arith.constant 80 : i32
    %mul3A_17 = arith.muli %add3A, %mul3A_16 : i32
    %run_scoped3A_18 = arith.constant 1 : i32
    "tpu.region"() ({
      %run_scoped3A_224 = tpu.sem_alloc : memref<!tpu.dma_semaphore, #tpu.memory_space<semaphore_mem>>
      %dma_start3A_225 = arith.constant 0 : i32
      %dma_start3A_226 = arith.constant 0 : i32
      %dma_start3A_227 = tpu.memref_slice %arg3[%run_scoped3A_18, %dma_start3A_225, %dma_start3A_226] : memref<2x2560x125xi32, #tpu.memory_space<hbm>> -> memref<1x2560x125xi32, #tpu.memory_space<hbm>>
      %dma_start3A_228 = tpu.memref_squeeze %dma_start3A_227 : memref<1x2560x125xi32, #tpu.memory_space<hbm>> -> memref<2560x125xi32, #tpu.memory_space<hbm>>
      %dma_start3A_229 = arith.constant 0 : i32
      %dma_start3A_230 = tpu.memref_slice %dma_start3A_228[%mul3A_17, %dma_start3A_229] : memref<2560x125xi32, #tpu.memory_space<hbm>> -> memref<80x125xi32, #tpu.memory_space<hbm>>
      %dma_start3A_231 = arith.constant 0 : i32
      %dma_start3A_232 = arith.constant 0 : i32
      %dma_start3A_233 = tpu.memref_slice %arg3[%run_scoped3A_18, %dma_start3A_231, %dma_start3A_232] : memref<2x2560x125xi32, #tpu.memory_space<hbm>> -> memref<1x2560x125xi32, #tpu.memory_space<hbm>>
      %dma_start3A_234 = tpu.memref_squeeze %dma_start3A_233 : memref<1x2560x125xi32, #tpu.memory_space<hbm>> -> memref<2560x125xi32, #tpu.memory_space<hbm>>
      %dma_start3A_235 = arith.constant 0 : i32
      %dma_start3A_236 = tpu.memref_slice %dma_start3A_234[%mul3A_17, %dma_start3A_235] : memref<2560x125xi32, #tpu.memory_space<hbm>> -> memref<80x125xi32, #tpu.memory_space<hbm>>
      tpu.enqueue_dma source(%dma_start3A_236 : memref<80x125xi32, #tpu.memory_space<hbm>>) target(%arg6 : memref<80x125xi32, #tpu.memory_space<vmem>>) target_semaphore(%run_scoped3A_224 : memref<!tpu.dma_semaphore, #tpu.memory_space<semaphore_mem>>)
      %dma_wait3A_237 = arith.constant 0 : i32
      %dma_wait3A_238 = arith.constant 0 : i32
      %dma_wait3A_239 = tpu.memref_slice %arg3[%run_scoped3A_18, %dma_wait3A_237, %dma_wait3A_238] : memref<2x2560x125xi32, #tpu.memory_space<hbm>> -> memref<1x2560x125xi32, #tpu.memory_space<hbm>>
      %dma_wait3A_240 = tpu.memref_squeeze %dma_wait3A_239 : memref<1x2560x125xi32, #tpu.memory_space<hbm>> -> memref<2560x125xi32, #tpu.memory_space<hbm>>
      %dma_wait3A_241 = arith.constant 0 : i32
      %dma_wait3A_242 = tpu.memref_slice %dma_wait3A_240[%mul3A_17, %dma_wait3A_241] : memref<2560x125xi32, #tpu.memory_space<hbm>> -> memref<80x125xi32, #tpu.memory_space<hbm>>
      %dma_wait3A_243 = arith.constant 0 : i32
      %dma_wait3A_244 = arith.constant 0 : i32
      %dma_wait3A_245 = tpu.memref_slice %arg3[%run_scoped3A_18, %dma_wait3A_243, %dma_wait3A_244] : memref<2x2560x125xi32, #tpu.memory_space<hbm>> -> memref<1x2560x125xi32, #tpu.memory_space<hbm>>
      %dma_wait3A_246 = tpu.memref_squeeze %dma_wait3A_245 : memref<1x2560x125xi32, #tpu.memory_space<hbm>> -> memref<2560x125xi32, #tpu.memory_space<hbm>>
      %dma_wait3A_247 = arith.constant 0 : i32
      %dma_wait3A_248 = tpu.memref_slice %dma_wait3A_246[%mul3A_17, %dma_wait3A_247] : memref<2560x125xi32, #tpu.memory_space<hbm>> -> memref<80x125xi32, #tpu.memory_space<hbm>>
      tpu.wait_dma2 semaphore(%run_scoped3A_224 : memref<!tpu.dma_semaphore, #tpu.memory_space<semaphore_mem>>) src(%dma_wait3A_248 : memref<80x125xi32, #tpu.memory_space<hbm>>) dst(%arg6 : memref<80x125xi32, #tpu.memory_space<vmem>>)
      tpu.yield
    }) : () -> ()
    %dma_start3A = arith.constant 0 : i32
    %dma_start3A_19 = arith.constant 0 : i32
    %dma_start3A_20 = arith.constant 0 : i32
    %dma_start3A_21 = arith.constant 0 : i32
    %dma_start3A_22 = tpu.memref_slice %arg7[%dma_start3A_19, %dma_start3A_20, %dma_start3A_21] : memref<16x125x16xf32, #tpu.memory_space<vmem>> -> memref<1x125x16xf32, #tpu.memory_space<vmem>>
    %dma_start3A_23 = tpu.memref_squeeze %dma_start3A_22 : memref<1x125x16xf32, #tpu.memory_space<vmem>> -> memref<125x16xf32, #tpu.memory_space<vmem>>
    %dma_start3A_24 = arith.constant 0 : i32
    %dma_start3A_25 = tpu.memref_slice %arg5[%dma_start3A, %dma_start3A_24] : memref<80x125xi32, #tpu.memory_space<vmem>> -> memref<1x125xi32, #tpu.memory_space<vmem>>
    %dma_start3A_26 = tpu.memref_squeeze %dma_start3A_25 : memref<1x125xi32, #tpu.memory_space<vmem>> -> memref<125xi32, #tpu.memory_space<vmem>>
    %dma_start3A_27 = arith.constant 0 : i32
    %dma_start3A_28 = arith.constant 0 : i32
    %dma_start3A_29 = tpu.memref_slice %arg10[%dma_start3A_27, %dma_start3A_28] : memref<10000x16xf32, #tpu.memory_space<vmem_shared>> -> memref<10000x16xf32, #tpu.memory_space<vmem_shared>>
    tpu.enqueue_indirect_dma source(%dma_start3A_29 : memref<10000x16xf32, #tpu.memory_space<vmem_shared>>) target(%dma_start3A_23 : memref<125x16xf32, #tpu.memory_space<vmem>>) offsets(%dma_start3A_26 : memref<125xi32, #tpu.memory_space<vmem>>) semaphore(%arg11 : memref<!tpu.dma_semaphore, #tpu.memory_space<semaphore_mem>>)
    %dma_start3A_30 = arith.constant 1 : i32
    %dma_start3A_31 = arith.constant 1 : i32
    %dma_start3A_32 = arith.constant 0 : i32
    %dma_start3A_33 = arith.constant 0 : i32
    %dma_start3A_34 = tpu.memref_slice %arg7[%dma_start3A_31, %dma_start3A_32, %dma_start3A_33] : memref<16x125x16xf32, #tpu.memory_space<vmem>> -> memref<1x125x16xf32, #tpu.memory_space<vmem>>
    %dma_start3A_35 = tpu.memref_squeeze %dma_start3A_34 : memref<1x125x16xf32, #tpu.memory_space<vmem>> -> memref<125x16xf32, #tpu.memory_space<vmem>>
    %dma_start3A_36 = arith.constant 0 : i32
    %dma_start3A_37 = tpu.memref_slice %arg5[%dma_start3A_30, %dma_start3A_36] : memref<80x125xi32, #tpu.memory_space<vmem>> -> memref<1x125xi32, #tpu.memory_space<vmem>>
    %dma_start3A_38 = tpu.memref_squeeze %dma_start3A_37 : memref<1x125xi32, #tpu.memory_space<vmem>> -> memref<125xi32, #tpu.memory_space<vmem>>
    %dma_start3A_39 = arith.constant 0 : i32
    %dma_start3A_40 = arith.constant 0 : i32
    %dma_start3A_41 = tpu.memref_slice %arg10[%dma_start3A_39, %dma_start3A_40] : memref<10000x16xf32, #tpu.memory_space<vmem_shared>> -> memref<10000x16xf32, #tpu.memory_space<vmem_shared>>
    tpu.enqueue_indirect_dma source(%dma_start3A_41 : memref<10000x16xf32, #tpu.memory_space<vmem_shared>>) target(%dma_start3A_35 : memref<125x16xf32, #tpu.memory_space<vmem>>) offsets(%dma_start3A_38 : memref<125xi32, #tpu.memory_space<vmem>>) semaphore(%arg11 : memref<!tpu.dma_semaphore, #tpu.memory_space<semaphore_mem>>)
    %dma_start3A_42 = arith.constant 2 : i32
    %dma_start3A_43 = arith.constant 2 : i32
    %dma_start3A_44 = arith.constant 0 : i32
    %dma_start3A_45 = arith.constant 0 : i32
    %dma_start3A_46 = tpu.memref_slice %arg7[%dma_start3A_43, %dma_start3A_44, %dma_start3A_45] : memref<16x125x16xf32, #tpu.memory_space<vmem>> -> memref<1x125x16xf32, #tpu.memory_space<vmem>>
    %dma_start3A_47 = tpu.memref_squeeze %dma_start3A_46 : memref<1x125x16xf32, #tpu.memory_space<vmem>> -> memref<125x16xf32, #tpu.memory_space<vmem>>
    %dma_start3A_48 = arith.constant 0 : i32
    %dma_start3A_49 = tpu.memref_slice %arg5[%dma_start3A_42, %dma_start3A_48] : memref<80x125xi32, #tpu.memory_space<vmem>> -> memref<1x125xi32, #tpu.memory_space<vmem>>
    %dma_start3A_50 = tpu.memref_squeeze %dma_start3A_49 : memref<1x125xi32, #tpu.memory_space<vmem>> -> memref<125xi32, #tpu.memory_space<vmem>>
    %dma_start3A_51 = arith.constant 0 : i32
    %dma_start3A_52 = arith.constant 0 : i32
    %dma_start3A_53 = tpu.memref_slice %arg10[%dma_start3A_51, %dma_start3A_52] : memref<10000x16xf32, #tpu.memory_space<vmem_shared>> -> memref<10000x16xf32, #tpu.memory_space<vmem_shared>>
    tpu.enqueue_indirect_dma source(%dma_start3A_53 : memref<10000x16xf32, #tpu.memory_space<vmem_shared>>) target(%dma_start3A_47 : memref<125x16xf32, #tpu.memory_space<vmem>>) offsets(%dma_start3A_50 : memref<125xi32, #tpu.memory_space<vmem>>) semaphore(%arg11 : memref<!tpu.dma_semaphore, #tpu.memory_space<semaphore_mem>>)
    %dma_start3A_54 = arith.constant 3 : i32
    %dma_start3A_55 = arith.constant 3 : i32
    %dma_start3A_56 = arith.constant 0 : i32
    %dma_start3A_57 = arith.constant 0 : i32
    %dma_start3A_58 = tpu.memref_slice %arg7[%dma_start3A_55, %dma_start3A_56, %dma_start3A_57] : memref<16x125x16xf32, #tpu.memory_space<vmem>> -> memref<1x125x16xf32, #tpu.memory_space<vmem>>
    %dma_start3A_59 = tpu.memref_squeeze %dma_start3A_58 : memref<1x125x16xf32, #tpu.memory_space<vmem>> -> memref<125x16xf32, #tpu.memory_space<vmem>>
    %dma_start3A_60 = arith.constant 0 : i32
    %dma_start3A_61 = tpu.memref_slice %arg5[%dma_start3A_54, %dma_start3A_60] : memref<80x125xi32, #tpu.memory_space<vmem>> -> memref<1x125xi32, #tpu.memory_space<vmem>>
    %dma_start3A_62 = tpu.memref_squeeze %dma_start3A_61 : memref<1x125xi32, #tpu.memory_space<vmem>> -> memref<125xi32, #tpu.memory_space<vmem>>
    %dma_start3A_63 = arith.constant 0 : i32
    %dma_start3A_64 = arith.constant 0 : i32
    %dma_start3A_65 = tpu.memref_slice %arg10[%dma_start3A_63, %dma_start3A_64] : memref<10000x16xf32, #tpu.memory_space<vmem_shared>> -> memref<10000x16xf32, #tpu.memory_space<vmem_shared>>
    tpu.enqueue_indirect_dma source(%dma_start3A_65 : memref<10000x16xf32, #tpu.memory_space<vmem_shared>>) target(%dma_start3A_59 : memref<125x16xf32, #tpu.memory_space<vmem>>) offsets(%dma_start3A_62 : memref<125xi32, #tpu.memory_space<vmem>>) semaphore(%arg11 : memref<!tpu.dma_semaphore, #tpu.memory_space<semaphore_mem>>)
    %dma_start3A_66 = arith.constant 4 : i32
    %dma_start3A_67 = arith.constant 4 : i32
    %dma_start3A_68 = arith.constant 0 : i32
    %dma_start3A_69 = arith.constant 0 : i32
    %dma_start3A_70 = tpu.memref_slice %arg7[%dma_start3A_67, %dma_start3A_68, %dma_start3A_69] : memref<16x125x16xf32, #tpu.memory_space<vmem>> -> memref<1x125x16xf32, #tpu.memory_space<vmem>>
    %dma_start3A_71 = tpu.memref_squeeze %dma_start3A_70 : memref<1x125x16xf32, #tpu.memory_space<vmem>> -> memref<125x16xf32, #tpu.memory_space<vmem>>
    %dma_start3A_72 = arith.constant 0 : i32
    %dma_start3A_73 = tpu.memref_slice %arg5[%dma_start3A_66, %dma_start3A_72] : memref<80x125xi32, #tpu.memory_space<vmem>> -> memref<1x125xi32, #tpu.memory_space<vmem>>
    %dma_start3A_74 = tpu.memref_squeeze %dma_start3A_73 : memref<1x125xi32, #tpu.memory_space<vmem>> -> memref<125xi32, #tpu.memory_space<vmem>>
    %dma_start3A_75 = arith.constant 0 : i32
    %dma_start3A_76 = arith.constant 0 : i32
    %dma_start3A_77 = tpu.memref_slice %arg10[%dma_start3A_75, %dma_start3A_76] : memref<10000x16xf32, #tpu.memory_space<vmem_shared>> -> memref<10000x16xf32, #tpu.memory_space<vmem_shared>>
    tpu.enqueue_indirect_dma source(%dma_start3A_77 : memref<10000x16xf32, #tpu.memory_space<vmem_shared>>) target(%dma_start3A_71 : memref<125x16xf32, #tpu.memory_space<vmem>>) offsets(%dma_start3A_74 : memref<125xi32, #tpu.memory_space<vmem>>) semaphore(%arg11 : memref<!tpu.dma_semaphore, #tpu.memory_space<semaphore_mem>>)
    %dma_start3A_78 = arith.constant 5 : i32
    %dma_start3A_79 = arith.constant 5 : i32
    %dma_start3A_80 = arith.constant 0 : i32
    %dma_start3A_81 = arith.constant 0 : i32
    %dma_start3A_82 = tpu.memref_slice %arg7[%dma_start3A_79, %dma_start3A_80, %dma_start3A_81] : memref<16x125x16xf32, #tpu.memory_space<vmem>> -> memref<1x125x16xf32, #tpu.memory_space<vmem>>
    %dma_start3A_83 = tpu.memref_squeeze %dma_start3A_82 : memref<1x125x16xf32, #tpu.memory_space<vmem>> -> memref<125x16xf32, #tpu.memory_space<vmem>>
    %dma_start3A_84 = arith.constant 0 : i32
    %dma_start3A_85 = tpu.memref_slice %arg5[%dma_start3A_78, %dma_start3A_84] : memref<80x125xi32, #tpu.memory_space<vmem>> -> memref<1x125xi32, #tpu.memory_space<vmem>>
    %dma_start3A_86 = tpu.memref_squeeze %dma_start3A_85 : memref<1x125xi32, #tpu.memory_space<vmem>> -> memref<125xi32, #tpu.memory_space<vmem>>
    %dma_start3A_87 = arith.constant 0 : i32
    %dma_start3A_88 = arith.constant 0 : i32
    %dma_start3A_89 = tpu.memref_slice %arg10[%dma_start3A_87, %dma_start3A_88] : memref<10000x16xf32, #tpu.memory_space<vmem_shared>> -> memref<10000x16xf32, #tpu.memory_space<vmem_shared>>
    tpu.enqueue_indirect_dma source(%dma_start3A_89 : memref<10000x16xf32, #tpu.memory_space<vmem_shared>>) target(%dma_start3A_83 : memref<125x16xf32, #tpu.memory_space<vmem>>) offsets(%dma_start3A_86 : memref<125xi32, #tpu.memory_space<vmem>>) semaphore(%arg11 : memref<!tpu.dma_semaphore, #tpu.memory_space<semaphore_mem>>)
    %dma_start3A_90 = arith.constant 6 : i32
    %dma_start3A_91 = arith.constant 6 : i32
    %dma_start3A_92 = arith.constant 0 : i32
    %dma_start3A_93 = arith.constant 0 : i32
    %dma_start3A_94 = tpu.memref_slice %arg7[%dma_start3A_91, %dma_start3A_92, %dma_start3A_93] : memref<16x125x16xf32, #tpu.memory_space<vmem>> -> memref<1x125x16xf32, #tpu.memory_space<vmem>>
    %dma_start3A_95 = tpu.memref_squeeze %dma_start3A_94 : memref<1x125x16xf32, #tpu.memory_space<vmem>> -> memref<125x16xf32, #tpu.memory_space<vmem>>
    %dma_start3A_96 = arith.constant 0 : i32
    %dma_start3A_97 = tpu.memref_slice %arg5[%dma_start3A_90, %dma_start3A_96] : memref<80x125xi32, #tpu.memory_space<vmem>> -> memref<1x125xi32, #tpu.memory_space<vmem>>
    %dma_start3A_98 = tpu.memref_squeeze %dma_start3A_97 : memref<1x125xi32, #tpu.memory_space<vmem>> -> memref<125xi32, #tpu.memory_space<vmem>>
    %dma_start3A_99 = arith.constant 0 : i32
    %dma_start3A_100 = arith.constant 0 : i32
    %dma_start3A_101 = tpu.memref_slice %arg10[%dma_start3A_99, %dma_start3A_100] : memref<10000x16xf32, #tpu.memory_space<vmem_shared>> -> memref<10000x16xf32, #tpu.memory_space<vmem_shared>>
    tpu.enqueue_indirect_dma source(%dma_start3A_101 : memref<10000x16xf32, #tpu.memory_space<vmem_shared>>) target(%dma_start3A_95 : memref<125x16xf32, #tpu.memory_space<vmem>>) offsets(%dma_start3A_98 : memref<125xi32, #tpu.memory_space<vmem>>) semaphore(%arg11 : memref<!tpu.dma_semaphore, #tpu.memory_space<semaphore_mem>>)
    %dma_start3A_102 = arith.constant 7 : i32
    %dma_start3A_103 = arith.constant 7 : i32
    %dma_start3A_104 = arith.constant 0 : i32
    %dma_start3A_105 = arith.constant 0 : i32
    %dma_start3A_106 = tpu.memref_slice %arg7[%dma_start3A_103, %dma_start3A_104, %dma_start3A_105] : memref<16x125x16xf32, #tpu.memory_space<vmem>> -> memref<1x125x16xf32, #tpu.memory_space<vmem>>
    %dma_start3A_107 = tpu.memref_squeeze %dma_start3A_106 : memref<1x125x16xf32, #tpu.memory_space<vmem>> -> memref<125x16xf32, #tpu.memory_space<vmem>>
    %dma_start3A_108 = arith.constant 0 : i32
    %dma_start3A_109 = tpu.memref_slice %arg5[%dma_start3A_102, %dma_start3A_108] : memref<80x125xi32, #tpu.memory_space<vmem>> -> memref<1x125xi32, #tpu.memory_space<vmem>>
    %dma_start3A_110 = tpu.memref_squeeze %dma_start3A_109 : memref<1x125xi32, #tpu.memory_space<vmem>> -> memref<125xi32, #tpu.memory_space<vmem>>
    %dma_start3A_111 = arith.constant 0 : i32
    %dma_start3A_112 = arith.constant 0 : i32
    %dma_start3A_113 = tpu.memref_slice %arg10[%dma_start3A_111, %dma_start3A_112] : memref<10000x16xf32, #tpu.memory_space<vmem_shared>> -> memref<10000x16xf32, #tpu.memory_space<vmem_shared>>
    tpu.enqueue_indirect_dma source(%dma_start3A_113 : memref<10000x16xf32, #tpu.memory_space<vmem_shared>>) target(%dma_start3A_107 : memref<125x16xf32, #tpu.memory_space<vmem>>) offsets(%dma_start3A_110 : memref<125xi32, #tpu.memory_space<vmem>>) semaphore(%arg11 : memref<!tpu.dma_semaphore, #tpu.memory_space<semaphore_mem>>)
    %scan3A_114 = arith.constant 0 : i32
    %scan3A_115 = arith.constant 0 : i32
    %scan3A_116 = arith.constant 10 : i32
    %scan3A_117 = arith.addi %scan3A_115, %scan3A_116 : i32
    %scan3A_118 = arith.constant 1 : i32
    %scan3A_119 = scf.for %scan3A_224 = %scan3A_115 to %scan3A_117 step %scan3A_118 iter_args(%scan3A_225 = %scan3A_114) -> (i32)  : i32 {
      %jit3A = arith.constant 2 : i32
      %eq3A = arith.constant 0 : i32
      %eq3A_226 = arith.cmpi eq, %jit3A, %eq3A : i32
      %jit3A_227 = arith.constant 1 : i32
      %select_n3A = arith.select %eq3A_226, %jit3A_227, %jit3A : i32
      %rem3A = arith.remsi %scan3A_224, %select_n3A : i32
      %ne3A = arith.constant 0 : i32
      %ne3A_228 = arith.cmpi ne, %rem3A, %ne3A : i32
      %lt3A = arith.constant 0 : i32
      %lt3A_229 = arith.cmpi slt, %rem3A, %lt3A : i32
      %lt3A_230 = arith.constant 0 : i32
      %lt3A_231 = arith.cmpi slt, %select_n3A, %lt3A_230 : i32
      %ne3A_232 = arith.xori %lt3A_229, %lt3A_231 : i1
      %and3A = arith.andi %ne3A_232, %ne3A_228 : i1
      %add3A_233 = arith.addi %rem3A, %select_n3A : i32
      %select_n3A_234 = arith.select %and3A, %add3A_233, %rem3A : i32
      %mul3A_235 = arith.constant 8 : i32
      %mul3A_236 = arith.muli %select_n3A_234, %mul3A_235 : i32
      %add3A_237 = arith.constant 1 : i32
      %add3A_238 = arith.addi %scan3A_224, %add3A_237 : i32
      %jit3A_239 = arith.constant 2 : i32
      %eq3A_240 = arith.constant 0 : i32
      %eq3A_241 = arith.cmpi eq, %jit3A_239, %eq3A_240 : i32
      %jit3A_242 = arith.constant 1 : i32
      %select_n3A_243 = arith.select %eq3A_241, %jit3A_242, %jit3A_239 : i32
      %rem3A_244 = arith.remsi %add3A_238, %select_n3A_243 : i32
      %ne3A_245 = arith.constant 0 : i32
      %ne3A_246 = arith.cmpi ne, %rem3A_244, %ne3A_245 : i32
      %lt3A_247 = arith.constant 0 : i32
      %lt3A_248 = arith.cmpi slt, %rem3A_244, %lt3A_247 : i32
      %lt3A_249 = arith.constant 0 : i32
      %lt3A_250 = arith.cmpi slt, %select_n3A_243, %lt3A_249 : i32
      %ne3A_251 = arith.xori %lt3A_248, %lt3A_250 : i1
      %and3A_252 = arith.andi %ne3A_251, %ne3A_246 : i1
      %add3A_253 = arith.addi %rem3A_244, %select_n3A_243 : i32
      %select_n3A_254 = arith.select %and3A_252, %add3A_253, %rem3A_244 : i32
      %mul3A_255 = arith.constant 8 : i32
      %mul3A_256 = arith.muli %select_n3A_254, %mul3A_255 : i32
      %add3A_257 = arith.constant 0 : i32
      %add3A_258 = arith.addi %mul3A_236, %add3A_257 : i32
      %dma_wait3A_259 = arith.constant 0 : i32
      %dma_wait3A_260 = arith.constant 0 : i32
      %dma_wait3A_261 = arith.constant 0 : i32
      %dma_wait3A_262 = tpu.memref_slice %arg7[%add3A_258, %dma_wait3A_260, %dma_wait3A_261] : memref<16x125x16xf32, #tpu.memory_space<vmem>> -> memref<1x125x16xf32, #tpu.memory_space<vmem>>
      %dma_wait3A_263 = tpu.memref_squeeze %dma_wait3A_262 : memref<1x125x16xf32, #tpu.memory_space<vmem>> -> memref<125x16xf32, #tpu.memory_space<vmem>>
      %dma_wait3A_264 = arith.constant 0 : i32
      %dma_wait3A_265 = tpu.memref_slice %arg5[%dma_wait3A_259, %dma_wait3A_264] : memref<80x125xi32, #tpu.memory_space<vmem>> -> memref<1x125xi32, #tpu.memory_space<vmem>>
      %dma_wait3A_266 = tpu.memref_squeeze %dma_wait3A_265 : memref<1x125xi32, #tpu.memory_space<vmem>> -> memref<125xi32, #tpu.memory_space<vmem>>
      %dma_wait3A_267 = arith.constant 0 : i32
      %dma_wait3A_268 = arith.constant 0 : i32
      %dma_wait3A_269 = tpu.memref_slice %arg10[%dma_wait3A_267, %dma_wait3A_268] : memref<10000x16xf32, #tpu.memory_space<vmem_shared>> -> memref<10000x16xf32, #tpu.memory_space<vmem_shared>>
      tpu.wait_indirect_dma semaphore(%arg11 : memref<!tpu.dma_semaphore, #tpu.memory_space<semaphore_mem>>) src(%dma_wait3A_269 : memref<10000x16xf32, #tpu.memory_space<vmem_shared>>) dst(%dma_wait3A_263 : memref<125x16xf32, #tpu.memory_space<vmem>>)
      %add3A_270 = arith.constant 1 : i32
      %add3A_271 = arith.addi %mul3A_236, %add3A_270 : i32
      %dma_wait3A_272 = arith.constant 1 : i32
      %dma_wait3A_273 = arith.constant 0 : i32
      %dma_wait3A_274 = arith.constant 0 : i32
      %dma_wait3A_275 = tpu.memref_slice %arg7[%add3A_271, %dma_wait3A_273, %dma_wait3A_274] : memref<16x125x16xf32, #tpu.memory_space<vmem>> -> memref<1x125x16xf32, #tpu.memory_space<vmem>>
      %dma_wait3A_276 = tpu.memref_squeeze %dma_wait3A_275 : memref<1x125x16xf32, #tpu.memory_space<vmem>> -> memref<125x16xf32, #tpu.memory_space<vmem>>
      %dma_wait3A_277 = arith.constant 0 : i32
      %dma_wait3A_278 = tpu.memref_slice %arg5[%dma_wait3A_272, %dma_wait3A_277] : memref<80x125xi32, #tpu.memory_space<vmem>> -> memref<1x125xi32, #tpu.memory_space<vmem>>
      %dma_wait3A_279 = tpu.memref_squeeze %dma_wait3A_278 : memref<1x125xi32, #tpu.memory_space<vmem>> -> memref<125xi32, #tpu.memory_space<vmem>>
      %dma_wait3A_280 = arith.constant 0 : i32
      %dma_wait3A_281 = arith.constant 0 : i32
      %dma_wait3A_282 = tpu.memref_slice %arg10[%dma_wait3A_280, %dma_wait3A_281] : memref<10000x16xf32, #tpu.memory_space<vmem_shared>> -> memref<10000x16xf32, #tpu.memory_space<vmem_shared>>
      tpu.wait_indirect_dma semaphore(%arg11 : memref<!tpu.dma_semaphore, #tpu.memory_space<semaphore_mem>>) src(%dma_wait3A_282 : memref<10000x16xf32, #tpu.memory_space<vmem_shared>>) dst(%dma_wait3A_276 : memref<125x16xf32, #tpu.memory_space<vmem>>)
      %add3A_283 = arith.constant 2 : i32
      %add3A_284 = arith.addi %mul3A_236, %add3A_283 : i32
      %dma_wait3A_285 = arith.constant 2 : i32
      %dma_wait3A_286 = arith.constant 0 : i32
      %dma_wait3A_287 = arith.constant 0 : i32
      %dma_wait3A_288 = tpu.memref_slice %arg7[%add3A_284, %dma_wait3A_286, %dma_wait3A_287] : memref<16x125x16xf32, #tpu.memory_space<vmem>> -> memref<1x125x16xf32, #tpu.memory_space<vmem>>
      %dma_wait3A_289 = tpu.memref_squeeze %dma_wait3A_288 : memref<1x125x16xf32, #tpu.memory_space<vmem>> -> memref<125x16xf32, #tpu.memory_space<vmem>>
      %dma_wait3A_290 = arith.constant 0 : i32
      %dma_wait3A_291 = tpu.memref_slice %arg5[%dma_wait3A_285, %dma_wait3A_290] : memref<80x125xi32, #tpu.memory_space<vmem>> -> memref<1x125xi32, #tpu.memory_space<vmem>>
      %dma_wait3A_292 = tpu.memref_squeeze %dma_wait3A_291 : memref<1x125xi32, #tpu.memory_space<vmem>> -> memref<125xi32, #tpu.memory_space<vmem>>
      %dma_wait3A_293 = arith.constant 0 : i32
      %dma_wait3A_294 = arith.constant 0 : i32
      %dma_wait3A_295 = tpu.memref_slice %arg10[%dma_wait3A_293, %dma_wait3A_294] : memref<10000x16xf32, #tpu.memory_space<vmem_shared>> -> memref<10000x16xf32, #tpu.memory_space<vmem_shared>>
      tpu.wait_indirect_dma semaphore(%arg11 : memref<!tpu.dma_semaphore, #tpu.memory_space<semaphore_mem>>) src(%dma_wait3A_295 : memref<10000x16xf32, #tpu.memory_space<vmem_shared>>) dst(%dma_wait3A_289 : memref<125x16xf32, #tpu.memory_space<vmem>>)
      %add3A_296 = arith.constant 3 : i32
      %add3A_297 = arith.addi %mul3A_236, %add3A_296 : i32
      %dma_wait3A_298 = arith.constant 3 : i32
      %dma_wait3A_299 = arith.constant 0 : i32
      %dma_wait3A_300 = arith.constant 0 : i32
      %dma_wait3A_301 = tpu.memref_slice %arg7[%add3A_297, %dma_wait3A_299, %dma_wait3A_300] : memref<16x125x16xf32, #tpu.memory_space<vmem>> -> memref<1x125x16xf32, #tpu.memory_space<vmem>>
      %dma_wait3A_302 = tpu.memref_squeeze %dma_wait3A_301 : memref<1x125x16xf32, #tpu.memory_space<vmem>> -> memref<125x16xf32, #tpu.memory_space<vmem>>
      %dma_wait3A_303 = arith.constant 0 : i32
      %dma_wait3A_304 = tpu.memref_slice %arg5[%dma_wait3A_298, %dma_wait3A_303] : memref<80x125xi32, #tpu.memory_space<vmem>> -> memref<1x125xi32, #tpu.memory_space<vmem>>
      %dma_wait3A_305 = tpu.memref_squeeze %dma_wait3A_304 : memref<1x125xi32, #tpu.memory_space<vmem>> -> memref<125xi32, #tpu.memory_space<vmem>>
      %dma_wait3A_306 = arith.constant 0 : i32
      %dma_wait3A_307 = arith.constant 0 : i32
      %dma_wait3A_308 = tpu.memref_slice %arg10[%dma_wait3A_306, %dma_wait3A_307] : memref<10000x16xf32, #tpu.memory_space<vmem_shared>> -> memref<10000x16xf32, #tpu.memory_space<vmem_shared>>
      tpu.wait_indirect_dma semaphore(%arg11 : memref<!tpu.dma_semaphore, #tpu.memory_space<semaphore_mem>>) src(%dma_wait3A_308 : memref<10000x16xf32, #tpu.memory_space<vmem_shared>>) dst(%dma_wait3A_302 : memref<125x16xf32, #tpu.memory_space<vmem>>)
      %add3A_309 = arith.constant 4 : i32
      %add3A_310 = arith.addi %mul3A_236, %add3A_309 : i32
      %dma_wait3A_311 = arith.constant 4 : i32
      %dma_wait3A_312 = arith.constant 0 : i32
      %dma_wait3A_313 = arith.constant 0 : i32
      %dma_wait3A_314 = tpu.memref_slice %arg7[%add3A_310, %dma_wait3A_312, %dma_wait3A_313] : memref<16x125x16xf32, #tpu.memory_space<vmem>> -> memref<1x125x16xf32, #tpu.memory_space<vmem>>
      %dma_wait3A_315 = tpu.memref_squeeze %dma_wait3A_314 : memref<1x125x16xf32, #tpu.memory_space<vmem>> -> memref<125x16xf32, #tpu.memory_space<vmem>>
      %dma_wait3A_316 = arith.constant 0 : i32
      %dma_wait3A_317 = tpu.memref_slice %arg5[%dma_wait3A_311, %dma_wait3A_316] : memref<80x125xi32, #tpu.memory_space<vmem>> -> memref<1x125xi32, #tpu.memory_space<vmem>>
      %dma_wait3A_318 = tpu.memref_squeeze %dma_wait3A_317 : memref<1x125xi32, #tpu.memory_space<vmem>> -> memref<125xi32, #tpu.memory_space<vmem>>
      %dma_wait3A_319 = arith.constant 0 : i32
      %dma_wait3A_320 = arith.constant 0 : i32
      %dma_wait3A_321 = tpu.memref_slice %arg10[%dma_wait3A_319, %dma_wait3A_320] : memref<10000x16xf32, #tpu.memory_space<vmem_shared>> -> memref<10000x16xf32, #tpu.memory_space<vmem_shared>>
      tpu.wait_indirect_dma semaphore(%arg11 : memref<!tpu.dma_semaphore, #tpu.memory_space<semaphore_mem>>) src(%dma_wait3A_321 : memref<10000x16xf32, #tpu.memory_space<vmem_shared>>) dst(%dma_wait3A_315 : memref<125x16xf32, #tpu.memory_space<vmem>>)
      %add3A_322 = arith.constant 5 : i32
      %add3A_323 = arith.addi %mul3A_236, %add3A_322 : i32
      %dma_wait3A_324 = arith.constant 5 : i32
      %dma_wait3A_325 = arith.constant 0 : i32
      %dma_wait3A_326 = arith.constant 0 : i32
      %dma_wait3A_327 = tpu.memref_slice %arg7[%add3A_323, %dma_wait3A_325, %dma_wait3A_326] : memref<16x125x16xf32, #tpu.memory_space<vmem>> -> memref<1x125x16xf32, #tpu.memory_space<vmem>>
      %dma_wait3A_328 = tpu.memref_squeeze %dma_wait3A_327 : memref<1x125x16xf32, #tpu.memory_space<vmem>> -> memref<125x16xf32, #tpu.memory_space<vmem>>
      %dma_wait3A_329 = arith.constant 0 : i32
      %dma_wait3A_330 = tpu.memref_slice %arg5[%dma_wait3A_324, %dma_wait3A_329] : memref<80x125xi32, #tpu.memory_space<vmem>> -> memref<1x125xi32, #tpu.memory_space<vmem>>
      %dma_wait3A_331 = tpu.memref_squeeze %dma_wait3A_330 : memref<1x125xi32, #tpu.memory_space<vmem>> -> memref<125xi32, #tpu.memory_space<vmem>>
      %dma_wait3A_332 = arith.constant 0 : i32
      %dma_wait3A_333 = arith.constant 0 : i32
      %dma_wait3A_334 = tpu.memref_slice %arg10[%dma_wait3A_332, %dma_wait3A_333] : memref<10000x16xf32, #tpu.memory_space<vmem_shared>> -> memref<10000x16xf32, #tpu.memory_space<vmem_shared>>
      tpu.wait_indirect_dma semaphore(%arg11 : memref<!tpu.dma_semaphore, #tpu.memory_space<semaphore_mem>>) src(%dma_wait3A_334 : memref<10000x16xf32, #tpu.memory_space<vmem_shared>>) dst(%dma_wait3A_328 : memref<125x16xf32, #tpu.memory_space<vmem>>)
      %add3A_335 = arith.constant 6 : i32
      %add3A_336 = arith.addi %mul3A_236, %add3A_335 : i32
      %dma_wait3A_337 = arith.constant 6 : i32
      %dma_wait3A_338 = arith.constant 0 : i32
      %dma_wait3A_339 = arith.constant 0 : i32
      %dma_wait3A_340 = tpu.memref_slice %arg7[%add3A_336, %dma_wait3A_338, %dma_wait3A_339] : memref<16x125x16xf32, #tpu.memory_space<vmem>> -> memref<1x125x16xf32, #tpu.memory_space<vmem>>
      %dma_wait3A_341 = tpu.memref_squeeze %dma_wait3A_340 : memref<1x125x16xf32, #tpu.memory_space<vmem>> -> memref<125x16xf32, #tpu.memory_space<vmem>>
      %dma_wait3A_342 = arith.constant 0 : i32
      %dma_wait3A_343 = tpu.memref_slice %arg5[%dma_wait3A_337, %dma_wait3A_342] : memref<80x125xi32, #tpu.memory_space<vmem>> -> memref<1x125xi32, #tpu.memory_space<vmem>>
      %dma_wait3A_344 = tpu.memref_squeeze %dma_wait3A_343 : memref<1x125xi32, #tpu.memory_space<vmem>> -> memref<125xi32, #tpu.memory_space<vmem>>
      %dma_wait3A_345 = arith.constant 0 : i32
      %dma_wait3A_346 = arith.constant 0 : i32
      %dma_wait3A_347 = tpu.memref_slice %arg10[%dma_wait3A_345, %dma_wait3A_346] : memref<10000x16xf32, #tpu.memory_space<vmem_shared>> -> memref<10000x16xf32, #tpu.memory_space<vmem_shared>>
      tpu.wait_indirect_dma semaphore(%arg11 : memref<!tpu.dma_semaphore, #tpu.memory_space<semaphore_mem>>) src(%dma_wait3A_347 : memref<10000x16xf32, #tpu.memory_space<vmem_shared>>) dst(%dma_wait3A_341 : memref<125x16xf32, #tpu.memory_space<vmem>>)
      %add3A_348 = arith.constant 7 : i32
      %add3A_349 = arith.addi %mul3A_236, %add3A_348 : i32
      %dma_wait3A_350 = arith.constant 7 : i32
      %dma_wait3A_351 = arith.constant 0 : i32
      %dma_wait3A_352 = arith.constant 0 : i32
      %dma_wait3A_353 = tpu.memref_slice %arg7[%add3A_349, %dma_wait3A_351, %dma_wait3A_352] : memref<16x125x16xf32, #tpu.memory_space<vmem>> -> memref<1x125x16xf32, #tpu.memory_space<vmem>>
      %dma_wait3A_354 = tpu.memref_squeeze %dma_wait3A_353 : memref<1x125x16xf32, #tpu.memory_space<vmem>> -> memref<125x16xf32, #tpu.memory_space<vmem>>
      %dma_wait3A_355 = arith.constant 0 : i32
      %dma_wait3A_356 = tpu.memref_slice %arg5[%dma_wait3A_350, %dma_wait3A_355] : memref<80x125xi32, #tpu.memory_space<vmem>> -> memref<1x125xi32, #tpu.memory_space<vmem>>
      %dma_wait3A_357 = tpu.memref_squeeze %dma_wait3A_356 : memref<1x125xi32, #tpu.memory_space<vmem>> -> memref<125xi32, #tpu.memory_space<vmem>>
      %dma_wait3A_358 = arith.constant 0 : i32
      %dma_wait3A_359 = arith.constant 0 : i32
      %dma_wait3A_360 = tpu.memref_slice %arg10[%dma_wait3A_358, %dma_wait3A_359] : memref<10000x16xf32, #tpu.memory_space<vmem_shared>> -> memref<10000x16xf32, #tpu.memory_space<vmem_shared>>
      tpu.wait_indirect_dma semaphore(%arg11 : memref<!tpu.dma_semaphore, #tpu.memory_space<semaphore_mem>>) src(%dma_wait3A_360 : memref<10000x16xf32, #tpu.memory_space<vmem_shared>>) dst(%dma_wait3A_354 : memref<125x16xf32, #tpu.memory_space<vmem>>)
      %gt3A = arith.constant 0 : i32
      %gt3A_361 = arith.cmpi sgt, %scan3A_224, %gt3A : i32
      %convert_element_type3A = arith.extui %gt3A_361 : i1 to i32
      %cond3A = arith.constant 0 : i32
      %cond3A_362 = arith.cmpi ne, %convert_element_type3A, %cond3A : i32
      scf.if %cond3A_362 {
        %add3A_499 = arith.constant 0 : i32
        %add3A_500 = arith.addi %mul3A_256, %add3A_499 : i32
        %dma_wait3A_501 = arith.constant 0 : i32
        %dma_wait3A_502 = arith.constant 0 : i32
        %dma_wait3A_503 = arith.constant 0 : i32
        %dma_wait3A_504 = tpu.memref_slice %arg7[%add3A_500, %dma_wait3A_502, %dma_wait3A_503] : memref<16x125x16xf32, #tpu.memory_space<vmem>> -> memref<1x125x16xf32, #tpu.memory_space<vmem>>
        %dma_wait3A_505 = tpu.memref_squeeze %dma_wait3A_504 : memref<1x125x16xf32, #tpu.memory_space<vmem>> -> memref<125x16xf32, #tpu.memory_space<vmem>>
        %dma_wait3A_506 = arith.constant 0 : i32
        %dma_wait3A_507 = tpu.memref_slice %arg6[%dma_wait3A_501, %dma_wait3A_506] : memref<80x125xi32, #tpu.memory_space<vmem>> -> memref<1x125xi32, #tpu.memory_space<vmem>>
        %dma_wait3A_508 = tpu.memref_squeeze %dma_wait3A_507 : memref<1x125xi32, #tpu.memory_space<vmem>> -> memref<125xi32, #tpu.memory_space<vmem>>
        %dma_wait3A_509 = arith.constant 0 : i32
        %dma_wait3A_510 = arith.constant 0 : i32
        %dma_wait3A_511 = tpu.memref_slice %arg9[%dma_wait3A_509, %dma_wait3A_510] : memref<10240x16xf32, #tpu.memory_space<vmem_shared>> -> memref<10240x16xf32, #tpu.memory_space<vmem_shared>>
        tpu.wait_indirect_dma semaphore(%arg12 : memref<!tpu.dma_semaphore, #tpu.memory_space<semaphore_mem>>) src(%dma_wait3A_505 : memref<125x16xf32, #tpu.memory_space<vmem>>) dst(%dma_wait3A_511 : memref<10240x16xf32, #tpu.memory_space<vmem_shared>>)
        %add3A_512 = arith.constant 1 : i32
        %add3A_513 = arith.addi %mul3A_256, %add3A_512 : i32
        %dma_wait3A_514 = arith.constant 1 : i32
        %dma_wait3A_515 = arith.constant 0 : i32
        %dma_wait3A_516 = arith.constant 0 : i32
        %dma_wait3A_517 = tpu.memref_slice %arg7[%add3A_513, %dma_wait3A_515, %dma_wait3A_516] : memref<16x125x16xf32, #tpu.memory_space<vmem>> -> memref<1x125x16xf32, #tpu.memory_space<vmem>>
        %dma_wait3A_518 = tpu.memref_squeeze %dma_wait3A_517 : memref<1x125x16xf32, #tpu.memory_space<vmem>> -> memref<125x16xf32, #tpu.memory_space<vmem>>
        %dma_wait3A_519 = arith.constant 0 : i32
        %dma_wait3A_520 = tpu.memref_slice %arg6[%dma_wait3A_514, %dma_wait3A_519] : memref<80x125xi32, #tpu.memory_space<vmem>> -> memref<1x125xi32, #tpu.memory_space<vmem>>
        %dma_wait3A_521 = tpu.memref_squeeze %dma_wait3A_520 : memref<1x125xi32, #tpu.memory_space<vmem>> -> memref<125xi32, #tpu.memory_space<vmem>>
        %dma_wait3A_522 = arith.constant 0 : i32
        %dma_wait3A_523 = arith.constant 0 : i32
        %dma_wait3A_524 = tpu.memref_slice %arg9[%dma_wait3A_522, %dma_wait3A_523] : memref<10240x16xf32, #tpu.memory_space<vmem_shared>> -> memref<10240x16xf32, #tpu.memory_space<vmem_shared>>
        tpu.wait_indirect_dma semaphore(%arg12 : memref<!tpu.dma_semaphore, #tpu.memory_space<semaphore_mem>>) src(%dma_wait3A_518 : memref<125x16xf32, #tpu.memory_space<vmem>>) dst(%dma_wait3A_524 : memref<10240x16xf32, #tpu.memory_space<vmem_shared>>)
        %add3A_525 = arith.constant 2 : i32
        %add3A_526 = arith.addi %mul3A_256, %add3A_525 : i32
        %dma_wait3A_527 = arith.constant 2 : i32
        %dma_wait3A_528 = arith.constant 0 : i32
        %dma_wait3A_529 = arith.constant 0 : i32
        %dma_wait3A_530 = tpu.memref_slice %arg7[%add3A_526, %dma_wait3A_528, %dma_wait3A_529] : memref<16x125x16xf32, #tpu.memory_space<vmem>> -> memref<1x125x16xf32, #tpu.memory_space<vmem>>
        %dma_wait3A_531 = tpu.memref_squeeze %dma_wait3A_530 : memref<1x125x16xf32, #tpu.memory_space<vmem>> -> memref<125x16xf32, #tpu.memory_space<vmem>>
        %dma_wait3A_532 = arith.constant 0 : i32
        %dma_wait3A_533 = tpu.memref_slice %arg6[%dma_wait3A_527, %dma_wait3A_532] : memref<80x125xi32, #tpu.memory_space<vmem>> -> memref<1x125xi32, #tpu.memory_space<vmem>>
        %dma_wait3A_534 = tpu.memref_squeeze %dma_wait3A_533 : memref<1x125xi32, #tpu.memory_space<vmem>> -> memref<125xi32, #tpu.memory_space<vmem>>
        %dma_wait3A_535 = arith.constant 0 : i32
        %dma_wait3A_536 = arith.constant 0 : i32
        %dma_wait3A_537 = tpu.memref_slice %arg9[%dma_wait3A_535, %dma_wait3A_536] : memref<10240x16xf32, #tpu.memory_space<vmem_shared>> -> memref<10240x16xf32, #tpu.memory_space<vmem_shared>>
        tpu.wait_indirect_dma semaphore(%arg12 : memref<!tpu.dma_semaphore, #tpu.memory_space<semaphore_mem>>) src(%dma_wait3A_531 : memref<125x16xf32, #tpu.memory_space<vmem>>) dst(%dma_wait3A_537 : memref<10240x16xf32, #tpu.memory_space<vmem_shared>>)
        %add3A_538 = arith.constant 3 : i32
        %add3A_539 = arith.addi %mul3A_256, %add3A_538 : i32
        %dma_wait3A_540 = arith.constant 3 : i32
        %dma_wait3A_541 = arith.constant 0 : i32
        %dma_wait3A_542 = arith.constant 0 : i32
        %dma_wait3A_543 = tpu.memref_slice %arg7[%add3A_539, %dma_wait3A_541, %dma_wait3A_542] : memref<16x125x16xf32, #tpu.memory_space<vmem>> -> memref<1x125x16xf32, #tpu.memory_space<vmem>>
        %dma_wait3A_544 = tpu.memref_squeeze %dma_wait3A_543 : memref<1x125x16xf32, #tpu.memory_space<vmem>> -> memref<125x16xf32, #tpu.memory_space<vmem>>
        %dma_wait3A_545 = arith.constant 0 : i32
        %dma_wait3A_546 = tpu.memref_slice %arg6[%dma_wait3A_540, %dma_wait3A_545] : memref<80x125xi32, #tpu.memory_space<vmem>> -> memref<1x125xi32, #tpu.memory_space<vmem>>
        %dma_wait3A_547 = tpu.memref_squeeze %dma_wait3A_546 : memref<1x125xi32, #tpu.memory_space<vmem>> -> memref<125xi32, #tpu.memory_space<vmem>>
        %dma_wait3A_548 = arith.constant 0 : i32
        %dma_wait3A_549 = arith.constant 0 : i32
        %dma_wait3A_550 = tpu.memref_slice %arg9[%dma_wait3A_548, %dma_wait3A_549] : memref<10240x16xf32, #tpu.memory_space<vmem_shared>> -> memref<10240x16xf32, #tpu.memory_space<vmem_shared>>
        tpu.wait_indirect_dma semaphore(%arg12 : memref<!tpu.dma_semaphore, #tpu.memory_space<semaphore_mem>>) src(%dma_wait3A_544 : memref<125x16xf32, #tpu.memory_space<vmem>>) dst(%dma_wait3A_550 : memref<10240x16xf32, #tpu.memory_space<vmem_shared>>)
        %add3A_551 = arith.constant 4 : i32
        %add3A_552 = arith.addi %mul3A_256, %add3A_551 : i32
        %dma_wait3A_553 = arith.constant 4 : i32
        %dma_wait3A_554 = arith.constant 0 : i32
        %dma_wait3A_555 = arith.constant 0 : i32
        %dma_wait3A_556 = tpu.memref_slice %arg7[%add3A_552, %dma_wait3A_554, %dma_wait3A_555] : memref<16x125x16xf32, #tpu.memory_space<vmem>> -> memref<1x125x16xf32, #tpu.memory_space<vmem>>
        %dma_wait3A_557 = tpu.memref_squeeze %dma_wait3A_556 : memref<1x125x16xf32, #tpu.memory_space<vmem>> -> memref<125x16xf32, #tpu.memory_space<vmem>>
        %dma_wait3A_558 = arith.constant 0 : i32
        %dma_wait3A_559 = tpu.memref_slice %arg6[%dma_wait3A_553, %dma_wait3A_558] : memref<80x125xi32, #tpu.memory_space<vmem>> -> memref<1x125xi32, #tpu.memory_space<vmem>>
        %dma_wait3A_560 = tpu.memref_squeeze %dma_wait3A_559 : memref<1x125xi32, #tpu.memory_space<vmem>> -> memref<125xi32, #tpu.memory_space<vmem>>
        %dma_wait3A_561 = arith.constant 0 : i32
        %dma_wait3A_562 = arith.constant 0 : i32
        %dma_wait3A_563 = tpu.memref_slice %arg9[%dma_wait3A_561, %dma_wait3A_562] : memref<10240x16xf32, #tpu.memory_space<vmem_shared>> -> memref<10240x16xf32, #tpu.memory_space<vmem_shared>>
        tpu.wait_indirect_dma semaphore(%arg12 : memref<!tpu.dma_semaphore, #tpu.memory_space<semaphore_mem>>) src(%dma_wait3A_557 : memref<125x16xf32, #tpu.memory_space<vmem>>) dst(%dma_wait3A_563 : memref<10240x16xf32, #tpu.memory_space<vmem_shared>>)
        %add3A_564 = arith.constant 5 : i32
        %add3A_565 = arith.addi %mul3A_256, %add3A_564 : i32
        %dma_wait3A_566 = arith.constant 5 : i32
        %dma_wait3A_567 = arith.constant 0 : i32
        %dma_wait3A_568 = arith.constant 0 : i32
        %dma_wait3A_569 = tpu.memref_slice %arg7[%add3A_565, %dma_wait3A_567, %dma_wait3A_568] : memref<16x125x16xf32, #tpu.memory_space<vmem>> -> memref<1x125x16xf32, #tpu.memory_space<vmem>>
        %dma_wait3A_570 = tpu.memref_squeeze %dma_wait3A_569 : memref<1x125x16xf32, #tpu.memory_space<vmem>> -> memref<125x16xf32, #tpu.memory_space<vmem>>
        %dma_wait3A_571 = arith.constant 0 : i32
        %dma_wait3A_572 = tpu.memref_slice %arg6[%dma_wait3A_566, %dma_wait3A_571] : memref<80x125xi32, #tpu.memory_space<vmem>> -> memref<1x125xi32, #tpu.memory_space<vmem>>
        %dma_wait3A_573 = tpu.memref_squeeze %dma_wait3A_572 : memref<1x125xi32, #tpu.memory_space<vmem>> -> memref<125xi32, #tpu.memory_space<vmem>>
        %dma_wait3A_574 = arith.constant 0 : i32
        %dma_wait3A_575 = arith.constant 0 : i32
        %dma_wait3A_576 = tpu.memref_slice %arg9[%dma_wait3A_574, %dma_wait3A_575] : memref<10240x16xf32, #tpu.memory_space<vmem_shared>> -> memref<10240x16xf32, #tpu.memory_space<vmem_shared>>
        tpu.wait_indirect_dma semaphore(%arg12 : memref<!tpu.dma_semaphore, #tpu.memory_space<semaphore_mem>>) src(%dma_wait3A_570 : memref<125x16xf32, #tpu.memory_space<vmem>>) dst(%dma_wait3A_576 : memref<10240x16xf32, #tpu.memory_space<vmem_shared>>)
        %add3A_577 = arith.constant 6 : i32
        %add3A_578 = arith.addi %mul3A_256, %add3A_577 : i32
        %dma_wait3A_579 = arith.constant 6 : i32
        %dma_wait3A_580 = arith.constant 0 : i32
        %dma_wait3A_581 = arith.constant 0 : i32
        %dma_wait3A_582 = tpu.memref_slice %arg7[%add3A_578, %dma_wait3A_580, %dma_wait3A_581] : memref<16x125x16xf32, #tpu.memory_space<vmem>> -> memref<1x125x16xf32, #tpu.memory_space<vmem>>
        %dma_wait3A_583 = tpu.memref_squeeze %dma_wait3A_582 : memref<1x125x16xf32, #tpu.memory_space<vmem>> -> memref<125x16xf32, #tpu.memory_space<vmem>>
        %dma_wait3A_584 = arith.constant 0 : i32
        %dma_wait3A_585 = tpu.memref_slice %arg6[%dma_wait3A_579, %dma_wait3A_584] : memref<80x125xi32, #tpu.memory_space<vmem>> -> memref<1x125xi32, #tpu.memory_space<vmem>>
        %dma_wait3A_586 = tpu.memref_squeeze %dma_wait3A_585 : memref<1x125xi32, #tpu.memory_space<vmem>> -> memref<125xi32, #tpu.memory_space<vmem>>
        %dma_wait3A_587 = arith.constant 0 : i32
        %dma_wait3A_588 = arith.constant 0 : i32
        %dma_wait3A_589 = tpu.memref_slice %arg9[%dma_wait3A_587, %dma_wait3A_588] : memref<10240x16xf32, #tpu.memory_space<vmem_shared>> -> memref<10240x16xf32, #tpu.memory_space<vmem_shared>>
        tpu.wait_indirect_dma semaphore(%arg12 : memref<!tpu.dma_semaphore, #tpu.memory_space<semaphore_mem>>) src(%dma_wait3A_583 : memref<125x16xf32, #tpu.memory_space<vmem>>) dst(%dma_wait3A_589 : memref<10240x16xf32, #tpu.memory_space<vmem_shared>>)
        %add3A_590 = arith.constant 7 : i32
        %add3A_591 = arith.addi %mul3A_256, %add3A_590 : i32
        %dma_wait3A_592 = arith.constant 7 : i32
        %dma_wait3A_593 = arith.constant 0 : i32
        %dma_wait3A_594 = arith.constant 0 : i32
        %dma_wait3A_595 = tpu.memref_slice %arg7[%add3A_591, %dma_wait3A_593, %dma_wait3A_594] : memref<16x125x16xf32, #tpu.memory_space<vmem>> -> memref<1x125x16xf32, #tpu.memory_space<vmem>>
        %dma_wait3A_596 = tpu.memref_squeeze %dma_wait3A_595 : memref<1x125x16xf32, #tpu.memory_space<vmem>> -> memref<125x16xf32, #tpu.memory_space<vmem>>
        %dma_wait3A_597 = arith.constant 0 : i32
        %dma_wait3A_598 = tpu.memref_slice %arg6[%dma_wait3A_592, %dma_wait3A_597] : memref<80x125xi32, #tpu.memory_space<vmem>> -> memref<1x125xi32, #tpu.memory_space<vmem>>
        %dma_wait3A_599 = tpu.memref_squeeze %dma_wait3A_598 : memref<1x125xi32, #tpu.memory_space<vmem>> -> memref<125xi32, #tpu.memory_space<vmem>>
        %dma_wait3A_600 = arith.constant 0 : i32
        %dma_wait3A_601 = arith.constant 0 : i32
        %dma_wait3A_602 = tpu.memref_slice %arg9[%dma_wait3A_600, %dma_wait3A_601] : memref<10240x16xf32, #tpu.memory_space<vmem_shared>> -> memref<10240x16xf32, #tpu.memory_space<vmem_shared>>
        tpu.wait_indirect_dma semaphore(%arg12 : memref<!tpu.dma_semaphore, #tpu.memory_space<semaphore_mem>>) src(%dma_wait3A_596 : memref<125x16xf32, #tpu.memory_space<vmem>>) dst(%dma_wait3A_602 : memref<10240x16xf32, #tpu.memory_space<vmem_shared>>)
      } else {
      }
      %add3A_363 = arith.constant 1 : i32
      %add3A_364 = arith.addi %scan3A_224, %add3A_363 : i32
      %lt3A_365 = arith.constant 10 : i32
      %lt3A_366 = arith.cmpi slt, %add3A_364, %lt3A_365 : i32
      %convert_element_type3A_367 = arith.extui %lt3A_366 : i1 to i32
      %cond3A_368 = arith.constant 0 : i32
      %cond3A_369 = arith.cmpi ne, %convert_element_type3A_367, %cond3A_368 : i32
      scf.if %cond3A_369 {
        %add3A_499 = arith.constant 1 : i32
        %add3A_500 = arith.addi %scan3A_224, %add3A_499 : i32
        %mul3A_501 = arith.constant 8 : i32
        %mul3A_502 = arith.muli %add3A_500, %mul3A_501 : i32
        %add3A_503 = arith.constant 0 : i32
        %add3A_504 = arith.addi %mul3A_502, %add3A_503 : i32
        %add3A_505 = arith.constant 0 : i32
        %add3A_506 = arith.addi %mul3A_256, %add3A_505 : i32
        %dma_start3A_507 = arith.constant 0 : i32
        %dma_start3A_508 = arith.constant 0 : i32
        %dma_start3A_509 = tpu.memref_slice %arg7[%add3A_506, %dma_start3A_507, %dma_start3A_508] : memref<16x125x16xf32, #tpu.memory_space<vmem>> -> memref<1x125x16xf32, #tpu.memory_space<vmem>>
        %dma_start3A_510 = tpu.memref_squeeze %dma_start3A_509 : memref<1x125x16xf32, #tpu.memory_space<vmem>> -> memref<125x16xf32, #tpu.memory_space<vmem>>
        %dma_start3A_511 = arith.constant 0 : i32
        %dma_start3A_512 = tpu.memref_slice %arg5[%add3A_504, %dma_start3A_511] : memref<80x125xi32, #tpu.memory_space<vmem>> -> memref<1x125xi32, #tpu.memory_space<vmem>>
        %dma_start3A_513 = tpu.memref_squeeze %dma_start3A_512 : memref<1x125xi32, #tpu.memory_space<vmem>> -> memref<125xi32, #tpu.memory_space<vmem>>
        %dma_start3A_514 = arith.constant 0 : i32
        %dma_start3A_515 = arith.constant 0 : i32
        %dma_start3A_516 = tpu.memref_slice %arg10[%dma_start3A_514, %dma_start3A_515] : memref<10000x16xf32, #tpu.memory_space<vmem_shared>> -> memref<10000x16xf32, #tpu.memory_space<vmem_shared>>
        tpu.enqueue_indirect_dma source(%dma_start3A_516 : memref<10000x16xf32, #tpu.memory_space<vmem_shared>>) target(%dma_start3A_510 : memref<125x16xf32, #tpu.memory_space<vmem>>) offsets(%dma_start3A_513 : memref<125xi32, #tpu.memory_space<vmem>>) semaphore(%arg11 : memref<!tpu.dma_semaphore, #tpu.memory_space<semaphore_mem>>)
        %add3A_517 = arith.constant 1 : i32
        %add3A_518 = arith.addi %scan3A_224, %add3A_517 : i32
        %mul3A_519 = arith.constant 8 : i32
        %mul3A_520 = arith.muli %add3A_518, %mul3A_519 : i32
        %add3A_521 = arith.constant 1 : i32
        %add3A_522 = arith.addi %mul3A_520, %add3A_521 : i32
        %add3A_523 = arith.constant 1 : i32
        %add3A_524 = arith.addi %mul3A_256, %add3A_523 : i32
        %dma_start3A_525 = arith.constant 0 : i32
        %dma_start3A_526 = arith.constant 0 : i32
        %dma_start3A_527 = tpu.memref_slice %arg7[%add3A_524, %dma_start3A_525, %dma_start3A_526] : memref<16x125x16xf32, #tpu.memory_space<vmem>> -> memref<1x125x16xf32, #tpu.memory_space<vmem>>
        %dma_start3A_528 = tpu.memref_squeeze %dma_start3A_527 : memref<1x125x16xf32, #tpu.memory_space<vmem>> -> memref<125x16xf32, #tpu.memory_space<vmem>>
        %dma_start3A_529 = arith.constant 0 : i32
        %dma_start3A_530 = tpu.memref_slice %arg5[%add3A_522, %dma_start3A_529] : memref<80x125xi32, #tpu.memory_space<vmem>> -> memref<1x125xi32, #tpu.memory_space<vmem>>
        %dma_start3A_531 = tpu.memref_squeeze %dma_start3A_530 : memref<1x125xi32, #tpu.memory_space<vmem>> -> memref<125xi32, #tpu.memory_space<vmem>>
        %dma_start3A_532 = arith.constant 0 : i32
        %dma_start3A_533 = arith.constant 0 : i32
        %dma_start3A_534 = tpu.memref_slice %arg10[%dma_start3A_532, %dma_start3A_533] : memref<10000x16xf32, #tpu.memory_space<vmem_shared>> -> memref<10000x16xf32, #tpu.memory_space<vmem_shared>>
        tpu.enqueue_indirect_dma source(%dma_start3A_534 : memref<10000x16xf32, #tpu.memory_space<vmem_shared>>) target(%dma_start3A_528 : memref<125x16xf32, #tpu.memory_space<vmem>>) offsets(%dma_start3A_531 : memref<125xi32, #tpu.memory_space<vmem>>) semaphore(%arg11 : memref<!tpu.dma_semaphore, #tpu.memory_space<semaphore_mem>>)
        %add3A_535 = arith.constant 1 : i32
        %add3A_536 = arith.addi %scan3A_224, %add3A_535 : i32
        %mul3A_537 = arith.constant 8 : i32
        %mul3A_538 = arith.muli %add3A_536, %mul3A_537 : i32
        %add3A_539 = arith.constant 2 : i32
        %add3A_540 = arith.addi %mul3A_538, %add3A_539 : i32
        %add3A_541 = arith.constant 2 : i32
        %add3A_542 = arith.addi %mul3A_256, %add3A_541 : i32
        %dma_start3A_543 = arith.constant 0 : i32
        %dma_start3A_544 = arith.constant 0 : i32
        %dma_start3A_545 = tpu.memref_slice %arg7[%add3A_542, %dma_start3A_543, %dma_start3A_544] : memref<16x125x16xf32, #tpu.memory_space<vmem>> -> memref<1x125x16xf32, #tpu.memory_space<vmem>>
        %dma_start3A_546 = tpu.memref_squeeze %dma_start3A_545 : memref<1x125x16xf32, #tpu.memory_space<vmem>> -> memref<125x16xf32, #tpu.memory_space<vmem>>
        %dma_start3A_547 = arith.constant 0 : i32
        %dma_start3A_548 = tpu.memref_slice %arg5[%add3A_540, %dma_start3A_547] : memref<80x125xi32, #tpu.memory_space<vmem>> -> memref<1x125xi32, #tpu.memory_space<vmem>>
        %dma_start3A_549 = tpu.memref_squeeze %dma_start3A_548 : memref<1x125xi32, #tpu.memory_space<vmem>> -> memref<125xi32, #tpu.memory_space<vmem>>
        %dma_start3A_550 = arith.constant 0 : i32
        %dma_start3A_551 = arith.constant 0 : i32
        %dma_start3A_552 = tpu.memref_slice %arg10[%dma_start3A_550, %dma_start3A_551] : memref<10000x16xf32, #tpu.memory_space<vmem_shared>> -> memref<10000x16xf32, #tpu.memory_space<vmem_shared>>
        tpu.enqueue_indirect_dma source(%dma_start3A_552 : memref<10000x16xf32, #tpu.memory_space<vmem_shared>>) target(%dma_start3A_546 : memref<125x16xf32, #tpu.memory_space<vmem>>) offsets(%dma_start3A_549 : memref<125xi32, #tpu.memory_space<vmem>>) semaphore(%arg11 : memref<!tpu.dma_semaphore, #tpu.memory_space<semaphore_mem>>)
        %add3A_553 = arith.constant 1 : i32
        %add3A_554 = arith.addi %scan3A_224, %add3A_553 : i32
        %mul3A_555 = arith.constant 8 : i32
        %mul3A_556 = arith.muli %add3A_554, %mul3A_555 : i32
        %add3A_557 = arith.constant 3 : i32
        %add3A_558 = arith.addi %mul3A_556, %add3A_557 : i32
        %add3A_559 = arith.constant 3 : i32
        %add3A_560 = arith.addi %mul3A_256, %add3A_559 : i32
        %dma_start3A_561 = arith.constant 0 : i32
        %dma_start3A_562 = arith.constant 0 : i32
        %dma_start3A_563 = tpu.memref_slice %arg7[%add3A_560, %dma_start3A_561, %dma_start3A_562] : memref<16x125x16xf32, #tpu.memory_space<vmem>> -> memref<1x125x16xf32, #tpu.memory_space<vmem>>
        %dma_start3A_564 = tpu.memref_squeeze %dma_start3A_563 : memref<1x125x16xf32, #tpu.memory_space<vmem>> -> memref<125x16xf32, #tpu.memory_space<vmem>>
        %dma_start3A_565 = arith.constant 0 : i32
        %dma_start3A_566 = tpu.memref_slice %arg5[%add3A_558, %dma_start3A_565] : memref<80x125xi32, #tpu.memory_space<vmem>> -> memref<1x125xi32, #tpu.memory_space<vmem>>
        %dma_start3A_567 = tpu.memref_squeeze %dma_start3A_566 : memref<1x125xi32, #tpu.memory_space<vmem>> -> memref<125xi32, #tpu.memory_space<vmem>>
        %dma_start3A_568 = arith.constant 0 : i32
        %dma_start3A_569 = arith.constant 0 : i32
        %dma_start3A_570 = tpu.memref_slice %arg10[%dma_start3A_568, %dma_start3A_569] : memref<10000x16xf32, #tpu.memory_space<vmem_shared>> -> memref<10000x16xf32, #tpu.memory_space<vmem_shared>>
        tpu.enqueue_indirect_dma source(%dma_start3A_570 : memref<10000x16xf32, #tpu.memory_space<vmem_shared>>) target(%dma_start3A_564 : memref<125x16xf32, #tpu.memory_space<vmem>>) offsets(%dma_start3A_567 : memref<125xi32, #tpu.memory_space<vmem>>) semaphore(%arg11 : memref<!tpu.dma_semaphore, #tpu.memory_space<semaphore_mem>>)
        %add3A_571 = arith.constant 1 : i32
        %add3A_572 = arith.addi %scan3A_224, %add3A_571 : i32
        %mul3A_573 = arith.constant 8 : i32
        %mul3A_574 = arith.muli %add3A_572, %mul3A_573 : i32
        %add3A_575 = arith.constant 4 : i32
        %add3A_576 = arith.addi %mul3A_574, %add3A_575 : i32
        %add3A_577 = arith.constant 4 : i32
        %add3A_578 = arith.addi %mul3A_256, %add3A_577 : i32
        %dma_start3A_579 = arith.constant 0 : i32
        %dma_start3A_580 = arith.constant 0 : i32
        %dma_start3A_581 = tpu.memref_slice %arg7[%add3A_578, %dma_start3A_579, %dma_start3A_580] : memref<16x125x16xf32, #tpu.memory_space<vmem>> -> memref<1x125x16xf32, #tpu.memory_space<vmem>>
        %dma_start3A_582 = tpu.memref_squeeze %dma_start3A_581 : memref<1x125x16xf32, #tpu.memory_space<vmem>> -> memref<125x16xf32, #tpu.memory_space<vmem>>
        %dma_start3A_583 = arith.constant 0 : i32
        %dma_start3A_584 = tpu.memref_slice %arg5[%add3A_576, %dma_start3A_583] : memref<80x125xi32, #tpu.memory_space<vmem>> -> memref<1x125xi32, #tpu.memory_space<vmem>>
        %dma_start3A_585 = tpu.memref_squeeze %dma_start3A_584 : memref<1x125xi32, #tpu.memory_space<vmem>> -> memref<125xi32, #tpu.memory_space<vmem>>
        %dma_start3A_586 = arith.constant 0 : i32
        %dma_start3A_587 = arith.constant 0 : i32
        %dma_start3A_588 = tpu.memref_slice %arg10[%dma_start3A_586, %dma_start3A_587] : memref<10000x16xf32, #tpu.memory_space<vmem_shared>> -> memref<10000x16xf32, #tpu.memory_space<vmem_shared>>
        tpu.enqueue_indirect_dma source(%dma_start3A_588 : memref<10000x16xf32, #tpu.memory_space<vmem_shared>>) target(%dma_start3A_582 : memref<125x16xf32, #tpu.memory_space<vmem>>) offsets(%dma_start3A_585 : memref<125xi32, #tpu.memory_space<vmem>>) semaphore(%arg11 : memref<!tpu.dma_semaphore, #tpu.memory_space<semaphore_mem>>)
        %add3A_589 = arith.constant 1 : i32
        %add3A_590 = arith.addi %scan3A_224, %add3A_589 : i32
        %mul3A_591 = arith.constant 8 : i32
        %mul3A_592 = arith.muli %add3A_590, %mul3A_591 : i32
        %add3A_593 = arith.constant 5 : i32
        %add3A_594 = arith.addi %mul3A_592, %add3A_593 : i32
        %add3A_595 = arith.constant 5 : i32
        %add3A_596 = arith.addi %mul3A_256, %add3A_595 : i32
        %dma_start3A_597 = arith.constant 0 : i32
        %dma_start3A_598 = arith.constant 0 : i32
        %dma_start3A_599 = tpu.memref_slice %arg7[%add3A_596, %dma_start3A_597, %dma_start3A_598] : memref<16x125x16xf32, #tpu.memory_space<vmem>> -> memref<1x125x16xf32, #tpu.memory_space<vmem>>
        %dma_start3A_600 = tpu.memref_squeeze %dma_start3A_599 : memref<1x125x16xf32, #tpu.memory_space<vmem>> -> memref<125x16xf32, #tpu.memory_space<vmem>>
        %dma_start3A_601 = arith.constant 0 : i32
        %dma_start3A_602 = tpu.memref_slice %arg5[%add3A_594, %dma_start3A_601] : memref<80x125xi32, #tpu.memory_space<vmem>> -> memref<1x125xi32, #tpu.memory_space<vmem>>
        %dma_start3A_603 = tpu.memref_squeeze %dma_start3A_602 : memref<1x125xi32, #tpu.memory_space<vmem>> -> memref<125xi32, #tpu.memory_space<vmem>>
        %dma_start3A_604 = arith.constant 0 : i32
        %dma_start3A_605 = arith.constant 0 : i32
        %dma_start3A_606 = tpu.memref_slice %arg10[%dma_start3A_604, %dma_start3A_605] : memref<10000x16xf32, #tpu.memory_space<vmem_shared>> -> memref<10000x16xf32, #tpu.memory_space<vmem_shared>>
        tpu.enqueue_indirect_dma source(%dma_start3A_606 : memref<10000x16xf32, #tpu.memory_space<vmem_shared>>) target(%dma_start3A_600 : memref<125x16xf32, #tpu.memory_space<vmem>>) offsets(%dma_start3A_603 : memref<125xi32, #tpu.memory_space<vmem>>) semaphore(%arg11 : memref<!tpu.dma_semaphore, #tpu.memory_space<semaphore_mem>>)
        %add3A_607 = arith.constant 1 : i32
        %add3A_608 = arith.addi %scan3A_224, %add3A_607 : i32
        %mul3A_609 = arith.constant 8 : i32
        %mul3A_610 = arith.muli %add3A_608, %mul3A_609 : i32
        %add3A_611 = arith.constant 6 : i32
        %add3A_612 = arith.addi %mul3A_610, %add3A_611 : i32
        %add3A_613 = arith.constant 6 : i32
        %add3A_614 = arith.addi %mul3A_256, %add3A_613 : i32
        %dma_start3A_615 = arith.constant 0 : i32
        %dma_start3A_616 = arith.constant 0 : i32
        %dma_start3A_617 = tpu.memref_slice %arg7[%add3A_614, %dma_start3A_615, %dma_start3A_616] : memref<16x125x16xf32, #tpu.memory_space<vmem>> -> memref<1x125x16xf32, #tpu.memory_space<vmem>>
        %dma_start3A_618 = tpu.memref_squeeze %dma_start3A_617 : memref<1x125x16xf32, #tpu.memory_space<vmem>> -> memref<125x16xf32, #tpu.memory_space<vmem>>
        %dma_start3A_619 = arith.constant 0 : i32
        %dma_start3A_620 = tpu.memref_slice %arg5[%add3A_612, %dma_start3A_619] : memref<80x125xi32, #tpu.memory_space<vmem>> -> memref<1x125xi32, #tpu.memory_space<vmem>>
        %dma_start3A_621 = tpu.memref_squeeze %dma_start3A_620 : memref<1x125xi32, #tpu.memory_space<vmem>> -> memref<125xi32, #tpu.memory_space<vmem>>
        %dma_start3A_622 = arith.constant 0 : i32
        %dma_start3A_623 = arith.constant 0 : i32
        %dma_start3A_624 = tpu.memref_slice %arg10[%dma_start3A_622, %dma_start3A_623] : memref<10000x16xf32, #tpu.memory_space<vmem_shared>> -> memref<10000x16xf32, #tpu.memory_space<vmem_shared>>
        tpu.enqueue_indirect_dma source(%dma_start3A_624 : memref<10000x16xf32, #tpu.memory_space<vmem_shared>>) target(%dma_start3A_618 : memref<125x16xf32, #tpu.memory_space<vmem>>) offsets(%dma_start3A_621 : memref<125xi32, #tpu.memory_space<vmem>>) semaphore(%arg11 : memref<!tpu.dma_semaphore, #tpu.memory_space<semaphore_mem>>)
        %add3A_625 = arith.constant 1 : i32
        %add3A_626 = arith.addi %scan3A_224, %add3A_625 : i32
        %mul3A_627 = arith.constant 8 : i32
        %mul3A_628 = arith.muli %add3A_626, %mul3A_627 : i32
        %add3A_629 = arith.constant 7 : i32
        %add3A_630 = arith.addi %mul3A_628, %add3A_629 : i32
        %add3A_631 = arith.constant 7 : i32
        %add3A_632 = arith.addi %mul3A_256, %add3A_631 : i32
        %dma_start3A_633 = arith.constant 0 : i32
        %dma_start3A_634 = arith.constant 0 : i32
        %dma_start3A_635 = tpu.memref_slice %arg7[%add3A_632, %dma_start3A_633, %dma_start3A_634] : memref<16x125x16xf32, #tpu.memory_space<vmem>> -> memref<1x125x16xf32, #tpu.memory_space<vmem>>
        %dma_start3A_636 = tpu.memref_squeeze %dma_start3A_635 : memref<1x125x16xf32, #tpu.memory_space<vmem>> -> memref<125x16xf32, #tpu.memory_space<vmem>>
        %dma_start3A_637 = arith.constant 0 : i32
        %dma_start3A_638 = tpu.memref_slice %arg5[%add3A_630, %dma_start3A_637] : memref<80x125xi32, #tpu.memory_space<vmem>> -> memref<1x125xi32, #tpu.memory_space<vmem>>
        %dma_start3A_639 = tpu.memref_squeeze %dma_start3A_638 : memref<1x125xi32, #tpu.memory_space<vmem>> -> memref<125xi32, #tpu.memory_space<vmem>>
        %dma_start3A_640 = arith.constant 0 : i32
        %dma_start3A_641 = arith.constant 0 : i32
        %dma_start3A_642 = tpu.memref_slice %arg10[%dma_start3A_640, %dma_start3A_641] : memref<10000x16xf32, #tpu.memory_space<vmem_shared>> -> memref<10000x16xf32, #tpu.memory_space<vmem_shared>>
        tpu.enqueue_indirect_dma source(%dma_start3A_642 : memref<10000x16xf32, #tpu.memory_space<vmem_shared>>) target(%dma_start3A_636 : memref<125x16xf32, #tpu.memory_space<vmem>>) offsets(%dma_start3A_639 : memref<125xi32, #tpu.memory_space<vmem>>) semaphore(%arg11 : memref<!tpu.dma_semaphore, #tpu.memory_space<semaphore_mem>>)
      } else {
      }
      %add3A_370 = arith.constant 0 : i32
      %add3A_371 = arith.addi %mul3A_236, %add3A_370 : i32
      %mul3A_372 = arith.constant 8 : i32
      %mul3A_373 = arith.muli %scan3A_224, %mul3A_372 : i32
      %add3A_374 = arith.constant 0 : i32
      %add3A_375 = arith.addi %mul3A_373, %add3A_374 : i32
      %dma_start3A_376 = arith.constant 0 : i32
      %dma_start3A_377 = arith.constant 0 : i32
      %dma_start3A_378 = tpu.memref_slice %arg7[%add3A_371, %dma_start3A_376, %dma_start3A_377] : memref<16x125x16xf32, #tpu.memory_space<vmem>> -> memref<1x125x16xf32, #tpu.memory_space<vmem>>
      %dma_start3A_379 = tpu.memref_squeeze %dma_start3A_378 : memref<1x125x16xf32, #tpu.memory_space<vmem>> -> memref<125x16xf32, #tpu.memory_space<vmem>>
      %dma_start3A_380 = arith.constant 0 : i32
      %dma_start3A_381 = tpu.memref_slice %arg6[%add3A_375, %dma_start3A_380] : memref<80x125xi32, #tpu.memory_space<vmem>> -> memref<1x125xi32, #tpu.memory_space<vmem>>
      %dma_start3A_382 = tpu.memref_squeeze %dma_start3A_381 : memref<1x125xi32, #tpu.memory_space<vmem>> -> memref<125xi32, #tpu.memory_space<vmem>>
      %dma_start3A_383 = arith.constant 0 : i32
      %dma_start3A_384 = arith.constant 0 : i32
      %dma_start3A_385 = tpu.memref_slice %arg9[%dma_start3A_383, %dma_start3A_384] : memref<10240x16xf32, #tpu.memory_space<vmem_shared>> -> memref<10240x16xf32, #tpu.memory_space<vmem_shared>>
      tpu.enqueue_indirect_dma source(%dma_start3A_379 : memref<125x16xf32, #tpu.memory_space<vmem>>) target(%dma_start3A_385 : memref<10240x16xf32, #tpu.memory_space<vmem_shared>>) offsets(%dma_start3A_382 : memref<125xi32, #tpu.memory_space<vmem>>) semaphore(%arg12 : memref<!tpu.dma_semaphore, #tpu.memory_space<semaphore_mem>>) {add = true}
      %add3A_386 = arith.constant 1 : i32
      %add3A_387 = arith.addi %mul3A_236, %add3A_386 : i32
      %mul3A_388 = arith.constant 8 : i32
      %mul3A_389 = arith.muli %scan3A_224, %mul3A_388 : i32
      %add3A_390 = arith.constant 1 : i32
      %add3A_391 = arith.addi %mul3A_389, %add3A_390 : i32
      %dma_start3A_392 = arith.constant 0 : i32
      %dma_start3A_393 = arith.constant 0 : i32
      %dma_start3A_394 = tpu.memref_slice %arg7[%add3A_387, %dma_start3A_392, %dma_start3A_393] : memref<16x125x16xf32, #tpu.memory_space<vmem>> -> memref<1x125x16xf32, #tpu.memory_space<vmem>>
      %dma_start3A_395 = tpu.memref_squeeze %dma_start3A_394 : memref<1x125x16xf32, #tpu.memory_space<vmem>> -> memref<125x16xf32, #tpu.memory_space<vmem>>
      %dma_start3A_396 = arith.constant 0 : i32
      %dma_start3A_397 = tpu.memref_slice %arg6[%add3A_391, %dma_start3A_396] : memref<80x125xi32, #tpu.memory_space<vmem>> -> memref<1x125xi32, #tpu.memory_space<vmem>>
      %dma_start3A_398 = tpu.memref_squeeze %dma_start3A_397 : memref<1x125xi32, #tpu.memory_space<vmem>> -> memref<125xi32, #tpu.memory_space<vmem>>
      %dma_start3A_399 = arith.constant 0 : i32
      %dma_start3A_400 = arith.constant 0 : i32
      %dma_start3A_401 = tpu.memref_slice %arg9[%dma_start3A_399, %dma_start3A_400] : memref<10240x16xf32, #tpu.memory_space<vmem_shared>> -> memref<10240x16xf32, #tpu.memory_space<vmem_shared>>
      tpu.enqueue_indirect_dma source(%dma_start3A_395 : memref<125x16xf32, #tpu.memory_space<vmem>>) target(%dma_start3A_401 : memref<10240x16xf32, #tpu.memory_space<vmem_shared>>) offsets(%dma_start3A_398 : memref<125xi32, #tpu.memory_space<vmem>>) semaphore(%arg12 : memref<!tpu.dma_semaphore, #tpu.memory_space<semaphore_mem>>) {add = true}
      %add3A_402 = arith.constant 2 : i32
      %add3A_403 = arith.addi %mul3A_236, %add3A_402 : i32
      %mul3A_404 = arith.constant 8 : i32
      %mul3A_405 = arith.muli %scan3A_224, %mul3A_404 : i32
      %add3A_406 = arith.constant 2 : i32
      %add3A_407 = arith.addi %mul3A_405, %add3A_406 : i32
      %dma_start3A_408 = arith.constant 0 : i32
      %dma_start3A_409 = arith.constant 0 : i32
      %dma_start3A_410 = tpu.memref_slice %arg7[%add3A_403, %dma_start3A_408, %dma_start3A_409] : memref<16x125x16xf32, #tpu.memory_space<vmem>> -> memref<1x125x16xf32, #tpu.memory_space<vmem>>
      %dma_start3A_411 = tpu.memref_squeeze %dma_start3A_410 : memref<1x125x16xf32, #tpu.memory_space<vmem>> -> memref<125x16xf32, #tpu.memory_space<vmem>>
      %dma_start3A_412 = arith.constant 0 : i32
      %dma_start3A_413 = tpu.memref_slice %arg6[%add3A_407, %dma_start3A_412] : memref<80x125xi32, #tpu.memory_space<vmem>> -> memref<1x125xi32, #tpu.memory_space<vmem>>
      %dma_start3A_414 = tpu.memref_squeeze %dma_start3A_413 : memref<1x125xi32, #tpu.memory_space<vmem>> -> memref<125xi32, #tpu.memory_space<vmem>>
      %dma_start3A_415 = arith.constant 0 : i32
      %dma_start3A_416 = arith.constant 0 : i32
      %dma_start3A_417 = tpu.memref_slice %arg9[%dma_start3A_415, %dma_start3A_416] : memref<10240x16xf32, #tpu.memory_space<vmem_shared>> -> memref<10240x16xf32, #tpu.memory_space<vmem_shared>>
      tpu.enqueue_indirect_dma source(%dma_start3A_411 : memref<125x16xf32, #tpu.memory_space<vmem>>) target(%dma_start3A_417 : memref<10240x16xf32, #tpu.memory_space<vmem_shared>>) offsets(%dma_start3A_414 : memref<125xi32, #tpu.memory_space<vmem>>) semaphore(%arg12 : memref<!tpu.dma_semaphore, #tpu.memory_space<semaphore_mem>>) {add = true}
      %add3A_418 = arith.constant 3 : i32
      %add3A_419 = arith.addi %mul3A_236, %add3A_418 : i32
      %mul3A_420 = arith.constant 8 : i32
      %mul3A_421 = arith.muli %scan3A_224, %mul3A_420 : i32
      %add3A_422 = arith.constant 3 : i32
      %add3A_423 = arith.addi %mul3A_421, %add3A_422 : i32
      %dma_start3A_424 = arith.constant 0 : i32
      %dma_start3A_425 = arith.constant 0 : i32
      %dma_start3A_426 = tpu.memref_slice %arg7[%add3A_419, %dma_start3A_424, %dma_start3A_425] : memref<16x125x16xf32, #tpu.memory_space<vmem>> -> memref<1x125x16xf32, #tpu.memory_space<vmem>>
      %dma_start3A_427 = tpu.memref_squeeze %dma_start3A_426 : memref<1x125x16xf32, #tpu.memory_space<vmem>> -> memref<125x16xf32, #tpu.memory_space<vmem>>
      %dma_start3A_428 = arith.constant 0 : i32
      %dma_start3A_429 = tpu.memref_slice %arg6[%add3A_423, %dma_start3A_428] : memref<80x125xi32, #tpu.memory_space<vmem>> -> memref<1x125xi32, #tpu.memory_space<vmem>>
      %dma_start3A_430 = tpu.memref_squeeze %dma_start3A_429 : memref<1x125xi32, #tpu.memory_space<vmem>> -> memref<125xi32, #tpu.memory_space<vmem>>
      %dma_start3A_431 = arith.constant 0 : i32
      %dma_start3A_432 = arith.constant 0 : i32
      %dma_start3A_433 = tpu.memref_slice %arg9[%dma_start3A_431, %dma_start3A_432] : memref<10240x16xf32, #tpu.memory_space<vmem_shared>> -> memref<10240x16xf32, #tpu.memory_space<vmem_shared>>
      tpu.enqueue_indirect_dma source(%dma_start3A_427 : memref<125x16xf32, #tpu.memory_space<vmem>>) target(%dma_start3A_433 : memref<10240x16xf32, #tpu.memory_space<vmem_shared>>) offsets(%dma_start3A_430 : memref<125xi32, #tpu.memory_space<vmem>>) semaphore(%arg12 : memref<!tpu.dma_semaphore, #tpu.memory_space<semaphore_mem>>) {add = true}
      %add3A_434 = arith.constant 4 : i32
      %add3A_435 = arith.addi %mul3A_236, %add3A_434 : i32
      %mul3A_436 = arith.constant 8 : i32
      %mul3A_437 = arith.muli %scan3A_224, %mul3A_436 : i32
      %add3A_438 = arith.constant 4 : i32
      %add3A_439 = arith.addi %mul3A_437, %add3A_438 : i32
      %dma_start3A_440 = arith.constant 0 : i32
      %dma_start3A_441 = arith.constant 0 : i32
      %dma_start3A_442 = tpu.memref_slice %arg7[%add3A_435, %dma_start3A_440, %dma_start3A_441] : memref<16x125x16xf32, #tpu.memory_space<vmem>> -> memref<1x125x16xf32, #tpu.memory_space<vmem>>
      %dma_start3A_443 = tpu.memref_squeeze %dma_start3A_442 : memref<1x125x16xf32, #tpu.memory_space<vmem>> -> memref<125x16xf32, #tpu.memory_space<vmem>>
      %dma_start3A_444 = arith.constant 0 : i32
      %dma_start3A_445 = tpu.memref_slice %arg6[%add3A_439, %dma_start3A_444] : memref<80x125xi32, #tpu.memory_space<vmem>> -> memref<1x125xi32, #tpu.memory_space<vmem>>
      %dma_start3A_446 = tpu.memref_squeeze %dma_start3A_445 : memref<1x125xi32, #tpu.memory_space<vmem>> -> memref<125xi32, #tpu.memory_space<vmem>>
      %dma_start3A_447 = arith.constant 0 : i32
      %dma_start3A_448 = arith.constant 0 : i32
      %dma_start3A_449 = tpu.memref_slice %arg9[%dma_start3A_447, %dma_start3A_448] : memref<10240x16xf32, #tpu.memory_space<vmem_shared>> -> memref<10240x16xf32, #tpu.memory_space<vmem_shared>>
      tpu.enqueue_indirect_dma source(%dma_start3A_443 : memref<125x16xf32, #tpu.memory_space<vmem>>) target(%dma_start3A_449 : memref<10240x16xf32, #tpu.memory_space<vmem_shared>>) offsets(%dma_start3A_446 : memref<125xi32, #tpu.memory_space<vmem>>) semaphore(%arg12 : memref<!tpu.dma_semaphore, #tpu.memory_space<semaphore_mem>>) {add = true}
      %add3A_450 = arith.constant 5 : i32
      %add3A_451 = arith.addi %mul3A_236, %add3A_450 : i32
      %mul3A_452 = arith.constant 8 : i32
      %mul3A_453 = arith.muli %scan3A_224, %mul3A_452 : i32
      %add3A_454 = arith.constant 5 : i32
      %add3A_455 = arith.addi %mul3A_453, %add3A_454 : i32
      %dma_start3A_456 = arith.constant 0 : i32
      %dma_start3A_457 = arith.constant 0 : i32
      %dma_start3A_458 = tpu.memref_slice %arg7[%add3A_451, %dma_start3A_456, %dma_start3A_457] : memref<16x125x16xf32, #tpu.memory_space<vmem>> -> memref<1x125x16xf32, #tpu.memory_space<vmem>>
      %dma_start3A_459 = tpu.memref_squeeze %dma_start3A_458 : memref<1x125x16xf32, #tpu.memory_space<vmem>> -> memref<125x16xf32, #tpu.memory_space<vmem>>
      %dma_start3A_460 = arith.constant 0 : i32
      %dma_start3A_461 = tpu.memref_slice %arg6[%add3A_455, %dma_start3A_460] : memref<80x125xi32, #tpu.memory_space<vmem>> -> memref<1x125xi32, #tpu.memory_space<vmem>>
      %dma_start3A_462 = tpu.memref_squeeze %dma_start3A_461 : memref<1x125xi32, #tpu.memory_space<vmem>> -> memref<125xi32, #tpu.memory_space<vmem>>
      %dma_start3A_463 = arith.constant 0 : i32
      %dma_start3A_464 = arith.constant 0 : i32
      %dma_start3A_465 = tpu.memref_slice %arg9[%dma_start3A_463, %dma_start3A_464] : memref<10240x16xf32, #tpu.memory_space<vmem_shared>> -> memref<10240x16xf32, #tpu.memory_space<vmem_shared>>
      tpu.enqueue_indirect_dma source(%dma_start3A_459 : memref<125x16xf32, #tpu.memory_space<vmem>>) target(%dma_start3A_465 : memref<10240x16xf32, #tpu.memory_space<vmem_shared>>) offsets(%dma_start3A_462 : memref<125xi32, #tpu.memory_space<vmem>>) semaphore(%arg12 : memref<!tpu.dma_semaphore, #tpu.memory_space<semaphore_mem>>) {add = true}
      %add3A_466 = arith.constant 6 : i32
      %add3A_467 = arith.addi %mul3A_236, %add3A_466 : i32
      %mul3A_468 = arith.constant 8 : i32
      %mul3A_469 = arith.muli %scan3A_224, %mul3A_468 : i32
      %add3A_470 = arith.constant 6 : i32
      %add3A_471 = arith.addi %mul3A_469, %add3A_470 : i32
      %dma_start3A_472 = arith.constant 0 : i32
      %dma_start3A_473 = arith.constant 0 : i32
      %dma_start3A_474 = tpu.memref_slice %arg7[%add3A_467, %dma_start3A_472, %dma_start3A_473] : memref<16x125x16xf32, #tpu.memory_space<vmem>> -> memref<1x125x16xf32, #tpu.memory_space<vmem>>
      %dma_start3A_475 = tpu.memref_squeeze %dma_start3A_474 : memref<1x125x16xf32, #tpu.memory_space<vmem>> -> memref<125x16xf32, #tpu.memory_space<vmem>>
      %dma_start3A_476 = arith.constant 0 : i32
      %dma_start3A_477 = tpu.memref_slice %arg6[%add3A_471, %dma_start3A_476] : memref<80x125xi32, #tpu.memory_space<vmem>> -> memref<1x125xi32, #tpu.memory_space<vmem>>
      %dma_start3A_478 = tpu.memref_squeeze %dma_start3A_477 : memref<1x125xi32, #tpu.memory_space<vmem>> -> memref<125xi32, #tpu.memory_space<vmem>>
      %dma_start3A_479 = arith.constant 0 : i32
      %dma_start3A_480 = arith.constant 0 : i32
      %dma_start3A_481 = tpu.memref_slice %arg9[%dma_start3A_479, %dma_start3A_480] : memref<10240x16xf32, #tpu.memory_space<vmem_shared>> -> memref<10240x16xf32, #tpu.memory_space<vmem_shared>>
      tpu.enqueue_indirect_dma source(%dma_start3A_475 : memref<125x16xf32, #tpu.memory_space<vmem>>) target(%dma_start3A_481 : memref<10240x16xf32, #tpu.memory_space<vmem_shared>>) offsets(%dma_start3A_478 : memref<125xi32, #tpu.memory_space<vmem>>) semaphore(%arg12 : memref<!tpu.dma_semaphore, #tpu.memory_space<semaphore_mem>>) {add = true}
      %add3A_482 = arith.constant 7 : i32
      %add3A_483 = arith.addi %mul3A_236, %add3A_482 : i32
      %mul3A_484 = arith.constant 8 : i32
      %mul3A_485 = arith.muli %scan3A_224, %mul3A_484 : i32
      %add3A_486 = arith.constant 7 : i32
      %add3A_487 = arith.addi %mul3A_485, %add3A_486 : i32
      %dma_start3A_488 = arith.constant 0 : i32
      %dma_start3A_489 = arith.constant 0 : i32
      %dma_start3A_490 = tpu.memref_slice %arg7[%add3A_483, %dma_start3A_488, %dma_start3A_489] : memref<16x125x16xf32, #tpu.memory_space<vmem>> -> memref<1x125x16xf32, #tpu.memory_space<vmem>>
      %dma_start3A_491 = tpu.memref_squeeze %dma_start3A_490 : memref<1x125x16xf32, #tpu.memory_space<vmem>> -> memref<125x16xf32, #tpu.memory_space<vmem>>
      %dma_start3A_492 = arith.constant 0 : i32
      %dma_start3A_493 = tpu.memref_slice %arg6[%add3A_487, %dma_start3A_492] : memref<80x125xi32, #tpu.memory_space<vmem>> -> memref<1x125xi32, #tpu.memory_space<vmem>>
      %dma_start3A_494 = tpu.memref_squeeze %dma_start3A_493 : memref<1x125xi32, #tpu.memory_space<vmem>> -> memref<125xi32, #tpu.memory_space<vmem>>
      %dma_start3A_495 = arith.constant 0 : i32
      %dma_start3A_496 = arith.constant 0 : i32
      %dma_start3A_497 = tpu.memref_slice %arg9[%dma_start3A_495, %dma_start3A_496] : memref<10240x16xf32, #tpu.memory_space<vmem_shared>> -> memref<10240x16xf32, #tpu.memory_space<vmem_shared>>
      tpu.enqueue_indirect_dma source(%dma_start3A_491 : memref<125x16xf32, #tpu.memory_space<vmem>>) target(%dma_start3A_497 : memref<10240x16xf32, #tpu.memory_space<vmem_shared>>) offsets(%dma_start3A_494 : memref<125xi32, #tpu.memory_space<vmem>>) semaphore(%arg12 : memref<!tpu.dma_semaphore, #tpu.memory_space<semaphore_mem>>) {add = true}
      %scan3A_498 = arith.constant 0 : i32
      scf.yield %scan3A_498 : i32
    }
    %scan3A_120 = arith.constant 10 : i32
    %dma_wait3A = arith.constant 0 : i32
    %dma_wait3A_121 = arith.constant 0 : i32
    %dma_wait3A_122 = arith.constant 0 : i32
    %dma_wait3A_123 = arith.constant 0 : i32
    %dma_wait3A_124 = tpu.memref_slice %arg7[%dma_wait3A, %dma_wait3A_122, %dma_wait3A_123] : memref<16x125x16xf32, #tpu.memory_space<vmem>> -> memref<1x125x16xf32, #tpu.memory_space<vmem>>
    %dma_wait3A_125 = tpu.memref_squeeze %dma_wait3A_124 : memref<1x125x16xf32, #tpu.memory_space<vmem>> -> memref<125x16xf32, #tpu.memory_space<vmem>>
    %dma_wait3A_126 = arith.constant 0 : i32
    %dma_wait3A_127 = tpu.memref_slice %arg6[%dma_wait3A_121, %dma_wait3A_126] : memref<80x125xi32, #tpu.memory_space<vmem>> -> memref<1x125xi32, #tpu.memory_space<vmem>>
    %dma_wait3A_128 = tpu.memref_squeeze %dma_wait3A_127 : memref<1x125xi32, #tpu.memory_space<vmem>> -> memref<125xi32, #tpu.memory_space<vmem>>
    %dma_wait3A_129 = arith.constant 0 : i32
    %dma_wait3A_130 = arith.constant 0 : i32
    %dma_wait3A_131 = tpu.memref_slice %arg9[%dma_wait3A_129, %dma_wait3A_130] : memref<10240x16xf32, #tpu.memory_space<vmem_shared>> -> memref<10240x16xf32, #tpu.memory_space<vmem_shared>>
    tpu.wait_indirect_dma semaphore(%arg12 : memref<!tpu.dma_semaphore, #tpu.memory_space<semaphore_mem>>) src(%dma_wait3A_125 : memref<125x16xf32, #tpu.memory_space<vmem>>) dst(%dma_wait3A_131 : memref<10240x16xf32, #tpu.memory_space<vmem_shared>>)
    %dma_wait3A_132 = arith.constant 1 : i32
    %dma_wait3A_133 = arith.constant 1 : i32
    %dma_wait3A_134 = arith.constant 0 : i32
    %dma_wait3A_135 = arith.constant 0 : i32
    %dma_wait3A_136 = tpu.memref_slice %arg7[%dma_wait3A_132, %dma_wait3A_134, %dma_wait3A_135] : memref<16x125x16xf32, #tpu.memory_space<vmem>> -> memref<1x125x16xf32, #tpu.memory_space<vmem>>
    %dma_wait3A_137 = tpu.memref_squeeze %dma_wait3A_136 : memref<1x125x16xf32, #tpu.memory_space<vmem>> -> memref<125x16xf32, #tpu.memory_space<vmem>>
    %dma_wait3A_138 = arith.constant 0 : i32
    %dma_wait3A_139 = tpu.memref_slice %arg6[%dma_wait3A_133, %dma_wait3A_138] : memref<80x125xi32, #tpu.memory_space<vmem>> -> memref<1x125xi32, #tpu.memory_space<vmem>>
    %dma_wait3A_140 = tpu.memref_squeeze %dma_wait3A_139 : memref<1x125xi32, #tpu.memory_space<vmem>> -> memref<125xi32, #tpu.memory_space<vmem>>
    %dma_wait3A_141 = arith.constant 0 : i32
    %dma_wait3A_142 = arith.constant 0 : i32
    %dma_wait3A_143 = tpu.memref_slice %arg9[%dma_wait3A_141, %dma_wait3A_142] : memref<10240x16xf32, #tpu.memory_space<vmem_shared>> -> memref<10240x16xf32, #tpu.memory_space<vmem_shared>>
    tpu.wait_indirect_dma semaphore(%arg12 : memref<!tpu.dma_semaphore, #tpu.memory_space<semaphore_mem>>) src(%dma_wait3A_137 : memref<125x16xf32, #tpu.memory_space<vmem>>) dst(%dma_wait3A_143 : memref<10240x16xf32, #tpu.memory_space<vmem_shared>>)
    %dma_wait3A_144 = arith.constant 2 : i32
    %dma_wait3A_145 = arith.constant 2 : i32
    %dma_wait3A_146 = arith.constant 0 : i32
    %dma_wait3A_147 = arith.constant 0 : i32
    %dma_wait3A_148 = tpu.memref_slice %arg7[%dma_wait3A_144, %dma_wait3A_146, %dma_wait3A_147] : memref<16x125x16xf32, #tpu.memory_space<vmem>> -> memref<1x125x16xf32, #tpu.memory_space<vmem>>
    %dma_wait3A_149 = tpu.memref_squeeze %dma_wait3A_148 : memref<1x125x16xf32, #tpu.memory_space<vmem>> -> memref<125x16xf32, #tpu.memory_space<vmem>>
    %dma_wait3A_150 = arith.constant 0 : i32
    %dma_wait3A_151 = tpu.memref_slice %arg6[%dma_wait3A_145, %dma_wait3A_150] : memref<80x125xi32, #tpu.memory_space<vmem>> -> memref<1x125xi32, #tpu.memory_space<vmem>>
    %dma_wait3A_152 = tpu.memref_squeeze %dma_wait3A_151 : memref<1x125xi32, #tpu.memory_space<vmem>> -> memref<125xi32, #tpu.memory_space<vmem>>
    %dma_wait3A_153 = arith.constant 0 : i32
    %dma_wait3A_154 = arith.constant 0 : i32
    %dma_wait3A_155 = tpu.memref_slice %arg9[%dma_wait3A_153, %dma_wait3A_154] : memref<10240x16xf32, #tpu.memory_space<vmem_shared>> -> memref<10240x16xf32, #tpu.memory_space<vmem_shared>>
    tpu.wait_indirect_dma semaphore(%arg12 : memref<!tpu.dma_semaphore, #tpu.memory_space<semaphore_mem>>) src(%dma_wait3A_149 : memref<125x16xf32, #tpu.memory_space<vmem>>) dst(%dma_wait3A_155 : memref<10240x16xf32, #tpu.memory_space<vmem_shared>>)
    %dma_wait3A_156 = arith.constant 3 : i32
    %dma_wait3A_157 = arith.constant 3 : i32
    %dma_wait3A_158 = arith.constant 0 : i32
    %dma_wait3A_159 = arith.constant 0 : i32
    %dma_wait3A_160 = tpu.memref_slice %arg7[%dma_wait3A_156, %dma_wait3A_158, %dma_wait3A_159] : memref<16x125x16xf32, #tpu.memory_space<vmem>> -> memref<1x125x16xf32, #tpu.memory_space<vmem>>
    %dma_wait3A_161 = tpu.memref_squeeze %dma_wait3A_160 : memref<1x125x16xf32, #tpu.memory_space<vmem>> -> memref<125x16xf32, #tpu.memory_space<vmem>>
    %dma_wait3A_162 = arith.constant 0 : i32
    %dma_wait3A_163 = tpu.memref_slice %arg6[%dma_wait3A_157, %dma_wait3A_162] : memref<80x125xi32, #tpu.memory_space<vmem>> -> memref<1x125xi32, #tpu.memory_space<vmem>>
    %dma_wait3A_164 = tpu.memref_squeeze %dma_wait3A_163 : memref<1x125xi32, #tpu.memory_space<vmem>> -> memref<125xi32, #tpu.memory_space<vmem>>
    %dma_wait3A_165 = arith.constant 0 : i32
    %dma_wait3A_166 = arith.constant 0 : i32
    %dma_wait3A_167 = tpu.memref_slice %arg9[%dma_wait3A_165, %dma_wait3A_166] : memref<10240x16xf32, #tpu.memory_space<vmem_shared>> -> memref<10240x16xf32, #tpu.memory_space<vmem_shared>>
    tpu.wait_indirect_dma semaphore(%arg12 : memref<!tpu.dma_semaphore, #tpu.memory_space<semaphore_mem>>) src(%dma_wait3A_161 : memref<125x16xf32, #tpu.memory_space<vmem>>) dst(%dma_wait3A_167 : memref<10240x16xf32, #tpu.memory_space<vmem_shared>>)
    %dma_wait3A_168 = arith.constant 4 : i32
    %dma_wait3A_169 = arith.constant 4 : i32
    %dma_wait3A_170 = arith.constant 0 : i32
    %dma_wait3A_171 = arith.constant 0 : i32
    %dma_wait3A_172 = tpu.memref_slice %arg7[%dma_wait3A_168, %dma_wait3A_170, %dma_wait3A_171] : memref<16x125x16xf32, #tpu.memory_space<vmem>> -> memref<1x125x16xf32, #tpu.memory_space<vmem>>
    %dma_wait3A_173 = tpu.memref_squeeze %dma_wait3A_172 : memref<1x125x16xf32, #tpu.memory_space<vmem>> -> memref<125x16xf32, #tpu.memory_space<vmem>>
    %dma_wait3A_174 = arith.constant 0 : i32
    %dma_wait3A_175 = tpu.memref_slice %arg6[%dma_wait3A_169, %dma_wait3A_174] : memref<80x125xi32, #tpu.memory_space<vmem>> -> memref<1x125xi32, #tpu.memory_space<vmem>>
    %dma_wait3A_176 = tpu.memref_squeeze %dma_wait3A_175 : memref<1x125xi32, #tpu.memory_space<vmem>> -> memref<125xi32, #tpu.memory_space<vmem>>
    %dma_wait3A_177 = arith.constant 0 : i32
    %dma_wait3A_178 = arith.constant 0 : i32
    %dma_wait3A_179 = tpu.memref_slice %arg9[%dma_wait3A_177, %dma_wait3A_178] : memref<10240x16xf32, #tpu.memory_space<vmem_shared>> -> memref<10240x16xf32, #tpu.memory_space<vmem_shared>>
    tpu.wait_indirect_dma semaphore(%arg12 : memref<!tpu.dma_semaphore, #tpu.memory_space<semaphore_mem>>) src(%dma_wait3A_173 : memref<125x16xf32, #tpu.memory_space<vmem>>) dst(%dma_wait3A_179 : memref<10240x16xf32, #tpu.memory_space<vmem_shared>>)
    %dma_wait3A_180 = arith.constant 5 : i32
    %dma_wait3A_181 = arith.constant 5 : i32
    %dma_wait3A_182 = arith.constant 0 : i32
    %dma_wait3A_183 = arith.constant 0 : i32
    %dma_wait3A_184 = tpu.memref_slice %arg7[%dma_wait3A_180, %dma_wait3A_182, %dma_wait3A_183] : memref<16x125x16xf32, #tpu.memory_space<vmem>> -> memref<1x125x16xf32, #tpu.memory_space<vmem>>
    %dma_wait3A_185 = tpu.memref_squeeze %dma_wait3A_184 : memref<1x125x16xf32, #tpu.memory_space<vmem>> -> memref<125x16xf32, #tpu.memory_space<vmem>>
    %dma_wait3A_186 = arith.constant 0 : i32
    %dma_wait3A_187 = tpu.memref_slice %arg6[%dma_wait3A_181, %dma_wait3A_186] : memref<80x125xi32, #tpu.memory_space<vmem>> -> memref<1x125xi32, #tpu.memory_space<vmem>>
    %dma_wait3A_188 = tpu.memref_squeeze %dma_wait3A_187 : memref<1x125xi32, #tpu.memory_space<vmem>> -> memref<125xi32, #tpu.memory_space<vmem>>
    %dma_wait3A_189 = arith.constant 0 : i32
    %dma_wait3A_190 = arith.constant 0 : i32
    %dma_wait3A_191 = tpu.memref_slice %arg9[%dma_wait3A_189, %dma_wait3A_190] : memref<10240x16xf32, #tpu.memory_space<vmem_shared>> -> memref<10240x16xf32, #tpu.memory_space<vmem_shared>>
    tpu.wait_indirect_dma semaphore(%arg12 : memref<!tpu.dma_semaphore, #tpu.memory_space<semaphore_mem>>) src(%dma_wait3A_185 : memref<125x16xf32, #tpu.memory_space<vmem>>) dst(%dma_wait3A_191 : memref<10240x16xf32, #tpu.memory_space<vmem_shared>>)
    %dma_wait3A_192 = arith.constant 6 : i32
    %dma_wait3A_193 = arith.constant 6 : i32
    %dma_wait3A_194 = arith.constant 0 : i32
    %dma_wait3A_195 = arith.constant 0 : i32
    %dma_wait3A_196 = tpu.memref_slice %arg7[%dma_wait3A_192, %dma_wait3A_194, %dma_wait3A_195] : memref<16x125x16xf32, #tpu.memory_space<vmem>> -> memref<1x125x16xf32, #tpu.memory_space<vmem>>
    %dma_wait3A_197 = tpu.memref_squeeze %dma_wait3A_196 : memref<1x125x16xf32, #tpu.memory_space<vmem>> -> memref<125x16xf32, #tpu.memory_space<vmem>>
    %dma_wait3A_198 = arith.constant 0 : i32
    %dma_wait3A_199 = tpu.memref_slice %arg6[%dma_wait3A_193, %dma_wait3A_198] : memref<80x125xi32, #tpu.memory_space<vmem>> -> memref<1x125xi32, #tpu.memory_space<vmem>>
    %dma_wait3A_200 = tpu.memref_squeeze %dma_wait3A_199 : memref<1x125xi32, #tpu.memory_space<vmem>> -> memref<125xi32, #tpu.memory_space<vmem>>
    %dma_wait3A_201 = arith.constant 0 : i32
    %dma_wait3A_202 = arith.constant 0 : i32
    %dma_wait3A_203 = tpu.memref_slice %arg9[%dma_wait3A_201, %dma_wait3A_202] : memref<10240x16xf32, #tpu.memory_space<vmem_shared>> -> memref<10240x16xf32, #tpu.memory_space<vmem_shared>>
    tpu.wait_indirect_dma semaphore(%arg12 : memref<!tpu.dma_semaphore, #tpu.memory_space<semaphore_mem>>) src(%dma_wait3A_197 : memref<125x16xf32, #tpu.memory_space<vmem>>) dst(%dma_wait3A_203 : memref<10240x16xf32, #tpu.memory_space<vmem_shared>>)
    %dma_wait3A_204 = arith.constant 7 : i32
    %dma_wait3A_205 = arith.constant 7 : i32
    %dma_wait3A_206 = arith.constant 0 : i32
    %dma_wait3A_207 = arith.constant 0 : i32
    %dma_wait3A_208 = tpu.memref_slice %arg7[%dma_wait3A_204, %dma_wait3A_206, %dma_wait3A_207] : memref<16x125x16xf32, #tpu.memory_space<vmem>> -> memref<1x125x16xf32, #tpu.memory_space<vmem>>
    %dma_wait3A_209 = tpu.memref_squeeze %dma_wait3A_208 : memref<1x125x16xf32, #tpu.memory_space<vmem>> -> memref<125x16xf32, #tpu.memory_space<vmem>>
    %dma_wait3A_210 = arith.constant 0 : i32
    %dma_wait3A_211 = tpu.memref_slice %arg6[%dma_wait3A_205, %dma_wait3A_210] : memref<80x125xi32, #tpu.memory_space<vmem>> -> memref<1x125xi32, #tpu.memory_space<vmem>>
    %dma_wait3A_212 = tpu.memref_squeeze %dma_wait3A_211 : memref<1x125xi32, #tpu.memory_space<vmem>> -> memref<125xi32, #tpu.memory_space<vmem>>
    %dma_wait3A_213 = arith.constant 0 : i32
    %dma_wait3A_214 = arith.constant 0 : i32
    %dma_wait3A_215 = tpu.memref_slice %arg9[%dma_wait3A_213, %dma_wait3A_214] : memref<10240x16xf32, #tpu.memory_space<vmem_shared>> -> memref<10240x16xf32, #tpu.memory_space<vmem_shared>>
    tpu.wait_indirect_dma semaphore(%arg12 : memref<!tpu.dma_semaphore, #tpu.memory_space<semaphore_mem>>) src(%dma_wait3A_209 : memref<125x16xf32, #tpu.memory_space<vmem>>) dst(%dma_wait3A_215 : memref<10240x16xf32, #tpu.memory_space<vmem_shared>>)
    %barrier3A_216 = arith.constant 0 : index
    tpu.barrier barrier_id(%barrier3A_216)
    %mul3A_217 = arith.constant 640 : i32
    %mul3A_218 = arith.muli %arg1, %mul3A_217 : i32
    %mul3A_219 = arith.constant 10240 : i32
    %mul3A_220 = arith.muli %arg0, %mul3A_219 : i32
    %mul3A_221 = arith.constant 640 : i32
    %mul3A_222 = arith.muli %arg1, %mul3A_221 : i32
    %add3A_223 = arith.addi %mul3A_220, %mul3A_222 : i32
    "tpu.region"() ({
      %run_scoped3A_224 = tpu.sem_alloc : memref<!tpu.dma_semaphore, #tpu.memory_space<semaphore_mem>>
      %dma_start3A_225 = arith.constant 0 : i32
      %dma_start3A_226 = tpu.memref_slice %arg4[%add3A_223, %dma_start3A_225] : memref<20480x16xf32, #tpu.memory_space<hbm>> -> memref<640x16xf32, #tpu.memory_space<hbm>>
      %dma_start3A_227 = arith.constant 0 : i32
      %dma_start3A_228 = tpu.memref_slice %arg9[%mul3A_218, %dma_start3A_227] : memref<10240x16xf32, #tpu.memory_space<vmem_shared>> -> memref<640x16xf32, #tpu.memory_space<vmem_shared>>
      tpu.enqueue_dma source(%dma_start3A_228 : memref<640x16xf32, #tpu.memory_space<vmem_shared>>) target(%dma_start3A_226 : memref<640x16xf32, #tpu.memory_space<hbm>>) target_semaphore(%run_scoped3A_224 : memref<!tpu.dma_semaphore, #tpu.memory_space<semaphore_mem>>)
      %dma_wait3A_229 = arith.constant 0 : i32
      %dma_wait3A_230 = tpu.memref_slice %arg4[%add3A_223, %dma_wait3A_229] : memref<20480x16xf32, #tpu.memory_space<hbm>> -> memref<640x16xf32, #tpu.memory_space<hbm>>
      %dma_wait3A_231 = arith.constant 0 : i32
      %dma_wait3A_232 = tpu.memref_slice %arg9[%mul3A_218, %dma_wait3A_231] : memref<10240x16xf32, #tpu.memory_space<vmem_shared>> -> memref<640x16xf32, #tpu.memory_space<vmem_shared>>
      tpu.wait_dma2 semaphore(%run_scoped3A_224 : memref<!tpu.dma_semaphore, #tpu.memory_space<semaphore_mem>>) src(%dma_wait3A_232 : memref<640x16xf32, #tpu.memory_space<vmem_shared>>) dst(%dma_wait3A_230 : memref<640x16xf32, #tpu.memory_space<hbm>>)
      tpu.yield
    }) : () -> ()
    return
  }
}

module attributes {stable_mosaic.version = 14 : i64} {
  func.func @_k1a_body(%arg0: memref<10000x128xf32, #tpu.memory_space<vmem>>, %arg1: memref<128x16xf32, #tpu.memory_space<vmem>>, %arg2: memref<1x10000xi32, #tpu.memory_space<vmem>>, %arg3: memref<10000x16xf32, #tpu.memory_space<vmem>>, %arg4: memref<64x10000xf32, #tpu.memory_space<vmem>>, %arg5: memref<64x1xf32, #tpu.memory_space<vmem>>) attributes {dimension_semantics = [], scalar_prefetch = 0 : i64, scratch_operands = 0 : i64, tpu.core_type = #tpu.core_type<tc>} {
    %get3A = arith.constant 0 : index
    %get3A_0 = arith.constant 0 : index
    %get3A_1 = vector.load %arg0[%get3A, %get3A_0] : memref<10000x128xf32, #tpu.memory_space<vmem>>, vector<10000x128xf32>
    %get3A_2 = arith.constant 0 : index
    %get3A_3 = arith.constant 0 : index
    %get3A_4 = vector.load %arg1[%get3A_2, %get3A_3] : memref<128x16xf32, #tpu.memory_space<vmem>>, vector<128x16xf32>
    %dot_general3A = arith.constant dense<0.000000e+00> : vector<10000x16xf32>
    %dot_general3A_5 = tpu.matmul %get3A_1, %get3A_4, %dot_general3A {dimension_numbers = #tpu.dot_dimension_numbers<[1], [0], [0], [1], [0, 0, 1, 1], [], []>, transpose_lhs_hint = false} : vector<10000x128xf32>, vector<128x16xf32>, vector<10000x16xf32> -> vector<10000x16xf32>
    %swap3A = arith.constant 0 : index
    %swap3A_6 = arith.constant 0 : index
    %swap3A_7 = vector.load %arg3[%swap3A, %swap3A_6] : memref<10000x16xf32, #tpu.memory_space<vmem>>, vector<10000x16xf32>
    tpu.vector_store %arg3[%swap3A, %swap3A_6], %dot_general3A_5 {strides = array<i32>} : memref<10000x16xf32, #tpu.memory_space<vmem>>, vector<10000x16xf32>,
    %iota3A = tpu.iota {dimensions = array<i32: 0>} : vector<64x10000xi32>
    %get3A_8 = arith.constant 0 : index
    %get3A_9 = arith.constant 0 : index
    %get3A_10 = vector.load %arg2[%get3A_8, %get3A_9] : memref<1x10000xi32, #tpu.memory_space<vmem>>, vector<1x10000xi32>
    %eq3A = vector.broadcast %get3A_10 : vector<1x10000xi32> to vector<64x10000xi32>
    %eq3A_11 = arith.cmpi eq, %iota3A, %eq3A : vector<64x10000xi32>
    %convert_element_type3A = arith.extui %eq3A_11 : vector<64x10000xi1> to vector<64x10000xi32>
    %convert_element_type3A_12 = arith.sitofp %convert_element_type3A : vector<64x10000xi32> to vector<64x10000xf32>
    %swap3A_13 = arith.constant 0 : index
    %swap3A_14 = arith.constant 0 : index
    %swap3A_15 = vector.load %arg4[%swap3A_13, %swap3A_14] : memref<64x10000xf32, #tpu.memory_space<vmem>>, vector<64x10000xf32>
    tpu.vector_store %arg4[%swap3A_13, %swap3A_14], %convert_element_type3A_12 {strides = array<i32>} : memref<64x10000xf32, #tpu.memory_space<vmem>>, vector<64x10000xf32>,
    %reduce_sum3A = arith.constant dense<0.000000e+00> : vector<64xf32>
    %reduce_sum3A_16 = vector.multi_reduction <add>, %convert_element_type3A_12, %reduce_sum3A [1] : vector<64x10000xf32> to vector<64xf32>
    %broadcast_in_dim3A = vector.shape_cast %reduce_sum3A_16 : vector<64xf32> to vector<64x1xf32>
    %swap3A_17 = arith.constant 0 : index
    %swap3A_18 = arith.constant 0 : index
    %swap3A_19 = vector.load %arg5[%swap3A_17, %swap3A_18] : memref<64x1xf32, #tpu.memory_space<vmem>>, vector<64x1xf32>
    tpu.vector_store %arg5[%swap3A_17, %swap3A_18], %broadcast_in_dim3A {strides = array<i32>} : memref<64x1xf32, #tpu.memory_space<vmem>>, vector<64x1xf32>,
    return
  }
}

module attributes {stable_mosaic.version = 14 : i64} {
  func.func @_k1b_body(%arg0: memref<20480x1xf32, #tpu.memory_space<vmem>>, %arg1: memref<10000x16xf32, #tpu.memory_space<vmem>>, %arg2: memref<10240x1xf32, #tpu.memory_space<vmem>>, %arg3: memref<10000x16xf32, #tpu.memory_space<vmem>>) attributes {dimension_semantics = [], scalar_prefetch = 0 : i64, scratch_operands = 0 : i64, tpu.core_type = #tpu.core_type<tc>} {
    %get3A = arith.constant 0 : index
    %get3A_0 = arith.constant 0 : index
    %get3A_1 = vector.load %arg0[%get3A, %get3A_0] : memref<20480x1xf32, #tpu.memory_space<vmem>>, vector<10240x1xf32>
    %get3A_2 = arith.constant 10240 : index
    %get3A_3 = arith.constant 0 : index
    %get3A_4 = vector.load %arg0[%get3A_2, %get3A_3] : memref<20480x1xf32, #tpu.memory_space<vmem>>, vector<10240x1xf32>
    %add3A = arith.addf %get3A_1, %get3A_4 : vector<10240x1xf32>
    %add3A_5 = arith.constant 1.000000e+00 : f32
    %add3A_6 = vector.broadcast %add3A_5 : f32 to vector<10240x1xf32>
    %add3A_7 = arith.addf %add3A, %add3A_6 : vector<10240x1xf32>
    %rsqrt3A = math.rsqrt %add3A_7 : vector<10240x1xf32>
    %swap3A = arith.constant 0 : index
    %swap3A_8 = arith.constant 0 : index
    %swap3A_9 = vector.load %arg2[%swap3A, %swap3A_8] : memref<10240x1xf32, #tpu.memory_space<vmem>>, vector<10240x1xf32>
    tpu.vector_store %arg2[%swap3A, %swap3A_8], %rsqrt3A {strides = array<i32>} : memref<10240x1xf32, #tpu.memory_space<vmem>>, vector<10240x1xf32>,
    %get3A_10 = arith.constant 0 : index
    %get3A_11 = arith.constant 0 : index
    %get3A_12 = vector.load %arg1[%get3A_10, %get3A_11] : memref<10000x16xf32, #tpu.memory_space<vmem>>, vector<10000x16xf32>
    %slice3A = vector.extract_strided_slice %rsqrt3A {offsets = [0, 0], sizes = [10000, 1], strides = [1, 1]} : vector<10240x1xf32> to vector<10000x1xf32>
    %mul3A = vector.broadcast %slice3A : vector<10000x1xf32> to vector<10000x16xf32>
    %mul3A_13 = arith.mulf %get3A_12, %mul3A : vector<10000x16xf32>
    %swap3A_14 = arith.constant 0 : index
    %swap3A_15 = arith.constant 0 : index
    %swap3A_16 = vector.load %arg3[%swap3A_14, %swap3A_15] : memref<10000x16xf32, #tpu.memory_space<vmem>>, vector<10000x16xf32>
    tpu.vector_store %arg3[%swap3A_14, %swap3A_15], %mul3A_13 {strides = array<i32>} : memref<10000x16xf32, #tpu.memory_space<vmem>>, vector<10000x16xf32>,
    return
  }
}

module attributes {stable_mosaic.version = 14 : i64} {
  func.func @_k3_body(%arg0: memref<20480x16xf32, #tpu.memory_space<vmem>>, %arg1: memref<10000x16xf32, #tpu.memory_space<vmem>>, %arg2: memref<10240x1xf32, #tpu.memory_space<vmem>>, %arg3: memref<1x16xf32, #tpu.memory_space<vmem>>, %arg4: memref<16x16xf32, #tpu.memory_space<vmem>>, %arg5: memref<16x16xf32, #tpu.memory_space<vmem>>, %arg6: memref<10000x16xf32, #tpu.memory_space<vmem>>, %arg7: memref<10000x16xf32, #tpu.memory_space<vmem>>) attributes {dimension_semantics = [], scalar_prefetch = 0 : i64, scratch_operands = 0 : i64, tpu.core_type = #tpu.core_type<tc>} {
    %get3A = arith.constant 0 : index
    %get3A_0 = arith.constant 0 : index
    %get3A_1 = vector.load %arg0[%get3A, %get3A_0] : memref<20480x16xf32, #tpu.memory_space<vmem>>, vector<10000x16xf32>
    %get3A_2 = arith.constant 10240 : index
    %get3A_3 = arith.constant 0 : index
    %get3A_4 = vector.load %arg0[%get3A_2, %get3A_3] : memref<20480x16xf32, #tpu.memory_space<vmem>>, vector<10000x16xf32>
    %add3A = arith.addf %get3A_1, %get3A_4 : vector<10000x16xf32>
    %get3A_5 = arith.constant 0 : index
    %get3A_6 = arith.constant 0 : index
    %get3A_7 = vector.load %arg2[%get3A_5, %get3A_6] : memref<10240x1xf32, #tpu.memory_space<vmem>>, vector<10240x1xf32>
    %slice3A = vector.extract_strided_slice %get3A_7 {offsets = [0, 0], sizes = [10000, 1], strides = [1, 1]} : vector<10240x1xf32> to vector<10000x1xf32>
    %get3A_8 = arith.constant 0 : index
    %get3A_9 = arith.constant 0 : index
    %get3A_10 = vector.load %arg1[%get3A_8, %get3A_9] : memref<10000x16xf32, #tpu.memory_space<vmem>>, vector<10000x16xf32>
    %add3A_11 = arith.addf %add3A, %get3A_10 : vector<10000x16xf32>
    %mul3A = vector.broadcast %slice3A : vector<10000x1xf32> to vector<10000x16xf32>
    %mul3A_12 = arith.mulf %mul3A, %add3A_11 : vector<10000x16xf32>
    %get3A_13 = arith.constant 0 : index
    %get3A_14 = arith.constant 0 : index
    %get3A_15 = vector.load %arg3[%get3A_13, %get3A_14] : memref<1x16xf32, #tpu.memory_space<vmem>>, vector<1x16xf32>
    %add3A_16 = vector.broadcast %get3A_15 : vector<1x16xf32> to vector<10000x16xf32>
    %add3A_17 = arith.addf %mul3A_12, %add3A_16 : vector<10000x16xf32>
    %max3A = arith.constant 0.000000e+00 : f32
    %max3A_18 = vector.broadcast %max3A : f32 to vector<10000x16xf32>
    %max3A_19 = arith.maximumf %add3A_17, %max3A_18 : vector<10000x16xf32>
    %get3A_20 = arith.constant 0 : index
    %get3A_21 = arith.constant 0 : index
    %get3A_22 = vector.load %arg4[%get3A_20, %get3A_21] : memref<16x16xf32, #tpu.memory_space<vmem>>, vector<16x16xf32>
    %dot_general3A = arith.constant dense<0.000000e+00> : vector<10000x16xf32>
    %dot_general3A_23 = tpu.matmul %max3A_19, %get3A_22, %dot_general3A {dimension_numbers = #tpu.dot_dimension_numbers<[1], [0], [0], [1], [0, 0, 1, 1], [], []>, transpose_lhs_hint = false} : vector<10000x16xf32>, vector<16x16xf32>, vector<10000x16xf32> -> vector<10000x16xf32>
    %mul3A_24 = vector.broadcast %slice3A : vector<10000x1xf32> to vector<10000x16xf32>
    %mul3A_25 = arith.mulf %dot_general3A_23, %mul3A_24 : vector<10000x16xf32>
    %swap3A = arith.constant 0 : index
    %swap3A_26 = arith.constant 0 : index
    %swap3A_27 = vector.load %arg6[%swap3A, %swap3A_26] : memref<10000x16xf32, #tpu.memory_space<vmem>>, vector<10000x16xf32>
    tpu.vector_store %arg6[%swap3A, %swap3A_26], %mul3A_25 {strides = array<i32>} : memref<10000x16xf32, #tpu.memory_space<vmem>>, vector<10000x16xf32>,
    %get3A_28 = arith.constant 0 : index
    %get3A_29 = arith.constant 0 : index
    %get3A_30 = vector.load %arg5[%get3A_28, %get3A_29] : memref<16x16xf32, #tpu.memory_space<vmem>>, vector<16x16xf32>
    %dot_general3A_31 = arith.constant dense<0.000000e+00> : vector<10000x16xf32>
    %dot_general3A_32 = tpu.matmul %max3A_19, %get3A_30, %dot_general3A_31 {dimension_numbers = #tpu.dot_dimension_numbers<[1], [0], [0], [1], [0, 0, 1, 1], [], []>, transpose_lhs_hint = false} : vector<10000x16xf32>, vector<16x16xf32>, vector<10000x16xf32> -> vector<10000x16xf32>
    %mul3A_33 = vector.broadcast %slice3A : vector<10000x1xf32> to vector<10000x16xf32>
    %mul3A_34 = arith.mulf %dot_general3A_32, %mul3A_33 : vector<10000x16xf32>
    %swap3A_35 = arith.constant 0 : index
    %swap3A_36 = arith.constant 0 : index
    %swap3A_37 = vector.load %arg7[%swap3A_35, %swap3A_36] : memref<10000x16xf32, #tpu.memory_space<vmem>>, vector<10000x16xf32>
    tpu.vector_store %arg7[%swap3A_35, %swap3A_36], %mul3A_34 {strides = array<i32>} : memref<10000x16xf32, #tpu.memory_space<vmem>>, vector<10000x16xf32>,
    return
  }
}

module attributes {stable_mosaic.version = 14 : i64} {
  func.func @_k5_body(%arg0: memref<20480x16xf32, #tpu.memory_space<vmem>>, %arg1: memref<20480x16xf32, #tpu.memory_space<vmem>>, %arg2: memref<10000x16xf32, #tpu.memory_space<vmem>>, %arg3: memref<10000x16xf32, #tpu.memory_space<vmem>>, %arg4: memref<10240x1xf32, #tpu.memory_space<vmem>>, %arg5: memref<1x32xf32, #tpu.memory_space<vmem>>, %arg6: memref<64x10000xf32, #tpu.memory_space<vmem>>, %arg7: memref<64x1xf32, #tpu.memory_space<vmem>>, %arg8: memref<64x16xf32, #tpu.memory_space<vmem>>, %arg9: memref<32x10xf32, #tpu.memory_space<vmem>>, %arg10: memref<16x10xf32, #tpu.memory_space<vmem>>, %arg11: memref<1x10xf32, #tpu.memory_space<vmem>>, %arg12: memref<64x10xf32, #tpu.memory_space<vmem>>) attributes {dimension_semantics = [], scalar_prefetch = 0 : i64, scratch_operands = 0 : i64, tpu.core_type = #tpu.core_type<tc>} {
    %get3A = arith.constant 0 : index
    %get3A_0 = arith.constant 0 : index
    %get3A_1 = vector.load %arg0[%get3A, %get3A_0] : memref<20480x16xf32, #tpu.memory_space<vmem>>, vector<10000x16xf32>
    %get3A_2 = arith.constant 10240 : index
    %get3A_3 = arith.constant 0 : index
    %get3A_4 = vector.load %arg0[%get3A_2, %get3A_3] : memref<20480x16xf32, #tpu.memory_space<vmem>>, vector<10000x16xf32>
    %add3A = arith.addf %get3A_1, %get3A_4 : vector<10000x16xf32>
    %get3A_5 = arith.constant 0 : index
    %get3A_6 = arith.constant 0 : index
    %get3A_7 = vector.load %arg1[%get3A_5, %get3A_6] : memref<20480x16xf32, #tpu.memory_space<vmem>>, vector<10000x16xf32>
    %get3A_8 = arith.constant 10240 : index
    %get3A_9 = arith.constant 0 : index
    %get3A_10 = vector.load %arg1[%get3A_8, %get3A_9] : memref<20480x16xf32, #tpu.memory_space<vmem>>, vector<10000x16xf32>
    %add3A_11 = arith.addf %get3A_7, %get3A_10 : vector<10000x16xf32>
    %concatenate3A = tpu.concatenate %add3A, %add3A_11 in 1 : vector<10000x16xf32>, vector<10000x16xf32> -> vector<10000x32xf32>
    %get3A_12 = arith.constant 0 : index
    %get3A_13 = arith.constant 0 : index
    %get3A_14 = vector.load %arg2[%get3A_12, %get3A_13] : memref<10000x16xf32, #tpu.memory_space<vmem>>, vector<10000x16xf32>
    %get3A_15 = arith.constant 0 : index
    %get3A_16 = arith.constant 0 : index
    %get3A_17 = vector.load %arg3[%get3A_15, %get3A_16] : memref<10000x16xf32, #tpu.memory_space<vmem>>, vector<10000x16xf32>
    %concatenate3A_18 = tpu.concatenate %get3A_14, %get3A_17 in 1 : vector<10000x16xf32>, vector<10000x16xf32> -> vector<10000x32xf32>
    %get3A_19 = arith.constant 0 : index
    %get3A_20 = arith.constant 0 : index
    %get3A_21 = vector.load %arg4[%get3A_19, %get3A_20] : memref<10240x1xf32, #tpu.memory_space<vmem>>, vector<10240x1xf32>
    %slice3A = vector.extract_strided_slice %get3A_21 {offsets = [0, 0], sizes = [10000, 1], strides = [1, 1]} : vector<10240x1xf32> to vector<10000x1xf32>
    %add3A_22 = arith.addf %concatenate3A, %concatenate3A_18 : vector<10000x32xf32>
    %mul3A = vector.broadcast %slice3A : vector<10000x1xf32> to vector<10000x32xf32>
    %mul3A_23 = arith.mulf %mul3A, %add3A_22 : vector<10000x32xf32>
    %get3A_24 = arith.constant 0 : index
    %get3A_25 = arith.constant 0 : index
    %get3A_26 = vector.load %arg5[%get3A_24, %get3A_25] : memref<1x32xf32, #tpu.memory_space<vmem>>, vector<1x32xf32>
    %add3A_27 = vector.broadcast %get3A_26 : vector<1x32xf32> to vector<10000x32xf32>
    %add3A_28 = arith.addf %mul3A_23, %add3A_27 : vector<10000x32xf32>
    %max3A = arith.constant 0.000000e+00 : f32
    %max3A_29 = vector.broadcast %max3A : f32 to vector<10000x32xf32>
    %max3A_30 = arith.maximumf %add3A_28, %max3A_29 : vector<10000x32xf32>
    %get3A_31 = arith.constant 0 : index
    %get3A_32 = arith.constant 0 : index
    %get3A_33 = vector.load %arg6[%get3A_31, %get3A_32] : memref<64x10000xf32, #tpu.memory_space<vmem>>, vector<64x10000xf32>
    %dot_general3A = arith.constant dense<0.000000e+00> : vector<64x32xf32>
    %dot_general3A_34 = tpu.matmul %get3A_33, %max3A_30, %dot_general3A {dimension_numbers = #tpu.dot_dimension_numbers<[1], [0], [0], [1], [0, 0, 1, 1], [], []>, transpose_lhs_hint = false} : vector<64x10000xf32>, vector<10000x32xf32>, vector<64x32xf32> -> vector<64x32xf32>
    %get3A_35 = arith.constant 0 : index
    %get3A_36 = arith.constant 0 : index
    %get3A_37 = vector.load %arg7[%get3A_35, %get3A_36] : memref<64x1xf32, #tpu.memory_space<vmem>>, vector<64x1xf32>
    %max3A_38 = arith.constant 1.000000e+00 : f32
    %max3A_39 = vector.broadcast %max3A_38 : f32 to vector<64x1xf32>
    %max3A_40 = arith.maximumf %get3A_37, %max3A_39 : vector<64x1xf32>
    %div3A = vector.broadcast %max3A_40 : vector<64x1xf32> to vector<64x32xf32>
    %div3A_41 = arith.divf %dot_general3A_34, %div3A : vector<64x32xf32>
    %get3A_42 = arith.constant 0 : index
    %get3A_43 = arith.constant 0 : index
    %get3A_44 = vector.load %arg9[%get3A_42, %get3A_43] : memref<32x10xf32, #tpu.memory_space<vmem>>, vector<32x10xf32>
    %dot_general3A_45 = arith.constant dense<0.000000e+00> : vector<64x10xf32>
    %dot_general3A_46 = tpu.matmul %div3A_41, %get3A_44, %dot_general3A_45 {dimension_numbers = #tpu.dot_dimension_numbers<[1], [0], [0], [1], [0, 0, 1, 1], [], []>, transpose_lhs_hint = false} : vector<64x32xf32>, vector<32x10xf32>, vector<64x10xf32> -> vector<64x10xf32>
    %get3A_47 = arith.constant 0 : index
    %get3A_48 = arith.constant 0 : index
    %get3A_49 = vector.load %arg8[%get3A_47, %get3A_48] : memref<64x16xf32, #tpu.memory_space<vmem>>, vector<64x16xf32>
    %get3A_50 = arith.constant 0 : index
    %get3A_51 = arith.constant 0 : index
    %get3A_52 = vector.load %arg10[%get3A_50, %get3A_51] : memref<16x10xf32, #tpu.memory_space<vmem>>, vector<16x10xf32>
    %dot_general3A_53 = arith.constant dense<0.000000e+00> : vector<64x10xf32>
    %dot_general3A_54 = tpu.matmul %get3A_49, %get3A_52, %dot_general3A_53 {dimension_numbers = #tpu.dot_dimension_numbers<[1], [0], [0], [1], [0, 0, 1, 1], [], []>, transpose_lhs_hint = false} : vector<64x16xf32>, vector<16x10xf32>, vector<64x10xf32> -> vector<64x10xf32>
    %add3A_55 = arith.addf %dot_general3A_46, %dot_general3A_54 : vector<64x10xf32>
    %get3A_56 = arith.constant 0 : index
    %get3A_57 = arith.constant 0 : index
    %get3A_58 = vector.load %arg11[%get3A_56, %get3A_57] : memref<1x10xf32, #tpu.memory_space<vmem>>, vector<1x10xf32>
    %add3A_59 = vector.broadcast %get3A_58 : vector<1x10xf32> to vector<64x10xf32>
    %add3A_60 = arith.addf %add3A_55, %add3A_59 : vector<64x10xf32>
    %reduce_max3A = arith.constant dense<0xFF800000> : vector<64xf32>
    %reduce_max3A_61 = vector.multi_reduction <maximumf>, %add3A_60, %reduce_max3A [1] : vector<64x10xf32> to vector<64xf32>
    %broadcast_in_dim3A = vector.shape_cast %reduce_max3A_61 : vector<64xf32> to vector<64x1xf32>
    %sub3A = vector.broadcast %broadcast_in_dim3A : vector<64x1xf32> to vector<64x10xf32>
    %sub3A_62 = arith.subf %add3A_60, %sub3A : vector<64x10xf32>
    %exp3A = math.exp %sub3A_62 : vector<64x10xf32>
    %reduce_sum3A = arith.constant dense<0.000000e+00> : vector<64xf32>
    %reduce_sum3A_63 = vector.multi_reduction <add>, %exp3A, %reduce_sum3A [1] : vector<64x10xf32> to vector<64xf32>
    %broadcast_in_dim3A_64 = vector.shape_cast %reduce_sum3A_63 : vector<64xf32> to vector<64x1xf32>
    %log3A = math.log %broadcast_in_dim3A_64 : vector<64x1xf32>
    %add3A_65 = arith.addf %broadcast_in_dim3A, %log3A : vector<64x1xf32>
    %sub3A_66 = vector.broadcast %add3A_65 : vector<64x1xf32> to vector<64x10xf32>
    %sub3A_67 = arith.subf %add3A_60, %sub3A_66 : vector<64x10xf32>
    %swap3A = arith.constant 0 : index
    %swap3A_68 = arith.constant 0 : index
    %swap3A_69 = vector.load %arg12[%swap3A, %swap3A_68] : memref<64x10xf32, #tpu.memory_space<vmem>>, vector<64x10xf32>
    tpu.vector_store %arg12[%swap3A, %swap3A_68], %sub3A_67 {strides = array<i32>} : memref<64x10xf32, #tpu.memory_space<vmem>>, vector<64x10xf32>,
    return
  }
}

</mosaic_0001>

<sc_bundles>
// kernel: kernel.10.cloned.1.call-start
scs
__scs_entry_jumppad:
0x0: {  	(pc) =	sbr.rel $0x88, $3  }
0x1: {  	(tag) =	ssettag $0x0;
	lr =	simm.s32 $0x1  }
0x2: {  	[smem:$0x3F97] =	sst lr;
	_ =	strace $0xD0000000  }
0x3: {  	_ = 	snop  }
0x4: {  	_ = 	snop  }
0x5: {  	_ = 	snop  }
0x6: {  	_ = 	snop  }
0x7: {  	_ = 	snop  }
__scs_overlays_trampoline_lowered:
0x8: {  	[smem:$0x3FA6] =	sst s0  }
0x9: {  	[smem:$0x3FA7] =	sst s1  }
0xa: {  	[smem:$0x3FA8] =	sst s2  }
0xb: {  	[smem:$0x3FA9] =	sst s3  }
0xc: {  	[smem:$0x3FAA] =	sst s4  }
0xd: {  	[smem:$0x3FAB] =	sst s5  }
0xe: {  	[smem:$0x3FAC] =	sst s6  }
0xf: {  	[smem:$0x3FAD] =	sst s7  }
0x10: {  	[smem:$0x3FAE] =	sst s8  }
0x11: {  	[smem:$0x3FAF] =	sst s9;
	s0 =	simm.s32 @!p0 $0x0  }
0x12: {  	s1 =	sld [smem:$0x3F95];
	s0 =	simm.s32 @p0 $0x1  }
0x13: {  	[smem:$0x3FB0] =	sst s0;
	s0 =	simm.s32 @!p1 $0x0  }
0x14: {  	s2 =	sld [smem:$0x3F94];
	s0 =	simm.s32 @p1 $0x1  }
0x15: {  	[smem:$0x3FB1] =	sst s0;
	s0 =	simm.s32 @!p2 $0x0  }
0x16: {  	s3 =	sld [smem:$0x3FDB];
	s0 =	simm.s32 @p2 $0x1  }
0x17: {  	s4 =	simm.s32 $0x1BF5;
	[smem:$0x3FB3] =	sst s0  }
0x18: {  	s0 =	sld [smem:$0x3F96];
	_ =	swait.ge [sflag:s4], $0x0  }
0x19: {  	s7 =	sld [smem:$0x3F97]  }
0x1a: {  	s8 =	sadd.s32 $0xFFFFE003, lr  }
0x1b: {  	s9 =	sadd.s32 $0xFFFFFEF7, lr;
	s5 =	simm.s32 $0xFFFFFFFF;
	p2 =	slt.u32 s8, $0xFFFFF086  }
0x1c: {  	p1 =	slt.u32 s9, $0xF7A;
	s5 =	simm.s32 @!p2 $0x0  }
0x1d: {  	s5 =	simm.s32 @p1 $0x1;
	p0 =	seq.s32 s7, s2  }
0x1e: {  	s7 =	smul.u32 @!p0 $0xF7A, s2;
	p2 =	seq.s32 @!p0 s5, $0x0  }
0x1f: {  	s9 =	smul.u32 $0xF7A, s1;
	s8 =	simm.s32 @!p0 $0x1BF5;
	p2 =	por !p2, p0  }
0x20: {  	[sflag:s8] =	ssyncset.s32 @!p0 $0xFFFFF086;
	s6 =	sadd.s32 @!p0 s3, s7;
	s7 =	simm.s32 @!p0 $0x108  }
0x21: {  	s3 =	sadd.s32 s3, s9;
	s6 =	sadd.s32 @!p0 $0x88, s6;
	s7 =	simm.s32 @p2 $0x1082  }
0x22: {  	[simem:s7], [sflag:s8] =	dma.local @!p0 [hbm:s6], $0xF7A  }
0x23: {  	s9 =	sor.u32 $0xD0000000, s2;
	s6 =	simm.s32 $0x108;
	_ =	swait.ge @!p0 [sflag:s8], $0x0  }
0x24: {  	s3 =	sadd.s32 $0x88, s3;
	s6 =	simm.s32 @!p1 $0x1082;
	[sflag:s4] =	ssyncset.s32 $0xFFFFF086  }
0x25: {  	[simem:s6], [sflag:s4] =	dma.local [hbm:s3], $0xF7A  }
0x26: {  	[smem:$0x3F97] =	sst s1;
	(tag) =	ssettag s2;
	_ =	strace s9  }
0x27: {  	s1 =	sld [smem:$0x3FA7]  }
0x28: {  	s2 =	sld [smem:$0x3FA8]  }
0x29: {  	s4 =	sld [smem:$0x3FAA]  }
0x2a: {  	p0 =	seq.s32 s5, $0x0;
	s5 =	sld [smem:$0x3FAB]  }
0x2b: {  	s6 =	sld [smem:$0x3FAC]  }
0x2c: {  	s7 =	sld [smem:$0x3FAD]  }
0x2d: {  	s3 =	simm.s32 $0x108;
	s8 =	sld [smem:$0x3FAE]  }
0x2e: {  	s3 =	simm.s32 @!p0 $0x1082;
	s9 =	sld [smem:$0x3FAF]  }
0x2f: {  	lr =	sadd.s32 s0, s3;
	s0 =	sld [smem:$0x3FA6]  }
0x30: {  	s3 =	sld [smem:$0x3FA9]  }
0x31: {  	[smem:$0x3FB2] =	sst s10  }
0x32: {  	s10 =	sld [smem:$0x3FB0];
	_ =	sdelay $0x3  }
0x33: {  	p0 =	seq.s32 s10, $0x1;
	s10 =	sld [smem:$0x3FB2];
	_ =	sdelay $0x3  }
0x34: {  	[smem:$0x3FB2] =	sst s10  }
0x35: {  	s10 =	sld [smem:$0x3FB1];
	_ =	sdelay $0x3  }
0x36: {  	p1 =	seq.s32 s10, $0x1;
	s10 =	sld [smem:$0x3FB2];
	_ =	sdelay $0x3  }
0x37: {  	[smem:$0x3FB2] =	sst s10  }
0x38: {  	s10 =	sld [smem:$0x3FB3]  }
0x39: {  	_ = 	snop;
	(pc) =	sbr.ind lr, $3  }
0x3a: {  	_ = 	snop  }
0x3b: {  	_ = 	snop  }
0x3c: {  	p2 =	seq.s32 s10, $0x1;
	s10 =	sld [smem:$0x3FB2]  }
0x3d: {  	_ =	shalt  }
0x3e: {  	_ =	shalt  }
0x3f: {  	_ =	shalt  }
0x40: {  	_ =	shalt  }
0x41: {  	_ =	shalt  }
0x42: {  	_ =	shalt  }
0x43: {  	_ =	shalt  }
0x44: {  	_ =	shalt  }
0x45: {  	_ =	shalt  }
0x46: {  	_ =	shalt  }
0x47: {  	_ =	shalt  }
0x48: {  	_ =	shalt  }
0x49: {  	_ =	shalt  }
0x4a: {  	_ =	shalt  }
0x4b: {  	_ =	shalt  }
0x4c: {  	_ =	shalt  }
0x4d: {  	_ =	shalt  }
0x4e: {  	_ =	shalt  }
0x4f: {  	_ =	shalt  }
0x50: {  	_ =	shalt  }
0x51: {  	_ =	shalt  }
0x52: {  	_ =	shalt  }
0x53: {  	_ =	shalt  }
0x54: {  	_ =	shalt  }
0x55: {  	_ =	shalt  }
0x56: {  	_ =	shalt  }
0x57: {  	_ =	shalt  }
0x58: {  	_ =	shalt  }
0x59: {  	_ =	shalt  }
0x5a: {  	_ =	shalt  }
0x5b: {  	_ =	shalt  }
0x5c: {  	_ =	shalt  }
0x5d: {  	_ =	shalt  }
0x5e: {  	_ =	shalt  }
0x5f: {  	_ =	shalt  }
0x60: {  	_ =	shalt  }
0x61: {  	_ =	shalt  }
0x62: {  	_ =	shalt  }
0x63: {  	_ =	shalt  }
0x64: {  	_ =	shalt  }
0x65: {  	_ =	shalt  }
0x66: {  	_ =	shalt  }
0x67: {  	_ =	shalt  }
0x68: {  	_ =	shalt  }
0x69: {  	_ =	shalt  }
0x6a: {  	_ =	shalt  }
0x6b: {  	_ =	shalt  }
0x6c: {  	_ =	shalt  }
0x6d: {  	_ =	shalt  }
0x6e: {  	_ =	shalt  }
0x6f: {  	_ =	shalt  }
0x70: {  	_ =	shalt  }
0x71: {  	_ =	shalt  }
0x72: {  	_ =	shalt  }
0x73: {  	_ =	shalt  }
0x74: {  	_ =	shalt  }
0x75: {  	_ =	shalt  }
0x76: {  	_ =	shalt  }
0x77: {  	_ =	shalt  }
0x78: {  	_ =	shalt  }
0x79: {  	_ =	shalt  }
0x7a: {  	_ =	shalt  }
0x7b: {  	_ =	shalt  }
0x7c: {  	_ =	shalt  }
0x7d: {  	_ =	shalt  }
0x7e: {  	_ =	shalt  }
0x7f: {  	_ =	shalt  }
0x80: {  	_ =	shalt  }
0x81: {  	_ =	shalt  }
0x82: {  	_ =	shalt  }
0x83: {  	_ =	shalt  }
0x84: {  	_ =	shalt  }
0x85: {  	_ =	shalt  }
0x86: {  	_ =	shalt  }
0x87: {  	_ =	shalt  }
.Lfunc_end0:
.L_simem_size_0:
called_computation_lowered:
.L_overlay_start_0:
0x88: {  	s2 =	sld [smem:$0x3FD9]  }
0x89: {  	s3 =	sld [smem:$0x3FFE];
	_ =	sdelay $0x1  }
0x8a: {  	s1 =	srdreg.scid  }
0x8b: {  	s0 =	sand.u32 $0x1, s1  }
0x8c: {  	s16 =	sshll.u32 s0, $0xA;
	s2 =	sadd.s32 s3, s2  }
0x8d: {  	s2 =	sadd.s32 s2, s16  }
0x8e: {  	[smem:$0x3FBE] =	sst s2  }
0x8f: {  	_ = 	snop  }
0x90: {  	(tm) =	ssettm $0x1  }
0x91: {  	s17 =	sld [smem:$0x3FFB];
	_ =	sdelay $0x3  }
0x92: {  	_ =	strace s17  }
0x93: {  	s2 =	sld [smem:$0x3FFC];
	_ =	sdelay $0x3  }
0x94: {  	_ =	strace s2  }
0x95: {  	s2 =	sld [smem:$0x3FFD];
	_ =	sdelay $0x3  }
0x96: {  	_ =	strace s2  }
0x97: {  	_ =	strace $0x8FFFFFFF  }
0x98: {  	s18 =	sld [smem:$0x3FDB];
	_ =	sdelay $0x1  }
0x99: {  	s19 =	simm.s32 $_scs_section_size  }
0x9a: {  	s4 =	simm.s32 $_size__tile_overlayer_lowered;
	s5 =	simm.s32 $_tile_overlayer_lowered  }
0x9b: {  	s22 =	simm.s32 $0x1BFF;
	s21 =	sshll.u32 s5, $0x1;
	s2 =	sadd.s32 s19, s18  }
0x9c: {  	s6 =	simm.s32 $0x0;
	s20 =	sshll.u32 s4, $0x1;
	s4 =	sadd.s32 s21, s2  }
0x9d: {  	[timem:s6], [sflag:s22] =	dma.local [hbm:s4], s20  }
0x9e: {  	_ =	swait.ge [sflag:s22], s20  }
0x9f: {  	s3 =	ssub.s32 $0x0, s20;
	[sflag:s22] =	ssyncset.done $0x0  }
0xa0: {  	[sflag:s22] =	ssyncadd.s32 s3;
	_ =	sdelay $0x1  }
0xa1: {  	s23 =	simm.s32 $0x1B8B  }
0xa2: {  	_ =	swait.ge [sflag:s23], $0x1  }
0xa3: {  	[sflag:s23] =	ssyncset.done $0x0  }
0xa4: {  	s25 =	simm.s32 $0x1B8E;
	s24 =	sld [smem:$0x3FFE];
	[sflag:s23] =	ssyncadd.s32 $0xFFFFFFFF  }
0xa5: {  	s26 =	simm.s32 $execute0_lowered;
	[smem:$0x3FD2] =	sst s25  }
0xa6: {  	s4 =	sshll.u32 s26, $0x1;
	_ =	strace $0x80000046;
	[dreg:$0x1] =	wrdreg $0xFFFFFFFF  }
0xa7: {  	s28 =	simm.s32 $_size_execute0_lowered;
	s2 =	sadd.s32 s2, s4;
	[dreg:$0x0] =	wrdreg $0x0  }
0xa8: {  	s4 =	sshll.u32 s28, $0x1;
	[dreg:$0x2] =	wrdreg s2  }
0xa9: {  	[dreg:$0x3] =	wrdreg s4  }
0xaa: {  	[dreg:$0x4] =	wrdreg $0xC0  }
0xab: {  	_ =	task [dreg:s6], $0x5FFFF  }
0xac: {  	[dreg:$0x1] =	wrdreg $0xFFFFFFFF  }
0xad: {  	[dreg:$0x0] =	wrdreg $0x60  }
0xae: {  	[dreg:$0x2] =	wrdreg s24  }
0xaf: {  	[dreg:$0x3] =	wrdreg $0x2B000  }
0xb0: {  	[dreg:$0x4] =	wrdreg $0x9  }
0xb1: {  	_ =	task.clear_ibuf [dreg:s6], $0x5FFFF;
	_ =	strace $0x90000046  }
0xb2: {  	s29 =	simm.s32 $0x9;
	_ =	strace $0x80000048  }
0xb3: {  	_ =	swait.ge [sflag:s29], $0x1  }
0xb4: {  	[sflag:s29] =	ssyncadd.s32 $0xFFFFFFFF  }
0xb5: {  	_ =	strace $0x90000048  }
0xb6: {  	_ =	sfence  }
0xb7: {  	s30 =	sld [smem:$0x0];
	_ =	sdelay $0x2  }
0xb8: {  	s31 =	sshll.u32 s1, $0xD;
	s1 =	sshrl.u32 s1, $0x2  }
0xb9: {  	s3 =	sand.u32 $0x4000, s31;
	s1 =	sadd.s32 s1, s30  }
0xba: {  	s0 =	sor.u32 s3, s0;
	s1 =	sshll.u32 s1, $0x11  }
0xbb: {  	s0 =	sor.u32 s1, s0  }
0xbc: {  	s0 =	sadd.s32 $0x8F2B, s0  }
0xbd: {  	[sflag:s0] =	ssyncadd.remote.s32 $0x1  }
0xbe: {  	_ =	sfence.sel $0xFFFF  }
0xbf: {  	[dreg:$0x0] =	wrdreg $0xFFFFFFFF;
	(pc) =	sbr.abs _section_cstart, $3  }
0xc0: {  	[dreg:$0x1] =	wrdreg $0xFFFFFFFF  }
0xc1: {  	_ =	task.clear_ibuf [dreg:s6], $0x2FFFF;
	_ =	strace $0x9FFFFFFF  }
0xc2: {  	(tm) =	ssettm $0x7FFFFFFF  }
0xc3: {  	_ =	shalt  }
tec
execute0_lowered:
.L_overlay_start_1:
0x0: {  	(tag) =	ssettag $0x1  }
0x1: {  	s5 =	rddreg [dreg:$0x0]  }
0x2: {  	s1 =	srdreg.scid;
	s0 =	stileid.u32  }
0x3: {  	s2 =	rddreg [dreg:$0x1];
	s3 =	simm.s32 $0x0;
	s11 =	simm.s32 $0x2800  }
0x4: {  	s14 =	simm.s32 $0x0;
	s4 =	sand.u32 $0x1, s1;
	s1 =	rddreg [dreg:$0x2]  }
0x5: {  	s6 =	smul.u32 $0x280, s0;
	[smem:$0x7FF] =	sst s3;
	s9 =	sshll.u32 s0, $0x1  }
0x6: {  	s31 =	sadd.s32 $0xDA00, s5;
	s12 =	sshll.u32 s0, $0x6;
	s7 =	smul.u32 $0x2800, s4  }
0x7: {  	_ =	strace $0x80000047;
	s8 =	ssub.s32 $0x2, s4;
	s9 =	sor.u32 s4, s9  }
0x8: {  	s12 =	sor.u32 $0x1C01, s12;
	s10 =	sshrl.u32 s8, $0x1;
	s4 =	sadd.s32 s6, s2  }
0x9: {  	s9 =	smul.u32 $0x500, s9;
	s7 =	sadd.s32 s6, s7;
	s8 =	ssub.s32 s8, s10  }
0xa: {  	s10 =	simm.s32 $0x7D;
	s13 =	sshrl.u32 s4, $0x3;
	s7 =	sshrl.u32 s7, $0x3  }
0xb: {  	s6 =	smax.u32 s8, $0x1;
	s8 =	simm.s32 $0x1;
	s7 =	sadd.s32 s7, s5  }
0xc: {  	v0 =	vimm.f32 $1.000000000e+00;
	v1 =	vimm.f32 $0.0e+00;
	s9 =	sadd.s32 s9, s31;
	s5 =	sadd.s32 $0x17A00, s7;
	s7 =	simm.s32 $0x2880  }
.LBB2_1:
0xd: {  	[tilespmem:$0x2800] =	vst v0  }
0xe: {  	[tilespmem:$0x2810] =	vst v0  }
0xf: {  	[tilespmem:$0x2820] =	vst v0  }
0x10: {  	[tilespmem:$0x2830] =	vst v0  }
0x11: {  	[tilespmem:$0x2840] =	vst v0  }
0x12: {  	[tilespmem:$0x2850] =	vst v0  }
0x13: {  	[tilespmem:$0x2860] =	vst v0  }
0x14: {  	[tilespmem:$0x2870] =	vst v0  }
0x15: {  	[tilespmem:$0x2880] =	vst v1  }
0x16: {  	[tilespmem:$0x2890] =	vst v1  }
0x17: {  	[tilespmem:$0x28A0] =	vst v1  }
0x18: {  	[tilespmem:$0x28B0] =	vst v1  }
0x19: {  	[tilespmem:$0x28C0] =	vst v1  }
0x1a: {  	[tilespmem:$0x28D0] =	vst v1  }
0x1b: {  	[tilespmem:$0x28E0] =	vst v1  }
0x1c: {  	[tilespmem:$0x28F0] =	vst v1  }
0x1d: {  	[tilespmem:$0x2900] =	vst v1  }
0x1e: {  	[tilespmem:$0x2910] =	vst v1  }
0x1f: {  	[tilespmem:$0x2920] =	vst v1  }
0x20: {  	[tilespmem:$0x2930] =	vst v1  }
0x21: {  	[tilespmem:$0x2940] =	vst v1  }
0x22: {  	[tilespmem:$0x2950] =	vst v1  }
0x23: {  	[tilespmem:$0x2960] =	vst v1  }
0x24: {  	[tilespmem:$0x2970] =	vst v1  }
0x25: {  	[tilespmem:$0x2980] =	vst v1  }
0x26: {  	[tilespmem:$0x2990] =	vst v1  }
0x27: {  	[tilespmem:$0x29A0] =	vst v1  }
0x28: {  	[tilespmem:$0x29B0] =	vst v1  }
0x29: {  	[tilespmem:$0x29C0] =	vst v1  }
0x2a: {  	[tilespmem:$0x29D0] =	vst v1  }
0x2b: {  	[tilespmem:$0x29E0] =	vst v1  }
0x2c: {  	[tilespmem:$0x29F0] =	vst v1  }
0x2d: {  	[tilespmem:$0x2A00] =	vst v1  }
0x2e: {  	[tilespmem:$0x2A10] =	vst v1  }
0x2f: {  	[tilespmem:$0x2A20] =	vst v1  }
0x30: {  	[tilespmem:$0x2A30] =	vst v1  }
0x31: {  	[tilespmem:$0x2A40] =	vst v1  }
0x32: {  	[tilespmem:$0x2A50] =	vst v1  }
0x33: {  	[tilespmem:$0x2A60] =	vst v1  }
0x34: {  	[tilespmem:$0x2A70] =	vst v1  }
0x35: {  	[tilespmem:$0x2A80] =	vst v1  }
0x36: {  	[tilespmem:$0x2A90] =	vst v1  }
0x37: {  	[tilespmem:$0x2AA0] =	vst v1  }
0x38: {  	[tilespmem:$0x2AB0] =	vst v1  }
0x39: {  	[tilespmem:$0x2AC0] =	vst v1  }
0x3a: {  	[tilespmem:$0x2AD0] =	vst v1  }
0x3b: {  	[tilespmem:$0x2AE0] =	vst v1  }
0x3c: {  	[tilespmem:$0x2AF0] =	vst v1  }
0x3d: {  	[spmem:s4] =	stream.linear.scatter [tilespmem:s7], [sflag:$0x1], $0x280, $0x38;
	[tilespmem:$0x2D80] =	vst v63  }
0x3e: {  	_ =	swait.ge [sflag:s8], $0x280  }
0x3f: {  	[sflag:s8] =	ssyncset.done $0x0  }
0x40: {  	[sflag:s8] =	ssyncadd.s32 $0xFFFFFD80  }
0x41: {  	[bflag:$0x0] =	sbarrier.arrive $0xFFFF  }
0x42: {  	[tilespmem:s3], [sflag:$0x1] =	stream.linear.gather [hbm4b:s9+s3], $0x2800, $0x38;
	[tilespmem:$0x2D80] =	vst v63  }
0x43: {  	_ =	swait.ge [sflag:s8], $0x2800  }
0x44: {  	[sflag:s8] =	ssyncset.done $0x0  }
0x45: {  	s15 =	simm.s32 $0x0;
	[sflag:s8] =	ssyncadd.s32 $0xFFFFD800  }
0x46: {  	[spmem:s2] =	stream.indirect.scatter.add.f32 [tilespmem:s11], [sflag:$0x1], $0x1, s15, s10, $0xb8;
	[tilespmem:$0x2D80] =	vst v63  }
0x47: {  	_ =	swait.ge [sflag:s8], $0x7D  }
0x48: {  	s15 =	simm.s32 $0x200;
	[sflag:s8] =	ssyncset.done $0x0  }
.LBB2_2:
0x49: {  	s16 =	sshra.s32 s15, $0x2;
	[sflag:s8] =	ssyncadd.s32 $0xFFFFFF83;
	p0 =	sne.s32 s15, $0x9E00  }
0x4a: {  	[spmem:s2] =	stream.indirect.scatter.add.f32 [tilespmem:s11], [sflag:$0x1], $0x1, s16, s10, $0xb8;
	[tilespmem:$0x2D80] =	vst v63  }
.Ltmp0:
0x4b: {  	_ = 	snop;
	(pc) =	sbr.rel @p0 .LBB2_2-.Ltmp0, $4  }
0x4c: {  	_ = 	snop  }
0x4d: {  	s15 =	sadd.s32 $0x200, s15  }
0x4e: {  	_ =	swait.ge [sflag:s8], $0x7D  }
0x4f: {  	[sflag:s8] =	ssyncset.done $0x0  }
0x50: {  	s14 =	sadd.s32 $0x1, s14  }
0x51: {  	[sflag:s8] =	ssyncadd.s32 $0xFFFFFF83;
	p0 =	sne.s32 s14, s6  }
.Ltmp1:
0x52: {  	[bflag:$0x0] =	sbarrier.arrive $0xFFFF;
	(pc) =	sbr.rel @p0 .LBB2_1-.Ltmp1, $4  }
0x53: {  	[hbm:s5], [sflag:s12] =	dma.local [spmem:s13], $0x50  }
0x54: {  	_ =	swait.ge [sflag:s8], $0x50  }
0x55: {  	[sflag:s8] =	ssyncset.done $0x0  }
0x56: {  	[sflag:s8] =	ssyncadd.s32 $0xFFFFFFB0  }
0x57: {  	_ =	sfence.sel $0x180000  }
0x58: {  	[bflag:$0x0] =	sbarrier.arrive $0xFFFF  }
0x59: {  	p0 =	sne.s32 s0, $0x0;
	_ =	strace $0x90000047  }
0x5a: {  	s0 =	sadd.s32 @!p0 $0x100000, s1;
	[bflag:$0x2] =	sbarrier.arrive $0xFFFF  }
0x5b: {  	[sflag:s0] =	ssyncadd.tile.s32 @!p0 $0x1;
	_ =	shalt  }
.Lfunc_end2:
_tile_overlayer_lowered:
.L_overlay_start_2:
0x5c: {  	(tag) =	ssettag $0x2  }
0x5d: {  	s0 =	rddreg [dreg:$0x0];
	s2 =	stileid.u32  }
0x5e: {  	s1 =	rddreg [dreg:$0x1];
	p0 =	sne.s32 s2, $0x0  }
0x5f: {  	s3 =	rddreg [dreg:$0x2];
	[bflag:$0x3] =	sbarrier.arrive $0xFFFF;
	s2 =	simm.s32 @!p0 $0x1C01  }
0x60: {  	[timem:s3], [sflag:s2] =	dma.local @!p0 [hbm:s0], s1  }
0x61: {  	s0 =	simm.s32 @!p0 $0x1  }
0x62: {  	_ =	swait.ge @!p0 [sflag:s0], s1  }
0x63: {  	s1 =	ssub.s32 @!p0 $0x0, s1;
	[sflag:s0] =	ssyncset.done @!p0 $0x0  }
0x64: {  	[sflag:s0] =	ssyncadd.s32 @!p0 s1  }
0x65: {  	[bflag:$0x3] =	sbarrier.arrive $0xFFFF  }
0x66: {  	_ =	shalt  }

// kernel: kernel.13.cloned.1.call-start
scs
__scs_entry_jumppad:
0x0: {  	(pc) =	sbr.rel $0x88, $3  }
0x1: {  	(tag) =	ssettag $0x0;
	lr =	simm.s32 $0x1  }
0x2: {  	[smem:$0x3F97] =	sst lr;
	_ =	strace $0xD0000000  }
0x3: {  	_ = 	snop  }
0x4: {  	_ = 	snop  }
0x5: {  	_ = 	snop  }
0x6: {  	_ = 	snop  }
0x7: {  	_ = 	snop  }
__scs_overlays_trampoline_lowered:
0x8: {  	[smem:$0x3FA6] =	sst s0  }
0x9: {  	[smem:$0x3FA7] =	sst s1  }
0xa: {  	[smem:$0x3FA8] =	sst s2  }
0xb: {  	[smem:$0x3FA9] =	sst s3  }
0xc: {  	[smem:$0x3FAA] =	sst s4  }
0xd: {  	[smem:$0x3FAB] =	sst s5  }
0xe: {  	[smem:$0x3FAC] =	sst s6  }
0xf: {  	[smem:$0x3FAD] =	sst s7  }
0x10: {  	[smem:$0x3FAE] =	sst s8  }
0x11: {  	[smem:$0x3FAF] =	sst s9;
	s0 =	simm.s32 @!p0 $0x0  }
0x12: {  	s1 =	sld [smem:$0x3F95];
	s0 =	simm.s32 @p0 $0x1  }
0x13: {  	[smem:$0x3FB0] =	sst s0;
	s0 =	simm.s32 @!p1 $0x0  }
0x14: {  	s2 =	sld [smem:$0x3F94];
	s0 =	simm.s32 @p1 $0x1  }
0x15: {  	[smem:$0x3FB1] =	sst s0;
	s0 =	simm.s32 @!p2 $0x0  }
0x16: {  	s3 =	sld [smem:$0x3FDB];
	s0 =	simm.s32 @p2 $0x1  }
0x17: {  	s4 =	simm.s32 $0x1BF5;
	[smem:$0x3FB3] =	sst s0  }
0x18: {  	s0 =	sld [smem:$0x3F96];
	_ =	swait.ge [sflag:s4], $0x0  }
0x19: {  	s7 =	sld [smem:$0x3F97]  }
0x1a: {  	s8 =	sadd.s32 $0xFFFFE003, lr  }
0x1b: {  	s9 =	sadd.s32 $0xFFFFFEF7, lr;
	s5 =	simm.s32 $0xFFFFFFFF;
	p2 =	slt.u32 s8, $0xFFFFF086  }
0x1c: {  	p1 =	slt.u32 s9, $0xF7A;
	s5 =	simm.s32 @!p2 $0x0  }
0x1d: {  	s5 =	simm.s32 @p1 $0x1;
	p0 =	seq.s32 s7, s2  }
0x1e: {  	s7 =	smul.u32 @!p0 $0xF7A, s2;
	p2 =	seq.s32 @!p0 s5, $0x0  }
0x1f: {  	s9 =	smul.u32 $0xF7A, s1;
	s8 =	simm.s32 @!p0 $0x1BF5;
	p2 =	por !p2, p0  }
0x20: {  	[sflag:s8] =	ssyncset.s32 @!p0 $0xFFFFF086;
	s6 =	sadd.s32 @!p0 s3, s7;
	s7 =	simm.s32 @!p0 $0x108  }
0x21: {  	s3 =	sadd.s32 s3, s9;
	s6 =	sadd.s32 @!p0 $0x88, s6;
	s7 =	simm.s32 @p2 $0x1082  }
0x22: {  	[simem:s7], [sflag:s8] =	dma.local @!p0 [hbm:s6], $0xF7A  }
0x23: {  	s9 =	sor.u32 $0xD0000000, s2;
	s6 =	simm.s32 $0x108;
	_ =	swait.ge @!p0 [sflag:s8], $0x0  }
0x24: {  	s3 =	sadd.s32 $0x88, s3;
	s6 =	simm.s32 @!p1 $0x1082;
	[sflag:s4] =	ssyncset.s32 $0xFFFFF086  }
0x25: {  	[simem:s6], [sflag:s4] =	dma.local [hbm:s3], $0xF7A  }
0x26: {  	[smem:$0x3F97] =	sst s1;
	(tag) =	ssettag s2;
	_ =	strace s9  }
0x27: {  	s1 =	sld [smem:$0x3FA7]  }
0x28: {  	s2 =	sld [smem:$0x3FA8]  }
0x29: {  	s4 =	sld [smem:$0x3FAA]  }
0x2a: {  	p0 =	seq.s32 s5, $0x0;
	s5 =	sld [smem:$0x3FAB]  }
0x2b: {  	s6 =	sld [smem:$0x3FAC]  }
0x2c: {  	s7 =	sld [smem:$0x3FAD]  }
0x2d: {  	s3 =	simm.s32 $0x108;
	s8 =	sld [smem:$0x3FAE]  }
0x2e: {  	s3 =	simm.s32 @!p0 $0x1082;
	s9 =	sld [smem:$0x3FAF]  }
0x2f: {  	lr =	sadd.s32 s0, s3;
	s0 =	sld [smem:$0x3FA6]  }
0x30: {  	s3 =	sld [smem:$0x3FA9]  }
0x31: {  	[smem:$0x3FB2] =	sst s10  }
0x32: {  	s10 =	sld [smem:$0x3FB0];
	_ =	sdelay $0x3  }
0x33: {  	p0 =	seq.s32 s10, $0x1;
	s10 =	sld [smem:$0x3FB2];
	_ =	sdelay $0x3  }
0x34: {  	[smem:$0x3FB2] =	sst s10  }
0x35: {  	s10 =	sld [smem:$0x3FB1];
	_ =	sdelay $0x3  }
0x36: {  	p1 =	seq.s32 s10, $0x1;
	s10 =	sld [smem:$0x3FB2];
	_ =	sdelay $0x3  }
0x37: {  	[smem:$0x3FB2] =	sst s10  }
0x38: {  	s10 =	sld [smem:$0x3FB3]  }
0x39: {  	_ = 	snop;
	(pc) =	sbr.ind lr, $3  }
0x3a: {  	_ = 	snop  }
0x3b: {  	_ = 	snop  }
0x3c: {  	p2 =	seq.s32 s10, $0x1;
	s10 =	sld [smem:$0x3FB2]  }
0x3d: {  	_ =	shalt  }
0x3e: {  	_ =	shalt  }
0x3f: {  	_ =	shalt  }
0x40: {  	_ =	shalt  }
0x41: {  	_ =	shalt  }
0x42: {  	_ =	shalt  }
0x43: {  	_ =	shalt  }
0x44: {  	_ =	shalt  }
0x45: {  	_ =	shalt  }
0x46: {  	_ =	shalt  }
0x47: {  	_ =	shalt  }
0x48: {  	_ =	shalt  }
0x49: {  	_ =	shalt  }
0x4a: {  	_ =	shalt  }
0x4b: {  	_ =	shalt  }
0x4c: {  	_ =	shalt  }
0x4d: {  	_ =	shalt  }
0x4e: {  	_ =	shalt  }
0x4f: {  	_ =	shalt  }
0x50: {  	_ =	shalt  }
0x51: {  	_ =	shalt  }
0x52: {  	_ =	shalt  }
0x53: {  	_ =	shalt  }
0x54: {  	_ =	shalt  }
0x55: {  	_ =	shalt  }
0x56: {  	_ =	shalt  }
0x57: {  	_ =	shalt  }
0x58: {  	_ =	shalt  }
0x59: {  	_ =	shalt  }
0x5a: {  	_ =	shalt  }
0x5b: {  	_ =	shalt  }
0x5c: {  	_ =	shalt  }
0x5d: {  	_ =	shalt  }
0x5e: {  	_ =	shalt  }
0x5f: {  	_ =	shalt  }
0x60: {  	_ =	shalt  }
0x61: {  	_ =	shalt  }
0x62: {  	_ =	shalt  }
0x63: {  	_ =	shalt  }
0x64: {  	_ =	shalt  }
0x65: {  	_ =	shalt  }
0x66: {  	_ =	shalt  }
0x67: {  	_ =	shalt  }
0x68: {  	_ =	shalt  }
0x69: {  	_ =	shalt  }
0x6a: {  	_ =	shalt  }
0x6b: {  	_ =	shalt  }
0x6c: {  	_ =	shalt  }
0x6d: {  	_ =	shalt  }
0x6e: {  	_ =	shalt  }
0x6f: {  	_ =	shalt  }
0x70: {  	_ =	shalt  }
0x71: {  	_ =	shalt  }
0x72: {  	_ =	shalt  }
0x73: {  	_ =	shalt  }
0x74: {  	_ =	shalt  }
0x75: {  	_ =	shalt  }
0x76: {  	_ =	shalt  }
0x77: {  	_ =	shalt  }
0x78: {  	_ =	shalt  }
0x79: {  	_ =	shalt  }
0x7a: {  	_ =	shalt  }
0x7b: {  	_ =	shalt  }
0x7c: {  	_ =	shalt  }
0x7d: {  	_ =	shalt  }
0x7e: {  	_ =	shalt  }
0x7f: {  	_ =	shalt  }
0x80: {  	_ =	shalt  }
0x81: {  	_ =	shalt  }
0x82: {  	_ =	shalt  }
0x83: {  	_ =	shalt  }
0x84: {  	_ =	shalt  }
0x85: {  	_ =	shalt  }
0x86: {  	_ =	shalt  }
0x87: {  	_ =	shalt  }
.Lfunc_end0:
.L_simem_size_0:
called_computation.1_lowered:
.L_overlay_start_0:
0x88: {  	s2 =	sld [smem:$0x3FD9]  }
0x89: {  	s3 =	sld [smem:$0x3FFE];
	_ =	sdelay $0x1  }
0x8a: {  	s1 =	srdreg.scid  }
0x8b: {  	s0 =	sand.u32 $0x1, s1  }
0x8c: {  	s16 =	sshll.u32 s0, $0xA;
	s2 =	sadd.s32 s3, s2  }
0x8d: {  	s2 =	sadd.s32 s2, s16  }
0x8e: {  	[smem:$0x3FBE] =	sst s2  }
0x8f: {  	_ = 	snop  }
0x90: {  	(tm) =	ssettm $0x1  }
0x91: {  	s17 =	sld [smem:$0x3FFB];
	_ =	sdelay $0x3  }
0x92: {  	_ =	strace s17  }
0x93: {  	s2 =	sld [smem:$0x3FFC];
	_ =	sdelay $0x3  }
0x94: {  	_ =	strace s2  }
0x95: {  	s2 =	sld [smem:$0x3FFD];
	_ =	sdelay $0x3  }
0x96: {  	_ =	strace s2  }
0x97: {  	_ =	strace $0x8FFFFFFF  }
0x98: {  	s18 =	sld [smem:$0x3FDB];
	_ =	sdelay $0x1  }
0x99: {  	s19 =	simm.s32 $_scs_section_size  }
0x9a: {  	s4 =	simm.s32 $_size__tile_overlayer_lowered;
	s5 =	simm.s32 $_tile_overlayer_lowered  }
0x9b: {  	s22 =	simm.s32 $0x1BFF;
	s21 =	sshll.u32 s5, $0x1;
	s2 =	sadd.s32 s19, s18  }
0x9c: {  	s6 =	simm.s32 $0x0;
	s20 =	sshll.u32 s4, $0x1;
	s4 =	sadd.s32 s21, s2  }
0x9d: {  	[timem:s6], [sflag:s22] =	dma.local [hbm:s4], s20  }
0x9e: {  	_ =	swait.ge [sflag:s22], s20  }
0x9f: {  	s3 =	ssub.s32 $0x0, s20;
	[sflag:s22] =	ssyncset.done $0x0  }
0xa0: {  	[sflag:s22] =	ssyncadd.s32 s3;
	_ =	sdelay $0x1  }
0xa1: {  	s23 =	simm.s32 $0x1B8B  }
0xa2: {  	_ =	swait.ge [sflag:s23], $0x1  }
0xa3: {  	[sflag:s23] =	ssyncset.done $0x0  }
0xa4: {  	s25 =	simm.s32 $0x1B8E;
	s24 =	sld [smem:$0x3FFE];
	[sflag:s23] =	ssyncadd.s32 $0xFFFFFFFF  }
0xa5: {  	s26 =	simm.s32 $execute0_lowered;
	[smem:$0x3FD2] =	sst s25  }
0xa6: {  	s4 =	sshll.u32 s26, $0x1;
	_ =	strace $0x80000049;
	[dreg:$0x1] =	wrdreg $0xFFFFFFFF  }
0xa7: {  	s28 =	simm.s32 $_size_execute0_lowered;
	s2 =	sadd.s32 s2, s4;
	[dreg:$0x0] =	wrdreg $0x0  }
0xa8: {  	s4 =	sshll.u32 s28, $0x1;
	[dreg:$0x2] =	wrdreg s2  }
0xa9: {  	[dreg:$0x3] =	wrdreg s4  }
0xaa: {  	[dreg:$0x4] =	wrdreg $0xC0  }
0xab: {  	_ =	task [dreg:s6], $0x5FFFF  }
0xac: {  	[dreg:$0x1] =	wrdreg $0xFFFFFFFF  }
0xad: {  	[dreg:$0x0] =	wrdreg $0x60  }
0xae: {  	[dreg:$0x2] =	wrdreg s24  }
0xaf: {  	[dreg:$0x3] =	wrdreg $0xF5000  }
0xb0: {  	[dreg:$0x4] =	wrdreg $0x11D000  }
0xb1: {  	[dreg:$0x5] =	wrdreg $0x9  }
0xb2: {  	_ =	task.clear_ibuf [dreg:s6], $0x6FFFF;
	_ =	strace $0x90000049  }
0xb3: {  	s29 =	simm.s32 $0x9;
	_ =	strace $0x8000004B  }
0xb4: {  	_ =	swait.ge [sflag:s29], $0x1  }
0xb5: {  	[sflag:s29] =	ssyncadd.s32 $0xFFFFFFFF  }
0xb6: {  	_ =	strace $0x9000004B  }
0xb7: {  	_ =	sfence  }
0xb8: {  	s30 =	sld [smem:$0x0];
	_ =	sdelay $0x2  }
0xb9: {  	s31 =	sshll.u32 s1, $0xD;
	s1 =	sshrl.u32 s1, $0x2  }
0xba: {  	s3 =	sand.u32 $0x4000, s31;
	s1 =	sadd.s32 s1, s30  }
0xbb: {  	s0 =	sor.u32 s3, s0;
	s1 =	sshll.u32 s1, $0x11  }
0xbc: {  	s0 =	sor.u32 s1, s0  }
0xbd: {  	s0 =	sadd.s32 $0x8F2B, s0  }
0xbe: {  	[sflag:s0] =	ssyncadd.remote.s32 $0x1  }
0xbf: {  	_ =	sfence.sel $0xFFFF  }
0xc0: {  	[dreg:$0x0] =	wrdreg $0xFFFFFFFF;
	(pc) =	sbr.abs _section_cstart, $3  }
0xc1: {  	[dreg:$0x1] =	wrdreg $0xFFFFFFFF  }
0xc2: {  	_ =	task.clear_ibuf [dreg:s6], $0x2FFFF;
	_ =	strace $0x9FFFFFFF  }
0xc3: {  	(tm) =	ssettm $0x7FFFFFFF  }
tec
execute0_lowered:
.L_overlay_start_1:
0x0: {  	(tag) =	ssettag $0x1  }
0x1: {  	s12 =	stileid.u32;
	s1 =	rddreg [dreg:$0x0]  }
0x2: {  	s0 =	srdreg.scid;
	s2 =	rddreg [dreg:$0x1];
	s16 =	simm.s32 $0x7D  }
0x3: {  	s22 =	simm.s32 $0x180;
	s23 =	simm.s32 $0x6770;
	s24 =	simm.s32 $0x200  }
0x4: {  	s28 =	simm.s32 $0x7710;
	s29 =	simm.s32 $0x300;
	s6 =	smul.u32 $0x2710, s12  }
0x5: {  	s30 =	simm.s32 $0x7EE0;
	s31 =	simm.s32 $0x380;
	s5 =	smul.u32 $0x500, s12  }
0x6: {  	s0 =	sand.u32 $0x1, s0;
	s3 =	sshll.u32 s12, $0x1;
	s9 =	smul.u32 $0xA000, s12  }
0x7: {  	s26 =	sshll.u32 s12, $0x6;
	s4 =	sor.u32 s0, s3;
	s3 =	rddreg [dreg:$0x2]  }
0x8: {  	s8 =	smul.u32 $0x5000, s0;
	s0 =	ssub.s32 $0x2, s0;
	s12 =	sor.u32 $0x1C03, s26  }
0x9: {  	s26 =	simm.s32 $0x280;
	s10 =	smul.u32 $0x500, s4;
	s4 =	simm.s32 $0x0  }
0xa: {  	s7 =	sshrl.u32 s6, $0x3;
	s25 =	sshrl.u32 s0, $0x1;
	s9 =	sshrl.u32 s9, $0x2  }
0xb: {  	s13 =	sadd.s32 s6, s3;
	[smem:$0x7FF] =	sst s4;
	s7 =	sadd.s32 s7, s1  }
0xc: {  	s5 =	sadd.s32 s5, s8;
	s0 =	ssub.s32 s0, s25;
	s13 =	sshrl.u32 s13, $0x3  }
0xd: {  	s25 =	simm.s32 $0x6F40;
	_ =	strace $0x8000004A;
	s11 =	sadd.s32 s10, s1  }
0xe: {  	s8 =	sadd.s32 s5, s1;
	s5 =	sadd.s32 s9, s2;
	s6 =	sadd.s32 $0x17A00, s7  }
0xf: {  	s1 =	sadd.s32 $0xDA00, s1;
	s9 =	smax.u32 s0, $0x1;
	s0 =	simm.s32 $0x1  }
0x10: {  	s7 =	sadd.s32 $0x3A00, s11;
	s8 =	sadd.s32 $0x1CA00, s8;
	s11 =	simm.s32 $0x3  }
0x11: {  	v0 =	vimm.f32 $0.0e+00;
	s14 =	sadd.s32 s10, s1;
	s1 =	simm.s32 $0x86B0;
	s10 =	simm.s32 $0x2  }
.LBB2_1:
0x12: {  	s15 =	simm.s32 $0x40;
	s17 =	simm.s32 $0x0  }
.LBB2_2:
0x13: {  	p0 =	sne.s32 s15, $0x9FC0;
	[tilespmem:s17+$0xCD00] =	vst v0;
	s17 =	smov.u32 s15;
	s15 =	sadd.s32 $0x40, s15  }
.Ltmp0:
0x14: {  	(pc) =	sbr.rel @p0 .LBB2_2-.Ltmp0, $2  }
0x15: {  	_ =	sdelay $0x2  }
0x16: {  	s17 =	sshra.s32 s17, $0x2  }
0x17: {  	[tilespmem:s17+$0xCD00] =	vst v0;
	s15 =	simm.s32 $0xCD00  }
0x18: {  	[spmem:s5] =	stream.linear.scatter [tilespmem:s15], [sflag:$0x3], $0x2800, $0x38;
	[tilespmem:$0x14410] =	vst v63  }
0x19: {  	_ =	swait.ge [sflag:s11], $0x2800  }
0x1a: {  	[sflag:s11] =	ssyncset.done $0x0  }
0x1b: {  	[sflag:s11] =	ssyncadd.s32 $0xFFFFD800  }
0x1c: {  	[spmem:s13], [sflag:s12] =	dma.local [hbm:s6], $0x4E2  }
0x1d: {  	_ =	swait.ge [sflag:s11], $0x4E2  }
0x1e: {  	[sflag:s11] =	ssyncset.done $0x0  }
0x1f: {  	[sflag:s11] =	ssyncadd.s32 $0xFFFFFB1E  }
0x20: {  	s15 =	simm.s32 $0x0;
	[bflag:$0x0] =	sbarrier.arrive $0xFFFF  }
0x21: {  	[tilespmem:s15], [sflag:$0x3] =	stream.linear.gather [hbm4b:s7+s15], $0x2800, $0x38;
	[tilespmem:$0x14410] =	vst v63  }
0x22: {  	_ =	swait.ge [sflag:s11], $0x2800  }
0x23: {  	[sflag:s11] =	ssyncset.done $0x0  }
0x24: {  	s21 =	simm.s32 $0x2800;
	[sflag:s11] =	ssyncadd.s32 $0xFFFFD800  }
0x25: {  	[tilespmem:s21], [sflag:$0x3] =	stream.linear.gather [hbm4b:s14+s15], $0x2800, $0x38;
	[tilespmem:$0x14410] =	vst v63  }
0x26: {  	_ =	swait.ge [sflag:s11], $0x2800  }
0x27: {  	[sflag:s11] =	ssyncset.done $0x0  }
0x28: {  	s18 =	simm.s32 $0x5000;
	[sflag:s11] =	ssyncadd.s32 $0xFFFFD800  }
0x29: {  	[tilespmem:s18], [sflag:$0x1] =	stream.indirect.gather [spmem:s3], $0x10, s15, s16, $0xb8;
	[tilespmem:$0x14410] =	vst v63  }
0x2a: {  	s19 =	simm.s32 $0x80;
	s18 =	simm.s32 $0x57D0  }
0x2b: {  	[tilespmem:s18], [sflag:$0x1] =	stream.indirect.gather [spmem:s3], $0x10, s19, s16, $0xb8;
	[tilespmem:$0x14410] =	vst v63  }
0x2c: {  	s20 =	simm.s32 $0x100;
	s21 =	simm.s32 $0x5FA0  }
0x2d: {  	[tilespmem:s21], [sflag:$0x1] =	stream.indirect.gather [spmem:s3], $0x10, s20, s16, $0xb8;
	[tilespmem:$0x14410] =	vst v63  }
0x2e: {  	_ = 	snop  }
0x2f: {  	[tilespmem:s23], [sflag:$0x1] =	stream.indirect.gather [spmem:s3], $0x10, s22, s16, $0xb8;
	[tilespmem:$0x14410] =	vst v63  }
0x30: {  	_ = 	snop  }
0x31: {  	[tilespmem:s25], [sflag:$0x1] =	stream.indirect.gather [spmem:s3], $0x10, s24, s16, $0xb8;
	[tilespmem:$0x14410] =	vst v63  }
0x32: {  	_ = 	snop  }
0x33: {  	[tilespmem:s28], [sflag:$0x1] =	stream.indirect.gather [spmem:s3], $0x10, s26, s16, $0xb8;
	[tilespmem:$0x14410] =	vst v63  }
0x34: {  	_ = 	snop  }
0x35: {  	[tilespmem:s30], [sflag:$0x1] =	stream.indirect.gather [spmem:s3], $0x10, s29, s16, $0xb8;
	[tilespmem:$0x14410] =	vst v63  }
0x36: {  	s17 =	simm.s32 $0x8  }
0x37: {  	[tilespmem:s1], [sflag:$0x1] =	stream.indirect.gather [spmem:s3], $0x10, s31, s16, $0xb8;
	[tilespmem:$0x14410] =	vst v63  }
.LBB2_4:
0x38: {  	_ =	swait.ge [sflag:s0], $0x7D0  }
0x39: {  	[sflag:s0] =	ssyncset.done $0x0  }
0x3a: {  	[sflag:s0] =	ssyncadd.s32 $0xFFFFF830  }
0x3b: {  	_ =	swait.ge [sflag:s0], $0x7D0  }
0x3c: {  	[sflag:s0] =	ssyncset.done $0x0  }
0x3d: {  	[sflag:s0] =	ssyncadd.s32 $0xFFFFF830  }
0x3e: {  	_ =	swait.ge [sflag:s0], $0x7D0  }
0x3f: {  	[sflag:s0] =	ssyncset.done $0x0  }
0x40: {  	[sflag:s0] =	ssyncadd.s32 $0xFFFFF830  }
0x41: {  	_ =	swait.ge [sflag:s0], $0x7D0  }
0x42: {  	[sflag:s0] =	ssyncset.done $0x0  }
0x43: {  	[sflag:s0] =	ssyncadd.s32 $0xFFFFF830  }
0x44: {  	_ =	swait.ge [sflag:s0], $0x7D0  }
0x45: {  	[sflag:s0] =	ssyncset.done $0x0  }
0x46: {  	[sflag:s0] =	ssyncadd.s32 $0xFFFFF830  }
0x47: {  	_ =	swait.ge [sflag:s0], $0x7D0  }
0x48: {  	[sflag:s0] =	ssyncset.done $0x0  }
0x49: {  	[sflag:s0] =	ssyncadd.s32 $0xFFFFF830  }
0x4a: {  	_ =	swait.ge [sflag:s0], $0x7D0  }
0x4b: {  	[sflag:s0] =	ssyncset.done $0x0  }
0x4c: {  	[sflag:s0] =	ssyncadd.s32 $0xFFFFF830  }
0x4d: {  	_ =	swait.ge [sflag:s0], $0x7D0  }
0x4e: {  	p0 =	seq.s32 s15, $0x0;
	[sflag:s0] =	ssyncset.done $0x0  }
0x4f: {  	s18 =	simm.s32 @!p0 $0x2;
	[sflag:s0] =	ssyncadd.s32 $0xFFFFF830  }
0x50: {  	_ =	swait.ge @!p0 [sflag:s18], $0x7D0  }
0x51: {  	[sflag:s18] =	ssyncset.done @!p0 $0x0  }
0x52: {  	[sflag:s18] =	ssyncadd.s32 @!p0 $0xFFFFF830  }
0x53: {  	_ =	swait.ge @!p0 [sflag:s18], $0x7D0  }
0x54: {  	[sflag:s18] =	ssyncset.done @!p0 $0x0  }
0x55: {  	[sflag:s18] =	ssyncadd.s32 @!p0 $0xFFFFF830  }
0x56: {  	_ =	swait.ge @!p0 [sflag:s18], $0x7D0  }
0x57: {  	[sflag:s18] =	ssyncset.done @!p0 $0x0  }
0x58: {  	[sflag:s18] =	ssyncadd.s32 @!p0 $0xFFFFF830  }
0x59: {  	_ =	swait.ge @!p0 [sflag:s18], $0x7D0  }
0x5a: {  	[sflag:s18] =	ssyncset.done @!p0 $0x0  }
0x5b: {  	[sflag:s18] =	ssyncadd.s32 @!p0 $0xFFFFF830  }
0x5c: {  	_ =	swait.ge @!p0 [sflag:s18], $0x7D0  }
0x5d: {  	[sflag:s18] =	ssyncset.done @!p0 $0x0  }
0x5e: {  	[sflag:s18] =	ssyncadd.s32 @!p0 $0xFFFFF830  }
0x5f: {  	_ =	swait.ge @!p0 [sflag:s18], $0x7D0  }
0x60: {  	[sflag:s18] =	ssyncset.done @!p0 $0x0  }
0x61: {  	[sflag:s18] =	ssyncadd.s32 @!p0 $0xFFFFF830  }
0x62: {  	_ =	swait.ge @!p0 [sflag:s18], $0x7D0  }
0x63: {  	[sflag:s18] =	ssyncset.done @!p0 $0x0  }
0x64: {  	[sflag:s18] =	ssyncadd.s32 @!p0 $0xFFFFF830  }
0x65: {  	p1 =	seq.s32 @!p0 s15, $0x9000;
	_ =	swait.ge @!p0 [sflag:s18], $0x7D0  }
0x66: {  	p1 =	por p0, !p1;
	[sflag:s18] =	ssyncset.done @!p0 $0x0  }
0x67: {  	[sflag:s18] =	ssyncadd.s32 @!p0 $0xFFFFF830;
	s18 =	sand.u32 @p1 $0x8, s17  }
0x68: {  	s18 =	smul.u32 @p1 $0x1F40, s18;
	_ =	sdelay $0x1  }
0x69: {  	s19 =	sshra.s32 @p1 s15, $0x2;
	s18 =	sshrl.u32 @p1 s18, $0x2  }
0x6a: {  	s21 =	sadd.s32 @p1 $0x400, s19;
	s20 =	sadd.s32 @p1 $0x5000, s18  }
0x6b: {  	[tilespmem:s20], [sflag:$0x1] =	stream.indirect.gather @p1 [spmem:s3], $0x10, s21, s16, $0xb8;
	[tilespmem:$0x14410] =	vst v63  }
0x6c: {  	s20 =	sadd.s32 @p1 $0x57D0, s18;
	s21 =	sadd.s32 @p1 $0x480, s19  }
0x6d: {  	[tilespmem:s20], [sflag:$0x1] =	stream.indirect.gather @p1 [spmem:s3], $0x10, s21, s16, $0xb8;
	[tilespmem:$0x14410] =	vst v63  }
0x6e: {  	s20 =	sadd.s32 @p1 $0x5FA0, s18;
	s21 =	sadd.s32 @p1 $0x500, s19  }
0x6f: {  	[tilespmem:s20], [sflag:$0x1] =	stream.indirect.gather @p1 [spmem:s3], $0x10, s21, s16, $0xb8;
	[tilespmem:$0x14410] =	vst v63  }
0x70: {  	s20 =	sadd.s32 @p1 $0x6770, s18;
	s21 =	sadd.s32 @p1 $0x580, s19  }
0x71: {  	[tilespmem:s20], [sflag:$0x1] =	stream.indirect.gather @p1 [spmem:s3], $0x10, s21, s16, $0xb8;
	[tilespmem:$0x14410] =	vst v63  }
0x72: {  	s20 =	sadd.s32 @p1 $0x6F40, s18;
	s21 =	sadd.s32 @p1 $0x600, s19  }
0x73: {  	[tilespmem:s20], [sflag:$0x1] =	stream.indirect.gather @p1 [spmem:s3], $0x10, s21, s16, $0xb8;
	[tilespmem:$0x14410] =	vst v63  }
0x74: {  	s20 =	sadd.s32 @p1 $0x7710, s18;
	s21 =	sadd.s32 @p1 $0x680, s19  }
0x75: {  	[tilespmem:s20], [sflag:$0x1] =	stream.indirect.gather @p1 [spmem:s3], $0x10, s21, s16, $0xb8;
	[tilespmem:$0x14410] =	vst v63  }
0x76: {  	s20 =	sadd.s32 @p1 $0x7EE0, s18;
	s21 =	sadd.s32 @p1 $0x700, s19  }
0x77: {  	[tilespmem:s20], [sflag:$0x1] =	stream.indirect.gather @p1 [spmem:s3], $0x10, s21, s16, $0xb8;
	[tilespmem:$0x14410] =	vst v63  }
0x78: {  	s18 =	sadd.s32 @p1 $0x86B0, s18;
	s19 =	sadd.s32 @p1 $0x780, s19;
	s21 =	sadd.s32 $0xFFFFFFF8, s17  }
0x79: {  	[tilespmem:s18], [sflag:$0x1] =	stream.indirect.gather @p1 [spmem:s3], $0x10, s19, s16, $0xb8;
	[tilespmem:$0x14410] =	vst v63  }
0x7a: {  	s18 =	sand.u32 $0x8, s21  }
0x7b: {  	s18 =	smul.u32 $0x1F40, s18;
	_ =	sdelay $0x1  }
0x7c: {  	s19 =	sshra.s32 s15, $0x2;
	s18 =	sshrl.u32 s18, $0x2  }
0x7d: {  	s21 =	sadd.s32 $0x2800, s19;
	s20 =	sadd.s32 $0x5000, s18  }
0x7e: {  	[spmem:s2] =	stream.indirect.scatter.add.f32 [tilespmem:s20], [sflag:$0x2], $0x10, s21, s16, $0xb8;
	[tilespmem:$0x14410] =	vst v63  }
0x7f: {  	s20 =	sadd.s32 $0x57D0, s18;
	s21 =	sadd.s32 $0x2880, s19  }
0x80: {  	[spmem:s2] =	stream.indirect.scatter.add.f32 [tilespmem:s20], [sflag:$0x2], $0x10, s21, s16, $0xb8;
	[tilespmem:$0x14410] =	vst v63  }
0x81: {  	s20 =	sadd.s32 $0x5FA0, s18;
	s21 =	sadd.s32 $0x2900, s19  }
0x82: {  	[spmem:s2] =	stream.indirect.scatter.add.f32 [tilespmem:s20], [sflag:$0x2], $0x10, s21, s16, $0xb8;
	[tilespmem:$0x14410] =	vst v63  }
0x83: {  	s20 =	sadd.s32 $0x6770, s18;
	s21 =	sadd.s32 $0x2980, s19  }
0x84: {  	[spmem:s2] =	stream.indirect.scatter.add.f32 [tilespmem:s20], [sflag:$0x2], $0x10, s21, s16, $0xb8;
	[tilespmem:$0x14410] =	vst v63  }
0x85: {  	s15 =	sadd.s32 $0x1000, s15;
	s20 =	sadd.s32 $0x6F40, s18;
	s21 =	sadd.s32 $0x2A00, s19  }
0x86: {  	[spmem:s2] =	stream.indirect.scatter.add.f32 [tilespmem:s20], [sflag:$0x2], $0x10, s21, s16, $0xb8;
	[tilespmem:$0x14410] =	vst v63  }
0x87: {  	p0 =	sne.s32 s15, $0xA000;
	s20 =	sadd.s32 $0x7710, s18;
	s21 =	sadd.s32 $0x2A80, s19  }
0x88: {  	[spmem:s2] =	stream.indirect.scatter.add.f32 [tilespmem:s20], [sflag:$0x2], $0x10, s21, s16, $0xb8;
	[tilespmem:$0x14410] =	vst v63  }
.Ltmp1:
0x89: {  	_ = 	snop;
	(pc) =	sbr.rel @p0 .LBB2_4-.Ltmp1, $4  }
0x8a: {  	s20 =	sadd.s32 $0x7EE0, s18;
	s21 =	sadd.s32 $0x2B00, s19  }
0x8b: {  	[spmem:s2] =	stream.indirect.scatter.add.f32 [tilespmem:s20], [sflag:$0x2], $0x10, s21, s16, $0xb8;
	[tilespmem:$0x14410] =	vst v63  }
0x8c: {  	s17 =	sadd.s32 $0x8, s17;
	s18 =	sadd.s32 $0x86B0, s18;
	s19 =	sadd.s32 $0x2B80, s19  }
0x8d: {  	[spmem:s2] =	stream.indirect.scatter.add.f32 [tilespmem:s18], [sflag:$0x2], $0x10, s19, s16, $0xb8;
	[tilespmem:$0x14410] =	vst v63  }
0x8e: {  	_ =	swait.ge [sflag:s10], $0x7D0  }
0x8f: {  	[sflag:s10] =	ssyncset.done $0x0  }
0x90: {  	[sflag:s10] =	ssyncadd.s32 $0xFFFFF830  }
0x91: {  	_ =	swait.ge [sflag:s10], $0x7D0  }
0x92: {  	[sflag:s10] =	ssyncset.done $0x0  }
0x93: {  	[sflag:s10] =	ssyncadd.s32 $0xFFFFF830  }
0x94: {  	_ =	swait.ge [sflag:s10], $0x7D0  }
0x95: {  	[sflag:s10] =	ssyncset.done $0x0  }
0x96: {  	[sflag:s10] =	ssyncadd.s32 $0xFFFFF830  }
0x97: {  	_ =	swait.ge [sflag:s10], $0x7D0  }
0x98: {  	[sflag:s10] =	ssyncset.done $0x0  }
0x99: {  	[sflag:s10] =	ssyncadd.s32 $0xFFFFF830  }
0x9a: {  	_ =	swait.ge [sflag:s10], $0x7D0  }
0x9b: {  	[sflag:s10] =	ssyncset.done $0x0  }
0x9c: {  	[sflag:s10] =	ssyncadd.s32 $0xFFFFF830  }
0x9d: {  	_ =	swait.ge [sflag:s10], $0x7D0  }
0x9e: {  	[sflag:s10] =	ssyncset.done $0x0  }
0x9f: {  	[sflag:s10] =	ssyncadd.s32 $0xFFFFF830  }
0xa0: {  	_ =	swait.ge [sflag:s10], $0x7D0  }
0xa1: {  	[sflag:s10] =	ssyncset.done $0x0  }
0xa2: {  	[sflag:s10] =	ssyncadd.s32 $0xFFFFF830  }
0xa3: {  	_ =	swait.ge [sflag:s10], $0x7D0  }
0xa4: {  	s4 =	sadd.s32 $0x1, s4;
	[sflag:s10] =	ssyncset.done $0x0  }
0xa5: {  	p0 =	sne.s32 s4, s9;
	[sflag:s10] =	ssyncadd.s32 $0xFFFFF830  }
.Ltmp2:
0xa6: {  	s15 =	sshrl.u32 s5, $0x3;
	[bflag:$0x0] =	sbarrier.arrive $0xFFFF;
	(pc) =	sbr.rel @p0 .LBB2_1-.Ltmp2, $4  }
0xa7: {  	[hbm:s8], [sflag:s12] =	dma.local [spmem:s15], $0x500  }
0xa8: {  	_ =	swait.ge [sflag:s11], $0x500  }
0xa9: {  	[sflag:s11] =	ssyncset.done $0x0  }
0xaa: {  	[sflag:s11] =	ssyncadd.s32 $0xFFFFFB00  }
0xab: {  	_ =	sfence.sel $0x180000  }
0xac: {  	[bflag:$0x0] =	sbarrier.arrive $0xFFFF  }
0xad: {  	_ =	strace $0x9000004A  }
0xae: {  	s0 =	stileid.u32;
	[bflag:$0x2] =	sbarrier.arrive $0xFFFF  }
0xaf: {  	p0 =	sne.s32 s0, $0x0;
	s0 =	rddreg [dreg:$0x3]  }
0xb0: {  	s0 =	sadd.s32 @!p0 $0x100000, s0  }
0xb1: {  	[sflag:s0] =	ssyncadd.tile.s32 @!p0 $0x1;
	_ =	shalt  }
.Lfunc_end2:
_tile_overlayer_lowered:
.L_overlay_start_2:
0xb2: {  	(tag) =	ssettag $0x2  }
0xb3: {  	s0 =	rddreg [dreg:$0x0];
	s2 =	stileid.u32  }
0xb4: {  	s1 =	rddreg [dreg:$0x1];
	p0 =	sne.s32 s2, $0x0  }
0xb5: {  	s3 =	rddreg [dreg:$0x2];
	[bflag:$0x3] =	sbarrier.arrive $0xFFFF;
	s2 =	simm.s32 @!p0 $0x1C03  }
0xb6: {  	[timem:s3], [sflag:s2] =	dma.local @!p0 [hbm:s0], s1  }
0xb7: {  	s0 =	simm.s32 @!p0 $0x3  }
0xb8: {  	_ =	swait.ge @!p0 [sflag:s0], s1  }
0xb9: {  	s1 =	ssub.s32 @!p0 $0x0, s1;
	[sflag:s0] =	ssyncset.done @!p0 $0x0  }
0xba: {  	[sflag:s0] =	ssyncadd.s32 @!p0 s1  }
0xbb: {  	[bflag:$0x3] =	sbarrier.arrive $0xFFFF  }
0xbc: {  	_ =	shalt  }

// kernel: kernel.16.cloned.1.call-start
scs
__scs_entry_jumppad:
0x0: {  	(pc) =	sbr.rel $0x88, $3  }
0x1: {  	(tag) =	ssettag $0x0;
	lr =	simm.s32 $0x1  }
0x2: {  	[smem:$0x3F97] =	sst lr;
	_ =	strace $0xD0000000  }
0x3: {  	_ = 	snop  }
0x4: {  	_ = 	snop  }
0x5: {  	_ = 	snop  }
0x6: {  	_ = 	snop  }
0x7: {  	_ = 	snop  }
__scs_overlays_trampoline_lowered:
0x8: {  	[smem:$0x3FA6] =	sst s0  }
0x9: {  	[smem:$0x3FA7] =	sst s1  }
0xa: {  	[smem:$0x3FA8] =	sst s2  }
0xb: {  	[smem:$0x3FA9] =	sst s3  }
0xc: {  	[smem:$0x3FAA] =	sst s4  }
0xd: {  	[smem:$0x3FAB] =	sst s5  }
0xe: {  	[smem:$0x3FAC] =	sst s6  }
0xf: {  	[smem:$0x3FAD] =	sst s7  }
0x10: {  	[smem:$0x3FAE] =	sst s8  }
0x11: {  	[smem:$0x3FAF] =	sst s9;
	s0 =	simm.s32 @!p0 $0x0  }
0x12: {  	s1 =	sld [smem:$0x3F95];
	s0 =	simm.s32 @p0 $0x1  }
0x13: {  	[smem:$0x3FB0] =	sst s0;
	s0 =	simm.s32 @!p1 $0x0  }
0x14: {  	s2 =	sld [smem:$0x3F94];
	s0 =	simm.s32 @p1 $0x1  }
0x15: {  	[smem:$0x3FB1] =	sst s0;
	s0 =	simm.s32 @!p2 $0x0  }
0x16: {  	s3 =	sld [smem:$0x3FDB];
	s0 =	simm.s32 @p2 $0x1  }
0x17: {  	s4 =	simm.s32 $0x1BF5;
	[smem:$0x3FB3] =	sst s0  }
0x18: {  	s0 =	sld [smem:$0x3F96];
	_ =	swait.ge [sflag:s4], $0x0  }
0x19: {  	s7 =	sld [smem:$0x3F97]  }
0x1a: {  	s8 =	sadd.s32 $0xFFFFE003, lr  }
0x1b: {  	s9 =	sadd.s32 $0xFFFFFEF7, lr;
	s5 =	simm.s32 $0xFFFFFFFF;
	p2 =	slt.u32 s8, $0xFFFFF086  }
0x1c: {  	p1 =	slt.u32 s9, $0xF7A;
	s5 =	simm.s32 @!p2 $0x0  }
0x1d: {  	s5 =	simm.s32 @p1 $0x1;
	p0 =	seq.s32 s7, s2  }
0x1e: {  	s7 =	smul.u32 @!p0 $0xF7A, s2;
	p2 =	seq.s32 @!p0 s5, $0x0  }
0x1f: {  	s9 =	smul.u32 $0xF7A, s1;
	s8 =	simm.s32 @!p0 $0x1BF5;
	p2 =	por !p2, p0  }
0x20: {  	[sflag:s8] =	ssyncset.s32 @!p0 $0xFFFFF086;
	s6 =	sadd.s32 @!p0 s3, s7;
	s7 =	simm.s32 @!p0 $0x108  }
0x21: {  	s3 =	sadd.s32 s3, s9;
	s6 =	sadd.s32 @!p0 $0x88, s6;
	s7 =	simm.s32 @p2 $0x1082  }
0x22: {  	[simem:s7], [sflag:s8] =	dma.local @!p0 [hbm:s6], $0xF7A  }
0x23: {  	s9 =	sor.u32 $0xD0000000, s2;
	s6 =	simm.s32 $0x108;
	_ =	swait.ge @!p0 [sflag:s8], $0x0  }
0x24: {  	s3 =	sadd.s32 $0x88, s3;
	s6 =	simm.s32 @!p1 $0x1082;
	[sflag:s4] =	ssyncset.s32 $0xFFFFF086  }
0x25: {  	[simem:s6], [sflag:s4] =	dma.local [hbm:s3], $0xF7A  }
0x26: {  	[smem:$0x3F97] =	sst s1;
	(tag) =	ssettag s2;
	_ =	strace s9  }
0x27: {  	s1 =	sld [smem:$0x3FA7]  }
0x28: {  	s2 =	sld [smem:$0x3FA8]  }
0x29: {  	s4 =	sld [smem:$0x3FAA]  }
0x2a: {  	p0 =	seq.s32 s5, $0x0;
	s5 =	sld [smem:$0x3FAB]  }
0x2b: {  	s6 =	sld [smem:$0x3FAC]  }
0x2c: {  	s7 =	sld [smem:$0x3FAD]  }
0x2d: {  	s3 =	simm.s32 $0x108;
	s8 =	sld [smem:$0x3FAE]  }
0x2e: {  	s3 =	simm.s32 @!p0 $0x1082;
	s9 =	sld [smem:$0x3FAF]  }
0x2f: {  	lr =	sadd.s32 s0, s3;
	s0 =	sld [smem:$0x3FA6]  }
0x30: {  	s3 =	sld [smem:$0x3FA9]  }
0x31: {  	[smem:$0x3FB2] =	sst s10  }
0x32: {  	s10 =	sld [smem:$0x3FB0];
	_ =	sdelay $0x3  }
0x33: {  	p0 =	seq.s32 s10, $0x1;
	s10 =	sld [smem:$0x3FB2];
	_ =	sdelay $0x3  }
0x34: {  	[smem:$0x3FB2] =	sst s10  }
0x35: {  	s10 =	sld [smem:$0x3FB1];
	_ =	sdelay $0x3  }
0x36: {  	p1 =	seq.s32 s10, $0x1;
	s10 =	sld [smem:$0x3FB2];
	_ =	sdelay $0x3  }
0x37: {  	[smem:$0x3FB2] =	sst s10  }
0x38: {  	s10 =	sld [smem:$0x3FB3]  }
0x39: {  	_ = 	snop;
	(pc) =	sbr.ind lr, $3  }
0x3a: {  	_ = 	snop  }
0x3b: {  	_ = 	snop  }
0x3c: {  	p2 =	seq.s32 s10, $0x1;
	s10 =	sld [smem:$0x3FB2]  }
0x3d: {  	_ =	shalt  }
0x3e: {  	_ =	shalt  }
0x3f: {  	_ =	shalt  }
0x40: {  	_ =	shalt  }
0x41: {  	_ =	shalt  }
0x42: {  	_ =	shalt  }
0x43: {  	_ =	shalt  }
0x44: {  	_ =	shalt  }
0x45: {  	_ =	shalt  }
0x46: {  	_ =	shalt  }
0x47: {  	_ =	shalt  }
0x48: {  	_ =	shalt  }
0x49: {  	_ =	shalt  }
0x4a: {  	_ =	shalt  }
0x4b: {  	_ =	shalt  }
0x4c: {  	_ =	shalt  }
0x4d: {  	_ =	shalt  }
0x4e: {  	_ =	shalt  }
0x4f: {  	_ =	shalt  }
0x50: {  	_ =	shalt  }
0x51: {  	_ =	shalt  }
0x52: {  	_ =	shalt  }
0x53: {  	_ =	shalt  }
0x54: {  	_ =	shalt  }
0x55: {  	_ =	shalt  }
0x56: {  	_ =	shalt  }
0x57: {  	_ =	shalt  }
0x58: {  	_ =	shalt  }
0x59: {  	_ =	shalt  }
0x5a: {  	_ =	shalt  }
0x5b: {  	_ =	shalt  }
0x5c: {  	_ =	shalt  }
0x5d: {  	_ =	shalt  }
0x5e: {  	_ =	shalt  }
0x5f: {  	_ =	shalt  }
0x60: {  	_ =	shalt  }
0x61: {  	_ =	shalt  }
0x62: {  	_ =	shalt  }
0x63: {  	_ =	shalt  }
0x64: {  	_ =	shalt  }
0x65: {  	_ =	shalt  }
0x66: {  	_ =	shalt  }
0x67: {  	_ =	shalt  }
0x68: {  	_ =	shalt  }
0x69: {  	_ =	shalt  }
0x6a: {  	_ =	shalt  }
0x6b: {  	_ =	shalt  }
0x6c: {  	_ =	shalt  }
0x6d: {  	_ =	shalt  }
0x6e: {  	_ =	shalt  }
0x6f: {  	_ =	shalt  }
0x70: {  	_ =	shalt  }
0x71: {  	_ =	shalt  }
0x72: {  	_ =	shalt  }
0x73: {  	_ =	shalt  }
0x74: {  	_ =	shalt  }
0x75: {  	_ =	shalt  }
0x76: {  	_ =	shalt  }
0x77: {  	_ =	shalt  }
0x78: {  	_ =	shalt  }
0x79: {  	_ =	shalt  }
0x7a: {  	_ =	shalt  }
0x7b: {  	_ =	shalt  }
0x7c: {  	_ =	shalt  }
0x7d: {  	_ =	shalt  }
0x7e: {  	_ =	shalt  }
0x7f: {  	_ =	shalt  }
0x80: {  	_ =	shalt  }
0x81: {  	_ =	shalt  }
0x82: {  	_ =	shalt  }
0x83: {  	_ =	shalt  }
0x84: {  	_ =	shalt  }
0x85: {  	_ =	shalt  }
0x86: {  	_ =	shalt  }
0x87: {  	_ =	shalt  }
.Lfunc_end0:
.L_simem_size_0:
called_computation.2_lowered:
.L_overlay_start_0:
0x88: {  	s2 =	sld [smem:$0x3FD9]  }
0x89: {  	s3 =	sld [smem:$0x3FFE];
	_ =	sdelay $0x1  }
0x8a: {  	s1 =	srdreg.scid  }
0x8b: {  	s0 =	sand.u32 $0x1, s1  }
0x8c: {  	s17 =	sshll.u32 s0, $0xA;
	s2 =	sadd.s32 s3, s2  }
0x8d: {  	s2 =	sadd.s32 s2, s17  }
0x8e: {  	[smem:$0x3FBE] =	sst s2  }
0x8f: {  	_ = 	snop  }
0x90: {  	(tm) =	ssettm $0x1  }
0x91: {  	s18 =	sld [smem:$0x3FFB];
	_ =	sdelay $0x3  }
0x92: {  	_ =	strace s18  }
0x93: {  	s2 =	sld [smem:$0x3FFC];
	_ =	sdelay $0x3  }
0x94: {  	_ =	strace s2  }
0x95: {  	s2 =	sld [smem:$0x3FFD];
	_ =	sdelay $0x3  }
0x96: {  	_ =	strace s2  }
0x97: {  	_ =	strace $0x8FFFFFFF  }
0x98: {  	s19 =	sld [smem:$0x3FDB];
	_ =	sdelay $0x1  }
0x99: {  	s20 =	simm.s32 $_scs_section_size  }
0x9a: {  	s4 =	simm.s32 $_size__tile_overlayer_lowered;
	s5 =	simm.s32 $_tile_overlayer_lowered  }
0x9b: {  	s6 =	simm.s32 $0x1BFF;
	s21 =	sshll.u32 s5, $0x1;
	s3 =	sadd.s32 s20, s19  }
0x9c: {  	s22 =	simm.s32 $0x0;
	s4 =	sshll.u32 s4, $0x1;
	s5 =	sadd.s32 s21, s3  }
0x9d: {  	[timem:s22], [sflag:s6] =	dma.local [hbm:s5], s4  }
0x9e: {  	_ =	swait.ge [sflag:s6], s4  }
0x9f: {  	s4 =	ssub.s32 $0x0, s4;
	[sflag:s6] =	ssyncset.done $0x0  }
0xa0: {  	[sflag:s6] =	ssyncadd.s32 s4;
	_ =	sdelay $0x1  }
0xa1: {  	s23 =	simm.s32 $0x1B8B  }
0xa2: {  	_ =	swait.ge [sflag:s23], $0x1  }
0xa3: {  	[sflag:s23] =	ssyncset.done $0x0  }
0xa4: {  	[sflag:s23] =	ssyncadd.s32 $0xFFFFFFFF  }
0xa5: {  	s4 =	sld [smem:$0x0]  }
0xa6: {  	s5 =	sand.u32 $0xFFFFFFFE, s1  }
0xa7: {  	p0 =	sne.s32 s1, s5  }
0xa8: {  	s5 =	sshll.u32 @p0 s5, $0xE  }
0xa9: {  	s5 =	sadd.s32 @p0 $0x11B8D, s5;
	s6 =	sshll.u32 @p0 s4, $0x11  }
0xaa: {  	s5 =	sor.u32 @p0 s6, s5  }
0xab: {  	[sflag:s5] =	ssyncadd.remote.s32 @p0 $0x1;
	_ =	sdelay $0x1  }
0xac: {  	s5 =	simm.s32 @p0 $0x1B8D  }
0xad: {  	_ =	swait.eq @p0 [sflag:s5], $0x1  }
0xae: {  	[sflag:s5] =	ssyncadd.s32 @p0 $0xFFFFFFFF  }
0xaf: {  	s6 =	sshll.u32 @!p0 s1, $0xE  }
0xb0: {  	s6 =	sor.u32 @!p0 $0x4000, s6;
	s5 =	simm.s32 @!p0 $0x1B8D  }
0xb1: {  	s4 =	sshll.u32 @!p0 s4, $0x11;
	s6 =	sadd.s32 @!p0 $0x11B8D, s6;
	_ =	swait.eq @!p0 [sflag:s5], $0x1  }
0xb2: {  	s4 =	sor.u32 @!p0 s4, s6;
	[sflag:s5] =	ssyncadd.s32 @!p0 $0xFFFFFFFF  }
0xb3: {  	s25 =	simm.s32 $0x1B8E;
	s24 =	sld [smem:$0x3FFE];
	[sflag:s4] =	ssyncadd.remote.s32 @!p0 $0x1  }
0xb4: {  	s26 =	simm.s32 $execute0_lowered;
	[smem:$0x3FD2] =	sst s25  }
0xb5: {  	s5 =	sshll.u32 s26, $0x1;
	_ =	strace $0x8000004F;
	[dreg:$0x1] =	wrdreg $0xFFFFFFFF  }
0xb6: {  	s28 =	simm.s32 $_size_execute0_lowered;
	s3 =	sadd.s32 s3, s5;
	[dreg:$0x0] =	wrdreg $0x0  }
0xb7: {  	s5 =	sshll.u32 s28, $0x1;
	[dreg:$0x2] =	wrdreg s3  }
0xb8: {  	[dreg:$0x3] =	wrdreg s5  }
0xb9: {  	[dreg:$0x4] =	wrdreg $0xC0  }
0xba: {  	_ =	task [dreg:s22], $0x5FFFF  }
0xbb: {  	[dreg:$0x1] =	wrdreg $0xFFFFFFFF  }
0xbc: {  	[dreg:$0x0] =	wrdreg $0x60  }
0xbd: {  	[dreg:$0x2] =	wrdreg s24  }
0xbe: {  	[dreg:$0x3] =	wrdreg $0xF5000  }
0xbf: {  	[dreg:$0x4] =	wrdreg $0x11D000  }
0xc0: {  	[dreg:$0x5] =	wrdreg $0x9  }
0xc1: {  	_ =	task.clear_ibuf [dreg:s22], $0x6FFFF;
	_ =	strace $0x9000004F  }
0xc2: {  	s29 =	simm.s32 $0x9;
	_ =	strace $0x80000051  }
0xc3: {  	_ =	swait.ge [sflag:s29], $0x1  }
0xc4: {  	[sflag:s29] =	ssyncadd.s32 $0xFFFFFFFF  }
0xc5: {  	_ =	strace $0x90000051  }
0xc6: {  	_ =	sfence  }
0xc7: {  	s30 =	sld [smem:$0x0];
	_ =	sdelay $0x2  }
0xc8: {  	s31 =	sshll.u32 s1, $0xD;
	s1 =	sshrl.u32 s1, $0x2  }
0xc9: {  	s4 =	sand.u32 $0x4000, s31;
	s1 =	sadd.s32 s1, s30  }
0xca: {  	s0 =	sor.u32 s4, s0;
	s1 =	sshll.u32 s1, $0x11  }
0xcb: {  	s0 =	sor.u32 s1, s0  }
0xcc: {  	s0 =	sadd.s32 $0x8F2B, s0  }
0xcd: {  	[sflag:s0] =	ssyncadd.remote.s32 $0x1  }
0xce: {  	_ =	sfence.sel $0xFFFF  }
0xcf: {  	[dreg:$0x0] =	wrdreg $0xFFFFFFFF;
	(pc) =	sbr.abs _section_cstart, $3  }
0xd0: {  	[dreg:$0x1] =	wrdreg $0xFFFFFFFF  }
0xd1: {  	_ =	task.clear_ibuf [dreg:s22], $0x2FFFF;
	_ =	strace $0x9FFFFFFF  }
0xd2: {  	(tm) =	ssettm $0x7FFFFFFF  }
0xd3: {  	_ =	shalt  }
tec
execute0_lowered:
.L_overlay_start_1:
0x0: {  	(tag) =	ssettag $0x1  }
0x1: {  	s12 =	stileid.u32;
	s1 =	rddreg [dreg:$0x0]  }
0x2: {  	s0 =	srdreg.scid;
	s2 =	rddreg [dreg:$0x1];
	s16 =	simm.s32 $0x7D  }
0x3: {  	s22 =	simm.s32 $0x180;
	s23 =	simm.s32 $0x6770;
	s24 =	simm.s32 $0x200  }
0x4: {  	s28 =	simm.s32 $0x7710;
	s29 =	simm.s32 $0x300;
	s6 =	smul.u32 $0x2710, s12  }
0x5: {  	s30 =	simm.s32 $0x7EE0;
	s31 =	simm.s32 $0x380;
	s5 =	smul.u32 $0x500, s12  }
0x6: {  	s0 =	sand.u32 $0x1, s0;
	s3 =	sshll.u32 s12, $0x1;
	s9 =	smul.u32 $0xA000, s12  }
0x7: {  	s26 =	sshll.u32 s12, $0x6;
	s4 =	sor.u32 s0, s3;
	s3 =	rddreg [dreg:$0x2]  }
0x8: {  	s8 =	smul.u32 $0x5000, s0;
	s0 =	ssub.s32 $0x2, s0;
	s12 =	sor.u32 $0x1C03, s26  }
0x9: {  	s26 =	simm.s32 $0x280;
	s10 =	smul.u32 $0x500, s4;
	s4 =	simm.s32 $0x0  }
0xa: {  	s7 =	sshrl.u32 s6, $0x3;
	s25 =	sshrl.u32 s0, $0x1;
	s9 =	sshrl.u32 s9, $0x2  }
0xb: {  	s13 =	sadd.s32 s6, s3;
	[smem:$0x7FF] =	sst s4;
	s7 =	sadd.s32 s7, s1  }
0xc: {  	s5 =	sadd.s32 s5, s8;
	s0 =	ssub.s32 s0, s25;
	s13 =	sshrl.u32 s13, $0x3  }
0xd: {  	s25 =	simm.s32 $0x6F40;
	_ =	strace $0x80000050;
	s11 =	sadd.s32 s10, s1  }
0xe: {  	s8 =	sadd.s32 s5, s1;
	s5 =	sadd.s32 s9, s2;
	s6 =	sadd.s32 $0x4DC00, s7  }
0xf: {  	s1 =	sadd.s32 $0xDA00, s1;
	s9 =	smax.u32 s0, $0x1;
	s0 =	simm.s32 $0x1  }
0x10: {  	s7 =	sadd.s32 $0x3A00, s11;
	s8 =	sadd.s32 $0x52C00, s8;
	s11 =	simm.s32 $0x3  }
0x11: {  	v0 =	vimm.f32 $0.0e+00;
	s14 =	sadd.s32 s10, s1;
	s1 =	simm.s32 $0x86B0;
	s10 =	simm.s32 $0x2  }
.LBB2_1:
0x12: {  	s15 =	simm.s32 $0x40;
	s17 =	simm.s32 $0x0  }
.LBB2_2:
0x13: {  	p0 =	sne.s32 s15, $0x9FC0;
	[tilespmem:s17+$0xCD00] =	vst v0;
	s17 =	smov.u32 s15;
	s15 =	sadd.s32 $0x40, s15  }
.Ltmp0:
0x14: {  	(pc) =	sbr.rel @p0 .LBB2_2-.Ltmp0, $2  }
0x15: {  	_ =	sdelay $0x2  }
0x16: {  	s17 =	sshra.s32 s17, $0x2  }
0x17: {  	[tilespmem:s17+$0xCD00] =	vst v0;
	s15 =	simm.s32 $0xCD00  }
0x18: {  	[spmem:s5] =	stream.linear.scatter [tilespmem:s15], [sflag:$0x3], $0x2800, $0x38;
	[tilespmem:$0x14410] =	vst v63  }
0x19: {  	_ =	swait.ge [sflag:s11], $0x2800  }
0x1a: {  	[sflag:s11] =	ssyncset.done $0x0  }
0x1b: {  	[sflag:s11] =	ssyncadd.s32 $0xFFFFD800  }
0x1c: {  	[spmem:s13], [sflag:s12] =	dma.local [hbm:s6], $0x4E2  }
0x1d: {  	_ =	swait.ge [sflag:s11], $0x4E2  }
0x1e: {  	[sflag:s11] =	ssyncset.done $0x0  }
0x1f: {  	[sflag:s11] =	ssyncadd.s32 $0xFFFFFB1E  }
0x20: {  	s15 =	simm.s32 $0x0;
	[bflag:$0x0] =	sbarrier.arrive $0xFFFF  }
0x21: {  	[tilespmem:s15], [sflag:$0x3] =	stream.linear.gather [hbm4b:s7+s15], $0x2800, $0x38;
	[tilespmem:$0x14410] =	vst v63  }
0x22: {  	_ =	swait.ge [sflag:s11], $0x2800  }
0x23: {  	[sflag:s11] =	ssyncset.done $0x0  }
0x24: {  	s21 =	simm.s32 $0x2800;
	[sflag:s11] =	ssyncadd.s32 $0xFFFFD800  }
0x25: {  	[tilespmem:s21], [sflag:$0x3] =	stream.linear.gather [hbm4b:s14+s15], $0x2800, $0x38;
	[tilespmem:$0x14410] =	vst v63  }
0x26: {  	_ =	swait.ge [sflag:s11], $0x2800  }
0x27: {  	[sflag:s11] =	ssyncset.done $0x0  }
0x28: {  	s18 =	simm.s32 $0x5000;
	[sflag:s11] =	ssyncadd.s32 $0xFFFFD800  }
0x29: {  	[tilespmem:s18], [sflag:$0x1] =	stream.indirect.gather [spmem:s3], $0x10, s15, s16, $0xb8;
	[tilespmem:$0x14410] =	vst v63  }
0x2a: {  	s19 =	simm.s32 $0x80;
	s18 =	simm.s32 $0x57D0  }
0x2b: {  	[tilespmem:s18], [sflag:$0x1] =	stream.indirect.gather [spmem:s3], $0x10, s19, s16, $0xb8;
	[tilespmem:$0x14410] =	vst v63  }
0x2c: {  	s20 =	simm.s32 $0x100;
	s21 =	simm.s32 $0x5FA0  }
0x2d: {  	[tilespmem:s21], [sflag:$0x1] =	stream.indirect.gather [spmem:s3], $0x10, s20, s16, $0xb8;
	[tilespmem:$0x14410] =	vst v63  }
0x2e: {  	_ = 	snop  }
0x2f: {  	[tilespmem:s23], [sflag:$0x1] =	stream.indirect.gather [spmem:s3], $0x10, s22, s16, $0xb8;
	[tilespmem:$0x14410] =	vst v63  }
0x30: {  	_ = 	snop  }
0x31: {  	[tilespmem:s25], [sflag:$0x1] =	stream.indirect.gather [spmem:s3], $0x10, s24, s16, $0xb8;
	[tilespmem:$0x14410] =	vst v63  }
0x32: {  	_ = 	snop  }
0x33: {  	[tilespmem:s28], [sflag:$0x1] =	stream.indirect.gather [spmem:s3], $0x10, s26, s16, $0xb8;
	[tilespmem:$0x14410] =	vst v63  }
0x34: {  	_ = 	snop  }
0x35: {  	[tilespmem:s30], [sflag:$0x1] =	stream.indirect.gather [spmem:s3], $0x10, s29, s16, $0xb8;
	[tilespmem:$0x14410] =	vst v63  }
0x36: {  	s17 =	simm.s32 $0x8  }
0x37: {  	[tilespmem:s1], [sflag:$0x1] =	stream.indirect.gather [spmem:s3], $0x10, s31, s16, $0xb8;
	[tilespmem:$0x14410] =	vst v63  }
.LBB2_4:
0x38: {  	_ =	swait.ge [sflag:s0], $0x7D0  }
0x39: {  	[sflag:s0] =	ssyncset.done $0x0  }
0x3a: {  	[sflag:s0] =	ssyncadd.s32 $0xFFFFF830  }
0x3b: {  	_ =	swait.ge [sflag:s0], $0x7D0  }
0x3c: {  	[sflag:s0] =	ssyncset.done $0x0  }
0x3d: {  	[sflag:s0] =	ssyncadd.s32 $0xFFFFF830  }
0x3e: {  	_ =	swait.ge [sflag:s0], $0x7D0  }
0x3f: {  	[sflag:s0] =	ssyncset.done $0x0  }
0x40: {  	[sflag:s0] =	ssyncadd.s32 $0xFFFFF830  }
0x41: {  	_ =	swait.ge [sflag:s0], $0x7D0  }
0x42: {  	[sflag:s0] =	ssyncset.done $0x0  }
0x43: {  	[sflag:s0] =	ssyncadd.s32 $0xFFFFF830  }
0x44: {  	_ =	swait.ge [sflag:s0], $0x7D0  }
0x45: {  	[sflag:s0] =	ssyncset.done $0x0  }
0x46: {  	[sflag:s0] =	ssyncadd.s32 $0xFFFFF830  }
0x47: {  	_ =	swait.ge [sflag:s0], $0x7D0  }
0x48: {  	[sflag:s0] =	ssyncset.done $0x0  }
0x49: {  	[sflag:s0] =	ssyncadd.s32 $0xFFFFF830  }
0x4a: {  	_ =	swait.ge [sflag:s0], $0x7D0  }
0x4b: {  	[sflag:s0] =	ssyncset.done $0x0  }
0x4c: {  	[sflag:s0] =	ssyncadd.s32 $0xFFFFF830  }
0x4d: {  	_ =	swait.ge [sflag:s0], $0x7D0  }
0x4e: {  	p0 =	seq.s32 s15, $0x0;
	[sflag:s0] =	ssyncset.done $0x0  }
0x4f: {  	s18 =	simm.s32 @!p0 $0x2;
	[sflag:s0] =	ssyncadd.s32 $0xFFFFF830  }
0x50: {  	_ =	swait.ge @!p0 [sflag:s18], $0x7D0  }
0x51: {  	[sflag:s18] =	ssyncset.done @!p0 $0x0  }
0x52: {  	[sflag:s18] =	ssyncadd.s32 @!p0 $0xFFFFF830  }
0x53: {  	_ =	swait.ge @!p0 [sflag:s18], $0x7D0  }
0x54: {  	[sflag:s18] =	ssyncset.done @!p0 $0x0  }
0x55: {  	[sflag:s18] =	ssyncadd.s32 @!p0 $0xFFFFF830  }
0x56: {  	_ =	swait.ge @!p0 [sflag:s18], $0x7D0  }
0x57: {  	[sflag:s18] =	ssyncset.done @!p0 $0x0  }
0x58: {  	[sflag:s18] =	ssyncadd.s32 @!p0 $0xFFFFF830  }
0x59: {  	_ =	swait.ge @!p0 [sflag:s18], $0x7D0  }
0x5a: {  	[sflag:s18] =	ssyncset.done @!p0 $0x0  }
0x5b: {  	[sflag:s18] =	ssyncadd.s32 @!p0 $0xFFFFF830  }
0x5c: {  	_ =	swait.ge @!p0 [sflag:s18], $0x7D0  }
0x5d: {  	[sflag:s18] =	ssyncset.done @!p0 $0x0  }
0x5e: {  	[sflag:s18] =	ssyncadd.s32 @!p0 $0xFFFFF830  }
0x5f: {  	_ =	swait.ge @!p0 [sflag:s18], $0x7D0  }
0x60: {  	[sflag:s18] =	ssyncset.done @!p0 $0x0  }
0x61: {  	[sflag:s18] =	ssyncadd.s32 @!p0 $0xFFFFF830  }
0x62: {  	_ =	swait.ge @!p0 [sflag:s18], $0x7D0  }
0x63: {  	[sflag:s18] =	ssyncset.done @!p0 $0x0  }
0x64: {  	[sflag:s18] =	ssyncadd.s32 @!p0 $0xFFFFF830  }
0x65: {  	p1 =	seq.s32 @!p0 s15, $0x9000;
	_ =	swait.ge @!p0 [sflag:s18], $0x7D0  }
0x66: {  	p1 =	por p0, !p1;
	[sflag:s18] =	ssyncset.done @!p0 $0x0  }
0x67: {  	[sflag:s18] =	ssyncadd.s32 @!p0 $0xFFFFF830;
	s18 =	sand.u32 @p1 $0x8, s17  }
0x68: {  	s18 =	smul.u32 @p1 $0x1F40, s18;
	_ =	sdelay $0x1  }
0x69: {  	s19 =	sshra.s32 @p1 s15, $0x2;
	s18 =	sshrl.u32 @p1 s18, $0x2  }
0x6a: {  	s21 =	sadd.s32 @p1 $0x400, s19;
	s20 =	sadd.s32 @p1 $0x5000, s18  }
0x6b: {  	[tilespmem:s20], [sflag:$0x1] =	stream.indirect.gather @p1 [spmem:s3], $0x10, s21, s16, $0xb8;
	[tilespmem:$0x14410] =	vst v63  }
0x6c: {  	s20 =	sadd.s32 @p1 $0x57D0, s18;
	s21 =	sadd.s32 @p1 $0x480, s19  }
0x6d: {  	[tilespmem:s20], [sflag:$0x1] =	stream.indirect.gather @p1 [spmem:s3], $0x10, s21, s16, $0xb8;
	[tilespmem:$0x14410] =	vst v63  }
0x6e: {  	s20 =	sadd.s32 @p1 $0x5FA0, s18;
	s21 =	sadd.s32 @p1 $0x500, s19  }
0x6f: {  	[tilespmem:s20], [sflag:$0x1] =	stream.indirect.gather @p1 [spmem:s3], $0x10, s21, s16, $0xb8;
	[tilespmem:$0x14410] =	vst v63  }
0x70: {  	s20 =	sadd.s32 @p1 $0x6770, s18;
	s21 =	sadd.s32 @p1 $0x580, s19  }
0x71: {  	[tilespmem:s20], [sflag:$0x1] =	stream.indirect.gather @p1 [spmem:s3], $0x10, s21, s16, $0xb8;
	[tilespmem:$0x14410] =	vst v63  }
0x72: {  	s20 =	sadd.s32 @p1 $0x6F40, s18;
	s21 =	sadd.s32 @p1 $0x600, s19  }
0x73: {  	[tilespmem:s20], [sflag:$0x1] =	stream.indirect.gather @p1 [spmem:s3], $0x10, s21, s16, $0xb8;
	[tilespmem:$0x14410] =	vst v63  }
0x74: {  	s20 =	sadd.s32 @p1 $0x7710, s18;
	s21 =	sadd.s32 @p1 $0x680, s19  }
0x75: {  	[tilespmem:s20], [sflag:$0x1] =	stream.indirect.gather @p1 [spmem:s3], $0x10, s21, s16, $0xb8;
	[tilespmem:$0x14410] =	vst v63  }
0x76: {  	s20 =	sadd.s32 @p1 $0x7EE0, s18;
	s21 =	sadd.s32 @p1 $0x700, s19  }
0x77: {  	[tilespmem:s20], [sflag:$0x1] =	stream.indirect.gather @p1 [spmem:s3], $0x10, s21, s16, $0xb8;
	[tilespmem:$0x14410] =	vst v63  }
0x78: {  	s18 =	sadd.s32 @p1 $0x86B0, s18;
	s19 =	sadd.s32 @p1 $0x780, s19;
	s21 =	sadd.s32 $0xFFFFFFF8, s17  }
0x79: {  	[tilespmem:s18], [sflag:$0x1] =	stream.indirect.gather @p1 [spmem:s3], $0x10, s19, s16, $0xb8;
	[tilespmem:$0x14410] =	vst v63  }
0x7a: {  	s18 =	sand.u32 $0x8, s21  }
0x7b: {  	s18 =	smul.u32 $0x1F40, s18;
	_ =	sdelay $0x1  }
0x7c: {  	s19 =	sshra.s32 s15, $0x2;
	s18 =	sshrl.u32 s18, $0x2  }
0x7d: {  	s21 =	sadd.s32 $0x2800, s19;
	s20 =	sadd.s32 $0x5000, s18  }
0x7e: {  	[spmem:s2] =	stream.indirect.scatter.add.f32 [tilespmem:s20], [sflag:$0x2], $0x10, s21, s16, $0xb8;
	[tilespmem:$0x14410] =	vst v63  }
0x7f: {  	s20 =	sadd.s32 $0x57D0, s18;
	s21 =	sadd.s32 $0x2880, s19  }
0x80: {  	[spmem:s2] =	stream.indirect.scatter.add.f32 [tilespmem:s20], [sflag:$0x2], $0x10, s21, s16, $0xb8;
	[tilespmem:$0x14410] =	vst v63  }
0x81: {  	s20 =	sadd.s32 $0x5FA0, s18;
	s21 =	sadd.s32 $0x2900, s19  }
0x82: {  	[spmem:s2] =	stream.indirect.scatter.add.f32 [tilespmem:s20], [sflag:$0x2], $0x10, s21, s16, $0xb8;
	[tilespmem:$0x14410] =	vst v63  }
0x83: {  	s20 =	sadd.s32 $0x6770, s18;
	s21 =	sadd.s32 $0x2980, s19  }
0x84: {  	[spmem:s2] =	stream.indirect.scatter.add.f32 [tilespmem:s20], [sflag:$0x2], $0x10, s21, s16, $0xb8;
	[tilespmem:$0x14410] =	vst v63  }
0x85: {  	s15 =	sadd.s32 $0x1000, s15;
	s20 =	sadd.s32 $0x6F40, s18;
	s21 =	sadd.s32 $0x2A00, s19  }
0x86: {  	[spmem:s2] =	stream.indirect.scatter.add.f32 [tilespmem:s20], [sflag:$0x2], $0x10, s21, s16, $0xb8;
	[tilespmem:$0x14410] =	vst v63  }
0x87: {  	p0 =	sne.s32 s15, $0xA000;
	s20 =	sadd.s32 $0x7710, s18;
	s21 =	sadd.s32 $0x2A80, s19  }
0x88: {  	[spmem:s2] =	stream.indirect.scatter.add.f32 [tilespmem:s20], [sflag:$0x2], $0x10, s21, s16, $0xb8;
	[tilespmem:$0x14410] =	vst v63  }
.Ltmp1:
0x89: {  	_ = 	snop;
	(pc) =	sbr.rel @p0 .LBB2_4-.Ltmp1, $4  }
0x8a: {  	s20 =	sadd.s32 $0x7EE0, s18;
	s21 =	sadd.s32 $0x2B00, s19  }
0x8b: {  	[spmem:s2] =	stream.indirect.scatter.add.f32 [tilespmem:s20], [sflag:$0x2], $0x10, s21, s16, $0xb8;
	[tilespmem:$0x14410] =	vst v63  }
0x8c: {  	s17 =	sadd.s32 $0x8, s17;
	s18 =	sadd.s32 $0x86B0, s18;
	s19 =	sadd.s32 $0x2B80, s19  }
0x8d: {  	[spmem:s2] =	stream.indirect.scatter.add.f32 [tilespmem:s18], [sflag:$0x2], $0x10, s19, s16, $0xb8;
	[tilespmem:$0x14410] =	vst v63  }
0x8e: {  	_ =	swait.ge [sflag:s10], $0x7D0  }
0x8f: {  	[sflag:s10] =	ssyncset.done $0x0  }
0x90: {  	[sflag:s10] =	ssyncadd.s32 $0xFFFFF830  }
0x91: {  	_ =	swait.ge [sflag:s10], $0x7D0  }
0x92: {  	[sflag:s10] =	ssyncset.done $0x0  }
0x93: {  	[sflag:s10] =	ssyncadd.s32 $0xFFFFF830  }
0x94: {  	_ =	swait.ge [sflag:s10], $0x7D0  }
0x95: {  	[sflag:s10] =	ssyncset.done $0x0  }
0x96: {  	[sflag:s10] =	ssyncadd.s32 $0xFFFFF830  }
0x97: {  	_ =	swait.ge [sflag:s10], $0x7D0  }
0x98: {  	[sflag:s10] =	ssyncset.done $0x0  }
0x99: {  	[sflag:s10] =	ssyncadd.s32 $0xFFFFF830  }
0x9a: {  	_ =	swait.ge [sflag:s10], $0x7D0  }
0x9b: {  	[sflag:s10] =	ssyncset.done $0x0  }
0x9c: {  	[sflag:s10] =	ssyncadd.s32 $0xFFFFF830  }
0x9d: {  	_ =	swait.ge [sflag:s10], $0x7D0  }
0x9e: {  	[sflag:s10] =	ssyncset.done $0x0  }
0x9f: {  	[sflag:s10] =	ssyncadd.s32 $0xFFFFF830  }
0xa0: {  	_ =	swait.ge [sflag:s10], $0x7D0  }
0xa1: {  	[sflag:s10] =	ssyncset.done $0x0  }
0xa2: {  	[sflag:s10] =	ssyncadd.s32 $0xFFFFF830  }
0xa3: {  	_ =	swait.ge [sflag:s10], $0x7D0  }
0xa4: {  	s4 =	sadd.s32 $0x1, s4;
	[sflag:s10] =	ssyncset.done $0x0  }
0xa5: {  	p0 =	sne.s32 s4, s9;
	[sflag:s10] =	ssyncadd.s32 $0xFFFFF830  }
.Ltmp2:
0xa6: {  	s15 =	sshrl.u32 s5, $0x3;
	[bflag:$0x0] =	sbarrier.arrive $0xFFFF;
	(pc) =	sbr.rel @p0 .LBB2_1-.Ltmp2, $4  }
0xa7: {  	[hbm:s8], [sflag:s12] =	dma.local [spmem:s15], $0x500  }
0xa8: {  	_ =	swait.ge [sflag:s11], $0x500  }
0xa9: {  	[sflag:s11] =	ssyncset.done $0x0  }
0xaa: {  	[sflag:s11] =	ssyncadd.s32 $0xFFFFFB00  }
0xab: {  	_ =	sfence.sel $0x180000  }
0xac: {  	[bflag:$0x0] =	sbarrier.arrive $0xFFFF  }
0xad: {  	_ =	strace $0x90000050  }
0xae: {  	s0 =	stileid.u32;
	[bflag:$0x2] =	sbarrier.arrive $0xFFFF  }
0xaf: {  	p0 =	sne.s32 s0, $0x0;
	s0 =	rddreg [dreg:$0x3]  }
0xb0: {  	s0 =	sadd.s32 @!p0 $0x100000, s0  }
0xb1: {  	[sflag:s0] =	ssyncadd.tile.s32 @!p0 $0x1;
	_ =	shalt  }
.Lfunc_end2:
_tile_overlayer_lowered:
.L_overlay_start_2:
0xb2: {  	(tag) =	ssettag $0x2  }
0xb3: {  	s0 =	rddreg [dreg:$0x0];
	s2 =	stileid.u32  }
0xb4: {  	s1 =	rddreg [dreg:$0x1];
	p0 =	sne.s32 s2, $0x0  }
0xb5: {  	s3 =	rddreg [dreg:$0x2];
	[bflag:$0x3] =	sbarrier.arrive $0xFFFF;
	s2 =	simm.s32 @!p0 $0x1C03  }
0xb6: {  	[timem:s3], [sflag:s2] =	dma.local @!p0 [hbm:s0], s1  }
0xb7: {  	s0 =	simm.s32 @!p0 $0x3  }
0xb8: {  	_ =	swait.ge @!p0 [sflag:s0], s1  }
0xb9: {  	s1 =	ssub.s32 @!p0 $0x0, s1;
	[sflag:s0] =	ssyncset.done @!p0 $0x0  }
0xba: {  	[sflag:s0] =	ssyncadd.s32 @!p0 s1  }
0xbb: {  	[bflag:$0x3] =	sbarrier.arrive $0xFFFF  }
0xbc: {  	_ =	shalt  }

// kernel: kernel.19.cloned.1.call-start
scs
__scs_entry_jumppad:
0x0: {  	(pc) =	sbr.rel $0x88, $3  }
0x1: {  	(tag) =	ssettag $0x0;
	lr =	simm.s32 $0x1  }
0x2: {  	[smem:$0x3F97] =	sst lr;
	_ =	strace $0xD0000000  }
0x3: {  	_ = 	snop  }
0x4: {  	_ = 	snop  }
0x5: {  	_ = 	snop  }
0x6: {  	_ = 	snop  }
0x7: {  	_ = 	snop  }
__scs_overlays_trampoline_lowered:
0x8: {  	[smem:$0x3FA6] =	sst s0  }
0x9: {  	[smem:$0x3FA7] =	sst s1  }
0xa: {  	[smem:$0x3FA8] =	sst s2  }
0xb: {  	[smem:$0x3FA9] =	sst s3  }
0xc: {  	[smem:$0x3FAA] =	sst s4  }
0xd: {  	[smem:$0x3FAB] =	sst s5  }
0xe: {  	[smem:$0x3FAC] =	sst s6  }
0xf: {  	[smem:$0x3FAD] =	sst s7  }
0x10: {  	[smem:$0x3FAE] =	sst s8  }
0x11: {  	[smem:$0x3FAF] =	sst s9;
	s0 =	simm.s32 @!p0 $0x0  }
0x12: {  	s1 =	sld [smem:$0x3F95];
	s0 =	simm.s32 @p0 $0x1  }
0x13: {  	[smem:$0x3FB0] =	sst s0;
	s0 =	simm.s32 @!p1 $0x0  }
0x14: {  	s2 =	sld [smem:$0x3F94];
	s0 =	simm.s32 @p1 $0x1  }
0x15: {  	[smem:$0x3FB1] =	sst s0;
	s0 =	simm.s32 @!p2 $0x0  }
0x16: {  	s3 =	sld [smem:$0x3FDB];
	s0 =	simm.s32 @p2 $0x1  }
0x17: {  	s4 =	simm.s32 $0x1BF5;
	[smem:$0x3FB3] =	sst s0  }
0x18: {  	s0 =	sld [smem:$0x3F96];
	_ =	swait.ge [sflag:s4], $0x0  }
0x19: {  	s7 =	sld [smem:$0x3F97]  }
0x1a: {  	s8 =	sadd.s32 $0xFFFFE003, lr  }
0x1b: {  	s9 =	sadd.s32 $0xFFFFFEF7, lr;
	s5 =	simm.s32 $0xFFFFFFFF;
	p2 =	slt.u32 s8, $0xFFFFF086  }
0x1c: {  	p1 =	slt.u32 s9, $0xF7A;
	s5 =	simm.s32 @!p2 $0x0  }
0x1d: {  	s5 =	simm.s32 @p1 $0x1;
	p0 =	seq.s32 s7, s2  }
0x1e: {  	s7 =	smul.u32 @!p0 $0xF7A, s2;
	p2 =	seq.s32 @!p0 s5, $0x0  }
0x1f: {  	s9 =	smul.u32 $0xF7A, s1;
	s8 =	simm.s32 @!p0 $0x1BF5;
	p2 =	por !p2, p0  }
0x20: {  	[sflag:s8] =	ssyncset.s32 @!p0 $0xFFFFF086;
	s6 =	sadd.s32 @!p0 s3, s7;
	s7 =	simm.s32 @!p0 $0x108  }
0x21: {  	s3 =	sadd.s32 s3, s9;
	s6 =	sadd.s32 @!p0 $0x88, s6;
	s7 =	simm.s32 @p2 $0x1082  }
0x22: {  	[simem:s7], [sflag:s8] =	dma.local @!p0 [hbm:s6], $0xF7A  }
0x23: {  	s9 =	sor.u32 $0xD0000000, s2;
	s6 =	simm.s32 $0x108;
	_ =	swait.ge @!p0 [sflag:s8], $0x0  }
0x24: {  	s3 =	sadd.s32 $0x88, s3;
	s6 =	simm.s32 @!p1 $0x1082;
	[sflag:s4] =	ssyncset.s32 $0xFFFFF086  }
0x25: {  	[simem:s6], [sflag:s4] =	dma.local [hbm:s3], $0xF7A  }
0x26: {  	[smem:$0x3F97] =	sst s1;
	(tag) =	ssettag s2;
	_ =	strace s9  }
0x27: {  	s1 =	sld [smem:$0x3FA7]  }
0x28: {  	s2 =	sld [smem:$0x3FA8]  }
0x29: {  	s4 =	sld [smem:$0x3FAA]  }
0x2a: {  	p0 =	seq.s32 s5, $0x0;
	s5 =	sld [smem:$0x3FAB]  }
0x2b: {  	s6 =	sld [smem:$0x3FAC]  }
0x2c: {  	s7 =	sld [smem:$0x3FAD]  }
0x2d: {  	s3 =	simm.s32 $0x108;
	s8 =	sld [smem:$0x3FAE]  }
0x2e: {  	s3 =	simm.s32 @!p0 $0x1082;
	s9 =	sld [smem:$0x3FAF]  }
0x2f: {  	lr =	sadd.s32 s0, s3;
	s0 =	sld [smem:$0x3FA6]  }
0x30: {  	s3 =	sld [smem:$0x3FA9]  }
0x31: {  	[smem:$0x3FB2] =	sst s10  }
0x32: {  	s10 =	sld [smem:$0x3FB0];
	_ =	sdelay $0x3  }
0x33: {  	p0 =	seq.s32 s10, $0x1;
	s10 =	sld [smem:$0x3FB2];
	_ =	sdelay $0x3  }
0x34: {  	[smem:$0x3FB2] =	sst s10  }
0x35: {  	s10 =	sld [smem:$0x3FB1];
	_ =	sdelay $0x3  }
0x36: {  	p1 =	seq.s32 s10, $0x1;
	s10 =	sld [smem:$0x3FB2];
	_ =	sdelay $0x3  }
0x37: {  	[smem:$0x3FB2] =	sst s10  }
0x38: {  	s10 =	sld [smem:$0x3FB3]  }
0x39: {  	_ = 	snop;
	(pc) =	sbr.ind lr, $3  }
0x3a: {  	_ = 	snop  }
0x3b: {  	_ = 	snop  }
0x3c: {  	p2 =	seq.s32 s10, $0x1;
	s10 =	sld [smem:$0x3FB2]  }
0x3d: {  	_ =	shalt  }
0x3e: {  	_ =	shalt  }
0x3f: {  	_ =	shalt  }
0x40: {  	_ =	shalt  }
0x41: {  	_ =	shalt  }
0x42: {  	_ =	shalt  }
0x43: {  	_ =	shalt  }
0x44: {  	_ =	shalt  }
0x45: {  	_ =	shalt  }
0x46: {  	_ =	shalt  }
0x47: {  	_ =	shalt  }
0x48: {  	_ =	shalt  }
0x49: {  	_ =	shalt  }
0x4a: {  	_ =	shalt  }
0x4b: {  	_ =	shalt  }
0x4c: {  	_ =	shalt  }
0x4d: {  	_ =	shalt  }
0x4e: {  	_ =	shalt  }
0x4f: {  	_ =	shalt  }
0x50: {  	_ =	shalt  }
0x51: {  	_ =	shalt  }
0x52: {  	_ =	shalt  }
0x53: {  	_ =	shalt  }
0x54: {  	_ =	shalt  }
0x55: {  	_ =	shalt  }
0x56: {  	_ =	shalt  }
0x57: {  	_ =	shalt  }
0x58: {  	_ =	shalt  }
0x59: {  	_ =	shalt  }
0x5a: {  	_ =	shalt  }
0x5b: {  	_ =	shalt  }
0x5c: {  	_ =	shalt  }
0x5d: {  	_ =	shalt  }
0x5e: {  	_ =	shalt  }
0x5f: {  	_ =	shalt  }
0x60: {  	_ =	shalt  }
0x61: {  	_ =	shalt  }
0x62: {  	_ =	shalt  }
0x63: {  	_ =	shalt  }
0x64: {  	_ =	shalt  }
0x65: {  	_ =	shalt  }
0x66: {  	_ =	shalt  }
0x67: {  	_ =	shalt  }
0x68: {  	_ =	shalt  }
0x69: {  	_ =	shalt  }
0x6a: {  	_ =	shalt  }
0x6b: {  	_ =	shalt  }
0x6c: {  	_ =	shalt  }
0x6d: {  	_ =	shalt  }
0x6e: {  	_ =	shalt  }
0x6f: {  	_ =	shalt  }
0x70: {  	_ =	shalt  }
0x71: {  	_ =	shalt  }
0x72: {  	_ =	shalt  }
0x73: {  	_ =	shalt  }
0x74: {  	_ =	shalt  }
0x75: {  	_ =	shalt  }
0x76: {  	_ =	shalt  }
0x77: {  	_ =	shalt  }
0x78: {  	_ =	shalt  }
0x79: {  	_ =	shalt  }
0x7a: {  	_ =	shalt  }
0x7b: {  	_ =	shalt  }
0x7c: {  	_ =	shalt  }
0x7d: {  	_ =	shalt  }
0x7e: {  	_ =	shalt  }
0x7f: {  	_ =	shalt  }
0x80: {  	_ =	shalt  }
0x81: {  	_ =	shalt  }
0x82: {  	_ =	shalt  }
0x83: {  	_ =	shalt  }
0x84: {  	_ =	shalt  }
0x85: {  	_ =	shalt  }
0x86: {  	_ =	shalt  }
0x87: {  	_ =	shalt  }
.Lfunc_end0:
.L_simem_size_0:
called_computation.3_lowered:
.L_overlay_start_0:
0x88: {  	s2 =	sld [smem:$0x3FD9]  }
0x89: {  	s3 =	sld [smem:$0x3FFE];
	_ =	sdelay $0x1  }
0x8a: {  	s1 =	srdreg.scid  }
0x8b: {  	s0 =	sand.u32 $0x1, s1  }
0x8c: {  	s16 =	sshll.u32 s0, $0xA;
	s2 =	sadd.s32 s3, s2  }
0x8d: {  	s2 =	sadd.s32 s2, s16  }
0x8e: {  	[smem:$0x3FBE] =	sst s2  }
0x8f: {  	_ = 	snop  }
0x90: {  	(tm) =	ssettm $0x1  }
0x91: {  	s17 =	sld [smem:$0x3FFB];
	_ =	sdelay $0x3  }
0x92: {  	_ =	strace s17  }
0x93: {  	s2 =	sld [smem:$0x3FFC];
	_ =	sdelay $0x3  }
0x94: {  	_ =	strace s2  }
0x95: {  	s2 =	sld [smem:$0x3FFD];
	_ =	sdelay $0x3  }
0x96: {  	_ =	strace s2  }
0x97: {  	_ =	strace $0x8FFFFFFF  }
0x98: {  	s18 =	sld [smem:$0x3FDB];
	_ =	sdelay $0x1  }
0x99: {  	s19 =	simm.s32 $_scs_section_size  }
0x9a: {  	s4 =	simm.s32 $_size__tile_overlayer_lowered;
	s5 =	simm.s32 $_tile_overlayer_lowered  }
0x9b: {  	s22 =	simm.s32 $0x1BFF;
	s21 =	sshll.u32 s5, $0x1;
	s2 =	sadd.s32 s19, s18  }
0x9c: {  	s6 =	simm.s32 $0x0;
	s20 =	sshll.u32 s4, $0x1;
	s4 =	sadd.s32 s21, s2  }
0x9d: {  	[timem:s6], [sflag:s22] =	dma.local [hbm:s4], s20  }
0x9e: {  	_ =	swait.ge [sflag:s22], s20  }
0x9f: {  	s3 =	ssub.s32 $0x0, s20;
	[sflag:s22] =	ssyncset.done $0x0  }
0xa0: {  	[sflag:s22] =	ssyncadd.s32 s3;
	_ =	sdelay $0x1  }
0xa1: {  	s23 =	simm.s32 $0x1B8B  }
0xa2: {  	_ =	swait.ge [sflag:s23], $0x1  }
0xa3: {  	[sflag:s23] =	ssyncset.done $0x0  }
0xa4: {  	s25 =	simm.s32 $0x1B8E;
	s24 =	sld [smem:$0x3FFE];
	[sflag:s23] =	ssyncadd.s32 $0xFFFFFFFF  }
0xa5: {  	s26 =	simm.s32 $execute0_lowered;
	[smem:$0x3FD2] =	sst s25  }
0xa6: {  	s4 =	sshll.u32 s26, $0x1;
	_ =	strace $0x8000004C;
	[dreg:$0x1] =	wrdreg $0xFFFFFFFF  }
0xa7: {  	s28 =	simm.s32 $_size_execute0_lowered;
	s2 =	sadd.s32 s2, s4;
	[dreg:$0x0] =	wrdreg $0x0  }
0xa8: {  	s4 =	sshll.u32 s28, $0x1;
	[dreg:$0x2] =	wrdreg s2  }
0xa9: {  	[dreg:$0x3] =	wrdreg s4  }
0xaa: {  	[dreg:$0x4] =	wrdreg $0xC0  }
0xab: {  	_ =	task [dreg:s6], $0x5FFFF  }
0xac: {  	[dreg:$0x1] =	wrdreg $0xFFFFFFFF  }
0xad: {  	[dreg:$0x0] =	wrdreg $0x60  }
0xae: {  	[dreg:$0x2] =	wrdreg s24  }
0xaf: {  	[dreg:$0x3] =	wrdreg $0xF5000  }
0xb0: {  	[dreg:$0x4] =	wrdreg $0x11D000  }
0xb1: {  	[dreg:$0x5] =	wrdreg $0xA  }
0xb2: {  	_ =	task.clear_ibuf [dreg:s6], $0x6FFFF;
	_ =	strace $0x9000004C  }
0xb3: {  	s29 =	simm.s32 $0xA;
	_ =	strace $0x8000004E  }
0xb4: {  	_ =	swait.ge [sflag:s29], $0x1  }
0xb5: {  	[sflag:s29] =	ssyncadd.s32 $0xFFFFFFFF  }
0xb6: {  	_ =	strace $0x9000004E  }
0xb7: {  	_ =	sfence  }
0xb8: {  	s30 =	sld [smem:$0x0];
	_ =	sdelay $0x2  }
0xb9: {  	s31 =	sshll.u32 s1, $0xD;
	s1 =	sshrl.u32 s1, $0x2  }
0xba: {  	s3 =	sand.u32 $0x4000, s31;
	s1 =	sadd.s32 s1, s30  }
0xbb: {  	s0 =	sor.u32 s3, s0;
	s1 =	sshll.u32 s1, $0x11  }
0xbc: {  	s0 =	sor.u32 s1, s0  }
0xbd: {  	s0 =	sadd.s32 $0x8F2B, s0  }
0xbe: {  	[sflag:s0] =	ssyncadd.remote.s32 $0x1  }
0xbf: {  	_ =	sfence.sel $0xFFFF  }
0xc0: {  	[dreg:$0x0] =	wrdreg $0xFFFFFFFF;
	(pc) =	sbr.abs _section_cstart, $3  }
0xc1: {  	[dreg:$0x1] =	wrdreg $0xFFFFFFFF  }
0xc2: {  	_ =	task.clear_ibuf [dreg:s6], $0x2FFFF;
	_ =	strace $0x9FFFFFFF  }
0xc3: {  	(tm) =	ssettm $0x7FFFFFFF  }
tec
execute0_lowered:
.L_overlay_start_1:
0x0: {  	(tag) =	ssettag $0x1  }
0x1: {  	s12 =	stileid.u32;
	s1 =	rddreg [dreg:$0x0]  }
0x2: {  	s0 =	srdreg.scid;
	s2 =	rddreg [dreg:$0x1];
	s16 =	simm.s32 $0x7D  }
0x3: {  	s22 =	simm.s32 $0x180;
	s23 =	simm.s32 $0x6770;
	s24 =	simm.s32 $0x200  }
0x4: {  	s28 =	simm.s32 $0x7710;
	s29 =	simm.s32 $0x300;
	s6 =	smul.u32 $0x2710, s12  }
0x5: {  	s30 =	simm.s32 $0x7EE0;
	s31 =	simm.s32 $0x380;
	s5 =	smul.u32 $0x500, s12  }
0x6: {  	s0 =	sand.u32 $0x1, s0;
	s3 =	sshll.u32 s12, $0x1;
	s9 =	smul.u32 $0xA000, s12  }
0x7: {  	s26 =	sshll.u32 s12, $0x6;
	s4 =	sor.u32 s0, s3;
	s3 =	rddreg [dreg:$0x2]  }
0x8: {  	s8 =	smul.u32 $0x5000, s0;
	s0 =	ssub.s32 $0x2, s0;
	s12 =	sor.u32 $0x1C03, s26  }
0x9: {  	s26 =	simm.s32 $0x280;
	s10 =	smul.u32 $0x500, s4;
	s4 =	simm.s32 $0x0  }
0xa: {  	s7 =	sshrl.u32 s6, $0x3;
	s25 =	sshrl.u32 s0, $0x1;
	s9 =	sshrl.u32 s9, $0x2  }
0xb: {  	s13 =	sadd.s32 s6, s3;
	[smem:$0x7FF] =	sst s4;
	s7 =	sadd.s32 s7, s1  }
0xc: {  	s5 =	sadd.s32 s5, s8;
	s0 =	ssub.s32 s0, s25;
	s13 =	sshrl.u32 s13, $0x3  }
0xd: {  	s25 =	simm.s32 $0x6F40;
	_ =	strace $0x8000004D;
	s11 =	sadd.s32 s10, s1  }
0xe: {  	s8 =	sadd.s32 s5, s1;
	s5 =	sadd.s32 s9, s2;
	s6 =	sadd.s32 $0x3EC00, s7  }
0xf: {  	s1 =	sadd.s32 $0xDA00, s1;
	s9 =	smax.u32 s0, $0x1;
	s0 =	simm.s32 $0x1  }
0x10: {  	s7 =	sadd.s32 $0x3A00, s11;
	s8 =	sadd.s32 $0x43C00, s8;
	s11 =	simm.s32 $0x3  }
0x11: {  	v0 =	vimm.f32 $0.0e+00;
	s14 =	sadd.s32 s10, s1;
	s1 =	simm.s32 $0x86B0;
	s10 =	simm.s32 $0x2  }
.LBB2_1:
0x12: {  	s15 =	simm.s32 $0x40;
	s17 =	simm.s32 $0x0  }
.LBB2_2:
0x13: {  	p0 =	sne.s32 s15, $0x9FC0;
	[tilespmem:s17+$0xCD00] =	vst v0;
	s17 =	smov.u32 s15;
	s15 =	sadd.s32 $0x40, s15  }
.Ltmp0:
0x14: {  	(pc) =	sbr.rel @p0 .LBB2_2-.Ltmp0, $2  }
0x15: {  	_ =	sdelay $0x2  }
0x16: {  	s17 =	sshra.s32 s17, $0x2  }
0x17: {  	[tilespmem:s17+$0xCD00] =	vst v0;
	s15 =	simm.s32 $0xCD00  }
0x18: {  	[spmem:s5] =	stream.linear.scatter [tilespmem:s15], [sflag:$0x3], $0x2800, $0x38;
	[tilespmem:$0x14410] =	vst v63  }
0x19: {  	_ =	swait.ge [sflag:s11], $0x2800  }
0x1a: {  	[sflag:s11] =	ssyncset.done $0x0  }
0x1b: {  	[sflag:s11] =	ssyncadd.s32 $0xFFFFD800  }
0x1c: {  	[spmem:s13], [sflag:s12] =	dma.local [hbm:s6], $0x4E2  }
0x1d: {  	_ =	swait.ge [sflag:s11], $0x4E2  }
0x1e: {  	[sflag:s11] =	ssyncset.done $0x0  }
0x1f: {  	[sflag:s11] =	ssyncadd.s32 $0xFFFFFB1E  }
0x20: {  	s15 =	simm.s32 $0x0;
	[bflag:$0x0] =	sbarrier.arrive $0xFFFF  }
0x21: {  	[tilespmem:s15], [sflag:$0x3] =	stream.linear.gather [hbm4b:s7+s15], $0x2800, $0x38;
	[tilespmem:$0x14410] =	vst v63  }
0x22: {  	_ =	swait.ge [sflag:s11], $0x2800  }
0x23: {  	[sflag:s11] =	ssyncset.done $0x0  }
0x24: {  	s21 =	simm.s32 $0x2800;
	[sflag:s11] =	ssyncadd.s32 $0xFFFFD800  }
0x25: {  	[tilespmem:s21], [sflag:$0x3] =	stream.linear.gather [hbm4b:s14+s15], $0x2800, $0x38;
	[tilespmem:$0x14410] =	vst v63  }
0x26: {  	_ =	swait.ge [sflag:s11], $0x2800  }
0x27: {  	[sflag:s11] =	ssyncset.done $0x0  }
0x28: {  	s18 =	simm.s32 $0x5000;
	[sflag:s11] =	ssyncadd.s32 $0xFFFFD800  }
0x29: {  	[tilespmem:s18], [sflag:$0x1] =	stream.indirect.gather [spmem:s3], $0x10, s15, s16, $0xb8;
	[tilespmem:$0x14410] =	vst v63  }
0x2a: {  	s19 =	simm.s32 $0x80;
	s18 =	simm.s32 $0x57D0  }
0x2b: {  	[tilespmem:s18], [sflag:$0x1] =	stream.indirect.gather [spmem:s3], $0x10, s19, s16, $0xb8;
	[tilespmem:$0x14410] =	vst v63  }
0x2c: {  	s20 =	simm.s32 $0x100;
	s21 =	simm.s32 $0x5FA0  }
0x2d: {  	[tilespmem:s21], [sflag:$0x1] =	stream.indirect.gather [spmem:s3], $0x10, s20, s16, $0xb8;
	[tilespmem:$0x14410] =	vst v63  }
0x2e: {  	_ = 	snop  }
0x2f: {  	[tilespmem:s23], [sflag:$0x1] =	stream.indirect.gather [spmem:s3], $0x10, s22, s16, $0xb8;
	[tilespmem:$0x14410] =	vst v63  }
0x30: {  	_ = 	snop  }
0x31: {  	[tilespmem:s25], [sflag:$0x1] =	stream.indirect.gather [spmem:s3], $0x10, s24, s16, $0xb8;
	[tilespmem:$0x14410] =	vst v63  }
0x32: {  	_ = 	snop  }
0x33: {  	[tilespmem:s28], [sflag:$0x1] =	stream.indirect.gather [spmem:s3], $0x10, s26, s16, $0xb8;
	[tilespmem:$0x14410] =	vst v63  }
0x34: {  	_ = 	snop  }
0x35: {  	[tilespmem:s30], [sflag:$0x1] =	stream.indirect.gather [spmem:s3], $0x10, s29, s16, $0xb8;
	[tilespmem:$0x14410] =	vst v63  }
0x36: {  	s17 =	simm.s32 $0x8  }
0x37: {  	[tilespmem:s1], [sflag:$0x1] =	stream.indirect.gather [spmem:s3], $0x10, s31, s16, $0xb8;
	[tilespmem:$0x14410] =	vst v63  }
.LBB2_4:
0x38: {  	_ =	swait.ge [sflag:s0], $0x7D0  }
0x39: {  	[sflag:s0] =	ssyncset.done $0x0  }
0x3a: {  	[sflag:s0] =	ssyncadd.s32 $0xFFFFF830  }
0x3b: {  	_ =	swait.ge [sflag:s0], $0x7D0  }
0x3c: {  	[sflag:s0] =	ssyncset.done $0x0  }
0x3d: {  	[sflag:s0] =	ssyncadd.s32 $0xFFFFF830  }
0x3e: {  	_ =	swait.ge [sflag:s0], $0x7D0  }
0x3f: {  	[sflag:s0] =	ssyncset.done $0x0  }
0x40: {  	[sflag:s0] =	ssyncadd.s32 $0xFFFFF830  }
0x41: {  	_ =	swait.ge [sflag:s0], $0x7D0  }
0x42: {  	[sflag:s0] =	ssyncset.done $0x0  }
0x43: {  	[sflag:s0] =	ssyncadd.s32 $0xFFFFF830  }
0x44: {  	_ =	swait.ge [sflag:s0], $0x7D0  }
0x45: {  	[sflag:s0] =	ssyncset.done $0x0  }
0x46: {  	[sflag:s0] =	ssyncadd.s32 $0xFFFFF830  }
0x47: {  	_ =	swait.ge [sflag:s0], $0x7D0  }
0x48: {  	[sflag:s0] =	ssyncset.done $0x0  }
0x49: {  	[sflag:s0] =	ssyncadd.s32 $0xFFFFF830  }
0x4a: {  	_ =	swait.ge [sflag:s0], $0x7D0  }
0x4b: {  	[sflag:s0] =	ssyncset.done $0x0  }
0x4c: {  	[sflag:s0] =	ssyncadd.s32 $0xFFFFF830  }
0x4d: {  	_ =	swait.ge [sflag:s0], $0x7D0  }
0x4e: {  	p0 =	seq.s32 s15, $0x0;
	[sflag:s0] =	ssyncset.done $0x0  }
0x4f: {  	s18 =	simm.s32 @!p0 $0x2;
	[sflag:s0] =	ssyncadd.s32 $0xFFFFF830  }
0x50: {  	_ =	swait.ge @!p0 [sflag:s18], $0x7D0  }
0x51: {  	[sflag:s18] =	ssyncset.done @!p0 $0x0  }
0x52: {  	[sflag:s18] =	ssyncadd.s32 @!p0 $0xFFFFF830  }
0x53: {  	_ =	swait.ge @!p0 [sflag:s18], $0x7D0  }
0x54: {  	[sflag:s18] =	ssyncset.done @!p0 $0x0  }
0x55: {  	[sflag:s18] =	ssyncadd.s32 @!p0 $0xFFFFF830  }
0x56: {  	_ =	swait.ge @!p0 [sflag:s18], $0x7D0  }
0x57: {  	[sflag:s18] =	ssyncset.done @!p0 $0x0  }
0x58: {  	[sflag:s18] =	ssyncadd.s32 @!p0 $0xFFFFF830  }
0x59: {  	_ =	swait.ge @!p0 [sflag:s18], $0x7D0  }
0x5a: {  	[sflag:s18] =	ssyncset.done @!p0 $0x0  }
0x5b: {  	[sflag:s18] =	ssyncadd.s32 @!p0 $0xFFFFF830  }
0x5c: {  	_ =	swait.ge @!p0 [sflag:s18], $0x7D0  }
0x5d: {  	[sflag:s18] =	ssyncset.done @!p0 $0x0  }
0x5e: {  	[sflag:s18] =	ssyncadd.s32 @!p0 $0xFFFFF830  }
0x5f: {  	_ =	swait.ge @!p0 [sflag:s18], $0x7D0  }
0x60: {  	[sflag:s18] =	ssyncset.done @!p0 $0x0  }
0x61: {  	[sflag:s18] =	ssyncadd.s32 @!p0 $0xFFFFF830  }
0x62: {  	_ =	swait.ge @!p0 [sflag:s18], $0x7D0  }
0x63: {  	[sflag:s18] =	ssyncset.done @!p0 $0x0  }
0x64: {  	[sflag:s18] =	ssyncadd.s32 @!p0 $0xFFFFF830  }
0x65: {  	p1 =	seq.s32 @!p0 s15, $0x9000;
	_ =	swait.ge @!p0 [sflag:s18], $0x7D0  }
0x66: {  	p1 =	por p0, !p1;
	[sflag:s18] =	ssyncset.done @!p0 $0x0  }
0x67: {  	[sflag:s18] =	ssyncadd.s32 @!p0 $0xFFFFF830;
	s18 =	sand.u32 @p1 $0x8, s17  }
0x68: {  	s18 =	smul.u32 @p1 $0x1F40, s18;
	_ =	sdelay $0x1  }
0x69: {  	s19 =	sshra.s32 @p1 s15, $0x2;
	s18 =	sshrl.u32 @p1 s18, $0x2  }
0x6a: {  	s21 =	sadd.s32 @p1 $0x400, s19;
	s20 =	sadd.s32 @p1 $0x5000, s18  }
0x6b: {  	[tilespmem:s20], [sflag:$0x1] =	stream.indirect.gather @p1 [spmem:s3], $0x10, s21, s16, $0xb8;
	[tilespmem:$0x14410] =	vst v63  }
0x6c: {  	s20 =	sadd.s32 @p1 $0x57D0, s18;
	s21 =	sadd.s32 @p1 $0x480, s19  }
0x6d: {  	[tilespmem:s20], [sflag:$0x1] =	stream.indirect.gather @p1 [spmem:s3], $0x10, s21, s16, $0xb8;
	[tilespmem:$0x14410] =	vst v63  }
0x6e: {  	s20 =	sadd.s32 @p1 $0x5FA0, s18;
	s21 =	sadd.s32 @p1 $0x500, s19  }
0x6f: {  	[tilespmem:s20], [sflag:$0x1] =	stream.indirect.gather @p1 [spmem:s3], $0x10, s21, s16, $0xb8;
	[tilespmem:$0x14410] =	vst v63  }
0x70: {  	s20 =	sadd.s32 @p1 $0x6770, s18;
	s21 =	sadd.s32 @p1 $0x580, s19  }
0x71: {  	[tilespmem:s20], [sflag:$0x1] =	stream.indirect.gather @p1 [spmem:s3], $0x10, s21, s16, $0xb8;
	[tilespmem:$0x14410] =	vst v63  }
0x72: {  	s20 =	sadd.s32 @p1 $0x6F40, s18;
	s21 =	sadd.s32 @p1 $0x600, s19  }
0x73: {  	[tilespmem:s20], [sflag:$0x1] =	stream.indirect.gather @p1 [spmem:s3], $0x10, s21, s16, $0xb8;
	[tilespmem:$0x14410] =	vst v63  }
0x74: {  	s20 =	sadd.s32 @p1 $0x7710, s18;
	s21 =	sadd.s32 @p1 $0x680, s19  }
0x75: {  	[tilespmem:s20], [sflag:$0x1] =	stream.indirect.gather @p1 [spmem:s3], $0x10, s21, s16, $0xb8;
	[tilespmem:$0x14410] =	vst v63  }
0x76: {  	s20 =	sadd.s32 @p1 $0x7EE0, s18;
	s21 =	sadd.s32 @p1 $0x700, s19  }
0x77: {  	[tilespmem:s20], [sflag:$0x1] =	stream.indirect.gather @p1 [spmem:s3], $0x10, s21, s16, $0xb8;
	[tilespmem:$0x14410] =	vst v63  }
0x78: {  	s18 =	sadd.s32 @p1 $0x86B0, s18;
	s19 =	sadd.s32 @p1 $0x780, s19;
	s21 =	sadd.s32 $0xFFFFFFF8, s17  }
0x79: {  	[tilespmem:s18], [sflag:$0x1] =	stream.indirect.gather @p1 [spmem:s3], $0x10, s19, s16, $0xb8;
	[tilespmem:$0x14410] =	vst v63  }
0x7a: {  	s18 =	sand.u32 $0x8, s21  }
0x7b: {  	s18 =	smul.u32 $0x1F40, s18;
	_ =	sdelay $0x1  }
0x7c: {  	s19 =	sshra.s32 s15, $0x2;
	s18 =	sshrl.u32 s18, $0x2  }
0x7d: {  	s21 =	sadd.s32 $0x2800, s19;
	s20 =	sadd.s32 $0x5000, s18  }
0x7e: {  	[spmem:s2] =	stream.indirect.scatter.add.f32 [tilespmem:s20], [sflag:$0x2], $0x10, s21, s16, $0xb8;
	[tilespmem:$0x14410] =	vst v63  }
0x7f: {  	s20 =	sadd.s32 $0x57D0, s18;
	s21 =	sadd.s32 $0x2880, s19  }
0x80: {  	[spmem:s2] =	stream.indirect.scatter.add.f32 [tilespmem:s20], [sflag:$0x2], $0x10, s21, s16, $0xb8;
	[tilespmem:$0x14410] =	vst v63  }
0x81: {  	s20 =	sadd.s32 $0x5FA0, s18;
	s21 =	sadd.s32 $0x2900, s19  }
0x82: {  	[spmem:s2] =	stream.indirect.scatter.add.f32 [tilespmem:s20], [sflag:$0x2], $0x10, s21, s16, $0xb8;
	[tilespmem:$0x14410] =	vst v63  }
0x83: {  	s20 =	sadd.s32 $0x6770, s18;
	s21 =	sadd.s32 $0x2980, s19  }
0x84: {  	[spmem:s2] =	stream.indirect.scatter.add.f32 [tilespmem:s20], [sflag:$0x2], $0x10, s21, s16, $0xb8;
	[tilespmem:$0x14410] =	vst v63  }
0x85: {  	s15 =	sadd.s32 $0x1000, s15;
	s20 =	sadd.s32 $0x6F40, s18;
	s21 =	sadd.s32 $0x2A00, s19  }
0x86: {  	[spmem:s2] =	stream.indirect.scatter.add.f32 [tilespmem:s20], [sflag:$0x2], $0x10, s21, s16, $0xb8;
	[tilespmem:$0x14410] =	vst v63  }
0x87: {  	p0 =	sne.s32 s15, $0xA000;
	s20 =	sadd.s32 $0x7710, s18;
	s21 =	sadd.s32 $0x2A80, s19  }
0x88: {  	[spmem:s2] =	stream.indirect.scatter.add.f32 [tilespmem:s20], [sflag:$0x2], $0x10, s21, s16, $0xb8;
	[tilespmem:$0x14410] =	vst v63  }
.Ltmp1:
0x89: {  	_ = 	snop;
	(pc) =	sbr.rel @p0 .LBB2_4-.Ltmp1, $4  }
0x8a: {  	s20 =	sadd.s32 $0x7EE0, s18;
	s21 =	sadd.s32 $0x2B00, s19  }
0x8b: {  	[spmem:s2] =	stream.indirect.scatter.add.f32 [tilespmem:s20], [sflag:$0x2], $0x10, s21, s16, $0xb8;
	[tilespmem:$0x14410] =	vst v63  }
0x8c: {  	s17 =	sadd.s32 $0x8, s17;
	s18 =	sadd.s32 $0x86B0, s18;
	s19 =	sadd.s32 $0x2B80, s19  }
0x8d: {  	[spmem:s2] =	stream.indirect.scatter.add.f32 [tilespmem:s18], [sflag:$0x2], $0x10, s19, s16, $0xb8;
	[tilespmem:$0x14410] =	vst v63  }
0x8e: {  	_ =	swait.ge [sflag:s10], $0x7D0  }
0x8f: {  	[sflag:s10] =	ssyncset.done $0x0  }
0x90: {  	[sflag:s10] =	ssyncadd.s32 $0xFFFFF830  }
0x91: {  	_ =	swait.ge [sflag:s10], $0x7D0  }
0x92: {  	[sflag:s10] =	ssyncset.done $0x0  }
0x93: {  	[sflag:s10] =	ssyncadd.s32 $0xFFFFF830  }
0x94: {  	_ =	swait.ge [sflag:s10], $0x7D0  }
0x95: {  	[sflag:s10] =	ssyncset.done $0x0  }
0x96: {  	[sflag:s10] =	ssyncadd.s32 $0xFFFFF830  }
0x97: {  	_ =	swait.ge [sflag:s10], $0x7D0  }
0x98: {  	[sflag:s10] =	ssyncset.done $0x0  }
0x99: {  	[sflag:s10] =	ssyncadd.s32 $0xFFFFF830  }
0x9a: {  	_ =	swait.ge [sflag:s10], $0x7D0  }
0x9b: {  	[sflag:s10] =	ssyncset.done $0x0  }
0x9c: {  	[sflag:s10] =	ssyncadd.s32 $0xFFFFF830  }
0x9d: {  	_ =	swait.ge [sflag:s10], $0x7D0  }
0x9e: {  	[sflag:s10] =	ssyncset.done $0x0  }
0x9f: {  	[sflag:s10] =	ssyncadd.s32 $0xFFFFF830  }
0xa0: {  	_ =	swait.ge [sflag:s10], $0x7D0  }
0xa1: {  	[sflag:s10] =	ssyncset.done $0x0  }
0xa2: {  	[sflag:s10] =	ssyncadd.s32 $0xFFFFF830  }
0xa3: {  	_ =	swait.ge [sflag:s10], $0x7D0  }
0xa4: {  	s4 =	sadd.s32 $0x1, s4;
	[sflag:s10] =	ssyncset.done $0x0  }
0xa5: {  	p0 =	sne.s32 s4, s9;
	[sflag:s10] =	ssyncadd.s32 $0xFFFFF830  }
.Ltmp2:
0xa6: {  	s15 =	sshrl.u32 s5, $0x3;
	[bflag:$0x0] =	sbarrier.arrive $0xFFFF;
	(pc) =	sbr.rel @p0 .LBB2_1-.Ltmp2, $4  }
0xa7: {  	[hbm:s8], [sflag:s12] =	dma.local [spmem:s15], $0x500  }
0xa8: {  	_ =	swait.ge [sflag:s11], $0x500  }
0xa9: {  	[sflag:s11] =	ssyncset.done $0x0  }
0xaa: {  	[sflag:s11] =	ssyncadd.s32 $0xFFFFFB00  }
0xab: {  	_ =	sfence.sel $0x180000  }
0xac: {  	[bflag:$0x0] =	sbarrier.arrive $0xFFFF  }
0xad: {  	_ =	strace $0x9000004D  }
0xae: {  	s0 =	stileid.u32;
	[bflag:$0x2] =	sbarrier.arrive $0xFFFF  }
0xaf: {  	p0 =	sne.s32 s0, $0x0;
	s0 =	rddreg [dreg:$0x3]  }
0xb0: {  	s0 =	sadd.s32 @!p0 $0x100000, s0  }
0xb1: {  	[sflag:s0] =	ssyncadd.tile.s32 @!p0 $0x1;
	_ =	shalt  }
.Lfunc_end2:
_tile_overlayer_lowered:
.L_overlay_start_2:
0xb2: {  	(tag) =	ssettag $0x2  }
0xb3: {  	s0 =	rddreg [dreg:$0x0];
	s2 =	stileid.u32  }
0xb4: {  	s1 =	rddreg [dreg:$0x1];
	p0 =	sne.s32 s2, $0x0  }
0xb5: {  	s3 =	rddreg [dreg:$0x2];
	[bflag:$0x3] =	sbarrier.arrive $0xFFFF;
	s2 =	simm.s32 @!p0 $0x1C03  }
0xb6: {  	[timem:s3], [sflag:s2] =	dma.local @!p0 [hbm:s0], s1  }
0xb7: {  	s0 =	simm.s32 @!p0 $0x3  }
0xb8: {  	_ =	swait.ge @!p0 [sflag:s0], s1  }
0xb9: {  	s1 =	ssub.s32 @!p0 $0x0, s1;
	[sflag:s0] =	ssyncset.done @!p0 $0x0  }
0xba: {  	[sflag:s0] =	ssyncadd.s32 @!p0 s1  }
0xbb: {  	[bflag:$0x3] =	sbarrier.arrive $0xFFFF  }
0xbc: {  	_ =	shalt  }

</sc_bundles>
